<compile_context>
chip_gen: v7x
topology: tpu7x:2x2x1
jax: 0.10.2.dev20260603
libtpu: 0.0.44.dev20260713+nightly
codegen_flags: <defaults>
</compile_context>

<pallas_src>
import jax
import jax.numpy as jnp
from jax import lax
from jax.experimental import pallas as pl
from jax.experimental.pallas import tpu as pltpu
from jax.experimental.pallas import tpu_sc as plsc

N = 10000
E = 320000
F = 128
H = 8
D = 16
NC = 2
NS = 16
NW = NC * NS
EPW = E // NW
C = 80
NCHUNK = EPW // C
NB = 5
NBLK = NCHUNK // NB
FW = F + 16
RPT = N // NS

R = 1000
G = N // R


def _pre_body(x_ref, w_ref, alm_ref, arm_ref, featel_ref, er_ref):
    f = jnp.dot(x_ref[...], w_ref[...], preferred_element_type=jnp.float32)
    el = jnp.dot(f, alm_ref[...], preferred_element_type=jnp.float32)
    featel_ref[...] = jnp.concatenate([f, el], axis=1)
    er_ref[...] = jnp.dot(f, arm_ref[...], preferred_element_type=jnp.float32)


def _tc_pre(x, w, alm, arm):
    return pl.pallas_call(
        _pre_body,
        grid=(G,),
        in_specs=[pl.BlockSpec((R, F), lambda i: (i, 0)),
                  pl.BlockSpec((F, F), lambda i: (0, 0)),
                  pl.BlockSpec((F, 16), lambda i: (0, 0)),
                  pl.BlockSpec((F, 16), lambda i: (0, 0))],
        out_specs=[pl.BlockSpec((R, FW), lambda i: (i, 0)),
                   pl.BlockSpec((R, 16), lambda i: (i, 0))],
        out_shape=[jax.ShapeDtypeStruct((N, FW), jnp.float32),
                   jax.ShapeDtypeStruct((N, 16), jnp.float32)],
    )(x, w, alm, arm)


def _normalize(a0, a1, d0, d1, hp, b):
    num = a0 + a1
    den = d0 + d1
    expand = (lax.broadcasted_iota(jnp.int32, (H, F), 1) // D ==
              lax.broadcasted_iota(jnp.int32, (H, F), 0)).astype(jnp.float32)
    dfull = jnp.dot(den, expand, preferred_element_type=jnp.float32)
    return num / jnp.maximum(dfull, 1e-9) + hp + b


def _mid_body(acc, hp, b, w, alm, arm, h1_ref, featel_ref, er_ref):
    rst = _normalize(acc[0, :, :F], acc[1, :, :F],
                     acc[0, :, F + 8:], acc[1, :, F + 8:], hp[...], b[...])
    rst = jnp.where(rst > 0, rst, 0.01 * rst)
    h1_ref[...] = rst
    f = jnp.dot(rst, w[...], preferred_element_type=jnp.float32)
    el = jnp.dot(f, alm[...], preferred_element_type=jnp.float32)
    featel_ref[...] = jnp.concatenate([f, el], axis=1)
    er_ref[...] = jnp.dot(f, arm[...], preferred_element_type=jnp.float32)


def _tc_mid(acc, hp, b, w, alm, arm):
    big = pl.BlockSpec((R, F), lambda i: (i, 0))
    return pl.pallas_call(
        _mid_body,
        grid=(G,),
        in_specs=[pl.BlockSpec((NC, R, FW), lambda i: (0, i, 0)),
                  big,
                  pl.BlockSpec((1, F), lambda i: (0, 0)),
                  pl.BlockSpec((F, F), lambda i: (0, 0)),
                  pl.BlockSpec((F, 16), lambda i: (0, 0)),
                  pl.BlockSpec((F, 16), lambda i: (0, 0))],
        out_specs=[big,
                   pl.BlockSpec((R, FW), lambda i: (i, 0)),
                   pl.BlockSpec((R, 16), lambda i: (i, 0))],
        out_shape=[jax.ShapeDtypeStruct((N, F), jnp.float32),
                   jax.ShapeDtypeStruct((N, FW), jnp.float32),
                   jax.ShapeDtypeStruct((N, 16), jnp.float32)],
    )(acc, hp, b, w, alm, arm)


def _fin_body(acc, hp, b, out_ref):
    out_ref[...] = _normalize(acc[0, :, :F], acc[1, :, :F],
                              acc[0, :, F + 8:], acc[1, :, F + 8:],
                              hp[...], b[...])


def _tc_fin(acc, hp, b):
    big = pl.BlockSpec((R, F), lambda i: (i, 0))
    return pl.pallas_call(
        _fin_body,
        grid=(G,),
        in_specs=[pl.BlockSpec((NC, R, FW), lambda i: (0, i, 0)),
                  big,
                  pl.BlockSpec((1, F), lambda i: (0, 0))],
        out_specs=big,
        out_shape=jax.ShapeDtypeStruct((N, F), jnp.float32),
    )(acc, hp, b)


def _edge_body(featel_h, er_h, sdx_h, z_h, acc_o,
               featel_v, er_v, sdx_v, acc_sh, gsem, ssem, ssem2, isem):
    c = lax.axis_index("c")
    s = lax.axis_index("s")
    r0 = s * RPT
    pltpu.sync_copy(z_h.at[pl.ds(r0, RPT)], acc_sh.at[pl.ds(r0, RPT)])
    wid = c * NS + s
    plsc.subcore_barrier()

    iota16 = lax.iota(jnp.int32, 16)

    def issue_gathers(k):
        blk = k // NB
        jb = k - blk * NB
        bp = lax.rem(blk, 2)
        p = lax.rem(k, 3)
        pltpu.async_copy(featel_h.at[sdx_v.at[bp, jb]],
                         featel_v.at[pl.ds(p * C, C)], gsem)
        pltpu.async_copy(er_h.at[sdx_v.at[bp, NB + jb]],
                         er_v.at[pl.ds(p * C, C)], gsem)

    pltpu.sync_copy(sdx_h.at[wid, 0], sdx_v.at[0])
    issue_gathers(0)
    pltpu.async_copy(sdx_h.at[wid, 1], sdx_v.at[1], isem)
    issue_gathers(1)

    def chunk(j, carry):
        blk = j // NB
        jb = j - blk * NB
        bp = lax.rem(blk, 2)
        p = lax.rem(j, 3)

        pltpu.make_async_copy(featel_h.at[sdx_v.at[bp, jb]],
                              featel_v.at[pl.ds(p * C, C)], gsem).wait()
        pltpu.make_async_copy(er_h.at[sdx_v.at[bp, NB + jb]],
                              er_v.at[pl.ds(p * C, C)], gsem).wait()

        off = p * C

        def group(g, carry2):
            ev = iota16 + (off + g * 16)
            hvs = [jnp.full((16,), 128 + h, jnp.int32) for h in range(H)]
            els = [plsc.load_gather(featel_v, [ev, hv]) for hv in hvs]
            ers = [plsc.load_gather(er_v, [ev, jnp.full((16,), h, jnp.int32)])
                   for h in range(H)]
            es = [a + b for a, b in zip(els, ers)]
            es = [jnp.where(e > 0.0, e, 0.2 * e) for e in es]
            exs = [jnp.exp(e) for e in es]
            for h in range(H):
                plsc.store_scatter(featel_v,
                                   [ev, jnp.full((16,), 136 + h, jnp.int32)],
                                   exs[h])
            for h in range(H):
                cvs = [jnp.full((16,), h * D + d, jnp.int32)
                       for d in range(D)]
                fs = [plsc.load_gather(featel_v, [ev, cv]) for cv in cvs]
                ps = [f * exs[h] for f in fs]
                for d in range(D):
                    plsc.store_scatter(featel_v, [ev, cvs[d]], ps[d])
            return carry2

        lax.fori_loop(0, C // 16, group, 0)

        ssel = lax.rem(j, 2)
        pltpu.async_copy(featel_v.at[pl.ds(off, C)],
                         acc_sh.at[sdx_v.at[bp, NB + jb]],
                         ssem.at[ssel], add=True)

        @pl.when(j > 0)
        def _():
            jp = j - 1
            blkp = jp // NB
            pltpu.make_async_copy(
                featel_v.at[pl.ds(lax.rem(jp, 3) * C, C)],
                acc_sh.at[sdx_v.at[lax.rem(blkp, 2), NB + jp - blkp * NB]],
                ssem.at[lax.rem(jp, 2)]).wait()

        @pl.when(jnp.logical_and(jb == 0,
                                 jnp.logical_and(j > 0, blk + 1 < NBLK)))
        def _():
            pltpu.async_copy(sdx_h.at[wid, blk + 1],
                             sdx_v.at[lax.rem(blk + 1, 2)], isem)

        k = j + 2
        @pl.when(k < NCHUNK)
        def _():
            kb = k // NB

            @pl.when(jnp.logical_and(k - kb * NB == 0, kb > 0))
            def _():
                pltpu.make_async_copy(sdx_h.at[wid, kb],
                                      sdx_v.at[lax.rem(kb, 2)], isem).wait()

            issue_gathers(k)

        return carry

    lax.fori_loop(0, NCHUNK, chunk, 0)

    jp = NCHUNK - 1
    blkp = jp // NB
    pltpu.make_async_copy(
        featel_v.at[pl.ds(lax.rem(jp, 3) * C, C)],
        acc_sh.at[sdx_v.at[lax.rem(blkp, 2), NB + jp - blkp * NB]],
        ssem.at[lax.rem(jp, 2)]).wait()
    plsc.subcore_barrier()
    pltpu.sync_copy(acc_sh.at[pl.ds(r0, RPT)], acc_o.at[c, pl.ds(r0, RPT)])


def _edge(featel, er16, sdx, z):
    mesh = plsc.VectorSubcoreMesh(core_axis_name="c", subcore_axis_name="s",
                                  num_cores=NC, num_subcores=NS)
    run = pl.kernel(
        _edge_body,
        out_type=jax.ShapeDtypeStruct((NC, N, FW), jnp.float32),
        mesh=mesh,
        compiler_params=pltpu.CompilerParams(use_tc_tiling_on_sc=False,
                                             needs_layout_passes=False),
        scratch_types=[
            pltpu.VMEM((3 * C, FW), jnp.float32),
            pltpu.VMEM((3 * C, 16), jnp.float32),
            pltpu.VMEM((2, 2 * NB, C), jnp.int32),
            pltpu.VMEM_SHARED((N, FW), jnp.float32),
            pltpu.SemaphoreType.DMA,
            pltpu.SemaphoreType.DMA((2,)),
            pltpu.SemaphoreType.DMA,
            pltpu.SemaphoreType.DMA,
        ],
    )
    return run(featel, er16, sdx, z)


def kernel(n_feat, edge_index, W0, al0, ar0, b0, W1, al1, ar1, b1):
    src = edge_index[0].astype(jnp.int32).reshape(NW, NBLK, NB, C)
    dst = edge_index[1].astype(jnp.int32).reshape(NW, NBLK, NB, C)
    sdx = jnp.concatenate([src, dst], axis=2)
    eye = (jnp.arange(F)[:, None] // D ==
           jnp.arange(16)[None, :]).astype(jnp.float32)
    alm0 = al0.reshape(-1)[:, None] * eye
    arm0 = ar0.reshape(-1)[:, None] * eye
    alm1 = al1.reshape(-1)[:, None] * eye
    arm1 = ar1.reshape(-1)[:, None] * eye
    z = jnp.zeros((N, FW), jnp.float32)

    featel1, er1 = _tc_pre(n_feat, W0, alm0, arm0)
    acc1 = _edge(featel1, er1, sdx, z)
    h1, featel2, er2 = _tc_mid(acc1, n_feat, b0.reshape(1, F),
                               W1, alm1, arm1)
    acc2 = _edge(featel2, er2, sdx, z)
    out = _tc_fin(acc2, h1, b1.reshape(1, F))
    return out

# --- scband reference (transcript-rebuilt; emitter-appended) ---
"""Pipeline reference for scband-unsupervised-gat-7395933683919 (READ-ONLY COPY).

The authoritative reference and input builder live on the scoring server;
editing this copy changes nothing except your own understanding.
"""

import jax, jax.numpy as jnp
import numpy as np

N = 10000
E = 320000
D_IN = 128
H = 8
D = 16  # node_hidden_dim // num_heads = 128 // 8


def _gat_layer(h, src, dst, W, al, ar, b, activation):
    # h: [N, D_IN]; W: [D_IN, H*D]; al, ar: [H, D]; b: [H*D]
    feat = (h @ W).reshape(N, H, D)                      # fc + reshape
    el = (feat * al[None]).sum(-1)                       # [N, H]
    er = (feat * ar[None]).sum(-1)                       # [N, H]
    e = el[src] + er[dst]                                # [E, H]
    e = jnp.where(e > 0, e, 0.2 * e)                     # leaky_relu(neg_slope=0.2)
    # edge softmax over incoming edges of each dst node (numerically stable)
    m = jax.ops.segment_max(e, dst, num_segments=N)      # [N, H]
    m = jnp.where(jnp.isfinite(m), m, 0.0)               # zero in-degree nodes
    m = jax.lax.stop_gradient(m)
    ex = jnp.exp(e - m[dst])                             # [E, H]
    denom = jax.ops.segment_sum(ex, dst, num_segments=N) # [N, H]
    a = ex / jnp.maximum(denom[dst], 1e-9)               # [E, H]
    # attn_drop is inactive in eval mode
    msg = feat[src] * a[:, :, None]                      # [E, H, D]
    rst = jax.ops.segment_sum(msg, dst, num_segments=N)  # [N, H, D]
    # residual: in_feats == num_heads*out_feats -> identity
    rst = rst + h.reshape(N, H, D)
    rst = rst + b.reshape(1, H, D)
    if activation:
        rst = jnp.where(rst > 0, rst, 0.01 * rst)        # F.leaky_relu default slope
    return rst.reshape(N, H * D)


def setup_inputs(seed: int = 0) -> dict:
    key = jax.random.key(seed)
    ks = jax.random.split(key, 12)
    n_feat = jax.random.normal(ks[0], (N, D_IN), dtype=jnp.float32)
    edge_index = jax.random.randint(ks[1], (2, E), 0, N, dtype=jnp.int64)
    s = 1.0 / np.sqrt(D_IN)
    W0 = jax.random.normal(ks[2], (D_IN, H * D), dtype=jnp.float32) * s
    al0 = jax.random.normal(ks[3], (H, D), dtype=jnp.float32) * 0.1
    ar0 = jax.random.normal(ks[4], (H, D), dtype=jnp.float32) * 0.1
    b0 = jnp.zeros((H * D,), dtype=jnp.float32)
    W1 = jax.random.normal(ks[5], (H * D, H * D), dtype=jnp.float32) * s
    al1 = jax.random.normal(ks[6], (H, D), dtype=jnp.float32) * 0.1
    ar1 = jax.random.normal(ks[7], (H, D), dtype=jnp.float32) * 0.1
    b1 = jnp.zeros((H * D,), dtype=jnp.float32)
    return {"n_feat": n_feat, "edge_index": edge_index, "W0": W0, "al0": al0,
            "ar0": ar0, "b0": b0, "W1": W1, "al1": al1, "ar1": ar1, "b1": b1}


def reference(n_feat, edge_index, W0, al0, ar0, b0, W1, al1, ar1, b1):
    src = edge_index[0]
    dst = edge_index[1]
    h = _gat_layer(n_feat, src, dst, W0, al0, ar0, b0, activation=True)
    h = _gat_layer(h, src, dst, W1, al1, ar1, b1, activation=False)
    return h

if __name__ == "__main__":
    import jax
    _d = setup_inputs()
    print(jax.jit(kernel)(*tuple(_d.values())))

</pallas_src>

<mosaic_0001>
#map = affine_map<(d0, d1) -> (0, 0)>
#map1 = affine_map<(d0, d1) -> (0, 0, 0, 0)>
#map2 = affine_map<(d0, d1) -> (0, 0, 0)>
module attributes {stable_mosaic.version = 14 : i64} {
  func.func @_edge_body(%arg0: i32, %arg1: i32, %arg2: memref<10000x144xf32, #tpu.memory_space<hbm>>, %arg3: memref<10000x16xf32, #tpu.memory_space<hbm>>, %arg4: memref<32x25x10x80xi32, #tpu.memory_space<hbm>>, %arg5: memref<10000x144xf32, #tpu.memory_space<hbm>>, %arg6: memref<2x10000x144xf32, #tpu.memory_space<hbm>>, %arg7: memref<240x144xf32, #tpu.memory_space<vmem>>, %arg8: memref<240x16xf32, #tpu.memory_space<vmem>>, %arg9: memref<2x10x80xi32, #tpu.memory_space<vmem>>, %arg10: memref<10000x144xf32, #tpu.memory_space<vmem_shared>>, %arg11: memref<!tpu.dma_semaphore, #tpu.memory_space<semaphore_mem>>, %arg12: memref<2x!tpu.dma_semaphore, #tpu.memory_space<semaphore_mem>>, %arg13: memref<!tpu.dma_semaphore, #tpu.memory_space<semaphore_mem>>, %arg14: memref<!tpu.dma_semaphore, #tpu.memory_space<semaphore_mem>>) attributes {dimension_semantics = [#tpu.dimension_semantics<core_parallel>, #tpu.dimension_semantics<subcore_parallel>], iteration_bounds = array<i64: 2, 16>, scalar_prefetch = 0 : i64, scratch_operands = 8 : i64, tpu.core_type = #tpu.core_type<sc_vector_subcore>, window_params = [{transform_indices = #map}, {transform_indices = #map}, {transform_indices = #map1}, {transform_indices = #map}, {transform_indices = #map2}]} {
    %mul3A = arith.constant 625 : i32
    %mul3A_0 = arith.muli %arg1, %mul3A : i32
    "tpu.region"() ({
      %run_scoped3A_103 = tpu.sem_alloc : memref<!tpu.dma_semaphore, #tpu.memory_space<semaphore_mem>>
      %dma_start3A_104 = arith.constant 0 : i32
      %dma_start3A_105 = tpu.memref_slice %arg10[%mul3A_0, %dma_start3A_104] : memref<10000x144xf32, #tpu.memory_space<vmem_shared>> -> memref<625x144xf32, #tpu.memory_space<vmem_shared>>
      %dma_start3A_106 = arith.constant 0 : i32
      %dma_start3A_107 = tpu.memref_slice %arg5[%mul3A_0, %dma_start3A_106] : memref<10000x144xf32, #tpu.memory_space<hbm>> -> memref<625x144xf32, #tpu.memory_space<hbm>>
      tpu.enqueue_dma source(%dma_start3A_107 : memref<625x144xf32, #tpu.memory_space<hbm>>) target(%dma_start3A_105 : memref<625x144xf32, #tpu.memory_space<vmem_shared>>) target_semaphore(%run_scoped3A_103 : memref<!tpu.dma_semaphore, #tpu.memory_space<semaphore_mem>>)
      %dma_wait3A_108 = arith.constant 0 : i32
      %dma_wait3A_109 = tpu.memref_slice %arg10[%mul3A_0, %dma_wait3A_108] : memref<10000x144xf32, #tpu.memory_space<vmem_shared>> -> memref<625x144xf32, #tpu.memory_space<vmem_shared>>
      %dma_wait3A_110 = arith.constant 0 : i32
      %dma_wait3A_111 = tpu.memref_slice %arg5[%mul3A_0, %dma_wait3A_110] : memref<10000x144xf32, #tpu.memory_space<hbm>> -> memref<625x144xf32, #tpu.memory_space<hbm>>
      tpu.wait_dma2 semaphore(%run_scoped3A_103 : memref<!tpu.dma_semaphore, #tpu.memory_space<semaphore_mem>>) src(%dma_wait3A_111 : memref<625x144xf32, #tpu.memory_space<hbm>>) dst(%dma_wait3A_109 : memref<625x144xf32, #tpu.memory_space<vmem_shared>>)
      tpu.yield
    }) : () -> ()
    %mul3A_1 = arith.constant 16 : i32
    %mul3A_2 = arith.muli %arg0, %mul3A_1 : i32
    %add3A = arith.addi %mul3A_2, %arg1 : i32
    %barrier3A = arith.constant 0 : index
    tpu.barrier barrier_id(%barrier3A)
    %iota3A = tpu.iota {dimensions = array<i32: 0>} : vector<16xi32>
    %run_scoped3A = arith.constant 0 : i32
    %run_scoped3A_3 = arith.constant 0 : i32
    "tpu.region"() ({
      %run_scoped3A_103 = tpu.sem_alloc : memref<!tpu.dma_semaphore, #tpu.memory_space<semaphore_mem>>
      %dma_start3A_104 = arith.constant 0 : i32
      %dma_start3A_105 = arith.constant 0 : i32
      %dma_start3A_106 = tpu.memref_slice %arg9[%run_scoped3A_3, %dma_start3A_104, %dma_start3A_105] : memref<2x10x80xi32, #tpu.memory_space<vmem>> -> memref<1x10x80xi32, #tpu.memory_space<vmem>>
      %dma_start3A_107 = tpu.memref_squeeze %dma_start3A_106 : memref<1x10x80xi32, #tpu.memory_space<vmem>> -> memref<10x80xi32, #tpu.memory_space<vmem>>
      %dma_start3A_108 = arith.constant 0 : i32
      %dma_start3A_109 = arith.constant 0 : i32
      %dma_start3A_110 = tpu.memref_slice %arg4[%add3A, %run_scoped3A, %dma_start3A_108, %dma_start3A_109] : memref<32x25x10x80xi32, #tpu.memory_space<hbm>> -> memref<1x1x10x80xi32, #tpu.memory_space<hbm>>
      %dma_start3A_111 = tpu.memref_squeeze %dma_start3A_110 : memref<1x1x10x80xi32, #tpu.memory_space<hbm>> -> memref<10x80xi32, #tpu.memory_space<hbm>>
      %dma_start3A_112 = arith.constant 0 : i32
      %dma_start3A_113 = arith.constant 0 : i32
      %dma_start3A_114 = tpu.memref_slice %arg9[%run_scoped3A_3, %dma_start3A_112, %dma_start3A_113] : memref<2x10x80xi32, #tpu.memory_space<vmem>> -> memref<1x10x80xi32, #tpu.memory_space<vmem>>
      %dma_start3A_115 = tpu.memref_squeeze %dma_start3A_114 : memref<1x10x80xi32, #tpu.memory_space<vmem>> -> memref<10x80xi32, #tpu.memory_space<vmem>>
      %dma_start3A_116 = arith.constant 0 : i32
      %dma_start3A_117 = arith.constant 0 : i32
      %dma_start3A_118 = tpu.memref_slice %arg4[%add3A, %run_scoped3A, %dma_start3A_116, %dma_start3A_117] : memref<32x25x10x80xi32, #tpu.memory_space<hbm>> -> memref<1x1x10x80xi32, #tpu.memory_space<hbm>>
      %dma_start3A_119 = tpu.memref_squeeze %dma_start3A_118 : memref<1x1x10x80xi32, #tpu.memory_space<hbm>> -> memref<10x80xi32, #tpu.memory_space<hbm>>
      tpu.enqueue_dma source(%dma_start3A_119 : memref<10x80xi32, #tpu.memory_space<hbm>>) target(%dma_start3A_115 : memref<10x80xi32, #tpu.memory_space<vmem>>) target_semaphore(%run_scoped3A_103 : memref<!tpu.dma_semaphore, #tpu.memory_space<semaphore_mem>>)
      %dma_wait3A_120 = arith.constant 0 : i32
      %dma_wait3A_121 = arith.constant 0 : i32
      %dma_wait3A_122 = tpu.memref_slice %arg9[%run_scoped3A_3, %dma_wait3A_120, %dma_wait3A_121] : memref<2x10x80xi32, #tpu.memory_space<vmem>> -> memref<1x10x80xi32, #tpu.memory_space<vmem>>
      %dma_wait3A_123 = tpu.memref_squeeze %dma_wait3A_122 : memref<1x10x80xi32, #tpu.memory_space<vmem>> -> memref<10x80xi32, #tpu.memory_space<vmem>>
      %dma_wait3A_124 = arith.constant 0 : i32
      %dma_wait3A_125 = arith.constant 0 : i32
      %dma_wait3A_126 = tpu.memref_slice %arg4[%add3A, %run_scoped3A, %dma_wait3A_124, %dma_wait3A_125] : memref<32x25x10x80xi32, #tpu.memory_space<hbm>> -> memref<1x1x10x80xi32, #tpu.memory_space<hbm>>
      %dma_wait3A_127 = tpu.memref_squeeze %dma_wait3A_126 : memref<1x1x10x80xi32, #tpu.memory_space<hbm>> -> memref<10x80xi32, #tpu.memory_space<hbm>>
      %dma_wait3A_128 = arith.constant 0 : i32
      %dma_wait3A_129 = arith.constant 0 : i32
      %dma_wait3A_130 = tpu.memref_slice %arg9[%run_scoped3A_3, %dma_wait3A_128, %dma_wait3A_129] : memref<2x10x80xi32, #tpu.memory_space<vmem>> -> memref<1x10x80xi32, #tpu.memory_space<vmem>>
      %dma_wait3A_131 = tpu.memref_squeeze %dma_wait3A_130 : memref<1x10x80xi32, #tpu.memory_space<vmem>> -> memref<10x80xi32, #tpu.memory_space<vmem>>
      %dma_wait3A_132 = arith.constant 0 : i32
      %dma_wait3A_133 = arith.constant 0 : i32
      %dma_wait3A_134 = tpu.memref_slice %arg4[%add3A, %run_scoped3A, %dma_wait3A_132, %dma_wait3A_133] : memref<32x25x10x80xi32, #tpu.memory_space<hbm>> -> memref<1x1x10x80xi32, #tpu.memory_space<hbm>>
      %dma_wait3A_135 = tpu.memref_squeeze %dma_wait3A_134 : memref<1x1x10x80xi32, #tpu.memory_space<hbm>> -> memref<10x80xi32, #tpu.memory_space<hbm>>
      tpu.wait_dma2 semaphore(%run_scoped3A_103 : memref<!tpu.dma_semaphore, #tpu.memory_space<semaphore_mem>>) src(%dma_wait3A_135 : memref<10x80xi32, #tpu.memory_space<hbm>>) dst(%dma_wait3A_131 : memref<10x80xi32, #tpu.memory_space<vmem>>)
      tpu.yield
    }) : () -> ()
    %rem3A = arith.constant 0 : i32
    %rem3A_4 = arith.constant 2 : i32
    %rem3A_5 = arith.remsi %rem3A, %rem3A_4 : i32
    %rem3A_6 = arith.constant 0 : i32
    %rem3A_7 = arith.constant 3 : i32
    %rem3A_8 = arith.remsi %rem3A_6, %rem3A_7 : i32
    %mul3A_9 = arith.constant 80 : i32
    %mul3A_10 = arith.muli %rem3A_8, %mul3A_9 : i32
    %dma_start3A = arith.constant 0 : i32
    %dma_start3A_11 = arith.constant 0 : i32
    %dma_start3A_12 = tpu.memref_slice %arg7[%mul3A_10, %dma_start3A_11] : memref<240x144xf32, #tpu.memory_space<vmem>> -> memref<80x144xf32, #tpu.memory_space<vmem>>
    %dma_start3A_13 = arith.constant 0 : i32
    %dma_start3A_14 = tpu.memref_slice %arg9[%rem3A_5, %dma_start3A, %dma_start3A_13] : memref<2x10x80xi32, #tpu.memory_space<vmem>> -> memref<1x1x80xi32, #tpu.memory_space<vmem>>
    %dma_start3A_15 = tpu.memref_squeeze %dma_start3A_14 : memref<1x1x80xi32, #tpu.memory_space<vmem>> -> memref<80xi32, #tpu.memory_space<vmem>>
    %dma_start3A_16 = arith.constant 0 : i32
    %dma_start3A_17 = arith.constant 0 : i32
    %dma_start3A_18 = tpu.memref_slice %arg2[%dma_start3A_16, %dma_start3A_17] : memref<10000x144xf32, #tpu.memory_space<hbm>> -> memref<10000x144xf32, #tpu.memory_space<hbm>>
    tpu.enqueue_indirect_dma source(%dma_start3A_18 : memref<10000x144xf32, #tpu.memory_space<hbm>>) target(%dma_start3A_12 : memref<80x144xf32, #tpu.memory_space<vmem>>) offsets(%dma_start3A_15 : memref<80xi32, #tpu.memory_space<vmem>>) semaphore(%arg11 : memref<!tpu.dma_semaphore, #tpu.memory_space<semaphore_mem>>)
    %mul3A_19 = arith.constant 80 : i32
    %mul3A_20 = arith.muli %rem3A_8, %mul3A_19 : i32
    %dma_start3A_21 = arith.constant 5 : i32
    %dma_start3A_22 = arith.constant 0 : i32
    %dma_start3A_23 = tpu.memref_slice %arg8[%mul3A_20, %dma_start3A_22] : memref<240x16xf32, #tpu.memory_space<vmem>> -> memref<80x16xf32, #tpu.memory_space<vmem>>
    %dma_start3A_24 = arith.constant 0 : i32
    %dma_start3A_25 = tpu.memref_slice %arg9[%rem3A_5, %dma_start3A_21, %dma_start3A_24] : memref<2x10x80xi32, #tpu.memory_space<vmem>> -> memref<1x1x80xi32, #tpu.memory_space<vmem>>
    %dma_start3A_26 = tpu.memref_squeeze %dma_start3A_25 : memref<1x1x80xi32, #tpu.memory_space<vmem>> -> memref<80xi32, #tpu.memory_space<vmem>>
    %dma_start3A_27 = arith.constant 0 : i32
    %dma_start3A_28 = arith.constant 0 : i32
    %dma_start3A_29 = tpu.memref_slice %arg3[%dma_start3A_27, %dma_start3A_28] : memref<10000x16xf32, #tpu.memory_space<hbm>> -> memref<10000x16xf32, #tpu.memory_space<hbm>>
    tpu.enqueue_indirect_dma source(%dma_start3A_29 : memref<10000x16xf32, #tpu.memory_space<hbm>>) target(%dma_start3A_23 : memref<80x16xf32, #tpu.memory_space<vmem>>) offsets(%dma_start3A_26 : memref<80xi32, #tpu.memory_space<vmem>>) semaphore(%arg11 : memref<!tpu.dma_semaphore, #tpu.memory_space<semaphore_mem>>)
    %dma_start3A_30 = arith.constant 1 : i32
    %dma_start3A_31 = arith.constant 1 : i32
    %dma_start3A_32 = arith.constant 0 : i32
    %dma_start3A_33 = arith.constant 0 : i32
    %dma_start3A_34 = tpu.memref_slice %arg9[%dma_start3A_31, %dma_start3A_32, %dma_start3A_33] : memref<2x10x80xi32, #tpu.memory_space<vmem>> -> memref<1x10x80xi32, #tpu.memory_space<vmem>>
    %dma_start3A_35 = tpu.memref_squeeze %dma_start3A_34 : memref<1x10x80xi32, #tpu.memory_space<vmem>> -> memref<10x80xi32, #tpu.memory_space<vmem>>
    %dma_start3A_36 = arith.constant 0 : i32
    %dma_start3A_37 = arith.constant 0 : i32
    %dma_start3A_38 = tpu.memref_slice %arg4[%add3A, %dma_start3A_30, %dma_start3A_36, %dma_start3A_37] : memref<32x25x10x80xi32, #tpu.memory_space<hbm>> -> memref<1x1x10x80xi32, #tpu.memory_space<hbm>>
    %dma_start3A_39 = tpu.memref_squeeze %dma_start3A_38 : memref<1x1x10x80xi32, #tpu.memory_space<hbm>> -> memref<10x80xi32, #tpu.memory_space<hbm>>
    %dma_start3A_40 = arith.constant 0 : i32
    %dma_start3A_41 = arith.constant 0 : i32
    %dma_start3A_42 = tpu.memref_slice %arg9[%dma_start3A_31, %dma_start3A_40, %dma_start3A_41] : memref<2x10x80xi32, #tpu.memory_space<vmem>> -> memref<1x10x80xi32, #tpu.memory_space<vmem>>
    %dma_start3A_43 = tpu.memref_squeeze %dma_start3A_42 : memref<1x10x80xi32, #tpu.memory_space<vmem>> -> memref<10x80xi32, #tpu.memory_space<vmem>>
    %dma_start3A_44 = arith.constant 0 : i32
    %dma_start3A_45 = arith.constant 0 : i32
    %dma_start3A_46 = tpu.memref_slice %arg4[%add3A, %dma_start3A_30, %dma_start3A_44, %dma_start3A_45] : memref<32x25x10x80xi32, #tpu.memory_space<hbm>> -> memref<1x1x10x80xi32, #tpu.memory_space<hbm>>
    %dma_start3A_47 = tpu.memref_squeeze %dma_start3A_46 : memref<1x1x10x80xi32, #tpu.memory_space<hbm>> -> memref<10x80xi32, #tpu.memory_space<hbm>>
    tpu.enqueue_dma source(%dma_start3A_47 : memref<10x80xi32, #tpu.memory_space<hbm>>) target(%dma_start3A_43 : memref<10x80xi32, #tpu.memory_space<vmem>>) target_semaphore(%arg14 : memref<!tpu.dma_semaphore, #tpu.memory_space<semaphore_mem>>)
    %rem3A_48 = arith.constant 0 : i32
    %rem3A_49 = arith.constant 2 : i32
    %rem3A_50 = arith.remsi %rem3A_48, %rem3A_49 : i32
    %rem3A_51 = arith.constant 1 : i32
    %rem3A_52 = arith.constant 3 : i32
    %rem3A_53 = arith.remsi %rem3A_51, %rem3A_52 : i32
    %mul3A_54 = arith.constant 80 : i32
    %mul3A_55 = arith.muli %rem3A_53, %mul3A_54 : i32
    %dma_start3A_56 = arith.constant 1 : i32
    %dma_start3A_57 = arith.constant 0 : i32
    %dma_start3A_58 = tpu.memref_slice %arg7[%mul3A_55, %dma_start3A_57] : memref<240x144xf32, #tpu.memory_space<vmem>> -> memref<80x144xf32, #tpu.memory_space<vmem>>
    %dma_start3A_59 = arith.constant 0 : i32
    %dma_start3A_60 = tpu.memref_slice %arg9[%rem3A_50, %dma_start3A_56, %dma_start3A_59] : memref<2x10x80xi32, #tpu.memory_space<vmem>> -> memref<1x1x80xi32, #tpu.memory_space<vmem>>
    %dma_start3A_61 = tpu.memref_squeeze %dma_start3A_60 : memref<1x1x80xi32, #tpu.memory_space<vmem>> -> memref<80xi32, #tpu.memory_space<vmem>>
    %dma_start3A_62 = arith.constant 0 : i32
    %dma_start3A_63 = arith.constant 0 : i32
    %dma_start3A_64 = tpu.memref_slice %arg2[%dma_start3A_62, %dma_start3A_63] : memref<10000x144xf32, #tpu.memory_space<hbm>> -> memref<10000x144xf32, #tpu.memory_space<hbm>>
    tpu.enqueue_indirect_dma source(%dma_start3A_64 : memref<10000x144xf32, #tpu.memory_space<hbm>>) target(%dma_start3A_58 : memref<80x144xf32, #tpu.memory_space<vmem>>) offsets(%dma_start3A_61 : memref<80xi32, #tpu.memory_space<vmem>>) semaphore(%arg11 : memref<!tpu.dma_semaphore, #tpu.memory_space<semaphore_mem>>)
    %mul3A_65 = arith.constant 80 : i32
    %mul3A_66 = arith.muli %rem3A_53, %mul3A_65 : i32
    %dma_start3A_67 = arith.constant 6 : i32
    %dma_start3A_68 = arith.constant 0 : i32
    %dma_start3A_69 = tpu.memref_slice %arg8[%mul3A_66, %dma_start3A_68] : memref<240x16xf32, #tpu.memory_space<vmem>> -> memref<80x16xf32, #tpu.memory_space<vmem>>
    %dma_start3A_70 = arith.constant 0 : i32
    %dma_start3A_71 = tpu.memref_slice %arg9[%rem3A_50, %dma_start3A_67, %dma_start3A_70] : memref<2x10x80xi32, #tpu.memory_space<vmem>> -> memref<1x1x80xi32, #tpu.memory_space<vmem>>
    %dma_start3A_72 = tpu.memref_squeeze %dma_start3A_71 : memref<1x1x80xi32, #tpu.memory_space<vmem>> -> memref<80xi32, #tpu.memory_space<vmem>>
    %dma_start3A_73 = arith.constant 0 : i32
    %dma_start3A_74 = arith.constant 0 : i32
    %dma_start3A_75 = tpu.memref_slice %arg3[%dma_start3A_73, %dma_start3A_74] : memref<10000x16xf32, #tpu.memory_space<hbm>> -> memref<10000x16xf32, #tpu.memory_space<hbm>>
    tpu.enqueue_indirect_dma source(%dma_start3A_75 : memref<10000x16xf32, #tpu.memory_space<hbm>>) target(%dma_start3A_69 : memref<80x16xf32, #tpu.memory_space<vmem>>) offsets(%dma_start3A_72 : memref<80xi32, #tpu.memory_space<vmem>>) semaphore(%arg11 : memref<!tpu.dma_semaphore, #tpu.memory_space<semaphore_mem>>)
    %scan3A = arith.constant 0 : i32
    %scan3A_76 = arith.constant 0 : i32
    %scan3A_77 = arith.constant 125 : i32
    %scan3A_78 = arith.addi %scan3A_76, %scan3A_77 : i32
    %scan3A_79 = arith.constant 1 : i32
    scf.for %scan3A_103 = %scan3A_76 to %scan3A_78 step %scan3A_79  : i32 {
      %jit3A = arith.constant 5 : i32
      %div3A = arith.divsi %scan3A_103, %jit3A : i32
      %sign3A = arith.constant 0 : i32
      %sign3A_104 = arith.cmpi sgt, %scan3A_103, %sign3A : i32
      %sign3A_105 = arith.extui %sign3A_104 : i1 to i32
      %sign3A_106 = arith.constant 0 : i32
      %sign3A_107 = arith.cmpi slt, %scan3A_103, %sign3A_106 : i32
      %sign3A_108 = arith.extui %sign3A_107 : i1 to i32
      %sign3A_109 = arith.subi %sign3A_105, %sign3A_108 : i32
      %sign3A_110 = arith.constant 0 : i32
      %sign3A_111 = arith.cmpi sgt, %jit3A, %sign3A_110 : i32
      %sign3A_112 = arith.extui %sign3A_111 : i1 to i32
      %sign3A_113 = arith.constant 0 : i32
      %sign3A_114 = arith.cmpi slt, %jit3A, %sign3A_113 : i32
      %sign3A_115 = arith.extui %sign3A_114 : i1 to i32
      %sign3A_116 = arith.subi %sign3A_112, %sign3A_115 : i32
      %ne3A = arith.cmpi ne, %sign3A_109, %sign3A_116 : i32
      %rem3A_117 = arith.remsi %scan3A_103, %jit3A : i32
      %ne3A_118 = arith.constant 0 : i32
      %ne3A_119 = arith.cmpi ne, %rem3A_117, %ne3A_118 : i32
      %and3A = arith.andi %ne3A, %ne3A_119 : i1
      %sub3A = arith.constant 1 : i32
      %sub3A_120 = arith.subi %div3A, %sub3A : i32
      %select_n3A = arith.select %and3A, %sub3A_120, %div3A : i32
      %mul3A_121 = arith.constant 5 : i32
      %mul3A_122 = arith.muli %select_n3A, %mul3A_121 : i32
      %sub3A_123 = arith.subi %scan3A_103, %mul3A_122 : i32
      %rem3A_124 = arith.constant 2 : i32
      %rem3A_125 = arith.remsi %select_n3A, %rem3A_124 : i32
      %rem3A_126 = arith.constant 3 : i32
      %rem3A_127 = arith.remsi %scan3A_103, %rem3A_126 : i32
      %mul3A_128 = arith.constant 80 : i32
      %mul3A_129 = arith.muli %rem3A_127, %mul3A_128 : i32
      %dma_wait3A_130 = arith.constant 0 : i32
      %dma_wait3A_131 = tpu.memref_slice %arg7[%mul3A_129, %dma_wait3A_130] : memref<240x144xf32, #tpu.memory_space<vmem>> -> memref<80x144xf32, #tpu.memory_space<vmem>>
      %dma_wait3A_132 = arith.constant 0 : i32
      %dma_wait3A_133 = tpu.memref_slice %arg9[%rem3A_125, %sub3A_123, %dma_wait3A_132] : memref<2x10x80xi32, #tpu.memory_space<vmem>> -> memref<1x1x80xi32, #tpu.memory_space<vmem>>
      %dma_wait3A_134 = tpu.memref_squeeze %dma_wait3A_133 : memref<1x1x80xi32, #tpu.memory_space<vmem>> -> memref<80xi32, #tpu.memory_space<vmem>>
      %dma_wait3A_135 = arith.constant 0 : i32
      %dma_wait3A_136 = arith.constant 0 : i32
      %dma_wait3A_137 = tpu.memref_slice %arg2[%dma_wait3A_135, %dma_wait3A_136] : memref<10000x144xf32, #tpu.memory_space<hbm>> -> memref<10000x144xf32, #tpu.memory_space<hbm>>
      tpu.wait_indirect_dma semaphore(%arg11 : memref<!tpu.dma_semaphore, #tpu.memory_space<semaphore_mem>>) src(%dma_wait3A_137 : memref<10000x144xf32, #tpu.memory_space<hbm>>) dst(%dma_wait3A_131 : memref<80x144xf32, #tpu.memory_space<vmem>>)
      %add3A_138 = arith.constant 5 : i32
      %add3A_139 = arith.addi %add3A_138, %sub3A_123 : i32
      %mul3A_140 = arith.constant 80 : i32
      %mul3A_141 = arith.muli %rem3A_127, %mul3A_140 : i32
      %dma_wait3A_142 = arith.constant 0 : i32
      %dma_wait3A_143 = tpu.memref_slice %arg8[%mul3A_141, %dma_wait3A_142] : memref<240x16xf32, #tpu.memory_space<vmem>> -> memref<80x16xf32, #tpu.memory_space<vmem>>
      %dma_wait3A_144 = arith.constant 0 : i32
      %dma_wait3A_145 = tpu.memref_slice %arg9[%rem3A_125, %add3A_139, %dma_wait3A_144] : memref<2x10x80xi32, #tpu.memory_space<vmem>> -> memref<1x1x80xi32, #tpu.memory_space<vmem>>
      %dma_wait3A_146 = tpu.memref_squeeze %dma_wait3A_145 : memref<1x1x80xi32, #tpu.memory_space<vmem>> -> memref<80xi32, #tpu.memory_space<vmem>>
      %dma_wait3A_147 = arith.constant 0 : i32
      %dma_wait3A_148 = arith.constant 0 : i32
      %dma_wait3A_149 = tpu.memref_slice %arg3[%dma_wait3A_147, %dma_wait3A_148] : memref<10000x16xf32, #tpu.memory_space<hbm>> -> memref<10000x16xf32, #tpu.memory_space<hbm>>
      tpu.wait_indirect_dma semaphore(%arg11 : memref<!tpu.dma_semaphore, #tpu.memory_space<semaphore_mem>>) src(%dma_wait3A_149 : memref<10000x16xf32, #tpu.memory_space<hbm>>) dst(%dma_wait3A_143 : memref<80x16xf32, #tpu.memory_space<vmem>>)
      %mul3A_150 = arith.constant 80 : i32
      %mul3A_151 = arith.muli %rem3A_127, %mul3A_150 : i32
      %scan3A_152 = arith.constant 0 : i32
      %scan3A_153 = arith.constant 0 : i32
      %scan3A_154 = arith.constant 5 : i32
      %scan3A_155 = arith.addi %scan3A_153, %scan3A_154 : i32
      %scan3A_156 = arith.constant 1 : i32
      scf.for %scan3A_192 = %scan3A_153 to %scan3A_155 step %scan3A_156  : i32 {
        %mul3A_193 = arith.constant 16 : i32
        %mul3A_194 = arith.muli %scan3A_192, %mul3A_193 : i32
        %add3A_195 = arith.addi %mul3A_151, %mul3A_194 : i32
        %add3A_196 = vector.broadcast %add3A_195 : i32 to vector<16xi32>
        %add3A_197 = arith.addi %iota3A, %add3A_196 : vector<16xi32>
        %broadcast_in_dim3A = arith.constant 128 : i32
        %broadcast_in_dim3A_198 = vector.broadcast %broadcast_in_dim3A : i32 to vector<16xi32>
        %broadcast_in_dim3A_199 = arith.constant 129 : i32
        %broadcast_in_dim3A_200 = vector.broadcast %broadcast_in_dim3A_199 : i32 to vector<16xi32>
        %broadcast_in_dim3A_201 = arith.constant 130 : i32
        %broadcast_in_dim3A_202 = vector.broadcast %broadcast_in_dim3A_201 : i32 to vector<16xi32>
        %broadcast_in_dim3A_203 = arith.constant 131 : i32
        %broadcast_in_dim3A_204 = vector.broadcast %broadcast_in_dim3A_203 : i32 to vector<16xi32>
        %broadcast_in_dim3A_205 = arith.constant 132 : i32
        %broadcast_in_dim3A_206 = vector.broadcast %broadcast_in_dim3A_205 : i32 to vector<16xi32>
        %broadcast_in_dim3A_207 = arith.constant 133 : i32
        %broadcast_in_dim3A_208 = vector.broadcast %broadcast_in_dim3A_207 : i32 to vector<16xi32>
        %broadcast_in_dim3A_209 = arith.constant 134 : i32
        %broadcast_in_dim3A_210 = vector.broadcast %broadcast_in_dim3A_209 : i32 to vector<16xi32>
        %broadcast_in_dim3A_211 = arith.constant 135 : i32
        %broadcast_in_dim3A_212 = vector.broadcast %broadcast_in_dim3A_211 : i32 to vector<16xi32>
        %gather3A = tpu.vector_load_idx %arg7[%add3A_197, %broadcast_in_dim3A_198] : memref<240x144xf32, #tpu.memory_space<vmem>>[vector<16xi32>, vector<16xi32>], vector<16xf32>,
        %gather3A_213 = tpu.vector_load_idx %arg7[%add3A_197, %broadcast_in_dim3A_200] : memref<240x144xf32, #tpu.memory_space<vmem>>[vector<16xi32>, vector<16xi32>], vector<16xf32>,
        %gather3A_214 = tpu.vector_load_idx %arg7[%add3A_197, %broadcast_in_dim3A_202] : memref<240x144xf32, #tpu.memory_space<vmem>>[vector<16xi32>, vector<16xi32>], vector<16xf32>,
        %gather3A_215 = tpu.vector_load_idx %arg7[%add3A_197, %broadcast_in_dim3A_204] : memref<240x144xf32, #tpu.memory_space<vmem>>[vector<16xi32>, vector<16xi32>], vector<16xf32>,
        %gather3A_216 = tpu.vector_load_idx %arg7[%add3A_197, %broadcast_in_dim3A_206] : memref<240x144xf32, #tpu.memory_space<vmem>>[vector<16xi32>, vector<16xi32>], vector<16xf32>,
        %gather3A_217 = tpu.vector_load_idx %arg7[%add3A_197, %broadcast_in_dim3A_208] : memref<240x144xf32, #tpu.memory_space<vmem>>[vector<16xi32>, vector<16xi32>], vector<16xf32>,
        %gather3A_218 = tpu.vector_load_idx %arg7[%add3A_197, %broadcast_in_dim3A_210] : memref<240x144xf32, #tpu.memory_space<vmem>>[vector<16xi32>, vector<16xi32>], vector<16xf32>,
        %gather3A_219 = tpu.vector_load_idx %arg7[%add3A_197, %broadcast_in_dim3A_212] : memref<240x144xf32, #tpu.memory_space<vmem>>[vector<16xi32>, vector<16xi32>], vector<16xf32>,
        %broadcast_in_dim3A_220 = arith.constant 0 : i32
        %broadcast_in_dim3A_221 = vector.broadcast %broadcast_in_dim3A_220 : i32 to vector<16xi32>
        %gather3A_222 = tpu.vector_load_idx %arg8[%add3A_197, %broadcast_in_dim3A_221] : memref<240x16xf32, #tpu.memory_space<vmem>>[vector<16xi32>, vector<16xi32>], vector<16xf32>,
        %broadcast_in_dim3A_223 = arith.constant 1 : i32
        %broadcast_in_dim3A_224 = vector.broadcast %broadcast_in_dim3A_223 : i32 to vector<16xi32>
        %gather3A_225 = tpu.vector_load_idx %arg8[%add3A_197, %broadcast_in_dim3A_224] : memref<240x16xf32, #tpu.memory_space<vmem>>[vector<16xi32>, vector<16xi32>], vector<16xf32>,
        %broadcast_in_dim3A_226 = arith.constant 2 : i32
        %broadcast_in_dim3A_227 = vector.broadcast %broadcast_in_dim3A_226 : i32 to vector<16xi32>
        %gather3A_228 = tpu.vector_load_idx %arg8[%add3A_197, %broadcast_in_dim3A_227] : memref<240x16xf32, #tpu.memory_space<vmem>>[vector<16xi32>, vector<16xi32>], vector<16xf32>,
        %broadcast_in_dim3A_229 = arith.constant 3 : i32
        %broadcast_in_dim3A_230 = vector.broadcast %broadcast_in_dim3A_229 : i32 to vector<16xi32>
        %gather3A_231 = tpu.vector_load_idx %arg8[%add3A_197, %broadcast_in_dim3A_230] : memref<240x16xf32, #tpu.memory_space<vmem>>[vector<16xi32>, vector<16xi32>], vector<16xf32>,
        %broadcast_in_dim3A_232 = arith.constant 4 : i32
        %broadcast_in_dim3A_233 = vector.broadcast %broadcast_in_dim3A_232 : i32 to vector<16xi32>
        %gather3A_234 = tpu.vector_load_idx %arg8[%add3A_197, %broadcast_in_dim3A_233] : memref<240x16xf32, #tpu.memory_space<vmem>>[vector<16xi32>, vector<16xi32>], vector<16xf32>,
        %broadcast_in_dim3A_235 = arith.constant 5 : i32
        %broadcast_in_dim3A_236 = vector.broadcast %broadcast_in_dim3A_235 : i32 to vector<16xi32>
        %gather3A_237 = tpu.vector_load_idx %arg8[%add3A_197, %broadcast_in_dim3A_236] : memref<240x16xf32, #tpu.memory_space<vmem>>[vector<16xi32>, vector<16xi32>], vector<16xf32>,
        %broadcast_in_dim3A_238 = arith.constant 6 : i32
        %broadcast_in_dim3A_239 = vector.broadcast %broadcast_in_dim3A_238 : i32 to vector<16xi32>
        %gather3A_240 = tpu.vector_load_idx %arg8[%add3A_197, %broadcast_in_dim3A_239] : memref<240x16xf32, #tpu.memory_space<vmem>>[vector<16xi32>, vector<16xi32>], vector<16xf32>,
        %broadcast_in_dim3A_241 = arith.constant 7 : i32
        %broadcast_in_dim3A_242 = vector.broadcast %broadcast_in_dim3A_241 : i32 to vector<16xi32>
        %gather3A_243 = tpu.vector_load_idx %arg8[%add3A_197, %broadcast_in_dim3A_242] : memref<240x16xf32, #tpu.memory_space<vmem>>[vector<16xi32>, vector<16xi32>], vector<16xf32>,
        %add3A_244 = arith.addf %gather3A, %gather3A_222 : vector<16xf32>
        %add3A_245 = arith.addf %gather3A_213, %gather3A_225 : vector<16xf32>
        %add3A_246 = arith.addf %gather3A_214, %gather3A_228 : vector<16xf32>
        %add3A_247 = arith.addf %gather3A_215, %gather3A_231 : vector<16xf32>
        %add3A_248 = arith.addf %gather3A_216, %gather3A_234 : vector<16xf32>
        %add3A_249 = arith.addf %gather3A_217, %gather3A_237 : vector<16xf32>
        %add3A_250 = arith.addf %gather3A_218, %gather3A_240 : vector<16xf32>
        %add3A_251 = arith.addf %gather3A_219, %gather3A_243 : vector<16xf32>
        %gt3A_252 = arith.constant 0.000000e+00 : f32
        %gt3A_253 = vector.broadcast %gt3A_252 : f32 to vector<16xf32>
        %gt3A_254 = arith.cmpf ogt, %add3A_244, %gt3A_253 : vector<16xf32>
        %mul3A_255 = arith.constant 2.000000e-01 : f32
        %mul3A_256 = vector.broadcast %mul3A_255 : f32 to vector<16xf32>
        %mul3A_257 = arith.mulf %mul3A_256, %add3A_244 : vector<16xf32>
        %select_n3A_258 = arith.select %gt3A_254, %add3A_244, %mul3A_257 : vector<16xi1>, vector<16xf32>
        %gt3A_259 = arith.constant 0.000000e+00 : f32
        %gt3A_260 = vector.broadcast %gt3A_259 : f32 to vector<16xf32>
        %gt3A_261 = arith.cmpf ogt, %add3A_245, %gt3A_260 : vector<16xf32>
        %mul3A_262 = arith.constant 2.000000e-01 : f32
        %mul3A_263 = vector.broadcast %mul3A_262 : f32 to vector<16xf32>
        %mul3A_264 = arith.mulf %mul3A_263, %add3A_245 : vector<16xf32>
        %select_n3A_265 = arith.select %gt3A_261, %add3A_245, %mul3A_264 : vector<16xi1>, vector<16xf32>
        %gt3A_266 = arith.constant 0.000000e+00 : f32
        %gt3A_267 = vector.broadcast %gt3A_266 : f32 to vector<16xf32>
        %gt3A_268 = arith.cmpf ogt, %add3A_246, %gt3A_267 : vector<16xf32>
        %mul3A_269 = arith.constant 2.000000e-01 : f32
        %mul3A_270 = vector.broadcast %mul3A_269 : f32 to vector<16xf32>
        %mul3A_271 = arith.mulf %mul3A_270, %add3A_246 : vector<16xf32>
        %select_n3A_272 = arith.select %gt3A_268, %add3A_246, %mul3A_271 : vector<16xi1>, vector<16xf32>
        %gt3A_273 = arith.constant 0.000000e+00 : f32
        %gt3A_274 = vector.broadcast %gt3A_273 : f32 to vector<16xf32>
        %gt3A_275 = arith.cmpf ogt, %add3A_247, %gt3A_274 : vector<16xf32>
        %mul3A_276 = arith.constant 2.000000e-01 : f32
        %mul3A_277 = vector.broadcast %mul3A_276 : f32 to vector<16xf32>
        %mul3A_278 = arith.mulf %mul3A_277, %add3A_247 : vector<16xf32>
        %select_n3A_279 = arith.select %gt3A_275, %add3A_247, %mul3A_278 : vector<16xi1>, vector<16xf32>
        %gt3A_280 = arith.constant 0.000000e+00 : f32
        %gt3A_281 = vector.broadcast %gt3A_280 : f32 to vector<16xf32>
        %gt3A_282 = arith.cmpf ogt, %add3A_248, %gt3A_281 : vector<16xf32>
        %mul3A_283 = arith.constant 2.000000e-01 : f32
        %mul3A_284 = vector.broadcast %mul3A_283 : f32 to vector<16xf32>
        %mul3A_285 = arith.mulf %mul3A_284, %add3A_248 : vector<16xf32>
        %select_n3A_286 = arith.select %gt3A_282, %add3A_248, %mul3A_285 : vector<16xi1>, vector<16xf32>
        %gt3A_287 = arith.constant 0.000000e+00 : f32
        %gt3A_288 = vector.broadcast %gt3A_287 : f32 to vector<16xf32>
        %gt3A_289 = arith.cmpf ogt, %add3A_249, %gt3A_288 : vector<16xf32>
        %mul3A_290 = arith.constant 2.000000e-01 : f32
        %mul3A_291 = vector.broadcast %mul3A_290 : f32 to vector<16xf32>
        %mul3A_292 = arith.mulf %mul3A_291, %add3A_249 : vector<16xf32>
        %select_n3A_293 = arith.select %gt3A_289, %add3A_249, %mul3A_292 : vector<16xi1>, vector<16xf32>
        %gt3A_294 = arith.constant 0.000000e+00 : f32
        %gt3A_295 = vector.broadcast %gt3A_294 : f32 to vector<16xf32>
        %gt3A_296 = arith.cmpf ogt, %add3A_250, %gt3A_295 : vector<16xf32>
        %mul3A_297 = arith.constant 2.000000e-01 : f32
        %mul3A_298 = vector.broadcast %mul3A_297 : f32 to vector<16xf32>
        %mul3A_299 = arith.mulf %mul3A_298, %add3A_250 : vector<16xf32>
        %select_n3A_300 = arith.select %gt3A_296, %add3A_250, %mul3A_299 : vector<16xi1>, vector<16xf32>
        %gt3A_301 = arith.constant 0.000000e+00 : f32
        %gt3A_302 = vector.broadcast %gt3A_301 : f32 to vector<16xf32>
        %gt3A_303 = arith.cmpf ogt, %add3A_251, %gt3A_302 : vector<16xf32>
        %mul3A_304 = arith.constant 2.000000e-01 : f32
        %mul3A_305 = vector.broadcast %mul3A_304 : f32 to vector<16xf32>
        %mul3A_306 = arith.mulf %mul3A_305, %add3A_251 : vector<16xf32>
        %select_n3A_307 = arith.select %gt3A_303, %add3A_251, %mul3A_306 : vector<16xi1>, vector<16xf32>
        %exp3A = math.exp %select_n3A_258 : vector<16xf32>
        %exp3A_308 = math.exp %select_n3A_265 : vector<16xf32>
        %exp3A_309 = math.exp %select_n3A_272 : vector<16xf32>
        %exp3A_310 = math.exp %select_n3A_279 : vector<16xf32>
        %exp3A_311 = math.exp %select_n3A_286 : vector<16xf32>
        %exp3A_312 = math.exp %select_n3A_293 : vector<16xf32>
        %exp3A_313 = math.exp %select_n3A_300 : vector<16xf32>
        %exp3A_314 = math.exp %select_n3A_307 : vector<16xf32>
        %broadcast_in_dim3A_315 = arith.constant 136 : i32
        %broadcast_in_dim3A_316 = vector.broadcast %broadcast_in_dim3A_315 : i32 to vector<16xi32>
        tpu.vector_store_idx %arg7[%add3A_197, %broadcast_in_dim3A_316], %exp3A : memref<240x144xf32, #tpu.memory_space<vmem>>[vector<16xi32>, vector<16xi32>], vector<16xf32>,
        %broadcast_in_dim3A_317 = arith.constant 137 : i32
        %broadcast_in_dim3A_318 = vector.broadcast %broadcast_in_dim3A_317 : i32 to vector<16xi32>
        tpu.vector_store_idx %arg7[%add3A_197, %broadcast_in_dim3A_318], %exp3A_308 : memref<240x144xf32, #tpu.memory_space<vmem>>[vector<16xi32>, vector<16xi32>], vector<16xf32>,
        %broadcast_in_dim3A_319 = arith.constant 138 : i32
        %broadcast_in_dim3A_320 = vector.broadcast %broadcast_in_dim3A_319 : i32 to vector<16xi32>
        tpu.vector_store_idx %arg7[%add3A_197, %broadcast_in_dim3A_320], %exp3A_309 : memref<240x144xf32, #tpu.memory_space<vmem>>[vector<16xi32>, vector<16xi32>], vector<16xf32>,
        %broadcast_in_dim3A_321 = arith.constant 139 : i32
        %broadcast_in_dim3A_322 = vector.broadcast %broadcast_in_dim3A_321 : i32 to vector<16xi32>
        tpu.vector_store_idx %arg7[%add3A_197, %broadcast_in_dim3A_322], %exp3A_310 : memref<240x144xf32, #tpu.memory_space<vmem>>[vector<16xi32>, vector<16xi32>], vector<16xf32>,
        %broadcast_in_dim3A_323 = arith.constant 140 : i32
        %broadcast_in_dim3A_324 = vector.broadcast %broadcast_in_dim3A_323 : i32 to vector<16xi32>
        tpu.vector_store_idx %arg7[%add3A_197, %broadcast_in_dim3A_324], %exp3A_311 : memref<240x144xf32, #tpu.memory_space<vmem>>[vector<16xi32>, vector<16xi32>], vector<16xf32>,
        %broadcast_in_dim3A_325 = arith.constant 141 : i32
        %broadcast_in_dim3A_326 = vector.broadcast %broadcast_in_dim3A_325 : i32 to vector<16xi32>
        tpu.vector_store_idx %arg7[%add3A_197, %broadcast_in_dim3A_326], %exp3A_312 : memref<240x144xf32, #tpu.memory_space<vmem>>[vector<16xi32>, vector<16xi32>], vector<16xf32>,
        %broadcast_in_dim3A_327 = arith.constant 142 : i32
        %broadcast_in_dim3A_328 = vector.broadcast %broadcast_in_dim3A_327 : i32 to vector<16xi32>
        tpu.vector_store_idx %arg7[%add3A_197, %broadcast_in_dim3A_328], %exp3A_313 : memref<240x144xf32, #tpu.memory_space<vmem>>[vector<16xi32>, vector<16xi32>], vector<16xf32>,
        %broadcast_in_dim3A_329 = arith.constant 143 : i32
        %broadcast_in_dim3A_330 = vector.broadcast %broadcast_in_dim3A_329 : i32 to vector<16xi32>
        tpu.vector_store_idx %arg7[%add3A_197, %broadcast_in_dim3A_330], %exp3A_314 : memref<240x144xf32, #tpu.memory_space<vmem>>[vector<16xi32>, vector<16xi32>], vector<16xf32>,
        %broadcast_in_dim3A_331 = arith.constant 0 : i32
        %broadcast_in_dim3A_332 = vector.broadcast %broadcast_in_dim3A_331 : i32 to vector<16xi32>
        %broadcast_in_dim3A_333 = arith.constant 1 : i32
        %broadcast_in_dim3A_334 = vector.broadcast %broadcast_in_dim3A_333 : i32 to vector<16xi32>
        %broadcast_in_dim3A_335 = arith.constant 2 : i32
        %broadcast_in_dim3A_336 = vector.broadcast %broadcast_in_dim3A_335 : i32 to vector<16xi32>
        %broadcast_in_dim3A_337 = arith.constant 3 : i32
        %broadcast_in_dim3A_338 = vector.broadcast %broadcast_in_dim3A_337 : i32 to vector<16xi32>
        %broadcast_in_dim3A_339 = arith.constant 4 : i32
        %broadcast_in_dim3A_340 = vector.broadcast %broadcast_in_dim3A_339 : i32 to vector<16xi32>
        %broadcast_in_dim3A_341 = arith.constant 5 : i32
        %broadcast_in_dim3A_342 = vector.broadcast %broadcast_in_dim3A_341 : i32 to vector<16xi32>
        %broadcast_in_dim3A_343 = arith.constant 6 : i32
        %broadcast_in_dim3A_344 = vector.broadcast %broadcast_in_dim3A_343 : i32 to vector<16xi32>
        %broadcast_in_dim3A_345 = arith.constant 7 : i32
        %broadcast_in_dim3A_346 = vector.broadcast %broadcast_in_dim3A_345 : i32 to vector<16xi32>
        %broadcast_in_dim3A_347 = arith.constant 8 : i32
        %broadcast_in_dim3A_348 = vector.broadcast %broadcast_in_dim3A_347 : i32 to vector<16xi32>
        %broadcast_in_dim3A_349 = arith.constant 9 : i32
        %broadcast_in_dim3A_350 = vector.broadcast %broadcast_in_dim3A_349 : i32 to vector<16xi32>
        %broadcast_in_dim3A_351 = arith.constant 10 : i32
        %broadcast_in_dim3A_352 = vector.broadcast %broadcast_in_dim3A_351 : i32 to vector<16xi32>
        %broadcast_in_dim3A_353 = arith.constant 11 : i32
        %broadcast_in_dim3A_354 = vector.broadcast %broadcast_in_dim3A_353 : i32 to vector<16xi32>
        %broadcast_in_dim3A_355 = arith.constant 12 : i32
        %broadcast_in_dim3A_356 = vector.broadcast %broadcast_in_dim3A_355 : i32 to vector<16xi32>
        %broadcast_in_dim3A_357 = arith.constant 13 : i32
        %broadcast_in_dim3A_358 = vector.broadcast %broadcast_in_dim3A_357 : i32 to vector<16xi32>
        %broadcast_in_dim3A_359 = arith.constant 14 : i32
        %broadcast_in_dim3A_360 = vector.broadcast %broadcast_in_dim3A_359 : i32 to vector<16xi32>
        %broadcast_in_dim3A_361 = arith.constant 15 : i32
        %broadcast_in_dim3A_362 = vector.broadcast %broadcast_in_dim3A_361 : i32 to vector<16xi32>
        %gather3A_363 = tpu.vector_load_idx %arg7[%add3A_197, %broadcast_in_dim3A_332] : memref<240x144xf32, #tpu.memory_space<vmem>>[vector<16xi32>, vector<16xi32>], vector<16xf32>,
        %gather3A_364 = tpu.vector_load_idx %arg7[%add3A_197, %broadcast_in_dim3A_334] : memref<240x144xf32, #tpu.memory_space<vmem>>[vector<16xi32>, vector<16xi32>], vector<16xf32>,
        %gather3A_365 = tpu.vector_load_idx %arg7[%add3A_197, %broadcast_in_dim3A_336] : memref<240x144xf32, #tpu.memory_space<vmem>>[vector<16xi32>, vector<16xi32>], vector<16xf32>,
        %gather3A_366 = tpu.vector_load_idx %arg7[%add3A_197, %broadcast_in_dim3A_338] : memref<240x144xf32, #tpu.memory_space<vmem>>[vector<16xi32>, vector<16xi32>], vector<16xf32>,
        %gather3A_367 = tpu.vector_load_idx %arg7[%add3A_197, %broadcast_in_dim3A_340] : memref<240x144xf32, #tpu.memory_space<vmem>>[vector<16xi32>, vector<16xi32>], vector<16xf32>,
        %gather3A_368 = tpu.vector_load_idx %arg7[%add3A_197, %broadcast_in_dim3A_342] : memref<240x144xf32, #tpu.memory_space<vmem>>[vector<16xi32>, vector<16xi32>], vector<16xf32>,
        %gather3A_369 = tpu.vector_load_idx %arg7[%add3A_197, %broadcast_in_dim3A_344] : memref<240x144xf32, #tpu.memory_space<vmem>>[vector<16xi32>, vector<16xi32>], vector<16xf32>,
        %gather3A_370 = tpu.vector_load_idx %arg7[%add3A_197, %broadcast_in_dim3A_346] : memref<240x144xf32, #tpu.memory_space<vmem>>[vector<16xi32>, vector<16xi32>], vector<16xf32>,
        %gather3A_371 = tpu.vector_load_idx %arg7[%add3A_197, %broadcast_in_dim3A_348] : memref<240x144xf32, #tpu.memory_space<vmem>>[vector<16xi32>, vector<16xi32>], vector<16xf32>,
        %gather3A_372 = tpu.vector_load_idx %arg7[%add3A_197, %broadcast_in_dim3A_350] : memref<240x144xf32, #tpu.memory_space<vmem>>[vector<16xi32>, vector<16xi32>], vector<16xf32>,
        %gather3A_373 = tpu.vector_load_idx %arg7[%add3A_197, %broadcast_in_dim3A_352] : memref<240x144xf32, #tpu.memory_space<vmem>>[vector<16xi32>, vector<16xi32>], vector<16xf32>,
        %gather3A_374 = tpu.vector_load_idx %arg7[%add3A_197, %broadcast_in_dim3A_354] : memref<240x144xf32, #tpu.memory_space<vmem>>[vector<16xi32>, vector<16xi32>], vector<16xf32>,
        %gather3A_375 = tpu.vector_load_idx %arg7[%add3A_197, %broadcast_in_dim3A_356] : memref<240x144xf32, #tpu.memory_space<vmem>>[vector<16xi32>, vector<16xi32>], vector<16xf32>,
        %gather3A_376 = tpu.vector_load_idx %arg7[%add3A_197, %broadcast_in_dim3A_358] : memref<240x144xf32, #tpu.memory_space<vmem>>[vector<16xi32>, vector<16xi32>], vector<16xf32>,
        %gather3A_377 = tpu.vector_load_idx %arg7[%add3A_197, %broadcast_in_dim3A_360] : memref<240x144xf32, #tpu.memory_space<vmem>>[vector<16xi32>, vector<16xi32>], vector<16xf32>,
        %gather3A_378 = tpu.vector_load_idx %arg7[%add3A_197, %broadcast_in_dim3A_362] : memref<240x144xf32, #tpu.memory_space<vmem>>[vector<16xi32>, vector<16xi32>], vector<16xf32>,
        %mul3A_379 = arith.mulf %gather3A_363, %exp3A : vector<16xf32>
        %mul3A_380 = arith.mulf %gather3A_364, %exp3A : vector<16xf32>
        %mul3A_381 = arith.mulf %gather3A_365, %exp3A : vector<16xf32>
        %mul3A_382 = arith.mulf %gather3A_366, %exp3A : vector<16xf32>
        %mul3A_383 = arith.mulf %gather3A_367, %exp3A : vector<16xf32>
        %mul3A_384 = arith.mulf %gather3A_368, %exp3A : vector<16xf32>
        %mul3A_385 = arith.mulf %gather3A_369, %exp3A : vector<16xf32>
        %mul3A_386 = arith.mulf %gather3A_370, %exp3A : vector<16xf32>
        %mul3A_387 = arith.mulf %gather3A_371, %exp3A : vector<16xf32>
        %mul3A_388 = arith.mulf %gather3A_372, %exp3A : vector<16xf32>
        %mul3A_389 = arith.mulf %gather3A_373, %exp3A : vector<16xf32>
        %mul3A_390 = arith.mulf %gather3A_374, %exp3A : vector<16xf32>
        %mul3A_391 = arith.mulf %gather3A_375, %exp3A : vector<16xf32>
        %mul3A_392 = arith.mulf %gather3A_376, %exp3A : vector<16xf32>
        %mul3A_393 = arith.mulf %gather3A_377, %exp3A : vector<16xf32>
        %mul3A_394 = arith.mulf %gather3A_378, %exp3A : vector<16xf32>
        tpu.vector_store_idx %arg7[%add3A_197, %broadcast_in_dim3A_332], %mul3A_379 : memref<240x144xf32, #tpu.memory_space<vmem>>[vector<16xi32>, vector<16xi32>], vector<16xf32>,
        tpu.vector_store_idx %arg7[%add3A_197, %broadcast_in_dim3A_334], %mul3A_380 : memref<240x144xf32, #tpu.memory_space<vmem>>[vector<16xi32>, vector<16xi32>], vector<16xf32>,
        tpu.vector_store_idx %arg7[%add3A_197, %broadcast_in_dim3A_336], %mul3A_381 : memref<240x144xf32, #tpu.memory_space<vmem>>[vector<16xi32>, vector<16xi32>], vector<16xf32>,
        tpu.vector_store_idx %arg7[%add3A_197, %broadcast_in_dim3A_338], %mul3A_382 : memref<240x144xf32, #tpu.memory_space<vmem>>[vector<16xi32>, vector<16xi32>], vector<16xf32>,
        tpu.vector_store_idx %arg7[%add3A_197, %broadcast_in_dim3A_340], %mul3A_383 : memref<240x144xf32, #tpu.memory_space<vmem>>[vector<16xi32>, vector<16xi32>], vector<16xf32>,
        tpu.vector_store_idx %arg7[%add3A_197, %broadcast_in_dim3A_342], %mul3A_384 : memref<240x144xf32, #tpu.memory_space<vmem>>[vector<16xi32>, vector<16xi32>], vector<16xf32>,
        tpu.vector_store_idx %arg7[%add3A_197, %broadcast_in_dim3A_344], %mul3A_385 : memref<240x144xf32, #tpu.memory_space<vmem>>[vector<16xi32>, vector<16xi32>], vector<16xf32>,
        tpu.vector_store_idx %arg7[%add3A_197, %broadcast_in_dim3A_346], %mul3A_386 : memref<240x144xf32, #tpu.memory_space<vmem>>[vector<16xi32>, vector<16xi32>], vector<16xf32>,
        tpu.vector_store_idx %arg7[%add3A_197, %broadcast_in_dim3A_348], %mul3A_387 : memref<240x144xf32, #tpu.memory_space<vmem>>[vector<16xi32>, vector<16xi32>], vector<16xf32>,
        tpu.vector_store_idx %arg7[%add3A_197, %broadcast_in_dim3A_350], %mul3A_388 : memref<240x144xf32, #tpu.memory_space<vmem>>[vector<16xi32>, vector<16xi32>], vector<16xf32>,
        tpu.vector_store_idx %arg7[%add3A_197, %broadcast_in_dim3A_352], %mul3A_389 : memref<240x144xf32, #tpu.memory_space<vmem>>[vector<16xi32>, vector<16xi32>], vector<16xf32>,
        tpu.vector_store_idx %arg7[%add3A_197, %broadcast_in_dim3A_354], %mul3A_390 : memref<240x144xf32, #tpu.memory_space<vmem>>[vector<16xi32>, vector<16xi32>], vector<16xf32>,
        tpu.vector_store_idx %arg7[%add3A_197, %broadcast_in_dim3A_356], %mul3A_391 : memref<240x144xf32, #tpu.memory_space<vmem>>[vector<16xi32>, vector<16xi32>], vector<16xf32>,
        tpu.vector_store_idx %arg7[%add3A_197, %broadcast_in_dim3A_358], %mul3A_392 : memref<240x144xf32, #tpu.memory_space<vmem>>[vector<16xi32>, vector<16xi32>], vector<16xf32>,
        tpu.vector_store_idx %arg7[%add3A_197, %broadcast_in_dim3A_360], %mul3A_393 : memref<240x144xf32, #tpu.memory_space<vmem>>[vector<16xi32>, vector<16xi32>], vector<16xf32>,
        tpu.vector_store_idx %arg7[%add3A_197, %broadcast_in_dim3A_362], %mul3A_394 : memref<240x144xf32, #tpu.memory_space<vmem>>[vector<16xi32>, vector<16xi32>], vector<16xf32>,
        %broadcast_in_dim3A_395 = arith.constant 16 : i32
        %broadcast_in_dim3A_396 = vector.broadcast %broadcast_in_dim3A_395 : i32 to vector<16xi32>
        %broadcast_in_dim3A_397 = arith.constant 17 : i32
        %broadcast_in_dim3A_398 = vector.broadcast %broadcast_in_dim3A_397 : i32 to vector<16xi32>
        %broadcast_in_dim3A_399 = arith.constant 18 : i32
        %broadcast_in_dim3A_400 = vector.broadcast %broadcast_in_dim3A_399 : i32 to vector<16xi32>
        %broadcast_in_dim3A_401 = arith.constant 19 : i32
        %broadcast_in_dim3A_402 = vector.broadcast %broadcast_in_dim3A_401 : i32 to vector<16xi32>
        %broadcast_in_dim3A_403 = arith.constant 20 : i32
        %broadcast_in_dim3A_404 = vector.broadcast %broadcast_in_dim3A_403 : i32 to vector<16xi32>
        %broadcast_in_dim3A_405 = arith.constant 21 : i32
        %broadcast_in_dim3A_406 = vector.broadcast %broadcast_in_dim3A_405 : i32 to vector<16xi32>
        %broadcast_in_dim3A_407 = arith.constant 22 : i32
        %broadcast_in_dim3A_408 = vector.broadcast %broadcast_in_dim3A_407 : i32 to vector<16xi32>
        %broadcast_in_dim3A_409 = arith.constant 23 : i32
        %broadcast_in_dim3A_410 = vector.broadcast %broadcast_in_dim3A_409 : i32 to vector<16xi32>
        %broadcast_in_dim3A_411 = arith.constant 24 : i32
        %broadcast_in_dim3A_412 = vector.broadcast %broadcast_in_dim3A_411 : i32 to vector<16xi32>
        %broadcast_in_dim3A_413 = arith.constant 25 : i32
        %broadcast_in_dim3A_414 = vector.broadcast %broadcast_in_dim3A_413 : i32 to vector<16xi32>
        %broadcast_in_dim3A_415 = arith.constant 26 : i32
        %broadcast_in_dim3A_416 = vector.broadcast %broadcast_in_dim3A_415 : i32 to vector<16xi32>
        %broadcast_in_dim3A_417 = arith.constant 27 : i32
        %broadcast_in_dim3A_418 = vector.broadcast %broadcast_in_dim3A_417 : i32 to vector<16xi32>
        %broadcast_in_dim3A_419 = arith.constant 28 : i32
        %broadcast_in_dim3A_420 = vector.broadcast %broadcast_in_dim3A_419 : i32 to vector<16xi32>
        %broadcast_in_dim3A_421 = arith.constant 29 : i32
        %broadcast_in_dim3A_422 = vector.broadcast %broadcast_in_dim3A_421 : i32 to vector<16xi32>
        %broadcast_in_dim3A_423 = arith.constant 30 : i32
        %broadcast_in_dim3A_424 = vector.broadcast %broadcast_in_dim3A_423 : i32 to vector<16xi32>
        %broadcast_in_dim3A_425 = arith.constant 31 : i32
        %broadcast_in_dim3A_426 = vector.broadcast %broadcast_in_dim3A_425 : i32 to vector<16xi32>
        %gather3A_427 = tpu.vector_load_idx %arg7[%add3A_197, %broadcast_in_dim3A_396] : memref<240x144xf32, #tpu.memory_space<vmem>>[vector<16xi32>, vector<16xi32>], vector<16xf32>,
        %gather3A_428 = tpu.vector_load_idx %arg7[%add3A_197, %broadcast_in_dim3A_398] : memref<240x144xf32, #tpu.memory_space<vmem>>[vector<16xi32>, vector<16xi32>], vector<16xf32>,
        %gather3A_429 = tpu.vector_load_idx %arg7[%add3A_197, %broadcast_in_dim3A_400] : memref<240x144xf32, #tpu.memory_space<vmem>>[vector<16xi32>, vector<16xi32>], vector<16xf32>,
        %gather3A_430 = tpu.vector_load_idx %arg7[%add3A_197, %broadcast_in_dim3A_402] : memref<240x144xf32, #tpu.memory_space<vmem>>[vector<16xi32>, vector<16xi32>], vector<16xf32>,
        %gather3A_431 = tpu.vector_load_idx %arg7[%add3A_197, %broadcast_in_dim3A_404] : memref<240x144xf32, #tpu.memory_space<vmem>>[vector<16xi32>, vector<16xi32>], vector<16xf32>,
        %gather3A_432 = tpu.vector_load_idx %arg7[%add3A_197, %broadcast_in_dim3A_406] : memref<240x144xf32, #tpu.memory_space<vmem>>[vector<16xi32>, vector<16xi32>], vector<16xf32>,
        %gather3A_433 = tpu.vector_load_idx %arg7[%add3A_197, %broadcast_in_dim3A_408] : memref<240x144xf32, #tpu.memory_space<vmem>>[vector<16xi32>, vector<16xi32>], vector<16xf32>,
        %gather3A_434 = tpu.vector_load_idx %arg7[%add3A_197, %broadcast_in_dim3A_410] : memref<240x144xf32, #tpu.memory_space<vmem>>[vector<16xi32>, vector<16xi32>], vector<16xf32>,
        %gather3A_435 = tpu.vector_load_idx %arg7[%add3A_197, %broadcast_in_dim3A_412] : memref<240x144xf32, #tpu.memory_space<vmem>>[vector<16xi32>, vector<16xi32>], vector<16xf32>,
        %gather3A_436 = tpu.vector_load_idx %arg7[%add3A_197, %broadcast_in_dim3A_414] : memref<240x144xf32, #tpu.memory_space<vmem>>[vector<16xi32>, vector<16xi32>], vector<16xf32>,
        %gather3A_437 = tpu.vector_load_idx %arg7[%add3A_197, %broadcast_in_dim3A_416] : memref<240x144xf32, #tpu.memory_space<vmem>>[vector<16xi32>, vector<16xi32>], vector<16xf32>,
        %gather3A_438 = tpu.vector_load_idx %arg7[%add3A_197, %broadcast_in_dim3A_418] : memref<240x144xf32, #tpu.memory_space<vmem>>[vector<16xi32>, vector<16xi32>], vector<16xf32>,
        %gather3A_439 = tpu.vector_load_idx %arg7[%add3A_197, %broadcast_in_dim3A_420] : memref<240x144xf32, #tpu.memory_space<vmem>>[vector<16xi32>, vector<16xi32>], vector<16xf32>,
        %gather3A_440 = tpu.vector_load_idx %arg7[%add3A_197, %broadcast_in_dim3A_422] : memref<240x144xf32, #tpu.memory_space<vmem>>[vector<16xi32>, vector<16xi32>], vector<16xf32>,
        %gather3A_441 = tpu.vector_load_idx %arg7[%add3A_197, %broadcast_in_dim3A_424] : memref<240x144xf32, #tpu.memory_space<vmem>>[vector<16xi32>, vector<16xi32>], vector<16xf32>,
        %gather3A_442 = tpu.vector_load_idx %arg7[%add3A_197, %broadcast_in_dim3A_426] : memref<240x144xf32, #tpu.memory_space<vmem>>[vector<16xi32>, vector<16xi32>], vector<16xf32>,
        %mul3A_443 = arith.mulf %gather3A_427, %exp3A_308 : vector<16xf32>
        %mul3A_444 = arith.mulf %gather3A_428, %exp3A_308 : vector<16xf32>
        %mul3A_445 = arith.mulf %gather3A_429, %exp3A_308 : vector<16xf32>
        %mul3A_446 = arith.mulf %gather3A_430, %exp3A_308 : vector<16xf32>
        %mul3A_447 = arith.mulf %gather3A_431, %exp3A_308 : vector<16xf32>
        %mul3A_448 = arith.mulf %gather3A_432, %exp3A_308 : vector<16xf32>
        %mul3A_449 = arith.mulf %gather3A_433, %exp3A_308 : vector<16xf32>
        %mul3A_450 = arith.mulf %gather3A_434, %exp3A_308 : vector<16xf32>
        %mul3A_451 = arith.mulf %gather3A_435, %exp3A_308 : vector<16xf32>
        %mul3A_452 = arith.mulf %gather3A_436, %exp3A_308 : vector<16xf32>
        %mul3A_453 = arith.mulf %gather3A_437, %exp3A_308 : vector<16xf32>
        %mul3A_454 = arith.mulf %gather3A_438, %exp3A_308 : vector<16xf32>
        %mul3A_455 = arith.mulf %gather3A_439, %exp3A_308 : vector<16xf32>
        %mul3A_456 = arith.mulf %gather3A_440, %exp3A_308 : vector<16xf32>
        %mul3A_457 = arith.mulf %gather3A_441, %exp3A_308 : vector<16xf32>
        %mul3A_458 = arith.mulf %gather3A_442, %exp3A_308 : vector<16xf32>
        tpu.vector_store_idx %arg7[%add3A_197, %broadcast_in_dim3A_396], %mul3A_443 : memref<240x144xf32, #tpu.memory_space<vmem>>[vector<16xi32>, vector<16xi32>], vector<16xf32>,
        tpu.vector_store_idx %arg7[%add3A_197, %broadcast_in_dim3A_398], %mul3A_444 : memref<240x144xf32, #tpu.memory_space<vmem>>[vector<16xi32>, vector<16xi32>], vector<16xf32>,
        tpu.vector_store_idx %arg7[%add3A_197, %broadcast_in_dim3A_400], %mul3A_445 : memref<240x144xf32, #tpu.memory_space<vmem>>[vector<16xi32>, vector<16xi32>], vector<16xf32>,
        tpu.vector_store_idx %arg7[%add3A_197, %broadcast_in_dim3A_402], %mul3A_446 : memref<240x144xf32, #tpu.memory_space<vmem>>[vector<16xi32>, vector<16xi32>], vector<16xf32>,
        tpu.vector_store_idx %arg7[%add3A_197, %broadcast_in_dim3A_404], %mul3A_447 : memref<240x144xf32, #tpu.memory_space<vmem>>[vector<16xi32>, vector<16xi32>], vector<16xf32>,
        tpu.vector_store_idx %arg7[%add3A_197, %broadcast_in_dim3A_406], %mul3A_448 : memref<240x144xf32, #tpu.memory_space<vmem>>[vector<16xi32>, vector<16xi32>], vector<16xf32>,
        tpu.vector_store_idx %arg7[%add3A_197, %broadcast_in_dim3A_408], %mul3A_449 : memref<240x144xf32, #tpu.memory_space<vmem>>[vector<16xi32>, vector<16xi32>], vector<16xf32>,
        tpu.vector_store_idx %arg7[%add3A_197, %broadcast_in_dim3A_410], %mul3A_450 : memref<240x144xf32, #tpu.memory_space<vmem>>[vector<16xi32>, vector<16xi32>], vector<16xf32>,
        tpu.vector_store_idx %arg7[%add3A_197, %broadcast_in_dim3A_412], %mul3A_451 : memref<240x144xf32, #tpu.memory_space<vmem>>[vector<16xi32>, vector<16xi32>], vector<16xf32>,
        tpu.vector_store_idx %arg7[%add3A_197, %broadcast_in_dim3A_414], %mul3A_452 : memref<240x144xf32, #tpu.memory_space<vmem>>[vector<16xi32>, vector<16xi32>], vector<16xf32>,
        tpu.vector_store_idx %arg7[%add3A_197, %broadcast_in_dim3A_416], %mul3A_453 : memref<240x144xf32, #tpu.memory_space<vmem>>[vector<16xi32>, vector<16xi32>], vector<16xf32>,
        tpu.vector_store_idx %arg7[%add3A_197, %broadcast_in_dim3A_418], %mul3A_454 : memref<240x144xf32, #tpu.memory_space<vmem>>[vector<16xi32>, vector<16xi32>], vector<16xf32>,
        tpu.vector_store_idx %arg7[%add3A_197, %broadcast_in_dim3A_420], %mul3A_455 : memref<240x144xf32, #tpu.memory_space<vmem>>[vector<16xi32>, vector<16xi32>], vector<16xf32>,
        tpu.vector_store_idx %arg7[%add3A_197, %broadcast_in_dim3A_422], %mul3A_456 : memref<240x144xf32, #tpu.memory_space<vmem>>[vector<16xi32>, vector<16xi32>], vector<16xf32>,
        tpu.vector_store_idx %arg7[%add3A_197, %broadcast_in_dim3A_424], %mul3A_457 : memref<240x144xf32, #tpu.memory_space<vmem>>[vector<16xi32>, vector<16xi32>], vector<16xf32>,
        tpu.vector_store_idx %arg7[%add3A_197, %broadcast_in_dim3A_426], %mul3A_458 : memref<240x144xf32, #tpu.memory_space<vmem>>[vector<16xi32>, vector<16xi32>], vector<16xf32>,
        %broadcast_in_dim3A_459 = arith.constant 32 : i32
        %broadcast_in_dim3A_460 = vector.broadcast %broadcast_in_dim3A_459 : i32 to vector<16xi32>
        %broadcast_in_dim3A_461 = arith.constant 33 : i32
        %broadcast_in_dim3A_462 = vector.broadcast %broadcast_in_dim3A_461 : i32 to vector<16xi32>
        %broadcast_in_dim3A_463 = arith.constant 34 : i32
        %broadcast_in_dim3A_464 = vector.broadcast %broadcast_in_dim3A_463 : i32 to vector<16xi32>
        %broadcast_in_dim3A_465 = arith.constant 35 : i32
        %broadcast_in_dim3A_466 = vector.broadcast %broadcast_in_dim3A_465 : i32 to vector<16xi32>
        %broadcast_in_dim3A_467 = arith.constant 36 : i32
        %broadcast_in_dim3A_468 = vector.broadcast %broadcast_in_dim3A_467 : i32 to vector<16xi32>
        %broadcast_in_dim3A_469 = arith.constant 37 : i32
        %broadcast_in_dim3A_470 = vector.broadcast %broadcast_in_dim3A_469 : i32 to vector<16xi32>
        %broadcast_in_dim3A_471 = arith.constant 38 : i32
        %broadcast_in_dim3A_472 = vector.broadcast %broadcast_in_dim3A_471 : i32 to vector<16xi32>
        %broadcast_in_dim3A_473 = arith.constant 39 : i32
        %broadcast_in_dim3A_474 = vector.broadcast %broadcast_in_dim3A_473 : i32 to vector<16xi32>
        %broadcast_in_dim3A_475 = arith.constant 40 : i32
        %broadcast_in_dim3A_476 = vector.broadcast %broadcast_in_dim3A_475 : i32 to vector<16xi32>
        %broadcast_in_dim3A_477 = arith.constant 41 : i32
        %broadcast_in_dim3A_478 = vector.broadcast %broadcast_in_dim3A_477 : i32 to vector<16xi32>
        %broadcast_in_dim3A_479 = arith.constant 42 : i32
        %broadcast_in_dim3A_480 = vector.broadcast %broadcast_in_dim3A_479 : i32 to vector<16xi32>
        %broadcast_in_dim3A_481 = arith.constant 43 : i32
        %broadcast_in_dim3A_482 = vector.broadcast %broadcast_in_dim3A_481 : i32 to vector<16xi32>
        %broadcast_in_dim3A_483 = arith.constant 44 : i32
        %broadcast_in_dim3A_484 = vector.broadcast %broadcast_in_dim3A_483 : i32 to vector<16xi32>
        %broadcast_in_dim3A_485 = arith.constant 45 : i32
        %broadcast_in_dim3A_486 = vector.broadcast %broadcast_in_dim3A_485 : i32 to vector<16xi32>
        %broadcast_in_dim3A_487 = arith.constant 46 : i32
        %broadcast_in_dim3A_488 = vector.broadcast %broadcast_in_dim3A_487 : i32 to vector<16xi32>
        %broadcast_in_dim3A_489 = arith.constant 47 : i32
        %broadcast_in_dim3A_490 = vector.broadcast %broadcast_in_dim3A_489 : i32 to vector<16xi32>
        %gather3A_491 = tpu.vector_load_idx %arg7[%add3A_197, %broadcast_in_dim3A_460] : memref<240x144xf32, #tpu.memory_space<vmem>>[vector<16xi32>, vector<16xi32>], vector<16xf32>,
        %gather3A_492 = tpu.vector_load_idx %arg7[%add3A_197, %broadcast_in_dim3A_462] : memref<240x144xf32, #tpu.memory_space<vmem>>[vector<16xi32>, vector<16xi32>], vector<16xf32>,
        %gather3A_493 = tpu.vector_load_idx %arg7[%add3A_197, %broadcast_in_dim3A_464] : memref<240x144xf32, #tpu.memory_space<vmem>>[vector<16xi32>, vector<16xi32>], vector<16xf32>,
        %gather3A_494 = tpu.vector_load_idx %arg7[%add3A_197, %broadcast_in_dim3A_466] : memref<240x144xf32, #tpu.memory_space<vmem>>[vector<16xi32>, vector<16xi32>], vector<16xf32>,
        %gather3A_495 = tpu.vector_load_idx %arg7[%add3A_197, %broadcast_in_dim3A_468] : memref<240x144xf32, #tpu.memory_space<vmem>>[vector<16xi32>, vector<16xi32>], vector<16xf32>,
        %gather3A_496 = tpu.vector_load_idx %arg7[%add3A_197, %broadcast_in_dim3A_470] : memref<240x144xf32, #tpu.memory_space<vmem>>[vector<16xi32>, vector<16xi32>], vector<16xf32>,
        %gather3A_497 = tpu.vector_load_idx %arg7[%add3A_197, %broadcast_in_dim3A_472] : memref<240x144xf32, #tpu.memory_space<vmem>>[vector<16xi32>, vector<16xi32>], vector<16xf32>,
        %gather3A_498 = tpu.vector_load_idx %arg7[%add3A_197, %broadcast_in_dim3A_474] : memref<240x144xf32, #tpu.memory_space<vmem>>[vector<16xi32>, vector<16xi32>], vector<16xf32>,
        %gather3A_499 = tpu.vector_load_idx %arg7[%add3A_197, %broadcast_in_dim3A_476] : memref<240x144xf32, #tpu.memory_space<vmem>>[vector<16xi32>, vector<16xi32>], vector<16xf32>,
        %gather3A_500 = tpu.vector_load_idx %arg7[%add3A_197, %broadcast_in_dim3A_478] : memref<240x144xf32, #tpu.memory_space<vmem>>[vector<16xi32>, vector<16xi32>], vector<16xf32>,
        %gather3A_501 = tpu.vector_load_idx %arg7[%add3A_197, %broadcast_in_dim3A_480] : memref<240x144xf32, #tpu.memory_space<vmem>>[vector<16xi32>, vector<16xi32>], vector<16xf32>,
        %gather3A_502 = tpu.vector_load_idx %arg7[%add3A_197, %broadcast_in_dim3A_482] : memref<240x144xf32, #tpu.memory_space<vmem>>[vector<16xi32>, vector<16xi32>], vector<16xf32>,
        %gather3A_503 = tpu.vector_load_idx %arg7[%add3A_197, %broadcast_in_dim3A_484] : memref<240x144xf32, #tpu.memory_space<vmem>>[vector<16xi32>, vector<16xi32>], vector<16xf32>,
        %gather3A_504 = tpu.vector_load_idx %arg7[%add3A_197, %broadcast_in_dim3A_486] : memref<240x144xf32, #tpu.memory_space<vmem>>[vector<16xi32>, vector<16xi32>], vector<16xf32>,
        %gather3A_505 = tpu.vector_load_idx %arg7[%add3A_197, %broadcast_in_dim3A_488] : memref<240x144xf32, #tpu.memory_space<vmem>>[vector<16xi32>, vector<16xi32>], vector<16xf32>,
        %gather3A_506 = tpu.vector_load_idx %arg7[%add3A_197, %broadcast_in_dim3A_490] : memref<240x144xf32, #tpu.memory_space<vmem>>[vector<16xi32>, vector<16xi32>], vector<16xf32>,
        %mul3A_507 = arith.mulf %gather3A_491, %exp3A_309 : vector<16xf32>
        %mul3A_508 = arith.mulf %gather3A_492, %exp3A_309 : vector<16xf32>
        %mul3A_509 = arith.mulf %gather3A_493, %exp3A_309 : vector<16xf32>
        %mul3A_510 = arith.mulf %gather3A_494, %exp3A_309 : vector<16xf32>
        %mul3A_511 = arith.mulf %gather3A_495, %exp3A_309 : vector<16xf32>
        %mul3A_512 = arith.mulf %gather3A_496, %exp3A_309 : vector<16xf32>
        %mul3A_513 = arith.mulf %gather3A_497, %exp3A_309 : vector<16xf32>
        %mul3A_514 = arith.mulf %gather3A_498, %exp3A_309 : vector<16xf32>
        %mul3A_515 = arith.mulf %gather3A_499, %exp3A_309 : vector<16xf32>
        %mul3A_516 = arith.mulf %gather3A_500, %exp3A_309 : vector<16xf32>
        %mul3A_517 = arith.mulf %gather3A_501, %exp3A_309 : vector<16xf32>
        %mul3A_518 = arith.mulf %gather3A_502, %exp3A_309 : vector<16xf32>
        %mul3A_519 = arith.mulf %gather3A_503, %exp3A_309 : vector<16xf32>
        %mul3A_520 = arith.mulf %gather3A_504, %exp3A_309 : vector<16xf32>
        %mul3A_521 = arith.mulf %gather3A_505, %exp3A_309 : vector<16xf32>
        %mul3A_522 = arith.mulf %gather3A_506, %exp3A_309 : vector<16xf32>
        tpu.vector_store_idx %arg7[%add3A_197, %broadcast_in_dim3A_460], %mul3A_507 : memref<240x144xf32, #tpu.memory_space<vmem>>[vector<16xi32>, vector<16xi32>], vector<16xf32>,
        tpu.vector_store_idx %arg7[%add3A_197, %broadcast_in_dim3A_462], %mul3A_508 : memref<240x144xf32, #tpu.memory_space<vmem>>[vector<16xi32>, vector<16xi32>], vector<16xf32>,
        tpu.vector_store_idx %arg7[%add3A_197, %broadcast_in_dim3A_464], %mul3A_509 : memref<240x144xf32, #tpu.memory_space<vmem>>[vector<16xi32>, vector<16xi32>], vector<16xf32>,
        tpu.vector_store_idx %arg7[%add3A_197, %broadcast_in_dim3A_466], %mul3A_510 : memref<240x144xf32, #tpu.memory_space<vmem>>[vector<16xi32>, vector<16xi32>], vector<16xf32>,
        tpu.vector_store_idx %arg7[%add3A_197, %broadcast_in_dim3A_468], %mul3A_511 : memref<240x144xf32, #tpu.memory_space<vmem>>[vector<16xi32>, vector<16xi32>], vector<16xf32>,
        tpu.vector_store_idx %arg7[%add3A_197, %broadcast_in_dim3A_470], %mul3A_512 : memref<240x144xf32, #tpu.memory_space<vmem>>[vector<16xi32>, vector<16xi32>], vector<16xf32>,
        tpu.vector_store_idx %arg7[%add3A_197, %broadcast_in_dim3A_472], %mul3A_513 : memref<240x144xf32, #tpu.memory_space<vmem>>[vector<16xi32>, vector<16xi32>], vector<16xf32>,
        tpu.vector_store_idx %arg7[%add3A_197, %broadcast_in_dim3A_474], %mul3A_514 : memref<240x144xf32, #tpu.memory_space<vmem>>[vector<16xi32>, vector<16xi32>], vector<16xf32>,
        tpu.vector_store_idx %arg7[%add3A_197, %broadcast_in_dim3A_476], %mul3A_515 : memref<240x144xf32, #tpu.memory_space<vmem>>[vector<16xi32>, vector<16xi32>], vector<16xf32>,
        tpu.vector_store_idx %arg7[%add3A_197, %broadcast_in_dim3A_478], %mul3A_516 : memref<240x144xf32, #tpu.memory_space<vmem>>[vector<16xi32>, vector<16xi32>], vector<16xf32>,
        tpu.vector_store_idx %arg7[%add3A_197, %broadcast_in_dim3A_480], %mul3A_517 : memref<240x144xf32, #tpu.memory_space<vmem>>[vector<16xi32>, vector<16xi32>], vector<16xf32>,
        tpu.vector_store_idx %arg7[%add3A_197, %broadcast_in_dim3A_482], %mul3A_518 : memref<240x144xf32, #tpu.memory_space<vmem>>[vector<16xi32>, vector<16xi32>], vector<16xf32>,
        tpu.vector_store_idx %arg7[%add3A_197, %broadcast_in_dim3A_484], %mul3A_519 : memref<240x144xf32, #tpu.memory_space<vmem>>[vector<16xi32>, vector<16xi32>], vector<16xf32>,
        tpu.vector_store_idx %arg7[%add3A_197, %broadcast_in_dim3A_486], %mul3A_520 : memref<240x144xf32, #tpu.memory_space<vmem>>[vector<16xi32>, vector<16xi32>], vector<16xf32>,
        tpu.vector_store_idx %arg7[%add3A_197, %broadcast_in_dim3A_488], %mul3A_521 : memref<240x144xf32, #tpu.memory_space<vmem>>[vector<16xi32>, vector<16xi32>], vector<16xf32>,
        tpu.vector_store_idx %arg7[%add3A_197, %broadcast_in_dim3A_490], %mul3A_522 : memref<240x144xf32, #tpu.memory_space<vmem>>[vector<16xi32>, vector<16xi32>], vector<16xf32>,
        %broadcast_in_dim3A_523 = arith.constant 48 : i32
        %broadcast_in_dim3A_524 = vector.broadcast %broadcast_in_dim3A_523 : i32 to vector<16xi32>
        %broadcast_in_dim3A_525 = arith.constant 49 : i32
        %broadcast_in_dim3A_526 = vector.broadcast %broadcast_in_dim3A_525 : i32 to vector<16xi32>
        %broadcast_in_dim3A_527 = arith.constant 50 : i32
        %broadcast_in_dim3A_528 = vector.broadcast %broadcast_in_dim3A_527 : i32 to vector<16xi32>
        %broadcast_in_dim3A_529 = arith.constant 51 : i32
        %broadcast_in_dim3A_530 = vector.broadcast %broadcast_in_dim3A_529 : i32 to vector<16xi32>
        %broadcast_in_dim3A_531 = arith.constant 52 : i32
        %broadcast_in_dim3A_532 = vector.broadcast %broadcast_in_dim3A_531 : i32 to vector<16xi32>
        %broadcast_in_dim3A_533 = arith.constant 53 : i32
        %broadcast_in_dim3A_534 = vector.broadcast %broadcast_in_dim3A_533 : i32 to vector<16xi32>
        %broadcast_in_dim3A_535 = arith.constant 54 : i32
        %broadcast_in_dim3A_536 = vector.broadcast %broadcast_in_dim3A_535 : i32 to vector<16xi32>
        %broadcast_in_dim3A_537 = arith.constant 55 : i32
        %broadcast_in_dim3A_538 = vector.broadcast %broadcast_in_dim3A_537 : i32 to vector<16xi32>
        %broadcast_in_dim3A_539 = arith.constant 56 : i32
        %broadcast_in_dim3A_540 = vector.broadcast %broadcast_in_dim3A_539 : i32 to vector<16xi32>
        %broadcast_in_dim3A_541 = arith.constant 57 : i32
        %broadcast_in_dim3A_542 = vector.broadcast %broadcast_in_dim3A_541 : i32 to vector<16xi32>
        %broadcast_in_dim3A_543 = arith.constant 58 : i32
        %broadcast_in_dim3A_544 = vector.broadcast %broadcast_in_dim3A_543 : i32 to vector<16xi32>
        %broadcast_in_dim3A_545 = arith.constant 59 : i32
        %broadcast_in_dim3A_546 = vector.broadcast %broadcast_in_dim3A_545 : i32 to vector<16xi32>
        %broadcast_in_dim3A_547 = arith.constant 60 : i32
        %broadcast_in_dim3A_548 = vector.broadcast %broadcast_in_dim3A_547 : i32 to vector<16xi32>
        %broadcast_in_dim3A_549 = arith.constant 61 : i32
        %broadcast_in_dim3A_550 = vector.broadcast %broadcast_in_dim3A_549 : i32 to vector<16xi32>
        %broadcast_in_dim3A_551 = arith.constant 62 : i32
        %broadcast_in_dim3A_552 = vector.broadcast %broadcast_in_dim3A_551 : i32 to vector<16xi32>
        %broadcast_in_dim3A_553 = arith.constant 63 : i32
        %broadcast_in_dim3A_554 = vector.broadcast %broadcast_in_dim3A_553 : i32 to vector<16xi32>
        %gather3A_555 = tpu.vector_load_idx %arg7[%add3A_197, %broadcast_in_dim3A_524] : memref<240x144xf32, #tpu.memory_space<vmem>>[vector<16xi32>, vector<16xi32>], vector<16xf32>,
        %gather3A_556 = tpu.vector_load_idx %arg7[%add3A_197, %broadcast_in_dim3A_526] : memref<240x144xf32, #tpu.memory_space<vmem>>[vector<16xi32>, vector<16xi32>], vector<16xf32>,
        %gather3A_557 = tpu.vector_load_idx %arg7[%add3A_197, %broadcast_in_dim3A_528] : memref<240x144xf32, #tpu.memory_space<vmem>>[vector<16xi32>, vector<16xi32>], vector<16xf32>,
        %gather3A_558 = tpu.vector_load_idx %arg7[%add3A_197, %broadcast_in_dim3A_530] : memref<240x144xf32, #tpu.memory_space<vmem>>[vector<16xi32>, vector<16xi32>], vector<16xf32>,
        %gather3A_559 = tpu.vector_load_idx %arg7[%add3A_197, %broadcast_in_dim3A_532] : memref<240x144xf32, #tpu.memory_space<vmem>>[vector<16xi32>, vector<16xi32>], vector<16xf32>,
        %gather3A_560 = tpu.vector_load_idx %arg7[%add3A_197, %broadcast_in_dim3A_534] : memref<240x144xf32, #tpu.memory_space<vmem>>[vector<16xi32>, vector<16xi32>], vector<16xf32>,
        %gather3A_561 = tpu.vector_load_idx %arg7[%add3A_197, %broadcast_in_dim3A_536] : memref<240x144xf32, #tpu.memory_space<vmem>>[vector<16xi32>, vector<16xi32>], vector<16xf32>,
        %gather3A_562 = tpu.vector_load_idx %arg7[%add3A_197, %broadcast_in_dim3A_538] : memref<240x144xf32, #tpu.memory_space<vmem>>[vector<16xi32>, vector<16xi32>], vector<16xf32>,
        %gather3A_563 = tpu.vector_load_idx %arg7[%add3A_197, %broadcast_in_dim3A_540] : memref<240x144xf32, #tpu.memory_space<vmem>>[vector<16xi32>, vector<16xi32>], vector<16xf32>,
        %gather3A_564 = tpu.vector_load_idx %arg7[%add3A_197, %broadcast_in_dim3A_542] : memref<240x144xf32, #tpu.memory_space<vmem>>[vector<16xi32>, vector<16xi32>], vector<16xf32>,
        %gather3A_565 = tpu.vector_load_idx %arg7[%add3A_197, %broadcast_in_dim3A_544] : memref<240x144xf32, #tpu.memory_space<vmem>>[vector<16xi32>, vector<16xi32>], vector<16xf32>,
        %gather3A_566 = tpu.vector_load_idx %arg7[%add3A_197, %broadcast_in_dim3A_546] : memref<240x144xf32, #tpu.memory_space<vmem>>[vector<16xi32>, vector<16xi32>], vector<16xf32>,
        %gather3A_567 = tpu.vector_load_idx %arg7[%add3A_197, %broadcast_in_dim3A_548] : memref<240x144xf32, #tpu.memory_space<vmem>>[vector<16xi32>, vector<16xi32>], vector<16xf32>,
        %gather3A_568 = tpu.vector_load_idx %arg7[%add3A_197, %broadcast_in_dim3A_550] : memref<240x144xf32, #tpu.memory_space<vmem>>[vector<16xi32>, vector<16xi32>], vector<16xf32>,
        %gather3A_569 = tpu.vector_load_idx %arg7[%add3A_197, %broadcast_in_dim3A_552] : memref<240x144xf32, #tpu.memory_space<vmem>>[vector<16xi32>, vector<16xi32>], vector<16xf32>,
        %gather3A_570 = tpu.vector_load_idx %arg7[%add3A_197, %broadcast_in_dim3A_554] : memref<240x144xf32, #tpu.memory_space<vmem>>[vector<16xi32>, vector<16xi32>], vector<16xf32>,
        %mul3A_571 = arith.mulf %gather3A_555, %exp3A_310 : vector<16xf32>
        %mul3A_572 = arith.mulf %gather3A_556, %exp3A_310 : vector<16xf32>
        %mul3A_573 = arith.mulf %gather3A_557, %exp3A_310 : vector<16xf32>
        %mul3A_574 = arith.mulf %gather3A_558, %exp3A_310 : vector<16xf32>
        %mul3A_575 = arith.mulf %gather3A_559, %exp3A_310 : vector<16xf32>
        %mul3A_576 = arith.mulf %gather3A_560, %exp3A_310 : vector<16xf32>
        %mul3A_577 = arith.mulf %gather3A_561, %exp3A_310 : vector<16xf32>
        %mul3A_578 = arith.mulf %gather3A_562, %exp3A_310 : vector<16xf32>
        %mul3A_579 = arith.mulf %gather3A_563, %exp3A_310 : vector<16xf32>
        %mul3A_580 = arith.mulf %gather3A_564, %exp3A_310 : vector<16xf32>
        %mul3A_581 = arith.mulf %gather3A_565, %exp3A_310 : vector<16xf32>
        %mul3A_582 = arith.mulf %gather3A_566, %exp3A_310 : vector<16xf32>
        %mul3A_583 = arith.mulf %gather3A_567, %exp3A_310 : vector<16xf32>
        %mul3A_584 = arith.mulf %gather3A_568, %exp3A_310 : vector<16xf32>
        %mul3A_585 = arith.mulf %gather3A_569, %exp3A_310 : vector<16xf32>
        %mul3A_586 = arith.mulf %gather3A_570, %exp3A_310 : vector<16xf32>
        tpu.vector_store_idx %arg7[%add3A_197, %broadcast_in_dim3A_524], %mul3A_571 : memref<240x144xf32, #tpu.memory_space<vmem>>[vector<16xi32>, vector<16xi32>], vector<16xf32>,
        tpu.vector_store_idx %arg7[%add3A_197, %broadcast_in_dim3A_526], %mul3A_572 : memref<240x144xf32, #tpu.memory_space<vmem>>[vector<16xi32>, vector<16xi32>], vector<16xf32>,
        tpu.vector_store_idx %arg7[%add3A_197, %broadcast_in_dim3A_528], %mul3A_573 : memref<240x144xf32, #tpu.memory_space<vmem>>[vector<16xi32>, vector<16xi32>], vector<16xf32>,
        tpu.vector_store_idx %arg7[%add3A_197, %broadcast_in_dim3A_530], %mul3A_574 : memref<240x144xf32, #tpu.memory_space<vmem>>[vector<16xi32>, vector<16xi32>], vector<16xf32>,
        tpu.vector_store_idx %arg7[%add3A_197, %broadcast_in_dim3A_532], %mul3A_575 : memref<240x144xf32, #tpu.memory_space<vmem>>[vector<16xi32>, vector<16xi32>], vector<16xf32>,
        tpu.vector_store_idx %arg7[%add3A_197, %broadcast_in_dim3A_534], %mul3A_576 : memref<240x144xf32, #tpu.memory_space<vmem>>[vector<16xi32>, vector<16xi32>], vector<16xf32>,
        tpu.vector_store_idx %arg7[%add3A_197, %broadcast_in_dim3A_536], %mul3A_577 : memref<240x144xf32, #tpu.memory_space<vmem>>[vector<16xi32>, vector<16xi32>], vector<16xf32>,
        tpu.vector_store_idx %arg7[%add3A_197, %broadcast_in_dim3A_538], %mul3A_578 : memref<240x144xf32, #tpu.memory_space<vmem>>[vector<16xi32>, vector<16xi32>], vector<16xf32>,
        tpu.vector_store_idx %arg7[%add3A_197, %broadcast_in_dim3A_540], %mul3A_579 : memref<240x144xf32, #tpu.memory_space<vmem>>[vector<16xi32>, vector<16xi32>], vector<16xf32>,
        tpu.vector_store_idx %arg7[%add3A_197, %broadcast_in_dim3A_542], %mul3A_580 : memref<240x144xf32, #tpu.memory_space<vmem>>[vector<16xi32>, vector<16xi32>], vector<16xf32>,
        tpu.vector_store_idx %arg7[%add3A_197, %broadcast_in_dim3A_544], %mul3A_581 : memref<240x144xf32, #tpu.memory_space<vmem>>[vector<16xi32>, vector<16xi32>], vector<16xf32>,
        tpu.vector_store_idx %arg7[%add3A_197, %broadcast_in_dim3A_546], %mul3A_582 : memref<240x144xf32, #tpu.memory_space<vmem>>[vector<16xi32>, vector<16xi32>], vector<16xf32>,
        tpu.vector_store_idx %arg7[%add3A_197, %broadcast_in_dim3A_548], %mul3A_583 : memref<240x144xf32, #tpu.memory_space<vmem>>[vector<16xi32>, vector<16xi32>], vector<16xf32>,
        tpu.vector_store_idx %arg7[%add3A_197, %broadcast_in_dim3A_550], %mul3A_584 : memref<240x144xf32, #tpu.memory_space<vmem>>[vector<16xi32>, vector<16xi32>], vector<16xf32>,
        tpu.vector_store_idx %arg7[%add3A_197, %broadcast_in_dim3A_552], %mul3A_585 : memref<240x144xf32, #tpu.memory_space<vmem>>[vector<16xi32>, vector<16xi32>], vector<16xf32>,
        tpu.vector_store_idx %arg7[%add3A_197, %broadcast_in_dim3A_554], %mul3A_586 : memref<240x144xf32, #tpu.memory_space<vmem>>[vector<16xi32>, vector<16xi32>], vector<16xf32>,
        %broadcast_in_dim3A_587 = arith.constant 64 : i32
        %broadcast_in_dim3A_588 = vector.broadcast %broadcast_in_dim3A_587 : i32 to vector<16xi32>
        %broadcast_in_dim3A_589 = arith.constant 65 : i32
        %broadcast_in_dim3A_590 = vector.broadcast %broadcast_in_dim3A_589 : i32 to vector<16xi32>
        %broadcast_in_dim3A_591 = arith.constant 66 : i32
        %broadcast_in_dim3A_592 = vector.broadcast %broadcast_in_dim3A_591 : i32 to vector<16xi32>
        %broadcast_in_dim3A_593 = arith.constant 67 : i32
        %broadcast_in_dim3A_594 = vector.broadcast %broadcast_in_dim3A_593 : i32 to vector<16xi32>
        %broadcast_in_dim3A_595 = arith.constant 68 : i32
        %broadcast_in_dim3A_596 = vector.broadcast %broadcast_in_dim3A_595 : i32 to vector<16xi32>
        %broadcast_in_dim3A_597 = arith.constant 69 : i32
        %broadcast_in_dim3A_598 = vector.broadcast %broadcast_in_dim3A_597 : i32 to vector<16xi32>
        %broadcast_in_dim3A_599 = arith.constant 70 : i32
        %broadcast_in_dim3A_600 = vector.broadcast %broadcast_in_dim3A_599 : i32 to vector<16xi32>
        %broadcast_in_dim3A_601 = arith.constant 71 : i32
        %broadcast_in_dim3A_602 = vector.broadcast %broadcast_in_dim3A_601 : i32 to vector<16xi32>
        %broadcast_in_dim3A_603 = arith.constant 72 : i32
        %broadcast_in_dim3A_604 = vector.broadcast %broadcast_in_dim3A_603 : i32 to vector<16xi32>
        %broadcast_in_dim3A_605 = arith.constant 73 : i32
        %broadcast_in_dim3A_606 = vector.broadcast %broadcast_in_dim3A_605 : i32 to vector<16xi32>
        %broadcast_in_dim3A_607 = arith.constant 74 : i32
        %broadcast_in_dim3A_608 = vector.broadcast %broadcast_in_dim3A_607 : i32 to vector<16xi32>
        %broadcast_in_dim3A_609 = arith.constant 75 : i32
        %broadcast_in_dim3A_610 = vector.broadcast %broadcast_in_dim3A_609 : i32 to vector<16xi32>
        %broadcast_in_dim3A_611 = arith.constant 76 : i32
        %broadcast_in_dim3A_612 = vector.broadcast %broadcast_in_dim3A_611 : i32 to vector<16xi32>
        %broadcast_in_dim3A_613 = arith.constant 77 : i32
        %broadcast_in_dim3A_614 = vector.broadcast %broadcast_in_dim3A_613 : i32 to vector<16xi32>
        %broadcast_in_dim3A_615 = arith.constant 78 : i32
        %broadcast_in_dim3A_616 = vector.broadcast %broadcast_in_dim3A_615 : i32 to vector<16xi32>
        %broadcast_in_dim3A_617 = arith.constant 79 : i32
        %broadcast_in_dim3A_618 = vector.broadcast %broadcast_in_dim3A_617 : i32 to vector<16xi32>
        %gather3A_619 = tpu.vector_load_idx %arg7[%add3A_197, %broadcast_in_dim3A_588] : memref<240x144xf32, #tpu.memory_space<vmem>>[vector<16xi32>, vector<16xi32>], vector<16xf32>,
        %gather3A_620 = tpu.vector_load_idx %arg7[%add3A_197, %broadcast_in_dim3A_590] : memref<240x144xf32, #tpu.memory_space<vmem>>[vector<16xi32>, vector<16xi32>], vector<16xf32>,
        %gather3A_621 = tpu.vector_load_idx %arg7[%add3A_197, %broadcast_in_dim3A_592] : memref<240x144xf32, #tpu.memory_space<vmem>>[vector<16xi32>, vector<16xi32>], vector<16xf32>,
        %gather3A_622 = tpu.vector_load_idx %arg7[%add3A_197, %broadcast_in_dim3A_594] : memref<240x144xf32, #tpu.memory_space<vmem>>[vector<16xi32>, vector<16xi32>], vector<16xf32>,
        %gather3A_623 = tpu.vector_load_idx %arg7[%add3A_197, %broadcast_in_dim3A_596] : memref<240x144xf32, #tpu.memory_space<vmem>>[vector<16xi32>, vector<16xi32>], vector<16xf32>,
        %gather3A_624 = tpu.vector_load_idx %arg7[%add3A_197, %broadcast_in_dim3A_598] : memref<240x144xf32, #tpu.memory_space<vmem>>[vector<16xi32>, vector<16xi32>], vector<16xf32>,
        %gather3A_625 = tpu.vector_load_idx %arg7[%add3A_197, %broadcast_in_dim3A_600] : memref<240x144xf32, #tpu.memory_space<vmem>>[vector<16xi32>, vector<16xi32>], vector<16xf32>,
        %gather3A_626 = tpu.vector_load_idx %arg7[%add3A_197, %broadcast_in_dim3A_602] : memref<240x144xf32, #tpu.memory_space<vmem>>[vector<16xi32>, vector<16xi32>], vector<16xf32>,
        %gather3A_627 = tpu.vector_load_idx %arg7[%add3A_197, %broadcast_in_dim3A_604] : memref<240x144xf32, #tpu.memory_space<vmem>>[vector<16xi32>, vector<16xi32>], vector<16xf32>,
        %gather3A_628 = tpu.vector_load_idx %arg7[%add3A_197, %broadcast_in_dim3A_606] : memref<240x144xf32, #tpu.memory_space<vmem>>[vector<16xi32>, vector<16xi32>], vector<16xf32>,
        %gather3A_629 = tpu.vector_load_idx %arg7[%add3A_197, %broadcast_in_dim3A_608] : memref<240x144xf32, #tpu.memory_space<vmem>>[vector<16xi32>, vector<16xi32>], vector<16xf32>,
        %gather3A_630 = tpu.vector_load_idx %arg7[%add3A_197, %broadcast_in_dim3A_610] : memref<240x144xf32, #tpu.memory_space<vmem>>[vector<16xi32>, vector<16xi32>], vector<16xf32>,
        %gather3A_631 = tpu.vector_load_idx %arg7[%add3A_197, %broadcast_in_dim3A_612] : memref<240x144xf32, #tpu.memory_space<vmem>>[vector<16xi32>, vector<16xi32>], vector<16xf32>,
        %gather3A_632 = tpu.vector_load_idx %arg7[%add3A_197, %broadcast_in_dim3A_614] : memref<240x144xf32, #tpu.memory_space<vmem>>[vector<16xi32>, vector<16xi32>], vector<16xf32>,
        %gather3A_633 = tpu.vector_load_idx %arg7[%add3A_197, %broadcast_in_dim3A_616] : memref<240x144xf32, #tpu.memory_space<vmem>>[vector<16xi32>, vector<16xi32>], vector<16xf32>,
        %gather3A_634 = tpu.vector_load_idx %arg7[%add3A_197, %broadcast_in_dim3A_618] : memref<240x144xf32, #tpu.memory_space<vmem>>[vector<16xi32>, vector<16xi32>], vector<16xf32>,
        %mul3A_635 = arith.mulf %gather3A_619, %exp3A_311 : vector<16xf32>
        %mul3A_636 = arith.mulf %gather3A_620, %exp3A_311 : vector<16xf32>
        %mul3A_637 = arith.mulf %gather3A_621, %exp3A_311 : vector<16xf32>
        %mul3A_638 = arith.mulf %gather3A_622, %exp3A_311 : vector<16xf32>
        %mul3A_639 = arith.mulf %gather3A_623, %exp3A_311 : vector<16xf32>
        %mul3A_640 = arith.mulf %gather3A_624, %exp3A_311 : vector<16xf32>
        %mul3A_641 = arith.mulf %gather3A_625, %exp3A_311 : vector<16xf32>
        %mul3A_642 = arith.mulf %gather3A_626, %exp3A_311 : vector<16xf32>
        %mul3A_643 = arith.mulf %gather3A_627, %exp3A_311 : vector<16xf32>
        %mul3A_644 = arith.mulf %gather3A_628, %exp3A_311 : vector<16xf32>
        %mul3A_645 = arith.mulf %gather3A_629, %exp3A_311 : vector<16xf32>
        %mul3A_646 = arith.mulf %gather3A_630, %exp3A_311 : vector<16xf32>
        %mul3A_647 = arith.mulf %gather3A_631, %exp3A_311 : vector<16xf32>
        %mul3A_648 = arith.mulf %gather3A_632, %exp3A_311 : vector<16xf32>
        %mul3A_649 = arith.mulf %gather3A_633, %exp3A_311 : vector<16xf32>
        %mul3A_650 = arith.mulf %gather3A_634, %exp3A_311 : vector<16xf32>
        tpu.vector_store_idx %arg7[%add3A_197, %broadcast_in_dim3A_588], %mul3A_635 : memref<240x144xf32, #tpu.memory_space<vmem>>[vector<16xi32>, vector<16xi32>], vector<16xf32>,
        tpu.vector_store_idx %arg7[%add3A_197, %broadcast_in_dim3A_590], %mul3A_636 : memref<240x144xf32, #tpu.memory_space<vmem>>[vector<16xi32>, vector<16xi32>], vector<16xf32>,
        tpu.vector_store_idx %arg7[%add3A_197, %broadcast_in_dim3A_592], %mul3A_637 : memref<240x144xf32, #tpu.memory_space<vmem>>[vector<16xi32>, vector<16xi32>], vector<16xf32>,
        tpu.vector_store_idx %arg7[%add3A_197, %broadcast_in_dim3A_594], %mul3A_638 : memref<240x144xf32, #tpu.memory_space<vmem>>[vector<16xi32>, vector<16xi32>], vector<16xf32>,
        tpu.vector_store_idx %arg7[%add3A_197, %broadcast_in_dim3A_596], %mul3A_639 : memref<240x144xf32, #tpu.memory_space<vmem>>[vector<16xi32>, vector<16xi32>], vector<16xf32>,
        tpu.vector_store_idx %arg7[%add3A_197, %broadcast_in_dim3A_598], %mul3A_640 : memref<240x144xf32, #tpu.memory_space<vmem>>[vector<16xi32>, vector<16xi32>], vector<16xf32>,
        tpu.vector_store_idx %arg7[%add3A_197, %broadcast_in_dim3A_600], %mul3A_641 : memref<240x144xf32, #tpu.memory_space<vmem>>[vector<16xi32>, vector<16xi32>], vector<16xf32>,
        tpu.vector_store_idx %arg7[%add3A_197, %broadcast_in_dim3A_602], %mul3A_642 : memref<240x144xf32, #tpu.memory_space<vmem>>[vector<16xi32>, vector<16xi32>], vector<16xf32>,
        tpu.vector_store_idx %arg7[%add3A_197, %broadcast_in_dim3A_604], %mul3A_643 : memref<240x144xf32, #tpu.memory_space<vmem>>[vector<16xi32>, vector<16xi32>], vector<16xf32>,
        tpu.vector_store_idx %arg7[%add3A_197, %broadcast_in_dim3A_606], %mul3A_644 : memref<240x144xf32, #tpu.memory_space<vmem>>[vector<16xi32>, vector<16xi32>], vector<16xf32>,
        tpu.vector_store_idx %arg7[%add3A_197, %broadcast_in_dim3A_608], %mul3A_645 : memref<240x144xf32, #tpu.memory_space<vmem>>[vector<16xi32>, vector<16xi32>], vector<16xf32>,
        tpu.vector_store_idx %arg7[%add3A_197, %broadcast_in_dim3A_610], %mul3A_646 : memref<240x144xf32, #tpu.memory_space<vmem>>[vector<16xi32>, vector<16xi32>], vector<16xf32>,
        tpu.vector_store_idx %arg7[%add3A_197, %broadcast_in_dim3A_612], %mul3A_647 : memref<240x144xf32, #tpu.memory_space<vmem>>[vector<16xi32>, vector<16xi32>], vector<16xf32>,
        tpu.vector_store_idx %arg7[%add3A_197, %broadcast_in_dim3A_614], %mul3A_648 : memref<240x144xf32, #tpu.memory_space<vmem>>[vector<16xi32>, vector<16xi32>], vector<16xf32>,
        tpu.vector_store_idx %arg7[%add3A_197, %broadcast_in_dim3A_616], %mul3A_649 : memref<240x144xf32, #tpu.memory_space<vmem>>[vector<16xi32>, vector<16xi32>], vector<16xf32>,
        tpu.vector_store_idx %arg7[%add3A_197, %broadcast_in_dim3A_618], %mul3A_650 : memref<240x144xf32, #tpu.memory_space<vmem>>[vector<16xi32>, vector<16xi32>], vector<16xf32>,
        %broadcast_in_dim3A_651 = arith.constant 80 : i32
        %broadcast_in_dim3A_652 = vector.broadcast %broadcast_in_dim3A_651 : i32 to vector<16xi32>
        %broadcast_in_dim3A_653 = arith.constant 81 : i32
        %broadcast_in_dim3A_654 = vector.broadcast %broadcast_in_dim3A_653 : i32 to vector<16xi32>
        %broadcast_in_dim3A_655 = arith.constant 82 : i32
        %broadcast_in_dim3A_656 = vector.broadcast %broadcast_in_dim3A_655 : i32 to vector<16xi32>
        %broadcast_in_dim3A_657 = arith.constant 83 : i32
        %broadcast_in_dim3A_658 = vector.broadcast %broadcast_in_dim3A_657 : i32 to vector<16xi32>
        %broadcast_in_dim3A_659 = arith.constant 84 : i32
        %broadcast_in_dim3A_660 = vector.broadcast %broadcast_in_dim3A_659 : i32 to vector<16xi32>
        %broadcast_in_dim3A_661 = arith.constant 85 : i32
        %broadcast_in_dim3A_662 = vector.broadcast %broadcast_in_dim3A_661 : i32 to vector<16xi32>
        %broadcast_in_dim3A_663 = arith.constant 86 : i32
        %broadcast_in_dim3A_664 = vector.broadcast %broadcast_in_dim3A_663 : i32 to vector<16xi32>
        %broadcast_in_dim3A_665 = arith.constant 87 : i32
        %broadcast_in_dim3A_666 = vector.broadcast %broadcast_in_dim3A_665 : i32 to vector<16xi32>
        %broadcast_in_dim3A_667 = arith.constant 88 : i32
        %broadcast_in_dim3A_668 = vector.broadcast %broadcast_in_dim3A_667 : i32 to vector<16xi32>
        %broadcast_in_dim3A_669 = arith.constant 89 : i32
        %broadcast_in_dim3A_670 = vector.broadcast %broadcast_in_dim3A_669 : i32 to vector<16xi32>
        %broadcast_in_dim3A_671 = arith.constant 90 : i32
        %broadcast_in_dim3A_672 = vector.broadcast %broadcast_in_dim3A_671 : i32 to vector<16xi32>
        %broadcast_in_dim3A_673 = arith.constant 91 : i32
        %broadcast_in_dim3A_674 = vector.broadcast %broadcast_in_dim3A_673 : i32 to vector<16xi32>
        %broadcast_in_dim3A_675 = arith.constant 92 : i32
        %broadcast_in_dim3A_676 = vector.broadcast %broadcast_in_dim3A_675 : i32 to vector<16xi32>
        %broadcast_in_dim3A_677 = arith.constant 93 : i32
        %broadcast_in_dim3A_678 = vector.broadcast %broadcast_in_dim3A_677 : i32 to vector<16xi32>
        %broadcast_in_dim3A_679 = arith.constant 94 : i32
        %broadcast_in_dim3A_680 = vector.broadcast %broadcast_in_dim3A_679 : i32 to vector<16xi32>
        %broadcast_in_dim3A_681 = arith.constant 95 : i32
        %broadcast_in_dim3A_682 = vector.broadcast %broadcast_in_dim3A_681 : i32 to vector<16xi32>
        %gather3A_683 = tpu.vector_load_idx %arg7[%add3A_197, %broadcast_in_dim3A_652] : memref<240x144xf32, #tpu.memory_space<vmem>>[vector<16xi32>, vector<16xi32>], vector<16xf32>,
        %gather3A_684 = tpu.vector_load_idx %arg7[%add3A_197, %broadcast_in_dim3A_654] : memref<240x144xf32, #tpu.memory_space<vmem>>[vector<16xi32>, vector<16xi32>], vector<16xf32>,
        %gather3A_685 = tpu.vector_load_idx %arg7[%add3A_197, %broadcast_in_dim3A_656] : memref<240x144xf32, #tpu.memory_space<vmem>>[vector<16xi32>, vector<16xi32>], vector<16xf32>,
        %gather3A_686 = tpu.vector_load_idx %arg7[%add3A_197, %broadcast_in_dim3A_658] : memref<240x144xf32, #tpu.memory_space<vmem>>[vector<16xi32>, vector<16xi32>], vector<16xf32>,
        %gather3A_687 = tpu.vector_load_idx %arg7[%add3A_197, %broadcast_in_dim3A_660] : memref<240x144xf32, #tpu.memory_space<vmem>>[vector<16xi32>, vector<16xi32>], vector<16xf32>,
        %gather3A_688 = tpu.vector_load_idx %arg7[%add3A_197, %broadcast_in_dim3A_662] : memref<240x144xf32, #tpu.memory_space<vmem>>[vector<16xi32>, vector<16xi32>], vector<16xf32>,
        %gather3A_689 = tpu.vector_load_idx %arg7[%add3A_197, %broadcast_in_dim3A_664] : memref<240x144xf32, #tpu.memory_space<vmem>>[vector<16xi32>, vector<16xi32>], vector<16xf32>,
        %gather3A_690 = tpu.vector_load_idx %arg7[%add3A_197, %broadcast_in_dim3A_666] : memref<240x144xf32, #tpu.memory_space<vmem>>[vector<16xi32>, vector<16xi32>], vector<16xf32>,
        %gather3A_691 = tpu.vector_load_idx %arg7[%add3A_197, %broadcast_in_dim3A_668] : memref<240x144xf32, #tpu.memory_space<vmem>>[vector<16xi32>, vector<16xi32>], vector<16xf32>,
        %gather3A_692 = tpu.vector_load_idx %arg7[%add3A_197, %broadcast_in_dim3A_670] : memref<240x144xf32, #tpu.memory_space<vmem>>[vector<16xi32>, vector<16xi32>], vector<16xf32>,
        %gather3A_693 = tpu.vector_load_idx %arg7[%add3A_197, %broadcast_in_dim3A_672] : memref<240x144xf32, #tpu.memory_space<vmem>>[vector<16xi32>, vector<16xi32>], vector<16xf32>,
        %gather3A_694 = tpu.vector_load_idx %arg7[%add3A_197, %broadcast_in_dim3A_674] : memref<240x144xf32, #tpu.memory_space<vmem>>[vector<16xi32>, vector<16xi32>], vector<16xf32>,
        %gather3A_695 = tpu.vector_load_idx %arg7[%add3A_197, %broadcast_in_dim3A_676] : memref<240x144xf32, #tpu.memory_space<vmem>>[vector<16xi32>, vector<16xi32>], vector<16xf32>,
        %gather3A_696 = tpu.vector_load_idx %arg7[%add3A_197, %broadcast_in_dim3A_678] : memref<240x144xf32, #tpu.memory_space<vmem>>[vector<16xi32>, vector<16xi32>], vector<16xf32>,
        %gather3A_697 = tpu.vector_load_idx %arg7[%add3A_197, %broadcast_in_dim3A_680] : memref<240x144xf32, #tpu.memory_space<vmem>>[vector<16xi32>, vector<16xi32>], vector<16xf32>,
        %gather3A_698 = tpu.vector_load_idx %arg7[%add3A_197, %broadcast_in_dim3A_682] : memref<240x144xf32, #tpu.memory_space<vmem>>[vector<16xi32>, vector<16xi32>], vector<16xf32>,
        %mul3A_699 = arith.mulf %gather3A_683, %exp3A_312 : vector<16xf32>
        %mul3A_700 = arith.mulf %gather3A_684, %exp3A_312 : vector<16xf32>
        %mul3A_701 = arith.mulf %gather3A_685, %exp3A_312 : vector<16xf32>
        %mul3A_702 = arith.mulf %gather3A_686, %exp3A_312 : vector<16xf32>
        %mul3A_703 = arith.mulf %gather3A_687, %exp3A_312 : vector<16xf32>
        %mul3A_704 = arith.mulf %gather3A_688, %exp3A_312 : vector<16xf32>
        %mul3A_705 = arith.mulf %gather3A_689, %exp3A_312 : vector<16xf32>
        %mul3A_706 = arith.mulf %gather3A_690, %exp3A_312 : vector<16xf32>
        %mul3A_707 = arith.mulf %gather3A_691, %exp3A_312 : vector<16xf32>
        %mul3A_708 = arith.mulf %gather3A_692, %exp3A_312 : vector<16xf32>
        %mul3A_709 = arith.mulf %gather3A_693, %exp3A_312 : vector<16xf32>
        %mul3A_710 = arith.mulf %gather3A_694, %exp3A_312 : vector<16xf32>
        %mul3A_711 = arith.mulf %gather3A_695, %exp3A_312 : vector<16xf32>
        %mul3A_712 = arith.mulf %gather3A_696, %exp3A_312 : vector<16xf32>
        %mul3A_713 = arith.mulf %gather3A_697, %exp3A_312 : vector<16xf32>
        %mul3A_714 = arith.mulf %gather3A_698, %exp3A_312 : vector<16xf32>
        tpu.vector_store_idx %arg7[%add3A_197, %broadcast_in_dim3A_652], %mul3A_699 : memref<240x144xf32, #tpu.memory_space<vmem>>[vector<16xi32>, vector<16xi32>], vector<16xf32>,
        tpu.vector_store_idx %arg7[%add3A_197, %broadcast_in_dim3A_654], %mul3A_700 : memref<240x144xf32, #tpu.memory_space<vmem>>[vector<16xi32>, vector<16xi32>], vector<16xf32>,
        tpu.vector_store_idx %arg7[%add3A_197, %broadcast_in_dim3A_656], %mul3A_701 : memref<240x144xf32, #tpu.memory_space<vmem>>[vector<16xi32>, vector<16xi32>], vector<16xf32>,
        tpu.vector_store_idx %arg7[%add3A_197, %broadcast_in_dim3A_658], %mul3A_702 : memref<240x144xf32, #tpu.memory_space<vmem>>[vector<16xi32>, vector<16xi32>], vector<16xf32>,
        tpu.vector_store_idx %arg7[%add3A_197, %broadcast_in_dim3A_660], %mul3A_703 : memref<240x144xf32, #tpu.memory_space<vmem>>[vector<16xi32>, vector<16xi32>], vector<16xf32>,
        tpu.vector_store_idx %arg7[%add3A_197, %broadcast_in_dim3A_662], %mul3A_704 : memref<240x144xf32, #tpu.memory_space<vmem>>[vector<16xi32>, vector<16xi32>], vector<16xf32>,
        tpu.vector_store_idx %arg7[%add3A_197, %broadcast_in_dim3A_664], %mul3A_705 : memref<240x144xf32, #tpu.memory_space<vmem>>[vector<16xi32>, vector<16xi32>], vector<16xf32>,
        tpu.vector_store_idx %arg7[%add3A_197, %broadcast_in_dim3A_666], %mul3A_706 : memref<240x144xf32, #tpu.memory_space<vmem>>[vector<16xi32>, vector<16xi32>], vector<16xf32>,
        tpu.vector_store_idx %arg7[%add3A_197, %broadcast_in_dim3A_668], %mul3A_707 : memref<240x144xf32, #tpu.memory_space<vmem>>[vector<16xi32>, vector<16xi32>], vector<16xf32>,
        tpu.vector_store_idx %arg7[%add3A_197, %broadcast_in_dim3A_670], %mul3A_708 : memref<240x144xf32, #tpu.memory_space<vmem>>[vector<16xi32>, vector<16xi32>], vector<16xf32>,
        tpu.vector_store_idx %arg7[%add3A_197, %broadcast_in_dim3A_672], %mul3A_709 : memref<240x144xf32, #tpu.memory_space<vmem>>[vector<16xi32>, vector<16xi32>], vector<16xf32>,
        tpu.vector_store_idx %arg7[%add3A_197, %broadcast_in_dim3A_674], %mul3A_710 : memref<240x144xf32, #tpu.memory_space<vmem>>[vector<16xi32>, vector<16xi32>], vector<16xf32>,
        tpu.vector_store_idx %arg7[%add3A_197, %broadcast_in_dim3A_676], %mul3A_711 : memref<240x144xf32, #tpu.memory_space<vmem>>[vector<16xi32>, vector<16xi32>], vector<16xf32>,
        tpu.vector_store_idx %arg7[%add3A_197, %broadcast_in_dim3A_678], %mul3A_712 : memref<240x144xf32, #tpu.memory_space<vmem>>[vector<16xi32>, vector<16xi32>], vector<16xf32>,
        tpu.vector_store_idx %arg7[%add3A_197, %broadcast_in_dim3A_680], %mul3A_713 : memref<240x144xf32, #tpu.memory_space<vmem>>[vector<16xi32>, vector<16xi32>], vector<16xf32>,
        tpu.vector_store_idx %arg7[%add3A_197, %broadcast_in_dim3A_682], %mul3A_714 : memref<240x144xf32, #tpu.memory_space<vmem>>[vector<16xi32>, vector<16xi32>], vector<16xf32>,
        %broadcast_in_dim3A_715 = arith.constant 96 : i32
        %broadcast_in_dim3A_716 = vector.broadcast %broadcast_in_dim3A_715 : i32 to vector<16xi32>
        %broadcast_in_dim3A_717 = arith.constant 97 : i32
        %broadcast_in_dim3A_718 = vector.broadcast %broadcast_in_dim3A_717 : i32 to vector<16xi32>
        %broadcast_in_dim3A_719 = arith.constant 98 : i32
        %broadcast_in_dim3A_720 = vector.broadcast %broadcast_in_dim3A_719 : i32 to vector<16xi32>
        %broadcast_in_dim3A_721 = arith.constant 99 : i32
        %broadcast_in_dim3A_722 = vector.broadcast %broadcast_in_dim3A_721 : i32 to vector<16xi32>
        %broadcast_in_dim3A_723 = arith.constant 100 : i32
        %broadcast_in_dim3A_724 = vector.broadcast %broadcast_in_dim3A_723 : i32 to vector<16xi32>
        %broadcast_in_dim3A_725 = arith.constant 101 : i32
        %broadcast_in_dim3A_726 = vector.broadcast %broadcast_in_dim3A_725 : i32 to vector<16xi32>
        %broadcast_in_dim3A_727 = arith.constant 102 : i32
        %broadcast_in_dim3A_728 = vector.broadcast %broadcast_in_dim3A_727 : i32 to vector<16xi32>
        %broadcast_in_dim3A_729 = arith.constant 103 : i32
        %broadcast_in_dim3A_730 = vector.broadcast %broadcast_in_dim3A_729 : i32 to vector<16xi32>
        %broadcast_in_dim3A_731 = arith.constant 104 : i32
        %broadcast_in_dim3A_732 = vector.broadcast %broadcast_in_dim3A_731 : i32 to vector<16xi32>
        %broadcast_in_dim3A_733 = arith.constant 105 : i32
        %broadcast_in_dim3A_734 = vector.broadcast %broadcast_in_dim3A_733 : i32 to vector<16xi32>
        %broadcast_in_dim3A_735 = arith.constant 106 : i32
        %broadcast_in_dim3A_736 = vector.broadcast %broadcast_in_dim3A_735 : i32 to vector<16xi32>
        %broadcast_in_dim3A_737 = arith.constant 107 : i32
        %broadcast_in_dim3A_738 = vector.broadcast %broadcast_in_dim3A_737 : i32 to vector<16xi32>
        %broadcast_in_dim3A_739 = arith.constant 108 : i32
        %broadcast_in_dim3A_740 = vector.broadcast %broadcast_in_dim3A_739 : i32 to vector<16xi32>
        %broadcast_in_dim3A_741 = arith.constant 109 : i32
        %broadcast_in_dim3A_742 = vector.broadcast %broadcast_in_dim3A_741 : i32 to vector<16xi32>
        %broadcast_in_dim3A_743 = arith.constant 110 : i32
        %broadcast_in_dim3A_744 = vector.broadcast %broadcast_in_dim3A_743 : i32 to vector<16xi32>
        %broadcast_in_dim3A_745 = arith.constant 111 : i32
        %broadcast_in_dim3A_746 = vector.broadcast %broadcast_in_dim3A_745 : i32 to vector<16xi32>
        %gather3A_747 = tpu.vector_load_idx %arg7[%add3A_197, %broadcast_in_dim3A_716] : memref<240x144xf32, #tpu.memory_space<vmem>>[vector<16xi32>, vector<16xi32>], vector<16xf32>,
        %gather3A_748 = tpu.vector_load_idx %arg7[%add3A_197, %broadcast_in_dim3A_718] : memref<240x144xf32, #tpu.memory_space<vmem>>[vector<16xi32>, vector<16xi32>], vector<16xf32>,
        %gather3A_749 = tpu.vector_load_idx %arg7[%add3A_197, %broadcast_in_dim3A_720] : memref<240x144xf32, #tpu.memory_space<vmem>>[vector<16xi32>, vector<16xi32>], vector<16xf32>,
        %gather3A_750 = tpu.vector_load_idx %arg7[%add3A_197, %broadcast_in_dim3A_722] : memref<240x144xf32, #tpu.memory_space<vmem>>[vector<16xi32>, vector<16xi32>], vector<16xf32>,
        %gather3A_751 = tpu.vector_load_idx %arg7[%add3A_197, %broadcast_in_dim3A_724] : memref<240x144xf32, #tpu.memory_space<vmem>>[vector<16xi32>, vector<16xi32>], vector<16xf32>,
        %gather3A_752 = tpu.vector_load_idx %arg7[%add3A_197, %broadcast_in_dim3A_726] : memref<240x144xf32, #tpu.memory_space<vmem>>[vector<16xi32>, vector<16xi32>], vector<16xf32>,
        %gather3A_753 = tpu.vector_load_idx %arg7[%add3A_197, %broadcast_in_dim3A_728] : memref<240x144xf32, #tpu.memory_space<vmem>>[vector<16xi32>, vector<16xi32>], vector<16xf32>,
        %gather3A_754 = tpu.vector_load_idx %arg7[%add3A_197, %broadcast_in_dim3A_730] : memref<240x144xf32, #tpu.memory_space<vmem>>[vector<16xi32>, vector<16xi32>], vector<16xf32>,
        %gather3A_755 = tpu.vector_load_idx %arg7[%add3A_197, %broadcast_in_dim3A_732] : memref<240x144xf32, #tpu.memory_space<vmem>>[vector<16xi32>, vector<16xi32>], vector<16xf32>,
        %gather3A_756 = tpu.vector_load_idx %arg7[%add3A_197, %broadcast_in_dim3A_734] : memref<240x144xf32, #tpu.memory_space<vmem>>[vector<16xi32>, vector<16xi32>], vector<16xf32>,
        %gather3A_757 = tpu.vector_load_idx %arg7[%add3A_197, %broadcast_in_dim3A_736] : memref<240x144xf32, #tpu.memory_space<vmem>>[vector<16xi32>, vector<16xi32>], vector<16xf32>,
        %gather3A_758 = tpu.vector_load_idx %arg7[%add3A_197, %broadcast_in_dim3A_738] : memref<240x144xf32, #tpu.memory_space<vmem>>[vector<16xi32>, vector<16xi32>], vector<16xf32>,
        %gather3A_759 = tpu.vector_load_idx %arg7[%add3A_197, %broadcast_in_dim3A_740] : memref<240x144xf32, #tpu.memory_space<vmem>>[vector<16xi32>, vector<16xi32>], vector<16xf32>,
        %gather3A_760 = tpu.vector_load_idx %arg7[%add3A_197, %broadcast_in_dim3A_742] : memref<240x144xf32, #tpu.memory_space<vmem>>[vector<16xi32>, vector<16xi32>], vector<16xf32>,
        %gather3A_761 = tpu.vector_load_idx %arg7[%add3A_197, %broadcast_in_dim3A_744] : memref<240x144xf32, #tpu.memory_space<vmem>>[vector<16xi32>, vector<16xi32>], vector<16xf32>,
        %gather3A_762 = tpu.vector_load_idx %arg7[%add3A_197, %broadcast_in_dim3A_746] : memref<240x144xf32, #tpu.memory_space<vmem>>[vector<16xi32>, vector<16xi32>], vector<16xf32>,
        %mul3A_763 = arith.mulf %gather3A_747, %exp3A_313 : vector<16xf32>
        %mul3A_764 = arith.mulf %gather3A_748, %exp3A_313 : vector<16xf32>
        %mul3A_765 = arith.mulf %gather3A_749, %exp3A_313 : vector<16xf32>
        %mul3A_766 = arith.mulf %gather3A_750, %exp3A_313 : vector<16xf32>
        %mul3A_767 = arith.mulf %gather3A_751, %exp3A_313 : vector<16xf32>
        %mul3A_768 = arith.mulf %gather3A_752, %exp3A_313 : vector<16xf32>
        %mul3A_769 = arith.mulf %gather3A_753, %exp3A_313 : vector<16xf32>
        %mul3A_770 = arith.mulf %gather3A_754, %exp3A_313 : vector<16xf32>
        %mul3A_771 = arith.mulf %gather3A_755, %exp3A_313 : vector<16xf32>
        %mul3A_772 = arith.mulf %gather3A_756, %exp3A_313 : vector<16xf32>
        %mul3A_773 = arith.mulf %gather3A_757, %exp3A_313 : vector<16xf32>
        %mul3A_774 = arith.mulf %gather3A_758, %exp3A_313 : vector<16xf32>
        %mul3A_775 = arith.mulf %gather3A_759, %exp3A_313 : vector<16xf32>
        %mul3A_776 = arith.mulf %gather3A_760, %exp3A_313 : vector<16xf32>
        %mul3A_777 = arith.mulf %gather3A_761, %exp3A_313 : vector<16xf32>
        %mul3A_778 = arith.mulf %gather3A_762, %exp3A_313 : vector<16xf32>
        tpu.vector_store_idx %arg7[%add3A_197, %broadcast_in_dim3A_716], %mul3A_763 : memref<240x144xf32, #tpu.memory_space<vmem>>[vector<16xi32>, vector<16xi32>], vector<16xf32>,
        tpu.vector_store_idx %arg7[%add3A_197, %broadcast_in_dim3A_718], %mul3A_764 : memref<240x144xf32, #tpu.memory_space<vmem>>[vector<16xi32>, vector<16xi32>], vector<16xf32>,
        tpu.vector_store_idx %arg7[%add3A_197, %broadcast_in_dim3A_720], %mul3A_765 : memref<240x144xf32, #tpu.memory_space<vmem>>[vector<16xi32>, vector<16xi32>], vector<16xf32>,
        tpu.vector_store_idx %arg7[%add3A_197, %broadcast_in_dim3A_722], %mul3A_766 : memref<240x144xf32, #tpu.memory_space<vmem>>[vector<16xi32>, vector<16xi32>], vector<16xf32>,
        tpu.vector_store_idx %arg7[%add3A_197, %broadcast_in_dim3A_724], %mul3A_767 : memref<240x144xf32, #tpu.memory_space<vmem>>[vector<16xi32>, vector<16xi32>], vector<16xf32>,
        tpu.vector_store_idx %arg7[%add3A_197, %broadcast_in_dim3A_726], %mul3A_768 : memref<240x144xf32, #tpu.memory_space<vmem>>[vector<16xi32>, vector<16xi32>], vector<16xf32>,
        tpu.vector_store_idx %arg7[%add3A_197, %broadcast_in_dim3A_728], %mul3A_769 : memref<240x144xf32, #tpu.memory_space<vmem>>[vector<16xi32>, vector<16xi32>], vector<16xf32>,
        tpu.vector_store_idx %arg7[%add3A_197, %broadcast_in_dim3A_730], %mul3A_770 : memref<240x144xf32, #tpu.memory_space<vmem>>[vector<16xi32>, vector<16xi32>], vector<16xf32>,
        tpu.vector_store_idx %arg7[%add3A_197, %broadcast_in_dim3A_732], %mul3A_771 : memref<240x144xf32, #tpu.memory_space<vmem>>[vector<16xi32>, vector<16xi32>], vector<16xf32>,
        tpu.vector_store_idx %arg7[%add3A_197, %broadcast_in_dim3A_734], %mul3A_772 : memref<240x144xf32, #tpu.memory_space<vmem>>[vector<16xi32>, vector<16xi32>], vector<16xf32>,
        tpu.vector_store_idx %arg7[%add3A_197, %broadcast_in_dim3A_736], %mul3A_773 : memref<240x144xf32, #tpu.memory_space<vmem>>[vector<16xi32>, vector<16xi32>], vector<16xf32>,
        tpu.vector_store_idx %arg7[%add3A_197, %broadcast_in_dim3A_738], %mul3A_774 : memref<240x144xf32, #tpu.memory_space<vmem>>[vector<16xi32>, vector<16xi32>], vector<16xf32>,
        tpu.vector_store_idx %arg7[%add3A_197, %broadcast_in_dim3A_740], %mul3A_775 : memref<240x144xf32, #tpu.memory_space<vmem>>[vector<16xi32>, vector<16xi32>], vector<16xf32>,
        tpu.vector_store_idx %arg7[%add3A_197, %broadcast_in_dim3A_742], %mul3A_776 : memref<240x144xf32, #tpu.memory_space<vmem>>[vector<16xi32>, vector<16xi32>], vector<16xf32>,
        tpu.vector_store_idx %arg7[%add3A_197, %broadcast_in_dim3A_744], %mul3A_777 : memref<240x144xf32, #tpu.memory_space<vmem>>[vector<16xi32>, vector<16xi32>], vector<16xf32>,
        tpu.vector_store_idx %arg7[%add3A_197, %broadcast_in_dim3A_746], %mul3A_778 : memref<240x144xf32, #tpu.memory_space<vmem>>[vector<16xi32>, vector<16xi32>], vector<16xf32>,
        %broadcast_in_dim3A_779 = arith.constant 112 : i32
        %broadcast_in_dim3A_780 = vector.broadcast %broadcast_in_dim3A_779 : i32 to vector<16xi32>
        %broadcast_in_dim3A_781 = arith.constant 113 : i32
        %broadcast_in_dim3A_782 = vector.broadcast %broadcast_in_dim3A_781 : i32 to vector<16xi32>
        %broadcast_in_dim3A_783 = arith.constant 114 : i32
        %broadcast_in_dim3A_784 = vector.broadcast %broadcast_in_dim3A_783 : i32 to vector<16xi32>
        %broadcast_in_dim3A_785 = arith.constant 115 : i32
        %broadcast_in_dim3A_786 = vector.broadcast %broadcast_in_dim3A_785 : i32 to vector<16xi32>
        %broadcast_in_dim3A_787 = arith.constant 116 : i32
        %broadcast_in_dim3A_788 = vector.broadcast %broadcast_in_dim3A_787 : i32 to vector<16xi32>
        %broadcast_in_dim3A_789 = arith.constant 117 : i32
        %broadcast_in_dim3A_790 = vector.broadcast %broadcast_in_dim3A_789 : i32 to vector<16xi32>
        %broadcast_in_dim3A_791 = arith.constant 118 : i32
        %broadcast_in_dim3A_792 = vector.broadcast %broadcast_in_dim3A_791 : i32 to vector<16xi32>
        %broadcast_in_dim3A_793 = arith.constant 119 : i32
        %broadcast_in_dim3A_794 = vector.broadcast %broadcast_in_dim3A_793 : i32 to vector<16xi32>
        %broadcast_in_dim3A_795 = arith.constant 120 : i32
        %broadcast_in_dim3A_796 = vector.broadcast %broadcast_in_dim3A_795 : i32 to vector<16xi32>
        %broadcast_in_dim3A_797 = arith.constant 121 : i32
        %broadcast_in_dim3A_798 = vector.broadcast %broadcast_in_dim3A_797 : i32 to vector<16xi32>
        %broadcast_in_dim3A_799 = arith.constant 122 : i32
        %broadcast_in_dim3A_800 = vector.broadcast %broadcast_in_dim3A_799 : i32 to vector<16xi32>
        %broadcast_in_dim3A_801 = arith.constant 123 : i32
        %broadcast_in_dim3A_802 = vector.broadcast %broadcast_in_dim3A_801 : i32 to vector<16xi32>
        %broadcast_in_dim3A_803 = arith.constant 124 : i32
        %broadcast_in_dim3A_804 = vector.broadcast %broadcast_in_dim3A_803 : i32 to vector<16xi32>
        %broadcast_in_dim3A_805 = arith.constant 125 : i32
        %broadcast_in_dim3A_806 = vector.broadcast %broadcast_in_dim3A_805 : i32 to vector<16xi32>
        %broadcast_in_dim3A_807 = arith.constant 126 : i32
        %broadcast_in_dim3A_808 = vector.broadcast %broadcast_in_dim3A_807 : i32 to vector<16xi32>
        %broadcast_in_dim3A_809 = arith.constant 127 : i32
        %broadcast_in_dim3A_810 = vector.broadcast %broadcast_in_dim3A_809 : i32 to vector<16xi32>
        %gather3A_811 = tpu.vector_load_idx %arg7[%add3A_197, %broadcast_in_dim3A_780] : memref<240x144xf32, #tpu.memory_space<vmem>>[vector<16xi32>, vector<16xi32>], vector<16xf32>,
        %gather3A_812 = tpu.vector_load_idx %arg7[%add3A_197, %broadcast_in_dim3A_782] : memref<240x144xf32, #tpu.memory_space<vmem>>[vector<16xi32>, vector<16xi32>], vector<16xf32>,
        %gather3A_813 = tpu.vector_load_idx %arg7[%add3A_197, %broadcast_in_dim3A_784] : memref<240x144xf32, #tpu.memory_space<vmem>>[vector<16xi32>, vector<16xi32>], vector<16xf32>,
        %gather3A_814 = tpu.vector_load_idx %arg7[%add3A_197, %broadcast_in_dim3A_786] : memref<240x144xf32, #tpu.memory_space<vmem>>[vector<16xi32>, vector<16xi32>], vector<16xf32>,
        %gather3A_815 = tpu.vector_load_idx %arg7[%add3A_197, %broadcast_in_dim3A_788] : memref<240x144xf32, #tpu.memory_space<vmem>>[vector<16xi32>, vector<16xi32>], vector<16xf32>,
        %gather3A_816 = tpu.vector_load_idx %arg7[%add3A_197, %broadcast_in_dim3A_790] : memref<240x144xf32, #tpu.memory_space<vmem>>[vector<16xi32>, vector<16xi32>], vector<16xf32>,
        %gather3A_817 = tpu.vector_load_idx %arg7[%add3A_197, %broadcast_in_dim3A_792] : memref<240x144xf32, #tpu.memory_space<vmem>>[vector<16xi32>, vector<16xi32>], vector<16xf32>,
        %gather3A_818 = tpu.vector_load_idx %arg7[%add3A_197, %broadcast_in_dim3A_794] : memref<240x144xf32, #tpu.memory_space<vmem>>[vector<16xi32>, vector<16xi32>], vector<16xf32>,
        %gather3A_819 = tpu.vector_load_idx %arg7[%add3A_197, %broadcast_in_dim3A_796] : memref<240x144xf32, #tpu.memory_space<vmem>>[vector<16xi32>, vector<16xi32>], vector<16xf32>,
        %gather3A_820 = tpu.vector_load_idx %arg7[%add3A_197, %broadcast_in_dim3A_798] : memref<240x144xf32, #tpu.memory_space<vmem>>[vector<16xi32>, vector<16xi32>], vector<16xf32>,
        %gather3A_821 = tpu.vector_load_idx %arg7[%add3A_197, %broadcast_in_dim3A_800] : memref<240x144xf32, #tpu.memory_space<vmem>>[vector<16xi32>, vector<16xi32>], vector<16xf32>,
        %gather3A_822 = tpu.vector_load_idx %arg7[%add3A_197, %broadcast_in_dim3A_802] : memref<240x144xf32, #tpu.memory_space<vmem>>[vector<16xi32>, vector<16xi32>], vector<16xf32>,
        %gather3A_823 = tpu.vector_load_idx %arg7[%add3A_197, %broadcast_in_dim3A_804] : memref<240x144xf32, #tpu.memory_space<vmem>>[vector<16xi32>, vector<16xi32>], vector<16xf32>,
        %gather3A_824 = tpu.vector_load_idx %arg7[%add3A_197, %broadcast_in_dim3A_806] : memref<240x144xf32, #tpu.memory_space<vmem>>[vector<16xi32>, vector<16xi32>], vector<16xf32>,
        %gather3A_825 = tpu.vector_load_idx %arg7[%add3A_197, %broadcast_in_dim3A_808] : memref<240x144xf32, #tpu.memory_space<vmem>>[vector<16xi32>, vector<16xi32>], vector<16xf32>,
        %gather3A_826 = tpu.vector_load_idx %arg7[%add3A_197, %broadcast_in_dim3A_810] : memref<240x144xf32, #tpu.memory_space<vmem>>[vector<16xi32>, vector<16xi32>], vector<16xf32>,
        %mul3A_827 = arith.mulf %gather3A_811, %exp3A_314 : vector<16xf32>
        %mul3A_828 = arith.mulf %gather3A_812, %exp3A_314 : vector<16xf32>
        %mul3A_829 = arith.mulf %gather3A_813, %exp3A_314 : vector<16xf32>
        %mul3A_830 = arith.mulf %gather3A_814, %exp3A_314 : vector<16xf32>
        %mul3A_831 = arith.mulf %gather3A_815, %exp3A_314 : vector<16xf32>
        %mul3A_832 = arith.mulf %gather3A_816, %exp3A_314 : vector<16xf32>
        %mul3A_833 = arith.mulf %gather3A_817, %exp3A_314 : vector<16xf32>
        %mul3A_834 = arith.mulf %gather3A_818, %exp3A_314 : vector<16xf32>
        %mul3A_835 = arith.mulf %gather3A_819, %exp3A_314 : vector<16xf32>
        %mul3A_836 = arith.mulf %gather3A_820, %exp3A_314 : vector<16xf32>
        %mul3A_837 = arith.mulf %gather3A_821, %exp3A_314 : vector<16xf32>
        %mul3A_838 = arith.mulf %gather3A_822, %exp3A_314 : vector<16xf32>
        %mul3A_839 = arith.mulf %gather3A_823, %exp3A_314 : vector<16xf32>
        %mul3A_840 = arith.mulf %gather3A_824, %exp3A_314 : vector<16xf32>
        %mul3A_841 = arith.mulf %gather3A_825, %exp3A_314 : vector<16xf32>
        %mul3A_842 = arith.mulf %gather3A_826, %exp3A_314 : vector<16xf32>
        tpu.vector_store_idx %arg7[%add3A_197, %broadcast_in_dim3A_780], %mul3A_827 : memref<240x144xf32, #tpu.memory_space<vmem>>[vector<16xi32>, vector<16xi32>], vector<16xf32>,
        tpu.vector_store_idx %arg7[%add3A_197, %broadcast_in_dim3A_782], %mul3A_828 : memref<240x144xf32, #tpu.memory_space<vmem>>[vector<16xi32>, vector<16xi32>], vector<16xf32>,
        tpu.vector_store_idx %arg7[%add3A_197, %broadcast_in_dim3A_784], %mul3A_829 : memref<240x144xf32, #tpu.memory_space<vmem>>[vector<16xi32>, vector<16xi32>], vector<16xf32>,
        tpu.vector_store_idx %arg7[%add3A_197, %broadcast_in_dim3A_786], %mul3A_830 : memref<240x144xf32, #tpu.memory_space<vmem>>[vector<16xi32>, vector<16xi32>], vector<16xf32>,
        tpu.vector_store_idx %arg7[%add3A_197, %broadcast_in_dim3A_788], %mul3A_831 : memref<240x144xf32, #tpu.memory_space<vmem>>[vector<16xi32>, vector<16xi32>], vector<16xf32>,
        tpu.vector_store_idx %arg7[%add3A_197, %broadcast_in_dim3A_790], %mul3A_832 : memref<240x144xf32, #tpu.memory_space<vmem>>[vector<16xi32>, vector<16xi32>], vector<16xf32>,
        tpu.vector_store_idx %arg7[%add3A_197, %broadcast_in_dim3A_792], %mul3A_833 : memref<240x144xf32, #tpu.memory_space<vmem>>[vector<16xi32>, vector<16xi32>], vector<16xf32>,
        tpu.vector_store_idx %arg7[%add3A_197, %broadcast_in_dim3A_794], %mul3A_834 : memref<240x144xf32, #tpu.memory_space<vmem>>[vector<16xi32>, vector<16xi32>], vector<16xf32>,
        tpu.vector_store_idx %arg7[%add3A_197, %broadcast_in_dim3A_796], %mul3A_835 : memref<240x144xf32, #tpu.memory_space<vmem>>[vector<16xi32>, vector<16xi32>], vector<16xf32>,
        tpu.vector_store_idx %arg7[%add3A_197, %broadcast_in_dim3A_798], %mul3A_836 : memref<240x144xf32, #tpu.memory_space<vmem>>[vector<16xi32>, vector<16xi32>], vector<16xf32>,
        tpu.vector_store_idx %arg7[%add3A_197, %broadcast_in_dim3A_800], %mul3A_837 : memref<240x144xf32, #tpu.memory_space<vmem>>[vector<16xi32>, vector<16xi32>], vector<16xf32>,
        tpu.vector_store_idx %arg7[%add3A_197, %broadcast_in_dim3A_802], %mul3A_838 : memref<240x144xf32, #tpu.memory_space<vmem>>[vector<16xi32>, vector<16xi32>], vector<16xf32>,
        tpu.vector_store_idx %arg7[%add3A_197, %broadcast_in_dim3A_804], %mul3A_839 : memref<240x144xf32, #tpu.memory_space<vmem>>[vector<16xi32>, vector<16xi32>], vector<16xf32>,
        tpu.vector_store_idx %arg7[%add3A_197, %broadcast_in_dim3A_806], %mul3A_840 : memref<240x144xf32, #tpu.memory_space<vmem>>[vector<16xi32>, vector<16xi32>], vector<16xf32>,
        tpu.vector_store_idx %arg7[%add3A_197, %broadcast_in_dim3A_808], %mul3A_841 : memref<240x144xf32, #tpu.memory_space<vmem>>[vector<16xi32>, vector<16xi32>], vector<16xf32>,
        tpu.vector_store_idx %arg7[%add3A_197, %broadcast_in_dim3A_810], %mul3A_842 : memref<240x144xf32, #tpu.memory_space<vmem>>[vector<16xi32>, vector<16xi32>], vector<16xf32>,
      }
      %scan3A_157 = arith.constant 5 : i32
      %rem3A_158 = arith.constant 2 : i32
      %rem3A_159 = arith.remsi %scan3A_103, %rem3A_158 : i32
      %add3A_160 = arith.constant 5 : i32
      %add3A_161 = arith.addi %add3A_160, %sub3A_123 : i32
      %dma_start3A_162 = arith.constant 0 : i32
      %dma_start3A_163 = tpu.memref_slice %arg7[%mul3A_151, %dma_start3A_162] : memref<240x144xf32, #tpu.memory_space<vmem>> -> memref<80x144xf32, #tpu.memory_space<vmem>>
      %dma_start3A_164 = arith.constant 0 : i32
      %dma_start3A_165 = tpu.memref_slice %arg9[%rem3A_125, %add3A_161, %dma_start3A_164] : memref<2x10x80xi32, #tpu.memory_space<vmem>> -> memref<1x1x80xi32, #tpu.memory_space<vmem>>
      %dma_start3A_166 = tpu.memref_squeeze %dma_start3A_165 : memref<1x1x80xi32, #tpu.memory_space<vmem>> -> memref<80xi32, #tpu.memory_space<vmem>>
      %dma_start3A_167 = arith.constant 0 : i32
      %dma_start3A_168 = arith.constant 0 : i32
      %dma_start3A_169 = tpu.memref_slice %arg10[%dma_start3A_167, %dma_start3A_168] : memref<10000x144xf32, #tpu.memory_space<vmem_shared>> -> memref<10000x144xf32, #tpu.memory_space<vmem_shared>>
      %dma_start3A_170 = tpu.memref_slice %arg12[%rem3A_159] : memref<2x!tpu.dma_semaphore, #tpu.memory_space<semaphore_mem>> -> memref<1x!tpu.dma_semaphore, #tpu.memory_space<semaphore_mem>>
      %dma_start3A_171 = tpu.memref_squeeze %dma_start3A_170 : memref<1x!tpu.dma_semaphore, #tpu.memory_space<semaphore_mem>> -> memref<!tpu.dma_semaphore, #tpu.memory_space<semaphore_mem>>
      tpu.enqueue_indirect_dma source(%dma_start3A_163 : memref<80x144xf32, #tpu.memory_space<vmem>>) target(%dma_start3A_169 : memref<10000x144xf32, #tpu.memory_space<vmem_shared>>) offsets(%dma_start3A_166 : memref<80xi32, #tpu.memory_space<vmem>>) semaphore(%dma_start3A_171 : memref<!tpu.dma_semaphore, #tpu.memory_space<semaphore_mem>>) {add = true}
      %gt3A = arith.constant 0 : i32
      %gt3A_172 = arith.cmpi sgt, %scan3A_103, %gt3A : i32
      %convert_element_type3A = arith.extui %gt3A_172 : i1 to i32
      %cond3A = arith.constant 0 : i32
      %cond3A_173 = arith.cmpi ne, %convert_element_type3A, %cond3A : i32
      scf.if %cond3A_173 {
        %sub3A_192 = arith.constant 1 : i32
        %sub3A_193 = arith.subi %scan3A_103, %sub3A_192 : i32
        %jit3A_194 = arith.constant 5 : i32
        %div3A_195 = arith.divsi %sub3A_193, %jit3A_194 : i32
        %sign3A_196 = arith.constant 0 : i32
        %sign3A_197 = arith.cmpi sgt, %sub3A_193, %sign3A_196 : i32
        %sign3A_198 = arith.extui %sign3A_197 : i1 to i32
        %sign3A_199 = arith.constant 0 : i32
        %sign3A_200 = arith.cmpi slt, %sub3A_193, %sign3A_199 : i32
        %sign3A_201 = arith.extui %sign3A_200 : i1 to i32
        %sign3A_202 = arith.subi %sign3A_198, %sign3A_201 : i32
        %sign3A_203 = arith.constant 0 : i32
        %sign3A_204 = arith.cmpi sgt, %jit3A_194, %sign3A_203 : i32
        %sign3A_205 = arith.extui %sign3A_204 : i1 to i32
        %sign3A_206 = arith.constant 0 : i32
        %sign3A_207 = arith.cmpi slt, %jit3A_194, %sign3A_206 : i32
        %sign3A_208 = arith.extui %sign3A_207 : i1 to i32
        %sign3A_209 = arith.subi %sign3A_205, %sign3A_208 : i32
        %ne3A_210 = arith.cmpi ne, %sign3A_202, %sign3A_209 : i32
        %rem3A_211 = arith.remsi %sub3A_193, %jit3A_194 : i32
        %ne3A_212 = arith.constant 0 : i32
        %ne3A_213 = arith.cmpi ne, %rem3A_211, %ne3A_212 : i32
        %and3A_214 = arith.andi %ne3A_210, %ne3A_213 : i1
        %sub3A_215 = arith.constant 1 : i32
        %sub3A_216 = arith.subi %div3A_195, %sub3A_215 : i32
        %select_n3A_217 = arith.select %and3A_214, %sub3A_216, %div3A_195 : i32
        %rem3A_218 = arith.constant 3 : i32
        %rem3A_219 = arith.remsi %sub3A_193, %rem3A_218 : i32
        %mul3A_220 = arith.constant 80 : i32
        %mul3A_221 = arith.muli %rem3A_219, %mul3A_220 : i32
        %rem3A_222 = arith.constant 2 : i32
        %rem3A_223 = arith.remsi %select_n3A_217, %rem3A_222 : i32
        %add3A_224 = arith.constant 5 : i32
        %add3A_225 = arith.addi %add3A_224, %sub3A_193 : i32
        %mul3A_226 = arith.constant 5 : i32
        %mul3A_227 = arith.muli %select_n3A_217, %mul3A_226 : i32
        %sub3A_228 = arith.subi %add3A_225, %mul3A_227 : i32
        %rem3A_229 = arith.constant 2 : i32
        %rem3A_230 = arith.remsi %sub3A_193, %rem3A_229 : i32
        %dma_wait3A_231 = arith.constant 0 : i32
        %dma_wait3A_232 = tpu.memref_slice %arg7[%mul3A_221, %dma_wait3A_231] : memref<240x144xf32, #tpu.memory_space<vmem>> -> memref<80x144xf32, #tpu.memory_space<vmem>>
        %dma_wait3A_233 = arith.constant 0 : i32
        %dma_wait3A_234 = tpu.memref_slice %arg9[%rem3A_223, %sub3A_228, %dma_wait3A_233] : memref<2x10x80xi32, #tpu.memory_space<vmem>> -> memref<1x1x80xi32, #tpu.memory_space<vmem>>
        %dma_wait3A_235 = tpu.memref_squeeze %dma_wait3A_234 : memref<1x1x80xi32, #tpu.memory_space<vmem>> -> memref<80xi32, #tpu.memory_space<vmem>>
        %dma_wait3A_236 = arith.constant 0 : i32
        %dma_wait3A_237 = arith.constant 0 : i32
        %dma_wait3A_238 = tpu.memref_slice %arg10[%dma_wait3A_236, %dma_wait3A_237] : memref<10000x144xf32, #tpu.memory_space<vmem_shared>> -> memref<10000x144xf32, #tpu.memory_space<vmem_shared>>
        %dma_wait3A_239 = tpu.memref_slice %arg12[%rem3A_230] : memref<2x!tpu.dma_semaphore, #tpu.memory_space<semaphore_mem>> -> memref<1x!tpu.dma_semaphore, #tpu.memory_space<semaphore_mem>>
        %dma_wait3A_240 = tpu.memref_squeeze %dma_wait3A_239 : memref<1x!tpu.dma_semaphore, #tpu.memory_space<semaphore_mem>> -> memref<!tpu.dma_semaphore, #tpu.memory_space<semaphore_mem>>
        tpu.wait_indirect_dma semaphore(%dma_wait3A_240 : memref<!tpu.dma_semaphore, #tpu.memory_space<semaphore_mem>>) src(%dma_wait3A_232 : memref<80x144xf32, #tpu.memory_space<vmem>>) dst(%dma_wait3A_238 : memref<10000x144xf32, #tpu.memory_space<vmem_shared>>)
      } else {
      }
      %eq3A = arith.constant 0 : i32
      %eq3A_174 = arith.cmpi eq, %sub3A_123, %eq3A : i32
      %gt3A_175 = arith.constant 0 : i32
      %gt3A_176 = arith.cmpi sgt, %scan3A_103, %gt3A_175 : i32
      %add3A_177 = arith.constant 1 : i32
      %add3A_178 = arith.addi %select_n3A, %add3A_177 : i32
      %lt3A = arith.constant 25 : i32
      %lt3A_179 = arith.cmpi slt, %add3A_178, %lt3A : i32
      %and3A_180 = arith.andi %gt3A_176, %lt3A_179 : i1
      %and3A_181 = arith.andi %eq3A_174, %and3A_180 : i1
      %convert_element_type3A_182 = arith.extui %and3A_181 : i1 to i32
      %cond3A_183 = arith.constant 0 : i32
      %cond3A_184 = arith.cmpi ne, %convert_element_type3A_182, %cond3A_183 : i32
      scf.if %cond3A_184 {
        %add3A_192 = arith.constant 1 : i32
        %add3A_193 = arith.addi %select_n3A, %add3A_192 : i32
        %add3A_194 = arith.constant 1 : i32
        %add3A_195 = arith.addi %select_n3A, %add3A_194 : i32
        %rem3A_196 = arith.constant 2 : i32
        %rem3A_197 = arith.remsi %add3A_195, %rem3A_196 : i32
        %dma_start3A_198 = arith.constant 0 : i32
        %dma_start3A_199 = arith.constant 0 : i32
        %dma_start3A_200 = tpu.memref_slice %arg9[%rem3A_197, %dma_start3A_198, %dma_start3A_199] : memref<2x10x80xi32, #tpu.memory_space<vmem>> -> memref<1x10x80xi32, #tpu.memory_space<vmem>>
        %dma_start3A_201 = tpu.memref_squeeze %dma_start3A_200 : memref<1x10x80xi32, #tpu.memory_space<vmem>> -> memref<10x80xi32, #tpu.memory_space<vmem>>
        %dma_start3A_202 = arith.constant 0 : i32
        %dma_start3A_203 = arith.constant 0 : i32
        %dma_start3A_204 = tpu.memref_slice %arg4[%add3A, %add3A_193, %dma_start3A_202, %dma_start3A_203] : memref<32x25x10x80xi32, #tpu.memory_space<hbm>> -> memref<1x1x10x80xi32, #tpu.memory_space<hbm>>
        %dma_start3A_205 = tpu.memref_squeeze %dma_start3A_204 : memref<1x1x10x80xi32, #tpu.memory_space<hbm>> -> memref<10x80xi32, #tpu.memory_space<hbm>>
        %dma_start3A_206 = arith.constant 0 : i32
        %dma_start3A_207 = arith.constant 0 : i32
        %dma_start3A_208 = tpu.memref_slice %arg9[%rem3A_197, %dma_start3A_206, %dma_start3A_207] : memref<2x10x80xi32, #tpu.memory_space<vmem>> -> memref<1x10x80xi32, #tpu.memory_space<vmem>>
        %dma_start3A_209 = tpu.memref_squeeze %dma_start3A_208 : memref<1x10x80xi32, #tpu.memory_space<vmem>> -> memref<10x80xi32, #tpu.memory_space<vmem>>
        %dma_start3A_210 = arith.constant 0 : i32
        %dma_start3A_211 = arith.constant 0 : i32
        %dma_start3A_212 = tpu.memref_slice %arg4[%add3A, %add3A_193, %dma_start3A_210, %dma_start3A_211] : memref<32x25x10x80xi32, #tpu.memory_space<hbm>> -> memref<1x1x10x80xi32, #tpu.memory_space<hbm>>
        %dma_start3A_213 = tpu.memref_squeeze %dma_start3A_212 : memref<1x1x10x80xi32, #tpu.memory_space<hbm>> -> memref<10x80xi32, #tpu.memory_space<hbm>>
        tpu.enqueue_dma source(%dma_start3A_213 : memref<10x80xi32, #tpu.memory_space<hbm>>) target(%dma_start3A_209 : memref<10x80xi32, #tpu.memory_space<vmem>>) target_semaphore(%arg14 : memref<!tpu.dma_semaphore, #tpu.memory_space<semaphore_mem>>)
      } else {
      }
      %add3A_185 = arith.constant 2 : i32
      %add3A_186 = arith.addi %scan3A_103, %add3A_185 : i32
      %lt3A_187 = arith.constant 125 : i32
      %lt3A_188 = arith.cmpi slt, %add3A_186, %lt3A_187 : i32
      %convert_element_type3A_189 = arith.extui %lt3A_188 : i1 to i32
      %cond3A_190 = arith.constant 0 : i32
      %cond3A_191 = arith.cmpi ne, %convert_element_type3A_189, %cond3A_190 : i32
      scf.if %cond3A_191 {
        %jit3A_192 = arith.constant 5 : i32
        %div3A_193 = arith.divsi %add3A_186, %jit3A_192 : i32
        %sign3A_194 = arith.constant 0 : i32
        %sign3A_195 = arith.cmpi sgt, %add3A_186, %sign3A_194 : i32
        %sign3A_196 = arith.extui %sign3A_195 : i1 to i32
        %sign3A_197 = arith.constant 0 : i32
        %sign3A_198 = arith.cmpi slt, %add3A_186, %sign3A_197 : i32
        %sign3A_199 = arith.extui %sign3A_198 : i1 to i32
        %sign3A_200 = arith.subi %sign3A_196, %sign3A_199 : i32
        %sign3A_201 = arith.constant 0 : i32
        %sign3A_202 = arith.cmpi sgt, %jit3A_192, %sign3A_201 : i32
        %sign3A_203 = arith.extui %sign3A_202 : i1 to i32
        %sign3A_204 = arith.constant 0 : i32
        %sign3A_205 = arith.cmpi slt, %jit3A_192, %sign3A_204 : i32
        %sign3A_206 = arith.extui %sign3A_205 : i1 to i32
        %sign3A_207 = arith.subi %sign3A_203, %sign3A_206 : i32
        %ne3A_208 = arith.cmpi ne, %sign3A_200, %sign3A_207 : i32
        %rem3A_209 = arith.remsi %add3A_186, %jit3A_192 : i32
        %ne3A_210 = arith.constant 0 : i32
        %ne3A_211 = arith.cmpi ne, %rem3A_209, %ne3A_210 : i32
        %and3A_212 = arith.andi %ne3A_208, %ne3A_211 : i1
        %sub3A_213 = arith.constant 1 : i32
        %sub3A_214 = arith.subi %div3A_193, %sub3A_213 : i32
        %select_n3A_215 = arith.select %and3A_212, %sub3A_214, %div3A_193 : i32
        %mul3A_216 = arith.constant 5 : i32
        %mul3A_217 = arith.muli %select_n3A_215, %mul3A_216 : i32
        %sub3A_218 = arith.subi %add3A_186, %mul3A_217 : i32
        %eq3A_219 = arith.constant 0 : i32
        %eq3A_220 = arith.cmpi eq, %sub3A_218, %eq3A_219 : i32
        %gt3A_221 = arith.constant 0 : i32
        %gt3A_222 = arith.cmpi sgt, %select_n3A_215, %gt3A_221 : i32
        %and3A_223 = arith.andi %eq3A_220, %gt3A_222 : i1
        %convert_element_type3A_224 = arith.extui %and3A_223 : i1 to i32
        %cond3A_225 = arith.constant 0 : i32
        %cond3A_226 = arith.cmpi ne, %convert_element_type3A_224, %cond3A_225 : i32
        scf.if %cond3A_226 {
          %rem3A_280 = arith.constant 2 : i32
          %rem3A_281 = arith.remsi %select_n3A_215, %rem3A_280 : i32
          %dma_wait3A_282 = arith.constant 0 : i32
          %dma_wait3A_283 = arith.constant 0 : i32
          %dma_wait3A_284 = tpu.memref_slice %arg9[%rem3A_281, %dma_wait3A_282, %dma_wait3A_283] : memref<2x10x80xi32, #tpu.memory_space<vmem>> -> memref<1x10x80xi32, #tpu.memory_space<vmem>>
          %dma_wait3A_285 = tpu.memref_squeeze %dma_wait3A_284 : memref<1x10x80xi32, #tpu.memory_space<vmem>> -> memref<10x80xi32, #tpu.memory_space<vmem>>
          %dma_wait3A_286 = arith.constant 0 : i32
          %dma_wait3A_287 = arith.constant 0 : i32
          %dma_wait3A_288 = tpu.memref_slice %arg4[%add3A, %select_n3A_215, %dma_wait3A_286, %dma_wait3A_287] : memref<32x25x10x80xi32, #tpu.memory_space<hbm>> -> memref<1x1x10x80xi32, #tpu.memory_space<hbm>>
          %dma_wait3A_289 = tpu.memref_squeeze %dma_wait3A_288 : memref<1x1x10x80xi32, #tpu.memory_space<hbm>> -> memref<10x80xi32, #tpu.memory_space<hbm>>
          %dma_wait3A_290 = arith.constant 0 : i32
          %dma_wait3A_291 = arith.constant 0 : i32
          %dma_wait3A_292 = tpu.memref_slice %arg9[%rem3A_281, %dma_wait3A_290, %dma_wait3A_291] : memref<2x10x80xi32, #tpu.memory_space<vmem>> -> memref<1x10x80xi32, #tpu.memory_space<vmem>>
          %dma_wait3A_293 = tpu.memref_squeeze %dma_wait3A_292 : memref<1x10x80xi32, #tpu.memory_space<vmem>> -> memref<10x80xi32, #tpu.memory_space<vmem>>
          %dma_wait3A_294 = arith.constant 0 : i32
          %dma_wait3A_295 = arith.constant 0 : i32
          %dma_wait3A_296 = tpu.memref_slice %arg4[%add3A, %select_n3A_215, %dma_wait3A_294, %dma_wait3A_295] : memref<32x25x10x80xi32, #tpu.memory_space<hbm>> -> memref<1x1x10x80xi32, #tpu.memory_space<hbm>>
          %dma_wait3A_297 = tpu.memref_squeeze %dma_wait3A_296 : memref<1x1x10x80xi32, #tpu.memory_space<hbm>> -> memref<10x80xi32, #tpu.memory_space<hbm>>
          tpu.wait_dma2 semaphore(%arg14 : memref<!tpu.dma_semaphore, #tpu.memory_space<semaphore_mem>>) src(%dma_wait3A_297 : memref<10x80xi32, #tpu.memory_space<hbm>>) dst(%dma_wait3A_293 : memref<10x80xi32, #tpu.memory_space<vmem>>)
        } else {
        }
        %jit3A_227 = arith.constant 5 : i32
        %div3A_228 = arith.divsi %add3A_186, %jit3A_227 : i32
        %sign3A_229 = arith.constant 0 : i32
        %sign3A_230 = arith.cmpi sgt, %add3A_186, %sign3A_229 : i32
        %sign3A_231 = arith.extui %sign3A_230 : i1 to i32
        %sign3A_232 = arith.constant 0 : i32
        %sign3A_233 = arith.cmpi slt, %add3A_186, %sign3A_232 : i32
        %sign3A_234 = arith.extui %sign3A_233 : i1 to i32
        %sign3A_235 = arith.subi %sign3A_231, %sign3A_234 : i32
        %sign3A_236 = arith.constant 0 : i32
        %sign3A_237 = arith.cmpi sgt, %jit3A_227, %sign3A_236 : i32
        %sign3A_238 = arith.extui %sign3A_237 : i1 to i32
        %sign3A_239 = arith.constant 0 : i32
        %sign3A_240 = arith.cmpi slt, %jit3A_227, %sign3A_239 : i32
        %sign3A_241 = arith.extui %sign3A_240 : i1 to i32
        %sign3A_242 = arith.subi %sign3A_238, %sign3A_241 : i32
        %ne3A_243 = arith.cmpi ne, %sign3A_235, %sign3A_242 : i32
        %rem3A_244 = arith.remsi %add3A_186, %jit3A_227 : i32
        %ne3A_245 = arith.constant 0 : i32
        %ne3A_246 = arith.cmpi ne, %rem3A_244, %ne3A_245 : i32
        %and3A_247 = arith.andi %ne3A_243, %ne3A_246 : i1
        %sub3A_248 = arith.constant 1 : i32
        %sub3A_249 = arith.subi %div3A_228, %sub3A_248 : i32
        %select_n3A_250 = arith.select %and3A_247, %sub3A_249, %div3A_228 : i32
        %mul3A_251 = arith.constant 5 : i32
        %mul3A_252 = arith.muli %select_n3A_250, %mul3A_251 : i32
        %sub3A_253 = arith.subi %add3A_186, %mul3A_252 : i32
        %rem3A_254 = arith.constant 2 : i32
        %rem3A_255 = arith.remsi %select_n3A_250, %rem3A_254 : i32
        %rem3A_256 = arith.constant 3 : i32
        %rem3A_257 = arith.remsi %add3A_186, %rem3A_256 : i32
        %mul3A_258 = arith.constant 80 : i32
        %mul3A_259 = arith.muli %rem3A_257, %mul3A_258 : i32
        %dma_start3A_260 = arith.constant 0 : i32
        %dma_start3A_261 = tpu.memref_slice %arg7[%mul3A_259, %dma_start3A_260] : memref<240x144xf32, #tpu.memory_space<vmem>> -> memref<80x144xf32, #tpu.memory_space<vmem>>
        %dma_start3A_262 = arith.constant 0 : i32
        %dma_start3A_263 = tpu.memref_slice %arg9[%rem3A_255, %sub3A_253, %dma_start3A_262] : memref<2x10x80xi32, #tpu.memory_space<vmem>> -> memref<1x1x80xi32, #tpu.memory_space<vmem>>
        %dma_start3A_264 = tpu.memref_squeeze %dma_start3A_263 : memref<1x1x80xi32, #tpu.memory_space<vmem>> -> memref<80xi32, #tpu.memory_space<vmem>>
        %dma_start3A_265 = arith.constant 0 : i32
        %dma_start3A_266 = arith.constant 0 : i32
        %dma_start3A_267 = tpu.memref_slice %arg2[%dma_start3A_265, %dma_start3A_266] : memref<10000x144xf32, #tpu.memory_space<hbm>> -> memref<10000x144xf32, #tpu.memory_space<hbm>>
        tpu.enqueue_indirect_dma source(%dma_start3A_267 : memref<10000x144xf32, #tpu.memory_space<hbm>>) target(%dma_start3A_261 : memref<80x144xf32, #tpu.memory_space<vmem>>) offsets(%dma_start3A_264 : memref<80xi32, #tpu.memory_space<vmem>>) semaphore(%arg11 : memref<!tpu.dma_semaphore, #tpu.memory_space<semaphore_mem>>)
        %add3A_268 = arith.constant 5 : i32
        %add3A_269 = arith.addi %add3A_268, %sub3A_253 : i32
        %mul3A_270 = arith.constant 80 : i32
        %mul3A_271 = arith.muli %rem3A_257, %mul3A_270 : i32
        %dma_start3A_272 = arith.constant 0 : i32
        %dma_start3A_273 = tpu.memref_slice %arg8[%mul3A_271, %dma_start3A_272] : memref<240x16xf32, #tpu.memory_space<vmem>> -> memref<80x16xf32, #tpu.memory_space<vmem>>
        %dma_start3A_274 = arith.constant 0 : i32
        %dma_start3A_275 = tpu.memref_slice %arg9[%rem3A_255, %add3A_269, %dma_start3A_274] : memref<2x10x80xi32, #tpu.memory_space<vmem>> -> memref<1x1x80xi32, #tpu.memory_space<vmem>>
        %dma_start3A_276 = tpu.memref_squeeze %dma_start3A_275 : memref<1x1x80xi32, #tpu.memory_space<vmem>> -> memref<80xi32, #tpu.memory_space<vmem>>
        %dma_start3A_277 = arith.constant 0 : i32
        %dma_start3A_278 = arith.constant 0 : i32
        %dma_start3A_279 = tpu.memref_slice %arg3[%dma_start3A_277, %dma_start3A_278] : memref<10000x16xf32, #tpu.memory_space<hbm>> -> memref<10000x16xf32, #tpu.memory_space<hbm>>
        tpu.enqueue_indirect_dma source(%dma_start3A_279 : memref<10000x16xf32, #tpu.memory_space<hbm>>) target(%dma_start3A_273 : memref<80x16xf32, #tpu.memory_space<vmem>>) offsets(%dma_start3A_276 : memref<80xi32, #tpu.memory_space<vmem>>) semaphore(%arg11 : memref<!tpu.dma_semaphore, #tpu.memory_space<semaphore_mem>>)
      } else {
      }
    }
    %scan3A_80 = arith.constant 125 : i32
    %rem3A_81 = arith.constant 124 : i32
    %rem3A_82 = arith.constant 3 : i32
    %rem3A_83 = arith.remsi %rem3A_81, %rem3A_82 : i32
    %mul3A_84 = arith.constant 80 : i32
    %mul3A_85 = arith.muli %rem3A_83, %mul3A_84 : i32
    %rem3A_86 = arith.constant 24 : i32
    %rem3A_87 = arith.constant 2 : i32
    %rem3A_88 = arith.remsi %rem3A_86, %rem3A_87 : i32
    %rem3A_89 = arith.constant 124 : i32
    %rem3A_90 = arith.constant 2 : i32
    %rem3A_91 = arith.remsi %rem3A_89, %rem3A_90 : i32
    %dma_wait3A = arith.constant 9 : i32
    %dma_wait3A_92 = arith.constant 0 : i32
    %dma_wait3A_93 = tpu.memref_slice %arg7[%mul3A_85, %dma_wait3A_92] : memref<240x144xf32, #tpu.memory_space<vmem>> -> memref<80x144xf32, #tpu.memory_space<vmem>>
    %dma_wait3A_94 = arith.constant 0 : i32
    %dma_wait3A_95 = tpu.memref_slice %arg9[%rem3A_88, %dma_wait3A, %dma_wait3A_94] : memref<2x10x80xi32, #tpu.memory_space<vmem>> -> memref<1x1x80xi32, #tpu.memory_space<vmem>>
    %dma_wait3A_96 = tpu.memref_squeeze %dma_wait3A_95 : memref<1x1x80xi32, #tpu.memory_space<vmem>> -> memref<80xi32, #tpu.memory_space<vmem>>
    %dma_wait3A_97 = arith.constant 0 : i32
    %dma_wait3A_98 = arith.constant 0 : i32
    %dma_wait3A_99 = tpu.memref_slice %arg10[%dma_wait3A_97, %dma_wait3A_98] : memref<10000x144xf32, #tpu.memory_space<vmem_shared>> -> memref<10000x144xf32, #tpu.memory_space<vmem_shared>>
    %dma_wait3A_100 = tpu.memref_slice %arg12[%rem3A_91] : memref<2x!tpu.dma_semaphore, #tpu.memory_space<semaphore_mem>> -> memref<1x!tpu.dma_semaphore, #tpu.memory_space<semaphore_mem>>
    %dma_wait3A_101 = tpu.memref_squeeze %dma_wait3A_100 : memref<1x!tpu.dma_semaphore, #tpu.memory_space<semaphore_mem>> -> memref<!tpu.dma_semaphore, #tpu.memory_space<semaphore_mem>>
    tpu.wait_indirect_dma semaphore(%dma_wait3A_101 : memref<!tpu.dma_semaphore, #tpu.memory_space<semaphore_mem>>) src(%dma_wait3A_93 : memref<80x144xf32, #tpu.memory_space<vmem>>) dst(%dma_wait3A_99 : memref<10000x144xf32, #tpu.memory_space<vmem_shared>>)
    %barrier3A_102 = arith.constant 0 : index
    tpu.barrier barrier_id(%barrier3A_102)
    "tpu.region"() ({
      %run_scoped3A_103 = tpu.sem_alloc : memref<!tpu.dma_semaphore, #tpu.memory_space<semaphore_mem>>
      %dma_start3A_104 = arith.constant 0 : i32
      %dma_start3A_105 = tpu.memref_slice %arg6[%arg0, %mul3A_0, %dma_start3A_104] : memref<2x10000x144xf32, #tpu.memory_space<hbm>> -> memref<1x625x144xf32, #tpu.memory_space<hbm>>
      %dma_start3A_106 = tpu.memref_squeeze %dma_start3A_105 : memref<1x625x144xf32, #tpu.memory_space<hbm>> -> memref<625x144xf32, #tpu.memory_space<hbm>>
      %dma_start3A_107 = arith.constant 0 : i32
      %dma_start3A_108 = tpu.memref_slice %arg10[%mul3A_0, %dma_start3A_107] : memref<10000x144xf32, #tpu.memory_space<vmem_shared>> -> memref<625x144xf32, #tpu.memory_space<vmem_shared>>
      tpu.enqueue_dma source(%dma_start3A_108 : memref<625x144xf32, #tpu.memory_space<vmem_shared>>) target(%dma_start3A_106 : memref<625x144xf32, #tpu.memory_space<hbm>>) target_semaphore(%run_scoped3A_103 : memref<!tpu.dma_semaphore, #tpu.memory_space<semaphore_mem>>)
      %dma_wait3A_109 = arith.constant 0 : i32
      %dma_wait3A_110 = tpu.memref_slice %arg6[%arg0, %mul3A_0, %dma_wait3A_109] : memref<2x10000x144xf32, #tpu.memory_space<hbm>> -> memref<1x625x144xf32, #tpu.memory_space<hbm>>
      %dma_wait3A_111 = tpu.memref_squeeze %dma_wait3A_110 : memref<1x625x144xf32, #tpu.memory_space<hbm>> -> memref<625x144xf32, #tpu.memory_space<hbm>>
      %dma_wait3A_112 = arith.constant 0 : i32
      %dma_wait3A_113 = tpu.memref_slice %arg10[%mul3A_0, %dma_wait3A_112] : memref<10000x144xf32, #tpu.memory_space<vmem_shared>> -> memref<625x144xf32, #tpu.memory_space<vmem_shared>>
      tpu.wait_dma2 semaphore(%run_scoped3A_103 : memref<!tpu.dma_semaphore, #tpu.memory_space<semaphore_mem>>) src(%dma_wait3A_113 : memref<625x144xf32, #tpu.memory_space<vmem_shared>>) dst(%dma_wait3A_111 : memref<625x144xf32, #tpu.memory_space<hbm>>)
      tpu.yield
    }) : () -> ()
    return
  }
}

#map = affine_map<(d0, d1) -> (0, 0)>
#map1 = affine_map<(d0, d1) -> (0, 0, 0, 0)>
#map2 = affine_map<(d0, d1) -> (0, 0, 0)>
module attributes {stable_mosaic.version = 14 : i64} {
  func.func @_edge_body(%arg0: i32, %arg1: i32, %arg2: memref<10000x144xf32, #tpu.memory_space<hbm>>, %arg3: memref<10000x16xf32, #tpu.memory_space<hbm>>, %arg4: memref<32x25x10x80xi32, #tpu.memory_space<hbm>>, %arg5: memref<10000x144xf32, #tpu.memory_space<hbm>>, %arg6: memref<2x10000x144xf32, #tpu.memory_space<hbm>>, %arg7: memref<240x144xf32, #tpu.memory_space<vmem>>, %arg8: memref<240x16xf32, #tpu.memory_space<vmem>>, %arg9: memref<2x10x80xi32, #tpu.memory_space<vmem>>, %arg10: memref<10000x144xf32, #tpu.memory_space<vmem_shared>>, %arg11: memref<!tpu.dma_semaphore, #tpu.memory_space<semaphore_mem>>, %arg12: memref<2x!tpu.dma_semaphore, #tpu.memory_space<semaphore_mem>>, %arg13: memref<!tpu.dma_semaphore, #tpu.memory_space<semaphore_mem>>, %arg14: memref<!tpu.dma_semaphore, #tpu.memory_space<semaphore_mem>>) attributes {dimension_semantics = [#tpu.dimension_semantics<core_parallel>, #tpu.dimension_semantics<subcore_parallel>], iteration_bounds = array<i64: 2, 16>, scalar_prefetch = 0 : i64, scratch_operands = 8 : i64, tpu.core_type = #tpu.core_type<sc_vector_subcore>, window_params = [{transform_indices = #map}, {transform_indices = #map}, {transform_indices = #map1}, {transform_indices = #map}, {transform_indices = #map2}]} {
    %mul3A = arith.constant 625 : i32
    %mul3A_0 = arith.muli %arg1, %mul3A : i32
    "tpu.region"() ({
      %run_scoped3A_103 = tpu.sem_alloc : memref<!tpu.dma_semaphore, #tpu.memory_space<semaphore_mem>>
      %dma_start3A_104 = arith.constant 0 : i32
      %dma_start3A_105 = tpu.memref_slice %arg10[%mul3A_0, %dma_start3A_104] : memref<10000x144xf32, #tpu.memory_space<vmem_shared>> -> memref<625x144xf32, #tpu.memory_space<vmem_shared>>
      %dma_start3A_106 = arith.constant 0 : i32
      %dma_start3A_107 = tpu.memref_slice %arg5[%mul3A_0, %dma_start3A_106] : memref<10000x144xf32, #tpu.memory_space<hbm>> -> memref<625x144xf32, #tpu.memory_space<hbm>>
      tpu.enqueue_dma source(%dma_start3A_107 : memref<625x144xf32, #tpu.memory_space<hbm>>) target(%dma_start3A_105 : memref<625x144xf32, #tpu.memory_space<vmem_shared>>) target_semaphore(%run_scoped3A_103 : memref<!tpu.dma_semaphore, #tpu.memory_space<semaphore_mem>>)
      %dma_wait3A_108 = arith.constant 0 : i32
      %dma_wait3A_109 = tpu.memref_slice %arg10[%mul3A_0, %dma_wait3A_108] : memref<10000x144xf32, #tpu.memory_space<vmem_shared>> -> memref<625x144xf32, #tpu.memory_space<vmem_shared>>
      %dma_wait3A_110 = arith.constant 0 : i32
      %dma_wait3A_111 = tpu.memref_slice %arg5[%mul3A_0, %dma_wait3A_110] : memref<10000x144xf32, #tpu.memory_space<hbm>> -> memref<625x144xf32, #tpu.memory_space<hbm>>
      tpu.wait_dma2 semaphore(%run_scoped3A_103 : memref<!tpu.dma_semaphore, #tpu.memory_space<semaphore_mem>>) src(%dma_wait3A_111 : memref<625x144xf32, #tpu.memory_space<hbm>>) dst(%dma_wait3A_109 : memref<625x144xf32, #tpu.memory_space<vmem_shared>>)
      tpu.yield
    }) : () -> ()
    %mul3A_1 = arith.constant 16 : i32
    %mul3A_2 = arith.muli %arg0, %mul3A_1 : i32
    %add3A = arith.addi %mul3A_2, %arg1 : i32
    %barrier3A = arith.constant 0 : index
    tpu.barrier barrier_id(%barrier3A)
    %iota3A = tpu.iota {dimensions = array<i32: 0>} : vector<16xi32>
    %run_scoped3A = arith.constant 0 : i32
    %run_scoped3A_3 = arith.constant 0 : i32
    "tpu.region"() ({
      %run_scoped3A_103 = tpu.sem_alloc : memref<!tpu.dma_semaphore, #tpu.memory_space<semaphore_mem>>
      %dma_start3A_104 = arith.constant 0 : i32
      %dma_start3A_105 = arith.constant 0 : i32
      %dma_start3A_106 = tpu.memref_slice %arg9[%run_scoped3A_3, %dma_start3A_104, %dma_start3A_105] : memref<2x10x80xi32, #tpu.memory_space<vmem>> -> memref<1x10x80xi32, #tpu.memory_space<vmem>>
      %dma_start3A_107 = tpu.memref_squeeze %dma_start3A_106 : memref<1x10x80xi32, #tpu.memory_space<vmem>> -> memref<10x80xi32, #tpu.memory_space<vmem>>
      %dma_start3A_108 = arith.constant 0 : i32
      %dma_start3A_109 = arith.constant 0 : i32
      %dma_start3A_110 = tpu.memref_slice %arg4[%add3A, %run_scoped3A, %dma_start3A_108, %dma_start3A_109] : memref<32x25x10x80xi32, #tpu.memory_space<hbm>> -> memref<1x1x10x80xi32, #tpu.memory_space<hbm>>
      %dma_start3A_111 = tpu.memref_squeeze %dma_start3A_110 : memref<1x1x10x80xi32, #tpu.memory_space<hbm>> -> memref<10x80xi32, #tpu.memory_space<hbm>>
      %dma_start3A_112 = arith.constant 0 : i32
      %dma_start3A_113 = arith.constant 0 : i32
      %dma_start3A_114 = tpu.memref_slice %arg9[%run_scoped3A_3, %dma_start3A_112, %dma_start3A_113] : memref<2x10x80xi32, #tpu.memory_space<vmem>> -> memref<1x10x80xi32, #tpu.memory_space<vmem>>
      %dma_start3A_115 = tpu.memref_squeeze %dma_start3A_114 : memref<1x10x80xi32, #tpu.memory_space<vmem>> -> memref<10x80xi32, #tpu.memory_space<vmem>>
      %dma_start3A_116 = arith.constant 0 : i32
      %dma_start3A_117 = arith.constant 0 : i32
      %dma_start3A_118 = tpu.memref_slice %arg4[%add3A, %run_scoped3A, %dma_start3A_116, %dma_start3A_117] : memref<32x25x10x80xi32, #tpu.memory_space<hbm>> -> memref<1x1x10x80xi32, #tpu.memory_space<hbm>>
      %dma_start3A_119 = tpu.memref_squeeze %dma_start3A_118 : memref<1x1x10x80xi32, #tpu.memory_space<hbm>> -> memref<10x80xi32, #tpu.memory_space<hbm>>
      tpu.enqueue_dma source(%dma_start3A_119 : memref<10x80xi32, #tpu.memory_space<hbm>>) target(%dma_start3A_115 : memref<10x80xi32, #tpu.memory_space<vmem>>) target_semaphore(%run_scoped3A_103 : memref<!tpu.dma_semaphore, #tpu.memory_space<semaphore_mem>>)
      %dma_wait3A_120 = arith.constant 0 : i32
      %dma_wait3A_121 = arith.constant 0 : i32
      %dma_wait3A_122 = tpu.memref_slice %arg9[%run_scoped3A_3, %dma_wait3A_120, %dma_wait3A_121] : memref<2x10x80xi32, #tpu.memory_space<vmem>> -> memref<1x10x80xi32, #tpu.memory_space<vmem>>
      %dma_wait3A_123 = tpu.memref_squeeze %dma_wait3A_122 : memref<1x10x80xi32, #tpu.memory_space<vmem>> -> memref<10x80xi32, #tpu.memory_space<vmem>>
      %dma_wait3A_124 = arith.constant 0 : i32
      %dma_wait3A_125 = arith.constant 0 : i32
      %dma_wait3A_126 = tpu.memref_slice %arg4[%add3A, %run_scoped3A, %dma_wait3A_124, %dma_wait3A_125] : memref<32x25x10x80xi32, #tpu.memory_space<hbm>> -> memref<1x1x10x80xi32, #tpu.memory_space<hbm>>
      %dma_wait3A_127 = tpu.memref_squeeze %dma_wait3A_126 : memref<1x1x10x80xi32, #tpu.memory_space<hbm>> -> memref<10x80xi32, #tpu.memory_space<hbm>>
      %dma_wait3A_128 = arith.constant 0 : i32
      %dma_wait3A_129 = arith.constant 0 : i32
      %dma_wait3A_130 = tpu.memref_slice %arg9[%run_scoped3A_3, %dma_wait3A_128, %dma_wait3A_129] : memref<2x10x80xi32, #tpu.memory_space<vmem>> -> memref<1x10x80xi32, #tpu.memory_space<vmem>>
      %dma_wait3A_131 = tpu.memref_squeeze %dma_wait3A_130 : memref<1x10x80xi32, #tpu.memory_space<vmem>> -> memref<10x80xi32, #tpu.memory_space<vmem>>
      %dma_wait3A_132 = arith.constant 0 : i32
      %dma_wait3A_133 = arith.constant 0 : i32
      %dma_wait3A_134 = tpu.memref_slice %arg4[%add3A, %run_scoped3A, %dma_wait3A_132, %dma_wait3A_133] : memref<32x25x10x80xi32, #tpu.memory_space<hbm>> -> memref<1x1x10x80xi32, #tpu.memory_space<hbm>>
      %dma_wait3A_135 = tpu.memref_squeeze %dma_wait3A_134 : memref<1x1x10x80xi32, #tpu.memory_space<hbm>> -> memref<10x80xi32, #tpu.memory_space<hbm>>
      tpu.wait_dma2 semaphore(%run_scoped3A_103 : memref<!tpu.dma_semaphore, #tpu.memory_space<semaphore_mem>>) src(%dma_wait3A_135 : memref<10x80xi32, #tpu.memory_space<hbm>>) dst(%dma_wait3A_131 : memref<10x80xi32, #tpu.memory_space<vmem>>)
      tpu.yield
    }) : () -> ()
    %rem3A = arith.constant 0 : i32
    %rem3A_4 = arith.constant 2 : i32
    %rem3A_5 = arith.remsi %rem3A, %rem3A_4 : i32
    %rem3A_6 = arith.constant 0 : i32
    %rem3A_7 = arith.constant 3 : i32
    %rem3A_8 = arith.remsi %rem3A_6, %rem3A_7 : i32
    %mul3A_9 = arith.constant 80 : i32
    %mul3A_10 = arith.muli %rem3A_8, %mul3A_9 : i32
    %dma_start3A = arith.constant 0 : i32
    %dma_start3A_11 = arith.constant 0 : i32
    %dma_start3A_12 = tpu.memref_slice %arg7[%mul3A_10, %dma_start3A_11] : memref<240x144xf32, #tpu.memory_space<vmem>> -> memref<80x144xf32, #tpu.memory_space<vmem>>
    %dma_start3A_13 = arith.constant 0 : i32
    %dma_start3A_14 = tpu.memref_slice %arg9[%rem3A_5, %dma_start3A, %dma_start3A_13] : memref<2x10x80xi32, #tpu.memory_space<vmem>> -> memref<1x1x80xi32, #tpu.memory_space<vmem>>
    %dma_start3A_15 = tpu.memref_squeeze %dma_start3A_14 : memref<1x1x80xi32, #tpu.memory_space<vmem>> -> memref<80xi32, #tpu.memory_space<vmem>>
    %dma_start3A_16 = arith.constant 0 : i32
    %dma_start3A_17 = arith.constant 0 : i32
    %dma_start3A_18 = tpu.memref_slice %arg2[%dma_start3A_16, %dma_start3A_17] : memref<10000x144xf32, #tpu.memory_space<hbm>> -> memref<10000x144xf32, #tpu.memory_space<hbm>>
    tpu.enqueue_indirect_dma source(%dma_start3A_18 : memref<10000x144xf32, #tpu.memory_space<hbm>>) target(%dma_start3A_12 : memref<80x144xf32, #tpu.memory_space<vmem>>) offsets(%dma_start3A_15 : memref<80xi32, #tpu.memory_space<vmem>>) semaphore(%arg11 : memref<!tpu.dma_semaphore, #tpu.memory_space<semaphore_mem>>)
    %mul3A_19 = arith.constant 80 : i32
    %mul3A_20 = arith.muli %rem3A_8, %mul3A_19 : i32
    %dma_start3A_21 = arith.constant 5 : i32
    %dma_start3A_22 = arith.constant 0 : i32
    %dma_start3A_23 = tpu.memref_slice %arg8[%mul3A_20, %dma_start3A_22] : memref<240x16xf32, #tpu.memory_space<vmem>> -> memref<80x16xf32, #tpu.memory_space<vmem>>
    %dma_start3A_24 = arith.constant 0 : i32
    %dma_start3A_25 = tpu.memref_slice %arg9[%rem3A_5, %dma_start3A_21, %dma_start3A_24] : memref<2x10x80xi32, #tpu.memory_space<vmem>> -> memref<1x1x80xi32, #tpu.memory_space<vmem>>
    %dma_start3A_26 = tpu.memref_squeeze %dma_start3A_25 : memref<1x1x80xi32, #tpu.memory_space<vmem>> -> memref<80xi32, #tpu.memory_space<vmem>>
    %dma_start3A_27 = arith.constant 0 : i32
    %dma_start3A_28 = arith.constant 0 : i32
    %dma_start3A_29 = tpu.memref_slice %arg3[%dma_start3A_27, %dma_start3A_28] : memref<10000x16xf32, #tpu.memory_space<hbm>> -> memref<10000x16xf32, #tpu.memory_space<hbm>>
    tpu.enqueue_indirect_dma source(%dma_start3A_29 : memref<10000x16xf32, #tpu.memory_space<hbm>>) target(%dma_start3A_23 : memref<80x16xf32, #tpu.memory_space<vmem>>) offsets(%dma_start3A_26 : memref<80xi32, #tpu.memory_space<vmem>>) semaphore(%arg11 : memref<!tpu.dma_semaphore, #tpu.memory_space<semaphore_mem>>)
    %dma_start3A_30 = arith.constant 1 : i32
    %dma_start3A_31 = arith.constant 1 : i32
    %dma_start3A_32 = arith.constant 0 : i32
    %dma_start3A_33 = arith.constant 0 : i32
    %dma_start3A_34 = tpu.memref_slice %arg9[%dma_start3A_31, %dma_start3A_32, %dma_start3A_33] : memref<2x10x80xi32, #tpu.memory_space<vmem>> -> memref<1x10x80xi32, #tpu.memory_space<vmem>>
    %dma_start3A_35 = tpu.memref_squeeze %dma_start3A_34 : memref<1x10x80xi32, #tpu.memory_space<vmem>> -> memref<10x80xi32, #tpu.memory_space<vmem>>
    %dma_start3A_36 = arith.constant 0 : i32
    %dma_start3A_37 = arith.constant 0 : i32
    %dma_start3A_38 = tpu.memref_slice %arg4[%add3A, %dma_start3A_30, %dma_start3A_36, %dma_start3A_37] : memref<32x25x10x80xi32, #tpu.memory_space<hbm>> -> memref<1x1x10x80xi32, #tpu.memory_space<hbm>>
    %dma_start3A_39 = tpu.memref_squeeze %dma_start3A_38 : memref<1x1x10x80xi32, #tpu.memory_space<hbm>> -> memref<10x80xi32, #tpu.memory_space<hbm>>
    %dma_start3A_40 = arith.constant 0 : i32
    %dma_start3A_41 = arith.constant 0 : i32
    %dma_start3A_42 = tpu.memref_slice %arg9[%dma_start3A_31, %dma_start3A_40, %dma_start3A_41] : memref<2x10x80xi32, #tpu.memory_space<vmem>> -> memref<1x10x80xi32, #tpu.memory_space<vmem>>
    %dma_start3A_43 = tpu.memref_squeeze %dma_start3A_42 : memref<1x10x80xi32, #tpu.memory_space<vmem>> -> memref<10x80xi32, #tpu.memory_space<vmem>>
    %dma_start3A_44 = arith.constant 0 : i32
    %dma_start3A_45 = arith.constant 0 : i32
    %dma_start3A_46 = tpu.memref_slice %arg4[%add3A, %dma_start3A_30, %dma_start3A_44, %dma_start3A_45] : memref<32x25x10x80xi32, #tpu.memory_space<hbm>> -> memref<1x1x10x80xi32, #tpu.memory_space<hbm>>
    %dma_start3A_47 = tpu.memref_squeeze %dma_start3A_46 : memref<1x1x10x80xi32, #tpu.memory_space<hbm>> -> memref<10x80xi32, #tpu.memory_space<hbm>>
    tpu.enqueue_dma source(%dma_start3A_47 : memref<10x80xi32, #tpu.memory_space<hbm>>) target(%dma_start3A_43 : memref<10x80xi32, #tpu.memory_space<vmem>>) target_semaphore(%arg14 : memref<!tpu.dma_semaphore, #tpu.memory_space<semaphore_mem>>)
    %rem3A_48 = arith.constant 0 : i32
    %rem3A_49 = arith.constant 2 : i32
    %rem3A_50 = arith.remsi %rem3A_48, %rem3A_49 : i32
    %rem3A_51 = arith.constant 1 : i32
    %rem3A_52 = arith.constant 3 : i32
    %rem3A_53 = arith.remsi %rem3A_51, %rem3A_52 : i32
    %mul3A_54 = arith.constant 80 : i32
    %mul3A_55 = arith.muli %rem3A_53, %mul3A_54 : i32
    %dma_start3A_56 = arith.constant 1 : i32
    %dma_start3A_57 = arith.constant 0 : i32
    %dma_start3A_58 = tpu.memref_slice %arg7[%mul3A_55, %dma_start3A_57] : memref<240x144xf32, #tpu.memory_space<vmem>> -> memref<80x144xf32, #tpu.memory_space<vmem>>
    %dma_start3A_59 = arith.constant 0 : i32
    %dma_start3A_60 = tpu.memref_slice %arg9[%rem3A_50, %dma_start3A_56, %dma_start3A_59] : memref<2x10x80xi32, #tpu.memory_space<vmem>> -> memref<1x1x80xi32, #tpu.memory_space<vmem>>
    %dma_start3A_61 = tpu.memref_squeeze %dma_start3A_60 : memref<1x1x80xi32, #tpu.memory_space<vmem>> -> memref<80xi32, #tpu.memory_space<vmem>>
    %dma_start3A_62 = arith.constant 0 : i32
    %dma_start3A_63 = arith.constant 0 : i32
    %dma_start3A_64 = tpu.memref_slice %arg2[%dma_start3A_62, %dma_start3A_63] : memref<10000x144xf32, #tpu.memory_space<hbm>> -> memref<10000x144xf32, #tpu.memory_space<hbm>>
    tpu.enqueue_indirect_dma source(%dma_start3A_64 : memref<10000x144xf32, #tpu.memory_space<hbm>>) target(%dma_start3A_58 : memref<80x144xf32, #tpu.memory_space<vmem>>) offsets(%dma_start3A_61 : memref<80xi32, #tpu.memory_space<vmem>>) semaphore(%arg11 : memref<!tpu.dma_semaphore, #tpu.memory_space<semaphore_mem>>)
    %mul3A_65 = arith.constant 80 : i32
    %mul3A_66 = arith.muli %rem3A_53, %mul3A_65 : i32
    %dma_start3A_67 = arith.constant 6 : i32
    %dma_start3A_68 = arith.constant 0 : i32
    %dma_start3A_69 = tpu.memref_slice %arg8[%mul3A_66, %dma_start3A_68] : memref<240x16xf32, #tpu.memory_space<vmem>> -> memref<80x16xf32, #tpu.memory_space<vmem>>
    %dma_start3A_70 = arith.constant 0 : i32
    %dma_start3A_71 = tpu.memref_slice %arg9[%rem3A_50, %dma_start3A_67, %dma_start3A_70] : memref<2x10x80xi32, #tpu.memory_space<vmem>> -> memref<1x1x80xi32, #tpu.memory_space<vmem>>
    %dma_start3A_72 = tpu.memref_squeeze %dma_start3A_71 : memref<1x1x80xi32, #tpu.memory_space<vmem>> -> memref<80xi32, #tpu.memory_space<vmem>>
    %dma_start3A_73 = arith.constant 0 : i32
    %dma_start3A_74 = arith.constant 0 : i32
    %dma_start3A_75 = tpu.memref_slice %arg3[%dma_start3A_73, %dma_start3A_74] : memref<10000x16xf32, #tpu.memory_space<hbm>> -> memref<10000x16xf32, #tpu.memory_space<hbm>>
    tpu.enqueue_indirect_dma source(%dma_start3A_75 : memref<10000x16xf32, #tpu.memory_space<hbm>>) target(%dma_start3A_69 : memref<80x16xf32, #tpu.memory_space<vmem>>) offsets(%dma_start3A_72 : memref<80xi32, #tpu.memory_space<vmem>>) semaphore(%arg11 : memref<!tpu.dma_semaphore, #tpu.memory_space<semaphore_mem>>)
    %scan3A = arith.constant 0 : i32
    %scan3A_76 = arith.constant 0 : i32
    %scan3A_77 = arith.constant 125 : i32
    %scan3A_78 = arith.addi %scan3A_76, %scan3A_77 : i32
    %scan3A_79 = arith.constant 1 : i32
    scf.for %scan3A_103 = %scan3A_76 to %scan3A_78 step %scan3A_79  : i32 {
      %jit3A = arith.constant 5 : i32
      %div3A = arith.divsi %scan3A_103, %jit3A : i32
      %sign3A = arith.constant 0 : i32
      %sign3A_104 = arith.cmpi sgt, %scan3A_103, %sign3A : i32
      %sign3A_105 = arith.extui %sign3A_104 : i1 to i32
      %sign3A_106 = arith.constant 0 : i32
      %sign3A_107 = arith.cmpi slt, %scan3A_103, %sign3A_106 : i32
      %sign3A_108 = arith.extui %sign3A_107 : i1 to i32
      %sign3A_109 = arith.subi %sign3A_105, %sign3A_108 : i32
      %sign3A_110 = arith.constant 0 : i32
      %sign3A_111 = arith.cmpi sgt, %jit3A, %sign3A_110 : i32
      %sign3A_112 = arith.extui %sign3A_111 : i1 to i32
      %sign3A_113 = arith.constant 0 : i32
      %sign3A_114 = arith.cmpi slt, %jit3A, %sign3A_113 : i32
      %sign3A_115 = arith.extui %sign3A_114 : i1 to i32
      %sign3A_116 = arith.subi %sign3A_112, %sign3A_115 : i32
      %ne3A = arith.cmpi ne, %sign3A_109, %sign3A_116 : i32
      %rem3A_117 = arith.remsi %scan3A_103, %jit3A : i32
      %ne3A_118 = arith.constant 0 : i32
      %ne3A_119 = arith.cmpi ne, %rem3A_117, %ne3A_118 : i32
      %and3A = arith.andi %ne3A, %ne3A_119 : i1
      %sub3A = arith.constant 1 : i32
      %sub3A_120 = arith.subi %div3A, %sub3A : i32
      %select_n3A = arith.select %and3A, %sub3A_120, %div3A : i32
      %mul3A_121 = arith.constant 5 : i32
      %mul3A_122 = arith.muli %select_n3A, %mul3A_121 : i32
      %sub3A_123 = arith.subi %scan3A_103, %mul3A_122 : i32
      %rem3A_124 = arith.constant 2 : i32
      %rem3A_125 = arith.remsi %select_n3A, %rem3A_124 : i32
      %rem3A_126 = arith.constant 3 : i32
      %rem3A_127 = arith.remsi %scan3A_103, %rem3A_126 : i32
      %mul3A_128 = arith.constant 80 : i32
      %mul3A_129 = arith.muli %rem3A_127, %mul3A_128 : i32
      %dma_wait3A_130 = arith.constant 0 : i32
      %dma_wait3A_131 = tpu.memref_slice %arg7[%mul3A_129, %dma_wait3A_130] : memref<240x144xf32, #tpu.memory_space<vmem>> -> memref<80x144xf32, #tpu.memory_space<vmem>>
      %dma_wait3A_132 = arith.constant 0 : i32
      %dma_wait3A_133 = tpu.memref_slice %arg9[%rem3A_125, %sub3A_123, %dma_wait3A_132] : memref<2x10x80xi32, #tpu.memory_space<vmem>> -> memref<1x1x80xi32, #tpu.memory_space<vmem>>
      %dma_wait3A_134 = tpu.memref_squeeze %dma_wait3A_133 : memref<1x1x80xi32, #tpu.memory_space<vmem>> -> memref<80xi32, #tpu.memory_space<vmem>>
      %dma_wait3A_135 = arith.constant 0 : i32
      %dma_wait3A_136 = arith.constant 0 : i32
      %dma_wait3A_137 = tpu.memref_slice %arg2[%dma_wait3A_135, %dma_wait3A_136] : memref<10000x144xf32, #tpu.memory_space<hbm>> -> memref<10000x144xf32, #tpu.memory_space<hbm>>
      tpu.wait_indirect_dma semaphore(%arg11 : memref<!tpu.dma_semaphore, #tpu.memory_space<semaphore_mem>>) src(%dma_wait3A_137 : memref<10000x144xf32, #tpu.memory_space<hbm>>) dst(%dma_wait3A_131 : memref<80x144xf32, #tpu.memory_space<vmem>>)
      %add3A_138 = arith.constant 5 : i32
      %add3A_139 = arith.addi %add3A_138, %sub3A_123 : i32
      %mul3A_140 = arith.constant 80 : i32
      %mul3A_141 = arith.muli %rem3A_127, %mul3A_140 : i32
      %dma_wait3A_142 = arith.constant 0 : i32
      %dma_wait3A_143 = tpu.memref_slice %arg8[%mul3A_141, %dma_wait3A_142] : memref<240x16xf32, #tpu.memory_space<vmem>> -> memref<80x16xf32, #tpu.memory_space<vmem>>
      %dma_wait3A_144 = arith.constant 0 : i32
      %dma_wait3A_145 = tpu.memref_slice %arg9[%rem3A_125, %add3A_139, %dma_wait3A_144] : memref<2x10x80xi32, #tpu.memory_space<vmem>> -> memref<1x1x80xi32, #tpu.memory_space<vmem>>
      %dma_wait3A_146 = tpu.memref_squeeze %dma_wait3A_145 : memref<1x1x80xi32, #tpu.memory_space<vmem>> -> memref<80xi32, #tpu.memory_space<vmem>>
      %dma_wait3A_147 = arith.constant 0 : i32
      %dma_wait3A_148 = arith.constant 0 : i32
      %dma_wait3A_149 = tpu.memref_slice %arg3[%dma_wait3A_147, %dma_wait3A_148] : memref<10000x16xf32, #tpu.memory_space<hbm>> -> memref<10000x16xf32, #tpu.memory_space<hbm>>
      tpu.wait_indirect_dma semaphore(%arg11 : memref<!tpu.dma_semaphore, #tpu.memory_space<semaphore_mem>>) src(%dma_wait3A_149 : memref<10000x16xf32, #tpu.memory_space<hbm>>) dst(%dma_wait3A_143 : memref<80x16xf32, #tpu.memory_space<vmem>>)
      %mul3A_150 = arith.constant 80 : i32
      %mul3A_151 = arith.muli %rem3A_127, %mul3A_150 : i32
      %scan3A_152 = arith.constant 0 : i32
      %scan3A_153 = arith.constant 0 : i32
      %scan3A_154 = arith.constant 5 : i32
      %scan3A_155 = arith.addi %scan3A_153, %scan3A_154 : i32
      %scan3A_156 = arith.constant 1 : i32
      scf.for %scan3A_192 = %scan3A_153 to %scan3A_155 step %scan3A_156  : i32 {
        %mul3A_193 = arith.constant 16 : i32
        %mul3A_194 = arith.muli %scan3A_192, %mul3A_193 : i32
        %add3A_195 = arith.addi %mul3A_151, %mul3A_194 : i32
        %add3A_196 = vector.broadcast %add3A_195 : i32 to vector<16xi32>
        %add3A_197 = arith.addi %iota3A, %add3A_196 : vector<16xi32>
        %broadcast_in_dim3A = arith.constant 128 : i32
        %broadcast_in_dim3A_198 = vector.broadcast %broadcast_in_dim3A : i32 to vector<16xi32>
        %broadcast_in_dim3A_199 = arith.constant 129 : i32
        %broadcast_in_dim3A_200 = vector.broadcast %broadcast_in_dim3A_199 : i32 to vector<16xi32>
        %broadcast_in_dim3A_201 = arith.constant 130 : i32
        %broadcast_in_dim3A_202 = vector.broadcast %broadcast_in_dim3A_201 : i32 to vector<16xi32>
        %broadcast_in_dim3A_203 = arith.constant 131 : i32
        %broadcast_in_dim3A_204 = vector.broadcast %broadcast_in_dim3A_203 : i32 to vector<16xi32>
        %broadcast_in_dim3A_205 = arith.constant 132 : i32
        %broadcast_in_dim3A_206 = vector.broadcast %broadcast_in_dim3A_205 : i32 to vector<16xi32>
        %broadcast_in_dim3A_207 = arith.constant 133 : i32
        %broadcast_in_dim3A_208 = vector.broadcast %broadcast_in_dim3A_207 : i32 to vector<16xi32>
        %broadcast_in_dim3A_209 = arith.constant 134 : i32
        %broadcast_in_dim3A_210 = vector.broadcast %broadcast_in_dim3A_209 : i32 to vector<16xi32>
        %broadcast_in_dim3A_211 = arith.constant 135 : i32
        %broadcast_in_dim3A_212 = vector.broadcast %broadcast_in_dim3A_211 : i32 to vector<16xi32>
        %gather3A = tpu.vector_load_idx %arg7[%add3A_197, %broadcast_in_dim3A_198] : memref<240x144xf32, #tpu.memory_space<vmem>>[vector<16xi32>, vector<16xi32>], vector<16xf32>,
        %gather3A_213 = tpu.vector_load_idx %arg7[%add3A_197, %broadcast_in_dim3A_200] : memref<240x144xf32, #tpu.memory_space<vmem>>[vector<16xi32>, vector<16xi32>], vector<16xf32>,
        %gather3A_214 = tpu.vector_load_idx %arg7[%add3A_197, %broadcast_in_dim3A_202] : memref<240x144xf32, #tpu.memory_space<vmem>>[vector<16xi32>, vector<16xi32>], vector<16xf32>,
        %gather3A_215 = tpu.vector_load_idx %arg7[%add3A_197, %broadcast_in_dim3A_204] : memref<240x144xf32, #tpu.memory_space<vmem>>[vector<16xi32>, vector<16xi32>], vector<16xf32>,
        %gather3A_216 = tpu.vector_load_idx %arg7[%add3A_197, %broadcast_in_dim3A_206] : memref<240x144xf32, #tpu.memory_space<vmem>>[vector<16xi32>, vector<16xi32>], vector<16xf32>,
        %gather3A_217 = tpu.vector_load_idx %arg7[%add3A_197, %broadcast_in_dim3A_208] : memref<240x144xf32, #tpu.memory_space<vmem>>[vector<16xi32>, vector<16xi32>], vector<16xf32>,
        %gather3A_218 = tpu.vector_load_idx %arg7[%add3A_197, %broadcast_in_dim3A_210] : memref<240x144xf32, #tpu.memory_space<vmem>>[vector<16xi32>, vector<16xi32>], vector<16xf32>,
        %gather3A_219 = tpu.vector_load_idx %arg7[%add3A_197, %broadcast_in_dim3A_212] : memref<240x144xf32, #tpu.memory_space<vmem>>[vector<16xi32>, vector<16xi32>], vector<16xf32>,
        %broadcast_in_dim3A_220 = arith.constant 0 : i32
        %broadcast_in_dim3A_221 = vector.broadcast %broadcast_in_dim3A_220 : i32 to vector<16xi32>
        %gather3A_222 = tpu.vector_load_idx %arg8[%add3A_197, %broadcast_in_dim3A_221] : memref<240x16xf32, #tpu.memory_space<vmem>>[vector<16xi32>, vector<16xi32>], vector<16xf32>,
        %broadcast_in_dim3A_223 = arith.constant 1 : i32
        %broadcast_in_dim3A_224 = vector.broadcast %broadcast_in_dim3A_223 : i32 to vector<16xi32>
        %gather3A_225 = tpu.vector_load_idx %arg8[%add3A_197, %broadcast_in_dim3A_224] : memref<240x16xf32, #tpu.memory_space<vmem>>[vector<16xi32>, vector<16xi32>], vector<16xf32>,
        %broadcast_in_dim3A_226 = arith.constant 2 : i32
        %broadcast_in_dim3A_227 = vector.broadcast %broadcast_in_dim3A_226 : i32 to vector<16xi32>
        %gather3A_228 = tpu.vector_load_idx %arg8[%add3A_197, %broadcast_in_dim3A_227] : memref<240x16xf32, #tpu.memory_space<vmem>>[vector<16xi32>, vector<16xi32>], vector<16xf32>,
        %broadcast_in_dim3A_229 = arith.constant 3 : i32
        %broadcast_in_dim3A_230 = vector.broadcast %broadcast_in_dim3A_229 : i32 to vector<16xi32>
        %gather3A_231 = tpu.vector_load_idx %arg8[%add3A_197, %broadcast_in_dim3A_230] : memref<240x16xf32, #tpu.memory_space<vmem>>[vector<16xi32>, vector<16xi32>], vector<16xf32>,
        %broadcast_in_dim3A_232 = arith.constant 4 : i32
        %broadcast_in_dim3A_233 = vector.broadcast %broadcast_in_dim3A_232 : i32 to vector<16xi32>
        %gather3A_234 = tpu.vector_load_idx %arg8[%add3A_197, %broadcast_in_dim3A_233] : memref<240x16xf32, #tpu.memory_space<vmem>>[vector<16xi32>, vector<16xi32>], vector<16xf32>,
        %broadcast_in_dim3A_235 = arith.constant 5 : i32
        %broadcast_in_dim3A_236 = vector.broadcast %broadcast_in_dim3A_235 : i32 to vector<16xi32>
        %gather3A_237 = tpu.vector_load_idx %arg8[%add3A_197, %broadcast_in_dim3A_236] : memref<240x16xf32, #tpu.memory_space<vmem>>[vector<16xi32>, vector<16xi32>], vector<16xf32>,
        %broadcast_in_dim3A_238 = arith.constant 6 : i32
        %broadcast_in_dim3A_239 = vector.broadcast %broadcast_in_dim3A_238 : i32 to vector<16xi32>
        %gather3A_240 = tpu.vector_load_idx %arg8[%add3A_197, %broadcast_in_dim3A_239] : memref<240x16xf32, #tpu.memory_space<vmem>>[vector<16xi32>, vector<16xi32>], vector<16xf32>,
        %broadcast_in_dim3A_241 = arith.constant 7 : i32
        %broadcast_in_dim3A_242 = vector.broadcast %broadcast_in_dim3A_241 : i32 to vector<16xi32>
        %gather3A_243 = tpu.vector_load_idx %arg8[%add3A_197, %broadcast_in_dim3A_242] : memref<240x16xf32, #tpu.memory_space<vmem>>[vector<16xi32>, vector<16xi32>], vector<16xf32>,
        %add3A_244 = arith.addf %gather3A, %gather3A_222 : vector<16xf32>
        %add3A_245 = arith.addf %gather3A_213, %gather3A_225 : vector<16xf32>
        %add3A_246 = arith.addf %gather3A_214, %gather3A_228 : vector<16xf32>
        %add3A_247 = arith.addf %gather3A_215, %gather3A_231 : vector<16xf32>
        %add3A_248 = arith.addf %gather3A_216, %gather3A_234 : vector<16xf32>
        %add3A_249 = arith.addf %gather3A_217, %gather3A_237 : vector<16xf32>
        %add3A_250 = arith.addf %gather3A_218, %gather3A_240 : vector<16xf32>
        %add3A_251 = arith.addf %gather3A_219, %gather3A_243 : vector<16xf32>
        %gt3A_252 = arith.constant 0.000000e+00 : f32
        %gt3A_253 = vector.broadcast %gt3A_252 : f32 to vector<16xf32>
        %gt3A_254 = arith.cmpf ogt, %add3A_244, %gt3A_253 : vector<16xf32>
        %mul3A_255 = arith.constant 2.000000e-01 : f32
        %mul3A_256 = vector.broadcast %mul3A_255 : f32 to vector<16xf32>
        %mul3A_257 = arith.mulf %mul3A_256, %add3A_244 : vector<16xf32>
        %select_n3A_258 = arith.select %gt3A_254, %add3A_244, %mul3A_257 : vector<16xi1>, vector<16xf32>
        %gt3A_259 = arith.constant 0.000000e+00 : f32
        %gt3A_260 = vector.broadcast %gt3A_259 : f32 to vector<16xf32>
        %gt3A_261 = arith.cmpf ogt, %add3A_245, %gt3A_260 : vector<16xf32>
        %mul3A_262 = arith.constant 2.000000e-01 : f32
        %mul3A_263 = vector.broadcast %mul3A_262 : f32 to vector<16xf32>
        %mul3A_264 = arith.mulf %mul3A_263, %add3A_245 : vector<16xf32>
        %select_n3A_265 = arith.select %gt3A_261, %add3A_245, %mul3A_264 : vector<16xi1>, vector<16xf32>
        %gt3A_266 = arith.constant 0.000000e+00 : f32
        %gt3A_267 = vector.broadcast %gt3A_266 : f32 to vector<16xf32>
        %gt3A_268 = arith.cmpf ogt, %add3A_246, %gt3A_267 : vector<16xf32>
        %mul3A_269 = arith.constant 2.000000e-01 : f32
        %mul3A_270 = vector.broadcast %mul3A_269 : f32 to vector<16xf32>
        %mul3A_271 = arith.mulf %mul3A_270, %add3A_246 : vector<16xf32>
        %select_n3A_272 = arith.select %gt3A_268, %add3A_246, %mul3A_271 : vector<16xi1>, vector<16xf32>
        %gt3A_273 = arith.constant 0.000000e+00 : f32
        %gt3A_274 = vector.broadcast %gt3A_273 : f32 to vector<16xf32>
        %gt3A_275 = arith.cmpf ogt, %add3A_247, %gt3A_274 : vector<16xf32>
        %mul3A_276 = arith.constant 2.000000e-01 : f32
        %mul3A_277 = vector.broadcast %mul3A_276 : f32 to vector<16xf32>
        %mul3A_278 = arith.mulf %mul3A_277, %add3A_247 : vector<16xf32>
        %select_n3A_279 = arith.select %gt3A_275, %add3A_247, %mul3A_278 : vector<16xi1>, vector<16xf32>
        %gt3A_280 = arith.constant 0.000000e+00 : f32
        %gt3A_281 = vector.broadcast %gt3A_280 : f32 to vector<16xf32>
        %gt3A_282 = arith.cmpf ogt, %add3A_248, %gt3A_281 : vector<16xf32>
        %mul3A_283 = arith.constant 2.000000e-01 : f32
        %mul3A_284 = vector.broadcast %mul3A_283 : f32 to vector<16xf32>
        %mul3A_285 = arith.mulf %mul3A_284, %add3A_248 : vector<16xf32>
        %select_n3A_286 = arith.select %gt3A_282, %add3A_248, %mul3A_285 : vector<16xi1>, vector<16xf32>
        %gt3A_287 = arith.constant 0.000000e+00 : f32
        %gt3A_288 = vector.broadcast %gt3A_287 : f32 to vector<16xf32>
        %gt3A_289 = arith.cmpf ogt, %add3A_249, %gt3A_288 : vector<16xf32>
        %mul3A_290 = arith.constant 2.000000e-01 : f32
        %mul3A_291 = vector.broadcast %mul3A_290 : f32 to vector<16xf32>
        %mul3A_292 = arith.mulf %mul3A_291, %add3A_249 : vector<16xf32>
        %select_n3A_293 = arith.select %gt3A_289, %add3A_249, %mul3A_292 : vector<16xi1>, vector<16xf32>
        %gt3A_294 = arith.constant 0.000000e+00 : f32
        %gt3A_295 = vector.broadcast %gt3A_294 : f32 to vector<16xf32>
        %gt3A_296 = arith.cmpf ogt, %add3A_250, %gt3A_295 : vector<16xf32>
        %mul3A_297 = arith.constant 2.000000e-01 : f32
        %mul3A_298 = vector.broadcast %mul3A_297 : f32 to vector<16xf32>
        %mul3A_299 = arith.mulf %mul3A_298, %add3A_250 : vector<16xf32>
        %select_n3A_300 = arith.select %gt3A_296, %add3A_250, %mul3A_299 : vector<16xi1>, vector<16xf32>
        %gt3A_301 = arith.constant 0.000000e+00 : f32
        %gt3A_302 = vector.broadcast %gt3A_301 : f32 to vector<16xf32>
        %gt3A_303 = arith.cmpf ogt, %add3A_251, %gt3A_302 : vector<16xf32>
        %mul3A_304 = arith.constant 2.000000e-01 : f32
        %mul3A_305 = vector.broadcast %mul3A_304 : f32 to vector<16xf32>
        %mul3A_306 = arith.mulf %mul3A_305, %add3A_251 : vector<16xf32>
        %select_n3A_307 = arith.select %gt3A_303, %add3A_251, %mul3A_306 : vector<16xi1>, vector<16xf32>
        %exp3A = math.exp %select_n3A_258 : vector<16xf32>
        %exp3A_308 = math.exp %select_n3A_265 : vector<16xf32>
        %exp3A_309 = math.exp %select_n3A_272 : vector<16xf32>
        %exp3A_310 = math.exp %select_n3A_279 : vector<16xf32>
        %exp3A_311 = math.exp %select_n3A_286 : vector<16xf32>
        %exp3A_312 = math.exp %select_n3A_293 : vector<16xf32>
        %exp3A_313 = math.exp %select_n3A_300 : vector<16xf32>
        %exp3A_314 = math.exp %select_n3A_307 : vector<16xf32>
        %broadcast_in_dim3A_315 = arith.constant 136 : i32
        %broadcast_in_dim3A_316 = vector.broadcast %broadcast_in_dim3A_315 : i32 to vector<16xi32>
        tpu.vector_store_idx %arg7[%add3A_197, %broadcast_in_dim3A_316], %exp3A : memref<240x144xf32, #tpu.memory_space<vmem>>[vector<16xi32>, vector<16xi32>], vector<16xf32>,
        %broadcast_in_dim3A_317 = arith.constant 137 : i32
        %broadcast_in_dim3A_318 = vector.broadcast %broadcast_in_dim3A_317 : i32 to vector<16xi32>
        tpu.vector_store_idx %arg7[%add3A_197, %broadcast_in_dim3A_318], %exp3A_308 : memref<240x144xf32, #tpu.memory_space<vmem>>[vector<16xi32>, vector<16xi32>], vector<16xf32>,
        %broadcast_in_dim3A_319 = arith.constant 138 : i32
        %broadcast_in_dim3A_320 = vector.broadcast %broadcast_in_dim3A_319 : i32 to vector<16xi32>
        tpu.vector_store_idx %arg7[%add3A_197, %broadcast_in_dim3A_320], %exp3A_309 : memref<240x144xf32, #tpu.memory_space<vmem>>[vector<16xi32>, vector<16xi32>], vector<16xf32>,
        %broadcast_in_dim3A_321 = arith.constant 139 : i32
        %broadcast_in_dim3A_322 = vector.broadcast %broadcast_in_dim3A_321 : i32 to vector<16xi32>
        tpu.vector_store_idx %arg7[%add3A_197, %broadcast_in_dim3A_322], %exp3A_310 : memref<240x144xf32, #tpu.memory_space<vmem>>[vector<16xi32>, vector<16xi32>], vector<16xf32>,
        %broadcast_in_dim3A_323 = arith.constant 140 : i32
        %broadcast_in_dim3A_324 = vector.broadcast %broadcast_in_dim3A_323 : i32 to vector<16xi32>
        tpu.vector_store_idx %arg7[%add3A_197, %broadcast_in_dim3A_324], %exp3A_311 : memref<240x144xf32, #tpu.memory_space<vmem>>[vector<16xi32>, vector<16xi32>], vector<16xf32>,
        %broadcast_in_dim3A_325 = arith.constant 141 : i32
        %broadcast_in_dim3A_326 = vector.broadcast %broadcast_in_dim3A_325 : i32 to vector<16xi32>
        tpu.vector_store_idx %arg7[%add3A_197, %broadcast_in_dim3A_326], %exp3A_312 : memref<240x144xf32, #tpu.memory_space<vmem>>[vector<16xi32>, vector<16xi32>], vector<16xf32>,
        %broadcast_in_dim3A_327 = arith.constant 142 : i32
        %broadcast_in_dim3A_328 = vector.broadcast %broadcast_in_dim3A_327 : i32 to vector<16xi32>
        tpu.vector_store_idx %arg7[%add3A_197, %broadcast_in_dim3A_328], %exp3A_313 : memref<240x144xf32, #tpu.memory_space<vmem>>[vector<16xi32>, vector<16xi32>], vector<16xf32>,
        %broadcast_in_dim3A_329 = arith.constant 143 : i32
        %broadcast_in_dim3A_330 = vector.broadcast %broadcast_in_dim3A_329 : i32 to vector<16xi32>
        tpu.vector_store_idx %arg7[%add3A_197, %broadcast_in_dim3A_330], %exp3A_314 : memref<240x144xf32, #tpu.memory_space<vmem>>[vector<16xi32>, vector<16xi32>], vector<16xf32>,
        %broadcast_in_dim3A_331 = arith.constant 0 : i32
        %broadcast_in_dim3A_332 = vector.broadcast %broadcast_in_dim3A_331 : i32 to vector<16xi32>
        %broadcast_in_dim3A_333 = arith.constant 1 : i32
        %broadcast_in_dim3A_334 = vector.broadcast %broadcast_in_dim3A_333 : i32 to vector<16xi32>
        %broadcast_in_dim3A_335 = arith.constant 2 : i32
        %broadcast_in_dim3A_336 = vector.broadcast %broadcast_in_dim3A_335 : i32 to vector<16xi32>
        %broadcast_in_dim3A_337 = arith.constant 3 : i32
        %broadcast_in_dim3A_338 = vector.broadcast %broadcast_in_dim3A_337 : i32 to vector<16xi32>
        %broadcast_in_dim3A_339 = arith.constant 4 : i32
        %broadcast_in_dim3A_340 = vector.broadcast %broadcast_in_dim3A_339 : i32 to vector<16xi32>
        %broadcast_in_dim3A_341 = arith.constant 5 : i32
        %broadcast_in_dim3A_342 = vector.broadcast %broadcast_in_dim3A_341 : i32 to vector<16xi32>
        %broadcast_in_dim3A_343 = arith.constant 6 : i32
        %broadcast_in_dim3A_344 = vector.broadcast %broadcast_in_dim3A_343 : i32 to vector<16xi32>
        %broadcast_in_dim3A_345 = arith.constant 7 : i32
        %broadcast_in_dim3A_346 = vector.broadcast %broadcast_in_dim3A_345 : i32 to vector<16xi32>
        %broadcast_in_dim3A_347 = arith.constant 8 : i32
        %broadcast_in_dim3A_348 = vector.broadcast %broadcast_in_dim3A_347 : i32 to vector<16xi32>
        %broadcast_in_dim3A_349 = arith.constant 9 : i32
        %broadcast_in_dim3A_350 = vector.broadcast %broadcast_in_dim3A_349 : i32 to vector<16xi32>
        %broadcast_in_dim3A_351 = arith.constant 10 : i32
        %broadcast_in_dim3A_352 = vector.broadcast %broadcast_in_dim3A_351 : i32 to vector<16xi32>
        %broadcast_in_dim3A_353 = arith.constant 11 : i32
        %broadcast_in_dim3A_354 = vector.broadcast %broadcast_in_dim3A_353 : i32 to vector<16xi32>
        %broadcast_in_dim3A_355 = arith.constant 12 : i32
        %broadcast_in_dim3A_356 = vector.broadcast %broadcast_in_dim3A_355 : i32 to vector<16xi32>
        %broadcast_in_dim3A_357 = arith.constant 13 : i32
        %broadcast_in_dim3A_358 = vector.broadcast %broadcast_in_dim3A_357 : i32 to vector<16xi32>
        %broadcast_in_dim3A_359 = arith.constant 14 : i32
        %broadcast_in_dim3A_360 = vector.broadcast %broadcast_in_dim3A_359 : i32 to vector<16xi32>
        %broadcast_in_dim3A_361 = arith.constant 15 : i32
        %broadcast_in_dim3A_362 = vector.broadcast %broadcast_in_dim3A_361 : i32 to vector<16xi32>
        %gather3A_363 = tpu.vector_load_idx %arg7[%add3A_197, %broadcast_in_dim3A_332] : memref<240x144xf32, #tpu.memory_space<vmem>>[vector<16xi32>, vector<16xi32>], vector<16xf32>,
        %gather3A_364 = tpu.vector_load_idx %arg7[%add3A_197, %broadcast_in_dim3A_334] : memref<240x144xf32, #tpu.memory_space<vmem>>[vector<16xi32>, vector<16xi32>], vector<16xf32>,
        %gather3A_365 = tpu.vector_load_idx %arg7[%add3A_197, %broadcast_in_dim3A_336] : memref<240x144xf32, #tpu.memory_space<vmem>>[vector<16xi32>, vector<16xi32>], vector<16xf32>,
        %gather3A_366 = tpu.vector_load_idx %arg7[%add3A_197, %broadcast_in_dim3A_338] : memref<240x144xf32, #tpu.memory_space<vmem>>[vector<16xi32>, vector<16xi32>], vector<16xf32>,
        %gather3A_367 = tpu.vector_load_idx %arg7[%add3A_197, %broadcast_in_dim3A_340] : memref<240x144xf32, #tpu.memory_space<vmem>>[vector<16xi32>, vector<16xi32>], vector<16xf32>,
        %gather3A_368 = tpu.vector_load_idx %arg7[%add3A_197, %broadcast_in_dim3A_342] : memref<240x144xf32, #tpu.memory_space<vmem>>[vector<16xi32>, vector<16xi32>], vector<16xf32>,
        %gather3A_369 = tpu.vector_load_idx %arg7[%add3A_197, %broadcast_in_dim3A_344] : memref<240x144xf32, #tpu.memory_space<vmem>>[vector<16xi32>, vector<16xi32>], vector<16xf32>,
        %gather3A_370 = tpu.vector_load_idx %arg7[%add3A_197, %broadcast_in_dim3A_346] : memref<240x144xf32, #tpu.memory_space<vmem>>[vector<16xi32>, vector<16xi32>], vector<16xf32>,
        %gather3A_371 = tpu.vector_load_idx %arg7[%add3A_197, %broadcast_in_dim3A_348] : memref<240x144xf32, #tpu.memory_space<vmem>>[vector<16xi32>, vector<16xi32>], vector<16xf32>,
        %gather3A_372 = tpu.vector_load_idx %arg7[%add3A_197, %broadcast_in_dim3A_350] : memref<240x144xf32, #tpu.memory_space<vmem>>[vector<16xi32>, vector<16xi32>], vector<16xf32>,
        %gather3A_373 = tpu.vector_load_idx %arg7[%add3A_197, %broadcast_in_dim3A_352] : memref<240x144xf32, #tpu.memory_space<vmem>>[vector<16xi32>, vector<16xi32>], vector<16xf32>,
        %gather3A_374 = tpu.vector_load_idx %arg7[%add3A_197, %broadcast_in_dim3A_354] : memref<240x144xf32, #tpu.memory_space<vmem>>[vector<16xi32>, vector<16xi32>], vector<16xf32>,
        %gather3A_375 = tpu.vector_load_idx %arg7[%add3A_197, %broadcast_in_dim3A_356] : memref<240x144xf32, #tpu.memory_space<vmem>>[vector<16xi32>, vector<16xi32>], vector<16xf32>,
        %gather3A_376 = tpu.vector_load_idx %arg7[%add3A_197, %broadcast_in_dim3A_358] : memref<240x144xf32, #tpu.memory_space<vmem>>[vector<16xi32>, vector<16xi32>], vector<16xf32>,
        %gather3A_377 = tpu.vector_load_idx %arg7[%add3A_197, %broadcast_in_dim3A_360] : memref<240x144xf32, #tpu.memory_space<vmem>>[vector<16xi32>, vector<16xi32>], vector<16xf32>,
        %gather3A_378 = tpu.vector_load_idx %arg7[%add3A_197, %broadcast_in_dim3A_362] : memref<240x144xf32, #tpu.memory_space<vmem>>[vector<16xi32>, vector<16xi32>], vector<16xf32>,
        %mul3A_379 = arith.mulf %gather3A_363, %exp3A : vector<16xf32>
        %mul3A_380 = arith.mulf %gather3A_364, %exp3A : vector<16xf32>
        %mul3A_381 = arith.mulf %gather3A_365, %exp3A : vector<16xf32>
        %mul3A_382 = arith.mulf %gather3A_366, %exp3A : vector<16xf32>
        %mul3A_383 = arith.mulf %gather3A_367, %exp3A : vector<16xf32>
        %mul3A_384 = arith.mulf %gather3A_368, %exp3A : vector<16xf32>
        %mul3A_385 = arith.mulf %gather3A_369, %exp3A : vector<16xf32>
        %mul3A_386 = arith.mulf %gather3A_370, %exp3A : vector<16xf32>
        %mul3A_387 = arith.mulf %gather3A_371, %exp3A : vector<16xf32>
        %mul3A_388 = arith.mulf %gather3A_372, %exp3A : vector<16xf32>
        %mul3A_389 = arith.mulf %gather3A_373, %exp3A : vector<16xf32>
        %mul3A_390 = arith.mulf %gather3A_374, %exp3A : vector<16xf32>
        %mul3A_391 = arith.mulf %gather3A_375, %exp3A : vector<16xf32>
        %mul3A_392 = arith.mulf %gather3A_376, %exp3A : vector<16xf32>
        %mul3A_393 = arith.mulf %gather3A_377, %exp3A : vector<16xf32>
        %mul3A_394 = arith.mulf %gather3A_378, %exp3A : vector<16xf32>
        tpu.vector_store_idx %arg7[%add3A_197, %broadcast_in_dim3A_332], %mul3A_379 : memref<240x144xf32, #tpu.memory_space<vmem>>[vector<16xi32>, vector<16xi32>], vector<16xf32>,
        tpu.vector_store_idx %arg7[%add3A_197, %broadcast_in_dim3A_334], %mul3A_380 : memref<240x144xf32, #tpu.memory_space<vmem>>[vector<16xi32>, vector<16xi32>], vector<16xf32>,
        tpu.vector_store_idx %arg7[%add3A_197, %broadcast_in_dim3A_336], %mul3A_381 : memref<240x144xf32, #tpu.memory_space<vmem>>[vector<16xi32>, vector<16xi32>], vector<16xf32>,
        tpu.vector_store_idx %arg7[%add3A_197, %broadcast_in_dim3A_338], %mul3A_382 : memref<240x144xf32, #tpu.memory_space<vmem>>[vector<16xi32>, vector<16xi32>], vector<16xf32>,
        tpu.vector_store_idx %arg7[%add3A_197, %broadcast_in_dim3A_340], %mul3A_383 : memref<240x144xf32, #tpu.memory_space<vmem>>[vector<16xi32>, vector<16xi32>], vector<16xf32>,
        tpu.vector_store_idx %arg7[%add3A_197, %broadcast_in_dim3A_342], %mul3A_384 : memref<240x144xf32, #tpu.memory_space<vmem>>[vector<16xi32>, vector<16xi32>], vector<16xf32>,
        tpu.vector_store_idx %arg7[%add3A_197, %broadcast_in_dim3A_344], %mul3A_385 : memref<240x144xf32, #tpu.memory_space<vmem>>[vector<16xi32>, vector<16xi32>], vector<16xf32>,
        tpu.vector_store_idx %arg7[%add3A_197, %broadcast_in_dim3A_346], %mul3A_386 : memref<240x144xf32, #tpu.memory_space<vmem>>[vector<16xi32>, vector<16xi32>], vector<16xf32>,
        tpu.vector_store_idx %arg7[%add3A_197, %broadcast_in_dim3A_348], %mul3A_387 : memref<240x144xf32, #tpu.memory_space<vmem>>[vector<16xi32>, vector<16xi32>], vector<16xf32>,
        tpu.vector_store_idx %arg7[%add3A_197, %broadcast_in_dim3A_350], %mul3A_388 : memref<240x144xf32, #tpu.memory_space<vmem>>[vector<16xi32>, vector<16xi32>], vector<16xf32>,
        tpu.vector_store_idx %arg7[%add3A_197, %broadcast_in_dim3A_352], %mul3A_389 : memref<240x144xf32, #tpu.memory_space<vmem>>[vector<16xi32>, vector<16xi32>], vector<16xf32>,
        tpu.vector_store_idx %arg7[%add3A_197, %broadcast_in_dim3A_354], %mul3A_390 : memref<240x144xf32, #tpu.memory_space<vmem>>[vector<16xi32>, vector<16xi32>], vector<16xf32>,
        tpu.vector_store_idx %arg7[%add3A_197, %broadcast_in_dim3A_356], %mul3A_391 : memref<240x144xf32, #tpu.memory_space<vmem>>[vector<16xi32>, vector<16xi32>], vector<16xf32>,
        tpu.vector_store_idx %arg7[%add3A_197, %broadcast_in_dim3A_358], %mul3A_392 : memref<240x144xf32, #tpu.memory_space<vmem>>[vector<16xi32>, vector<16xi32>], vector<16xf32>,
        tpu.vector_store_idx %arg7[%add3A_197, %broadcast_in_dim3A_360], %mul3A_393 : memref<240x144xf32, #tpu.memory_space<vmem>>[vector<16xi32>, vector<16xi32>], vector<16xf32>,
        tpu.vector_store_idx %arg7[%add3A_197, %broadcast_in_dim3A_362], %mul3A_394 : memref<240x144xf32, #tpu.memory_space<vmem>>[vector<16xi32>, vector<16xi32>], vector<16xf32>,
        %broadcast_in_dim3A_395 = arith.constant 16 : i32
        %broadcast_in_dim3A_396 = vector.broadcast %broadcast_in_dim3A_395 : i32 to vector<16xi32>
        %broadcast_in_dim3A_397 = arith.constant 17 : i32
        %broadcast_in_dim3A_398 = vector.broadcast %broadcast_in_dim3A_397 : i32 to vector<16xi32>
        %broadcast_in_dim3A_399 = arith.constant 18 : i32
        %broadcast_in_dim3A_400 = vector.broadcast %broadcast_in_dim3A_399 : i32 to vector<16xi32>
        %broadcast_in_dim3A_401 = arith.constant 19 : i32
        %broadcast_in_dim3A_402 = vector.broadcast %broadcast_in_dim3A_401 : i32 to vector<16xi32>
        %broadcast_in_dim3A_403 = arith.constant 20 : i32
        %broadcast_in_dim3A_404 = vector.broadcast %broadcast_in_dim3A_403 : i32 to vector<16xi32>
        %broadcast_in_dim3A_405 = arith.constant 21 : i32
        %broadcast_in_dim3A_406 = vector.broadcast %broadcast_in_dim3A_405 : i32 to vector<16xi32>
        %broadcast_in_dim3A_407 = arith.constant 22 : i32
        %broadcast_in_dim3A_408 = vector.broadcast %broadcast_in_dim3A_407 : i32 to vector<16xi32>
        %broadcast_in_dim3A_409 = arith.constant 23 : i32
        %broadcast_in_dim3A_410 = vector.broadcast %broadcast_in_dim3A_409 : i32 to vector<16xi32>
        %broadcast_in_dim3A_411 = arith.constant 24 : i32
        %broadcast_in_dim3A_412 = vector.broadcast %broadcast_in_dim3A_411 : i32 to vector<16xi32>
        %broadcast_in_dim3A_413 = arith.constant 25 : i32
        %broadcast_in_dim3A_414 = vector.broadcast %broadcast_in_dim3A_413 : i32 to vector<16xi32>
        %broadcast_in_dim3A_415 = arith.constant 26 : i32
        %broadcast_in_dim3A_416 = vector.broadcast %broadcast_in_dim3A_415 : i32 to vector<16xi32>
        %broadcast_in_dim3A_417 = arith.constant 27 : i32
        %broadcast_in_dim3A_418 = vector.broadcast %broadcast_in_dim3A_417 : i32 to vector<16xi32>
        %broadcast_in_dim3A_419 = arith.constant 28 : i32
        %broadcast_in_dim3A_420 = vector.broadcast %broadcast_in_dim3A_419 : i32 to vector<16xi32>
        %broadcast_in_dim3A_421 = arith.constant 29 : i32
        %broadcast_in_dim3A_422 = vector.broadcast %broadcast_in_dim3A_421 : i32 to vector<16xi32>
        %broadcast_in_dim3A_423 = arith.constant 30 : i32
        %broadcast_in_dim3A_424 = vector.broadcast %broadcast_in_dim3A_423 : i32 to vector<16xi32>
        %broadcast_in_dim3A_425 = arith.constant 31 : i32
        %broadcast_in_dim3A_426 = vector.broadcast %broadcast_in_dim3A_425 : i32 to vector<16xi32>
        %gather3A_427 = tpu.vector_load_idx %arg7[%add3A_197, %broadcast_in_dim3A_396] : memref<240x144xf32, #tpu.memory_space<vmem>>[vector<16xi32>, vector<16xi32>], vector<16xf32>,
        %gather3A_428 = tpu.vector_load_idx %arg7[%add3A_197, %broadcast_in_dim3A_398] : memref<240x144xf32, #tpu.memory_space<vmem>>[vector<16xi32>, vector<16xi32>], vector<16xf32>,
        %gather3A_429 = tpu.vector_load_idx %arg7[%add3A_197, %broadcast_in_dim3A_400] : memref<240x144xf32, #tpu.memory_space<vmem>>[vector<16xi32>, vector<16xi32>], vector<16xf32>,
        %gather3A_430 = tpu.vector_load_idx %arg7[%add3A_197, %broadcast_in_dim3A_402] : memref<240x144xf32, #tpu.memory_space<vmem>>[vector<16xi32>, vector<16xi32>], vector<16xf32>,
        %gather3A_431 = tpu.vector_load_idx %arg7[%add3A_197, %broadcast_in_dim3A_404] : memref<240x144xf32, #tpu.memory_space<vmem>>[vector<16xi32>, vector<16xi32>], vector<16xf32>,
        %gather3A_432 = tpu.vector_load_idx %arg7[%add3A_197, %broadcast_in_dim3A_406] : memref<240x144xf32, #tpu.memory_space<vmem>>[vector<16xi32>, vector<16xi32>], vector<16xf32>,
        %gather3A_433 = tpu.vector_load_idx %arg7[%add3A_197, %broadcast_in_dim3A_408] : memref<240x144xf32, #tpu.memory_space<vmem>>[vector<16xi32>, vector<16xi32>], vector<16xf32>,
        %gather3A_434 = tpu.vector_load_idx %arg7[%add3A_197, %broadcast_in_dim3A_410] : memref<240x144xf32, #tpu.memory_space<vmem>>[vector<16xi32>, vector<16xi32>], vector<16xf32>,
        %gather3A_435 = tpu.vector_load_idx %arg7[%add3A_197, %broadcast_in_dim3A_412] : memref<240x144xf32, #tpu.memory_space<vmem>>[vector<16xi32>, vector<16xi32>], vector<16xf32>,
        %gather3A_436 = tpu.vector_load_idx %arg7[%add3A_197, %broadcast_in_dim3A_414] : memref<240x144xf32, #tpu.memory_space<vmem>>[vector<16xi32>, vector<16xi32>], vector<16xf32>,
        %gather3A_437 = tpu.vector_load_idx %arg7[%add3A_197, %broadcast_in_dim3A_416] : memref<240x144xf32, #tpu.memory_space<vmem>>[vector<16xi32>, vector<16xi32>], vector<16xf32>,
        %gather3A_438 = tpu.vector_load_idx %arg7[%add3A_197, %broadcast_in_dim3A_418] : memref<240x144xf32, #tpu.memory_space<vmem>>[vector<16xi32>, vector<16xi32>], vector<16xf32>,
        %gather3A_439 = tpu.vector_load_idx %arg7[%add3A_197, %broadcast_in_dim3A_420] : memref<240x144xf32, #tpu.memory_space<vmem>>[vector<16xi32>, vector<16xi32>], vector<16xf32>,
        %gather3A_440 = tpu.vector_load_idx %arg7[%add3A_197, %broadcast_in_dim3A_422] : memref<240x144xf32, #tpu.memory_space<vmem>>[vector<16xi32>, vector<16xi32>], vector<16xf32>,
        %gather3A_441 = tpu.vector_load_idx %arg7[%add3A_197, %broadcast_in_dim3A_424] : memref<240x144xf32, #tpu.memory_space<vmem>>[vector<16xi32>, vector<16xi32>], vector<16xf32>,
        %gather3A_442 = tpu.vector_load_idx %arg7[%add3A_197, %broadcast_in_dim3A_426] : memref<240x144xf32, #tpu.memory_space<vmem>>[vector<16xi32>, vector<16xi32>], vector<16xf32>,
        %mul3A_443 = arith.mulf %gather3A_427, %exp3A_308 : vector<16xf32>
        %mul3A_444 = arith.mulf %gather3A_428, %exp3A_308 : vector<16xf32>
        %mul3A_445 = arith.mulf %gather3A_429, %exp3A_308 : vector<16xf32>
        %mul3A_446 = arith.mulf %gather3A_430, %exp3A_308 : vector<16xf32>
        %mul3A_447 = arith.mulf %gather3A_431, %exp3A_308 : vector<16xf32>
        %mul3A_448 = arith.mulf %gather3A_432, %exp3A_308 : vector<16xf32>
        %mul3A_449 = arith.mulf %gather3A_433, %exp3A_308 : vector<16xf32>
        %mul3A_450 = arith.mulf %gather3A_434, %exp3A_308 : vector<16xf32>
        %mul3A_451 = arith.mulf %gather3A_435, %exp3A_308 : vector<16xf32>
        %mul3A_452 = arith.mulf %gather3A_436, %exp3A_308 : vector<16xf32>
        %mul3A_453 = arith.mulf %gather3A_437, %exp3A_308 : vector<16xf32>
        %mul3A_454 = arith.mulf %gather3A_438, %exp3A_308 : vector<16xf32>
        %mul3A_455 = arith.mulf %gather3A_439, %exp3A_308 : vector<16xf32>
        %mul3A_456 = arith.mulf %gather3A_440, %exp3A_308 : vector<16xf32>
        %mul3A_457 = arith.mulf %gather3A_441, %exp3A_308 : vector<16xf32>
        %mul3A_458 = arith.mulf %gather3A_442, %exp3A_308 : vector<16xf32>
        tpu.vector_store_idx %arg7[%add3A_197, %broadcast_in_dim3A_396], %mul3A_443 : memref<240x144xf32, #tpu.memory_space<vmem>>[vector<16xi32>, vector<16xi32>], vector<16xf32>,
        tpu.vector_store_idx %arg7[%add3A_197, %broadcast_in_dim3A_398], %mul3A_444 : memref<240x144xf32, #tpu.memory_space<vmem>>[vector<16xi32>, vector<16xi32>], vector<16xf32>,
        tpu.vector_store_idx %arg7[%add3A_197, %broadcast_in_dim3A_400], %mul3A_445 : memref<240x144xf32, #tpu.memory_space<vmem>>[vector<16xi32>, vector<16xi32>], vector<16xf32>,
        tpu.vector_store_idx %arg7[%add3A_197, %broadcast_in_dim3A_402], %mul3A_446 : memref<240x144xf32, #tpu.memory_space<vmem>>[vector<16xi32>, vector<16xi32>], vector<16xf32>,
        tpu.vector_store_idx %arg7[%add3A_197, %broadcast_in_dim3A_404], %mul3A_447 : memref<240x144xf32, #tpu.memory_space<vmem>>[vector<16xi32>, vector<16xi32>], vector<16xf32>,
        tpu.vector_store_idx %arg7[%add3A_197, %broadcast_in_dim3A_406], %mul3A_448 : memref<240x144xf32, #tpu.memory_space<vmem>>[vector<16xi32>, vector<16xi32>], vector<16xf32>,
        tpu.vector_store_idx %arg7[%add3A_197, %broadcast_in_dim3A_408], %mul3A_449 : memref<240x144xf32, #tpu.memory_space<vmem>>[vector<16xi32>, vector<16xi32>], vector<16xf32>,
        tpu.vector_store_idx %arg7[%add3A_197, %broadcast_in_dim3A_410], %mul3A_450 : memref<240x144xf32, #tpu.memory_space<vmem>>[vector<16xi32>, vector<16xi32>], vector<16xf32>,
        tpu.vector_store_idx %arg7[%add3A_197, %broadcast_in_dim3A_412], %mul3A_451 : memref<240x144xf32, #tpu.memory_space<vmem>>[vector<16xi32>, vector<16xi32>], vector<16xf32>,
        tpu.vector_store_idx %arg7[%add3A_197, %broadcast_in_dim3A_414], %mul3A_452 : memref<240x144xf32, #tpu.memory_space<vmem>>[vector<16xi32>, vector<16xi32>], vector<16xf32>,
        tpu.vector_store_idx %arg7[%add3A_197, %broadcast_in_dim3A_416], %mul3A_453 : memref<240x144xf32, #tpu.memory_space<vmem>>[vector<16xi32>, vector<16xi32>], vector<16xf32>,
        tpu.vector_store_idx %arg7[%add3A_197, %broadcast_in_dim3A_418], %mul3A_454 : memref<240x144xf32, #tpu.memory_space<vmem>>[vector<16xi32>, vector<16xi32>], vector<16xf32>,
        tpu.vector_store_idx %arg7[%add3A_197, %broadcast_in_dim3A_420], %mul3A_455 : memref<240x144xf32, #tpu.memory_space<vmem>>[vector<16xi32>, vector<16xi32>], vector<16xf32>,
        tpu.vector_store_idx %arg7[%add3A_197, %broadcast_in_dim3A_422], %mul3A_456 : memref<240x144xf32, #tpu.memory_space<vmem>>[vector<16xi32>, vector<16xi32>], vector<16xf32>,
        tpu.vector_store_idx %arg7[%add3A_197, %broadcast_in_dim3A_424], %mul3A_457 : memref<240x144xf32, #tpu.memory_space<vmem>>[vector<16xi32>, vector<16xi32>], vector<16xf32>,
        tpu.vector_store_idx %arg7[%add3A_197, %broadcast_in_dim3A_426], %mul3A_458 : memref<240x144xf32, #tpu.memory_space<vmem>>[vector<16xi32>, vector<16xi32>], vector<16xf32>,
        %broadcast_in_dim3A_459 = arith.constant 32 : i32
        %broadcast_in_dim3A_460 = vector.broadcast %broadcast_in_dim3A_459 : i32 to vector<16xi32>
        %broadcast_in_dim3A_461 = arith.constant 33 : i32
        %broadcast_in_dim3A_462 = vector.broadcast %broadcast_in_dim3A_461 : i32 to vector<16xi32>
        %broadcast_in_dim3A_463 = arith.constant 34 : i32
        %broadcast_in_dim3A_464 = vector.broadcast %broadcast_in_dim3A_463 : i32 to vector<16xi32>
        %broadcast_in_dim3A_465 = arith.constant 35 : i32
        %broadcast_in_dim3A_466 = vector.broadcast %broadcast_in_dim3A_465 : i32 to vector<16xi32>
        %broadcast_in_dim3A_467 = arith.constant 36 : i32
        %broadcast_in_dim3A_468 = vector.broadcast %broadcast_in_dim3A_467 : i32 to vector<16xi32>
        %broadcast_in_dim3A_469 = arith.constant 37 : i32
        %broadcast_in_dim3A_470 = vector.broadcast %broadcast_in_dim3A_469 : i32 to vector<16xi32>
        %broadcast_in_dim3A_471 = arith.constant 38 : i32
        %broadcast_in_dim3A_472 = vector.broadcast %broadcast_in_dim3A_471 : i32 to vector<16xi32>
        %broadcast_in_dim3A_473 = arith.constant 39 : i32
        %broadcast_in_dim3A_474 = vector.broadcast %broadcast_in_dim3A_473 : i32 to vector<16xi32>
        %broadcast_in_dim3A_475 = arith.constant 40 : i32
        %broadcast_in_dim3A_476 = vector.broadcast %broadcast_in_dim3A_475 : i32 to vector<16xi32>
        %broadcast_in_dim3A_477 = arith.constant 41 : i32
        %broadcast_in_dim3A_478 = vector.broadcast %broadcast_in_dim3A_477 : i32 to vector<16xi32>
        %broadcast_in_dim3A_479 = arith.constant 42 : i32
        %broadcast_in_dim3A_480 = vector.broadcast %broadcast_in_dim3A_479 : i32 to vector<16xi32>
        %broadcast_in_dim3A_481 = arith.constant 43 : i32
        %broadcast_in_dim3A_482 = vector.broadcast %broadcast_in_dim3A_481 : i32 to vector<16xi32>
        %broadcast_in_dim3A_483 = arith.constant 44 : i32
        %broadcast_in_dim3A_484 = vector.broadcast %broadcast_in_dim3A_483 : i32 to vector<16xi32>
        %broadcast_in_dim3A_485 = arith.constant 45 : i32
        %broadcast_in_dim3A_486 = vector.broadcast %broadcast_in_dim3A_485 : i32 to vector<16xi32>
        %broadcast_in_dim3A_487 = arith.constant 46 : i32
        %broadcast_in_dim3A_488 = vector.broadcast %broadcast_in_dim3A_487 : i32 to vector<16xi32>
        %broadcast_in_dim3A_489 = arith.constant 47 : i32
        %broadcast_in_dim3A_490 = vector.broadcast %broadcast_in_dim3A_489 : i32 to vector<16xi32>
        %gather3A_491 = tpu.vector_load_idx %arg7[%add3A_197, %broadcast_in_dim3A_460] : memref<240x144xf32, #tpu.memory_space<vmem>>[vector<16xi32>, vector<16xi32>], vector<16xf32>,
        %gather3A_492 = tpu.vector_load_idx %arg7[%add3A_197, %broadcast_in_dim3A_462] : memref<240x144xf32, #tpu.memory_space<vmem>>[vector<16xi32>, vector<16xi32>], vector<16xf32>,
        %gather3A_493 = tpu.vector_load_idx %arg7[%add3A_197, %broadcast_in_dim3A_464] : memref<240x144xf32, #tpu.memory_space<vmem>>[vector<16xi32>, vector<16xi32>], vector<16xf32>,
        %gather3A_494 = tpu.vector_load_idx %arg7[%add3A_197, %broadcast_in_dim3A_466] : memref<240x144xf32, #tpu.memory_space<vmem>>[vector<16xi32>, vector<16xi32>], vector<16xf32>,
        %gather3A_495 = tpu.vector_load_idx %arg7[%add3A_197, %broadcast_in_dim3A_468] : memref<240x144xf32, #tpu.memory_space<vmem>>[vector<16xi32>, vector<16xi32>], vector<16xf32>,
        %gather3A_496 = tpu.vector_load_idx %arg7[%add3A_197, %broadcast_in_dim3A_470] : memref<240x144xf32, #tpu.memory_space<vmem>>[vector<16xi32>, vector<16xi32>], vector<16xf32>,
        %gather3A_497 = tpu.vector_load_idx %arg7[%add3A_197, %broadcast_in_dim3A_472] : memref<240x144xf32, #tpu.memory_space<vmem>>[vector<16xi32>, vector<16xi32>], vector<16xf32>,
        %gather3A_498 = tpu.vector_load_idx %arg7[%add3A_197, %broadcast_in_dim3A_474] : memref<240x144xf32, #tpu.memory_space<vmem>>[vector<16xi32>, vector<16xi32>], vector<16xf32>,
        %gather3A_499 = tpu.vector_load_idx %arg7[%add3A_197, %broadcast_in_dim3A_476] : memref<240x144xf32, #tpu.memory_space<vmem>>[vector<16xi32>, vector<16xi32>], vector<16xf32>,
        %gather3A_500 = tpu.vector_load_idx %arg7[%add3A_197, %broadcast_in_dim3A_478] : memref<240x144xf32, #tpu.memory_space<vmem>>[vector<16xi32>, vector<16xi32>], vector<16xf32>,
        %gather3A_501 = tpu.vector_load_idx %arg7[%add3A_197, %broadcast_in_dim3A_480] : memref<240x144xf32, #tpu.memory_space<vmem>>[vector<16xi32>, vector<16xi32>], vector<16xf32>,
        %gather3A_502 = tpu.vector_load_idx %arg7[%add3A_197, %broadcast_in_dim3A_482] : memref<240x144xf32, #tpu.memory_space<vmem>>[vector<16xi32>, vector<16xi32>], vector<16xf32>,
        %gather3A_503 = tpu.vector_load_idx %arg7[%add3A_197, %broadcast_in_dim3A_484] : memref<240x144xf32, #tpu.memory_space<vmem>>[vector<16xi32>, vector<16xi32>], vector<16xf32>,
        %gather3A_504 = tpu.vector_load_idx %arg7[%add3A_197, %broadcast_in_dim3A_486] : memref<240x144xf32, #tpu.memory_space<vmem>>[vector<16xi32>, vector<16xi32>], vector<16xf32>,
        %gather3A_505 = tpu.vector_load_idx %arg7[%add3A_197, %broadcast_in_dim3A_488] : memref<240x144xf32, #tpu.memory_space<vmem>>[vector<16xi32>, vector<16xi32>], vector<16xf32>,
        %gather3A_506 = tpu.vector_load_idx %arg7[%add3A_197, %broadcast_in_dim3A_490] : memref<240x144xf32, #tpu.memory_space<vmem>>[vector<16xi32>, vector<16xi32>], vector<16xf32>,
        %mul3A_507 = arith.mulf %gather3A_491, %exp3A_309 : vector<16xf32>
        %mul3A_508 = arith.mulf %gather3A_492, %exp3A_309 : vector<16xf32>
        %mul3A_509 = arith.mulf %gather3A_493, %exp3A_309 : vector<16xf32>
        %mul3A_510 = arith.mulf %gather3A_494, %exp3A_309 : vector<16xf32>
        %mul3A_511 = arith.mulf %gather3A_495, %exp3A_309 : vector<16xf32>
        %mul3A_512 = arith.mulf %gather3A_496, %exp3A_309 : vector<16xf32>
        %mul3A_513 = arith.mulf %gather3A_497, %exp3A_309 : vector<16xf32>
        %mul3A_514 = arith.mulf %gather3A_498, %exp3A_309 : vector<16xf32>
        %mul3A_515 = arith.mulf %gather3A_499, %exp3A_309 : vector<16xf32>
        %mul3A_516 = arith.mulf %gather3A_500, %exp3A_309 : vector<16xf32>
        %mul3A_517 = arith.mulf %gather3A_501, %exp3A_309 : vector<16xf32>
        %mul3A_518 = arith.mulf %gather3A_502, %exp3A_309 : vector<16xf32>
        %mul3A_519 = arith.mulf %gather3A_503, %exp3A_309 : vector<16xf32>
        %mul3A_520 = arith.mulf %gather3A_504, %exp3A_309 : vector<16xf32>
        %mul3A_521 = arith.mulf %gather3A_505, %exp3A_309 : vector<16xf32>
        %mul3A_522 = arith.mulf %gather3A_506, %exp3A_309 : vector<16xf32>
        tpu.vector_store_idx %arg7[%add3A_197, %broadcast_in_dim3A_460], %mul3A_507 : memref<240x144xf32, #tpu.memory_space<vmem>>[vector<16xi32>, vector<16xi32>], vector<16xf32>,
        tpu.vector_store_idx %arg7[%add3A_197, %broadcast_in_dim3A_462], %mul3A_508 : memref<240x144xf32, #tpu.memory_space<vmem>>[vector<16xi32>, vector<16xi32>], vector<16xf32>,
        tpu.vector_store_idx %arg7[%add3A_197, %broadcast_in_dim3A_464], %mul3A_509 : memref<240x144xf32, #tpu.memory_space<vmem>>[vector<16xi32>, vector<16xi32>], vector<16xf32>,
        tpu.vector_store_idx %arg7[%add3A_197, %broadcast_in_dim3A_466], %mul3A_510 : memref<240x144xf32, #tpu.memory_space<vmem>>[vector<16xi32>, vector<16xi32>], vector<16xf32>,
        tpu.vector_store_idx %arg7[%add3A_197, %broadcast_in_dim3A_468], %mul3A_511 : memref<240x144xf32, #tpu.memory_space<vmem>>[vector<16xi32>, vector<16xi32>], vector<16xf32>,
        tpu.vector_store_idx %arg7[%add3A_197, %broadcast_in_dim3A_470], %mul3A_512 : memref<240x144xf32, #tpu.memory_space<vmem>>[vector<16xi32>, vector<16xi32>], vector<16xf32>,
        tpu.vector_store_idx %arg7[%add3A_197, %broadcast_in_dim3A_472], %mul3A_513 : memref<240x144xf32, #tpu.memory_space<vmem>>[vector<16xi32>, vector<16xi32>], vector<16xf32>,
        tpu.vector_store_idx %arg7[%add3A_197, %broadcast_in_dim3A_474], %mul3A_514 : memref<240x144xf32, #tpu.memory_space<vmem>>[vector<16xi32>, vector<16xi32>], vector<16xf32>,
        tpu.vector_store_idx %arg7[%add3A_197, %broadcast_in_dim3A_476], %mul3A_515 : memref<240x144xf32, #tpu.memory_space<vmem>>[vector<16xi32>, vector<16xi32>], vector<16xf32>,
        tpu.vector_store_idx %arg7[%add3A_197, %broadcast_in_dim3A_478], %mul3A_516 : memref<240x144xf32, #tpu.memory_space<vmem>>[vector<16xi32>, vector<16xi32>], vector<16xf32>,
        tpu.vector_store_idx %arg7[%add3A_197, %broadcast_in_dim3A_480], %mul3A_517 : memref<240x144xf32, #tpu.memory_space<vmem>>[vector<16xi32>, vector<16xi32>], vector<16xf32>,
        tpu.vector_store_idx %arg7[%add3A_197, %broadcast_in_dim3A_482], %mul3A_518 : memref<240x144xf32, #tpu.memory_space<vmem>>[vector<16xi32>, vector<16xi32>], vector<16xf32>,
        tpu.vector_store_idx %arg7[%add3A_197, %broadcast_in_dim3A_484], %mul3A_519 : memref<240x144xf32, #tpu.memory_space<vmem>>[vector<16xi32>, vector<16xi32>], vector<16xf32>,
        tpu.vector_store_idx %arg7[%add3A_197, %broadcast_in_dim3A_486], %mul3A_520 : memref<240x144xf32, #tpu.memory_space<vmem>>[vector<16xi32>, vector<16xi32>], vector<16xf32>,
        tpu.vector_store_idx %arg7[%add3A_197, %broadcast_in_dim3A_488], %mul3A_521 : memref<240x144xf32, #tpu.memory_space<vmem>>[vector<16xi32>, vector<16xi32>], vector<16xf32>,
        tpu.vector_store_idx %arg7[%add3A_197, %broadcast_in_dim3A_490], %mul3A_522 : memref<240x144xf32, #tpu.memory_space<vmem>>[vector<16xi32>, vector<16xi32>], vector<16xf32>,
        %broadcast_in_dim3A_523 = arith.constant 48 : i32
        %broadcast_in_dim3A_524 = vector.broadcast %broadcast_in_dim3A_523 : i32 to vector<16xi32>
        %broadcast_in_dim3A_525 = arith.constant 49 : i32
        %broadcast_in_dim3A_526 = vector.broadcast %broadcast_in_dim3A_525 : i32 to vector<16xi32>
        %broadcast_in_dim3A_527 = arith.constant 50 : i32
        %broadcast_in_dim3A_528 = vector.broadcast %broadcast_in_dim3A_527 : i32 to vector<16xi32>
        %broadcast_in_dim3A_529 = arith.constant 51 : i32
        %broadcast_in_dim3A_530 = vector.broadcast %broadcast_in_dim3A_529 : i32 to vector<16xi32>
        %broadcast_in_dim3A_531 = arith.constant 52 : i32
        %broadcast_in_dim3A_532 = vector.broadcast %broadcast_in_dim3A_531 : i32 to vector<16xi32>
        %broadcast_in_dim3A_533 = arith.constant 53 : i32
        %broadcast_in_dim3A_534 = vector.broadcast %broadcast_in_dim3A_533 : i32 to vector<16xi32>
        %broadcast_in_dim3A_535 = arith.constant 54 : i32
        %broadcast_in_dim3A_536 = vector.broadcast %broadcast_in_dim3A_535 : i32 to vector<16xi32>
        %broadcast_in_dim3A_537 = arith.constant 55 : i32
        %broadcast_in_dim3A_538 = vector.broadcast %broadcast_in_dim3A_537 : i32 to vector<16xi32>
        %broadcast_in_dim3A_539 = arith.constant 56 : i32
        %broadcast_in_dim3A_540 = vector.broadcast %broadcast_in_dim3A_539 : i32 to vector<16xi32>
        %broadcast_in_dim3A_541 = arith.constant 57 : i32
        %broadcast_in_dim3A_542 = vector.broadcast %broadcast_in_dim3A_541 : i32 to vector<16xi32>
        %broadcast_in_dim3A_543 = arith.constant 58 : i32
        %broadcast_in_dim3A_544 = vector.broadcast %broadcast_in_dim3A_543 : i32 to vector<16xi32>
        %broadcast_in_dim3A_545 = arith.constant 59 : i32
        %broadcast_in_dim3A_546 = vector.broadcast %broadcast_in_dim3A_545 : i32 to vector<16xi32>
        %broadcast_in_dim3A_547 = arith.constant 60 : i32
        %broadcast_in_dim3A_548 = vector.broadcast %broadcast_in_dim3A_547 : i32 to vector<16xi32>
        %broadcast_in_dim3A_549 = arith.constant 61 : i32
        %broadcast_in_dim3A_550 = vector.broadcast %broadcast_in_dim3A_549 : i32 to vector<16xi32>
        %broadcast_in_dim3A_551 = arith.constant 62 : i32
        %broadcast_in_dim3A_552 = vector.broadcast %broadcast_in_dim3A_551 : i32 to vector<16xi32>
        %broadcast_in_dim3A_553 = arith.constant 63 : i32
        %broadcast_in_dim3A_554 = vector.broadcast %broadcast_in_dim3A_553 : i32 to vector<16xi32>
        %gather3A_555 = tpu.vector_load_idx %arg7[%add3A_197, %broadcast_in_dim3A_524] : memref<240x144xf32, #tpu.memory_space<vmem>>[vector<16xi32>, vector<16xi32>], vector<16xf32>,
        %gather3A_556 = tpu.vector_load_idx %arg7[%add3A_197, %broadcast_in_dim3A_526] : memref<240x144xf32, #tpu.memory_space<vmem>>[vector<16xi32>, vector<16xi32>], vector<16xf32>,
        %gather3A_557 = tpu.vector_load_idx %arg7[%add3A_197, %broadcast_in_dim3A_528] : memref<240x144xf32, #tpu.memory_space<vmem>>[vector<16xi32>, vector<16xi32>], vector<16xf32>,
        %gather3A_558 = tpu.vector_load_idx %arg7[%add3A_197, %broadcast_in_dim3A_530] : memref<240x144xf32, #tpu.memory_space<vmem>>[vector<16xi32>, vector<16xi32>], vector<16xf32>,
        %gather3A_559 = tpu.vector_load_idx %arg7[%add3A_197, %broadcast_in_dim3A_532] : memref<240x144xf32, #tpu.memory_space<vmem>>[vector<16xi32>, vector<16xi32>], vector<16xf32>,
        %gather3A_560 = tpu.vector_load_idx %arg7[%add3A_197, %broadcast_in_dim3A_534] : memref<240x144xf32, #tpu.memory_space<vmem>>[vector<16xi32>, vector<16xi32>], vector<16xf32>,
        %gather3A_561 = tpu.vector_load_idx %arg7[%add3A_197, %broadcast_in_dim3A_536] : memref<240x144xf32, #tpu.memory_space<vmem>>[vector<16xi32>, vector<16xi32>], vector<16xf32>,
        %gather3A_562 = tpu.vector_load_idx %arg7[%add3A_197, %broadcast_in_dim3A_538] : memref<240x144xf32, #tpu.memory_space<vmem>>[vector<16xi32>, vector<16xi32>], vector<16xf32>,
        %gather3A_563 = tpu.vector_load_idx %arg7[%add3A_197, %broadcast_in_dim3A_540] : memref<240x144xf32, #tpu.memory_space<vmem>>[vector<16xi32>, vector<16xi32>], vector<16xf32>,
        %gather3A_564 = tpu.vector_load_idx %arg7[%add3A_197, %broadcast_in_dim3A_542] : memref<240x144xf32, #tpu.memory_space<vmem>>[vector<16xi32>, vector<16xi32>], vector<16xf32>,
        %gather3A_565 = tpu.vector_load_idx %arg7[%add3A_197, %broadcast_in_dim3A_544] : memref<240x144xf32, #tpu.memory_space<vmem>>[vector<16xi32>, vector<16xi32>], vector<16xf32>,
        %gather3A_566 = tpu.vector_load_idx %arg7[%add3A_197, %broadcast_in_dim3A_546] : memref<240x144xf32, #tpu.memory_space<vmem>>[vector<16xi32>, vector<16xi32>], vector<16xf32>,
        %gather3A_567 = tpu.vector_load_idx %arg7[%add3A_197, %broadcast_in_dim3A_548] : memref<240x144xf32, #tpu.memory_space<vmem>>[vector<16xi32>, vector<16xi32>], vector<16xf32>,
        %gather3A_568 = tpu.vector_load_idx %arg7[%add3A_197, %broadcast_in_dim3A_550] : memref<240x144xf32, #tpu.memory_space<vmem>>[vector<16xi32>, vector<16xi32>], vector<16xf32>,
        %gather3A_569 = tpu.vector_load_idx %arg7[%add3A_197, %broadcast_in_dim3A_552] : memref<240x144xf32, #tpu.memory_space<vmem>>[vector<16xi32>, vector<16xi32>], vector<16xf32>,
        %gather3A_570 = tpu.vector_load_idx %arg7[%add3A_197, %broadcast_in_dim3A_554] : memref<240x144xf32, #tpu.memory_space<vmem>>[vector<16xi32>, vector<16xi32>], vector<16xf32>,
        %mul3A_571 = arith.mulf %gather3A_555, %exp3A_310 : vector<16xf32>
        %mul3A_572 = arith.mulf %gather3A_556, %exp3A_310 : vector<16xf32>
        %mul3A_573 = arith.mulf %gather3A_557, %exp3A_310 : vector<16xf32>
        %mul3A_574 = arith.mulf %gather3A_558, %exp3A_310 : vector<16xf32>
        %mul3A_575 = arith.mulf %gather3A_559, %exp3A_310 : vector<16xf32>
        %mul3A_576 = arith.mulf %gather3A_560, %exp3A_310 : vector<16xf32>
        %mul3A_577 = arith.mulf %gather3A_561, %exp3A_310 : vector<16xf32>
        %mul3A_578 = arith.mulf %gather3A_562, %exp3A_310 : vector<16xf32>
        %mul3A_579 = arith.mulf %gather3A_563, %exp3A_310 : vector<16xf32>
        %mul3A_580 = arith.mulf %gather3A_564, %exp3A_310 : vector<16xf32>
        %mul3A_581 = arith.mulf %gather3A_565, %exp3A_310 : vector<16xf32>
        %mul3A_582 = arith.mulf %gather3A_566, %exp3A_310 : vector<16xf32>
        %mul3A_583 = arith.mulf %gather3A_567, %exp3A_310 : vector<16xf32>
        %mul3A_584 = arith.mulf %gather3A_568, %exp3A_310 : vector<16xf32>
        %mul3A_585 = arith.mulf %gather3A_569, %exp3A_310 : vector<16xf32>
        %mul3A_586 = arith.mulf %gather3A_570, %exp3A_310 : vector<16xf32>
        tpu.vector_store_idx %arg7[%add3A_197, %broadcast_in_dim3A_524], %mul3A_571 : memref<240x144xf32, #tpu.memory_space<vmem>>[vector<16xi32>, vector<16xi32>], vector<16xf32>,
        tpu.vector_store_idx %arg7[%add3A_197, %broadcast_in_dim3A_526], %mul3A_572 : memref<240x144xf32, #tpu.memory_space<vmem>>[vector<16xi32>, vector<16xi32>], vector<16xf32>,
        tpu.vector_store_idx %arg7[%add3A_197, %broadcast_in_dim3A_528], %mul3A_573 : memref<240x144xf32, #tpu.memory_space<vmem>>[vector<16xi32>, vector<16xi32>], vector<16xf32>,
        tpu.vector_store_idx %arg7[%add3A_197, %broadcast_in_dim3A_530], %mul3A_574 : memref<240x144xf32, #tpu.memory_space<vmem>>[vector<16xi32>, vector<16xi32>], vector<16xf32>,
        tpu.vector_store_idx %arg7[%add3A_197, %broadcast_in_dim3A_532], %mul3A_575 : memref<240x144xf32, #tpu.memory_space<vmem>>[vector<16xi32>, vector<16xi32>], vector<16xf32>,
        tpu.vector_store_idx %arg7[%add3A_197, %broadcast_in_dim3A_534], %mul3A_576 : memref<240x144xf32, #tpu.memory_space<vmem>>[vector<16xi32>, vector<16xi32>], vector<16xf32>,
        tpu.vector_store_idx %arg7[%add3A_197, %broadcast_in_dim3A_536], %mul3A_577 : memref<240x144xf32, #tpu.memory_space<vmem>>[vector<16xi32>, vector<16xi32>], vector<16xf32>,
        tpu.vector_store_idx %arg7[%add3A_197, %broadcast_in_dim3A_538], %mul3A_578 : memref<240x144xf32, #tpu.memory_space<vmem>>[vector<16xi32>, vector<16xi32>], vector<16xf32>,
        tpu.vector_store_idx %arg7[%add3A_197, %broadcast_in_dim3A_540], %mul3A_579 : memref<240x144xf32, #tpu.memory_space<vmem>>[vector<16xi32>, vector<16xi32>], vector<16xf32>,
        tpu.vector_store_idx %arg7[%add3A_197, %broadcast_in_dim3A_542], %mul3A_580 : memref<240x144xf32, #tpu.memory_space<vmem>>[vector<16xi32>, vector<16xi32>], vector<16xf32>,
        tpu.vector_store_idx %arg7[%add3A_197, %broadcast_in_dim3A_544], %mul3A_581 : memref<240x144xf32, #tpu.memory_space<vmem>>[vector<16xi32>, vector<16xi32>], vector<16xf32>,
        tpu.vector_store_idx %arg7[%add3A_197, %broadcast_in_dim3A_546], %mul3A_582 : memref<240x144xf32, #tpu.memory_space<vmem>>[vector<16xi32>, vector<16xi32>], vector<16xf32>,
        tpu.vector_store_idx %arg7[%add3A_197, %broadcast_in_dim3A_548], %mul3A_583 : memref<240x144xf32, #tpu.memory_space<vmem>>[vector<16xi32>, vector<16xi32>], vector<16xf32>,
        tpu.vector_store_idx %arg7[%add3A_197, %broadcast_in_dim3A_550], %mul3A_584 : memref<240x144xf32, #tpu.memory_space<vmem>>[vector<16xi32>, vector<16xi32>], vector<16xf32>,
        tpu.vector_store_idx %arg7[%add3A_197, %broadcast_in_dim3A_552], %mul3A_585 : memref<240x144xf32, #tpu.memory_space<vmem>>[vector<16xi32>, vector<16xi32>], vector<16xf32>,
        tpu.vector_store_idx %arg7[%add3A_197, %broadcast_in_dim3A_554], %mul3A_586 : memref<240x144xf32, #tpu.memory_space<vmem>>[vector<16xi32>, vector<16xi32>], vector<16xf32>,
        %broadcast_in_dim3A_587 = arith.constant 64 : i32
        %broadcast_in_dim3A_588 = vector.broadcast %broadcast_in_dim3A_587 : i32 to vector<16xi32>
        %broadcast_in_dim3A_589 = arith.constant 65 : i32
        %broadcast_in_dim3A_590 = vector.broadcast %broadcast_in_dim3A_589 : i32 to vector<16xi32>
        %broadcast_in_dim3A_591 = arith.constant 66 : i32
        %broadcast_in_dim3A_592 = vector.broadcast %broadcast_in_dim3A_591 : i32 to vector<16xi32>
        %broadcast_in_dim3A_593 = arith.constant 67 : i32
        %broadcast_in_dim3A_594 = vector.broadcast %broadcast_in_dim3A_593 : i32 to vector<16xi32>
        %broadcast_in_dim3A_595 = arith.constant 68 : i32
        %broadcast_in_dim3A_596 = vector.broadcast %broadcast_in_dim3A_595 : i32 to vector<16xi32>
        %broadcast_in_dim3A_597 = arith.constant 69 : i32
        %broadcast_in_dim3A_598 = vector.broadcast %broadcast_in_dim3A_597 : i32 to vector<16xi32>
        %broadcast_in_dim3A_599 = arith.constant 70 : i32
        %broadcast_in_dim3A_600 = vector.broadcast %broadcast_in_dim3A_599 : i32 to vector<16xi32>
        %broadcast_in_dim3A_601 = arith.constant 71 : i32
        %broadcast_in_dim3A_602 = vector.broadcast %broadcast_in_dim3A_601 : i32 to vector<16xi32>
        %broadcast_in_dim3A_603 = arith.constant 72 : i32
        %broadcast_in_dim3A_604 = vector.broadcast %broadcast_in_dim3A_603 : i32 to vector<16xi32>
        %broadcast_in_dim3A_605 = arith.constant 73 : i32
        %broadcast_in_dim3A_606 = vector.broadcast %broadcast_in_dim3A_605 : i32 to vector<16xi32>
        %broadcast_in_dim3A_607 = arith.constant 74 : i32
        %broadcast_in_dim3A_608 = vector.broadcast %broadcast_in_dim3A_607 : i32 to vector<16xi32>
        %broadcast_in_dim3A_609 = arith.constant 75 : i32
        %broadcast_in_dim3A_610 = vector.broadcast %broadcast_in_dim3A_609 : i32 to vector<16xi32>
        %broadcast_in_dim3A_611 = arith.constant 76 : i32
        %broadcast_in_dim3A_612 = vector.broadcast %broadcast_in_dim3A_611 : i32 to vector<16xi32>
        %broadcast_in_dim3A_613 = arith.constant 77 : i32
        %broadcast_in_dim3A_614 = vector.broadcast %broadcast_in_dim3A_613 : i32 to vector<16xi32>
        %broadcast_in_dim3A_615 = arith.constant 78 : i32
        %broadcast_in_dim3A_616 = vector.broadcast %broadcast_in_dim3A_615 : i32 to vector<16xi32>
        %broadcast_in_dim3A_617 = arith.constant 79 : i32
        %broadcast_in_dim3A_618 = vector.broadcast %broadcast_in_dim3A_617 : i32 to vector<16xi32>
        %gather3A_619 = tpu.vector_load_idx %arg7[%add3A_197, %broadcast_in_dim3A_588] : memref<240x144xf32, #tpu.memory_space<vmem>>[vector<16xi32>, vector<16xi32>], vector<16xf32>,
        %gather3A_620 = tpu.vector_load_idx %arg7[%add3A_197, %broadcast_in_dim3A_590] : memref<240x144xf32, #tpu.memory_space<vmem>>[vector<16xi32>, vector<16xi32>], vector<16xf32>,
        %gather3A_621 = tpu.vector_load_idx %arg7[%add3A_197, %broadcast_in_dim3A_592] : memref<240x144xf32, #tpu.memory_space<vmem>>[vector<16xi32>, vector<16xi32>], vector<16xf32>,
        %gather3A_622 = tpu.vector_load_idx %arg7[%add3A_197, %broadcast_in_dim3A_594] : memref<240x144xf32, #tpu.memory_space<vmem>>[vector<16xi32>, vector<16xi32>], vector<16xf32>,
        %gather3A_623 = tpu.vector_load_idx %arg7[%add3A_197, %broadcast_in_dim3A_596] : memref<240x144xf32, #tpu.memory_space<vmem>>[vector<16xi32>, vector<16xi32>], vector<16xf32>,
        %gather3A_624 = tpu.vector_load_idx %arg7[%add3A_197, %broadcast_in_dim3A_598] : memref<240x144xf32, #tpu.memory_space<vmem>>[vector<16xi32>, vector<16xi32>], vector<16xf32>,
        %gather3A_625 = tpu.vector_load_idx %arg7[%add3A_197, %broadcast_in_dim3A_600] : memref<240x144xf32, #tpu.memory_space<vmem>>[vector<16xi32>, vector<16xi32>], vector<16xf32>,
        %gather3A_626 = tpu.vector_load_idx %arg7[%add3A_197, %broadcast_in_dim3A_602] : memref<240x144xf32, #tpu.memory_space<vmem>>[vector<16xi32>, vector<16xi32>], vector<16xf32>,
        %gather3A_627 = tpu.vector_load_idx %arg7[%add3A_197, %broadcast_in_dim3A_604] : memref<240x144xf32, #tpu.memory_space<vmem>>[vector<16xi32>, vector<16xi32>], vector<16xf32>,
        %gather3A_628 = tpu.vector_load_idx %arg7[%add3A_197, %broadcast_in_dim3A_606] : memref<240x144xf32, #tpu.memory_space<vmem>>[vector<16xi32>, vector<16xi32>], vector<16xf32>,
        %gather3A_629 = tpu.vector_load_idx %arg7[%add3A_197, %broadcast_in_dim3A_608] : memref<240x144xf32, #tpu.memory_space<vmem>>[vector<16xi32>, vector<16xi32>], vector<16xf32>,
        %gather3A_630 = tpu.vector_load_idx %arg7[%add3A_197, %broadcast_in_dim3A_610] : memref<240x144xf32, #tpu.memory_space<vmem>>[vector<16xi32>, vector<16xi32>], vector<16xf32>,
        %gather3A_631 = tpu.vector_load_idx %arg7[%add3A_197, %broadcast_in_dim3A_612] : memref<240x144xf32, #tpu.memory_space<vmem>>[vector<16xi32>, vector<16xi32>], vector<16xf32>,
        %gather3A_632 = tpu.vector_load_idx %arg7[%add3A_197, %broadcast_in_dim3A_614] : memref<240x144xf32, #tpu.memory_space<vmem>>[vector<16xi32>, vector<16xi32>], vector<16xf32>,
        %gather3A_633 = tpu.vector_load_idx %arg7[%add3A_197, %broadcast_in_dim3A_616] : memref<240x144xf32, #tpu.memory_space<vmem>>[vector<16xi32>, vector<16xi32>], vector<16xf32>,
        %gather3A_634 = tpu.vector_load_idx %arg7[%add3A_197, %broadcast_in_dim3A_618] : memref<240x144xf32, #tpu.memory_space<vmem>>[vector<16xi32>, vector<16xi32>], vector<16xf32>,
        %mul3A_635 = arith.mulf %gather3A_619, %exp3A_311 : vector<16xf32>
        %mul3A_636 = arith.mulf %gather3A_620, %exp3A_311 : vector<16xf32>
        %mul3A_637 = arith.mulf %gather3A_621, %exp3A_311 : vector<16xf32>
        %mul3A_638 = arith.mulf %gather3A_622, %exp3A_311 : vector<16xf32>
        %mul3A_639 = arith.mulf %gather3A_623, %exp3A_311 : vector<16xf32>
        %mul3A_640 = arith.mulf %gather3A_624, %exp3A_311 : vector<16xf32>
        %mul3A_641 = arith.mulf %gather3A_625, %exp3A_311 : vector<16xf32>
        %mul3A_642 = arith.mulf %gather3A_626, %exp3A_311 : vector<16xf32>
        %mul3A_643 = arith.mulf %gather3A_627, %exp3A_311 : vector<16xf32>
        %mul3A_644 = arith.mulf %gather3A_628, %exp3A_311 : vector<16xf32>
        %mul3A_645 = arith.mulf %gather3A_629, %exp3A_311 : vector<16xf32>
        %mul3A_646 = arith.mulf %gather3A_630, %exp3A_311 : vector<16xf32>
        %mul3A_647 = arith.mulf %gather3A_631, %exp3A_311 : vector<16xf32>
        %mul3A_648 = arith.mulf %gather3A_632, %exp3A_311 : vector<16xf32>
        %mul3A_649 = arith.mulf %gather3A_633, %exp3A_311 : vector<16xf32>
        %mul3A_650 = arith.mulf %gather3A_634, %exp3A_311 : vector<16xf32>
        tpu.vector_store_idx %arg7[%add3A_197, %broadcast_in_dim3A_588], %mul3A_635 : memref<240x144xf32, #tpu.memory_space<vmem>>[vector<16xi32>, vector<16xi32>], vector<16xf32>,
        tpu.vector_store_idx %arg7[%add3A_197, %broadcast_in_dim3A_590], %mul3A_636 : memref<240x144xf32, #tpu.memory_space<vmem>>[vector<16xi32>, vector<16xi32>], vector<16xf32>,
        tpu.vector_store_idx %arg7[%add3A_197, %broadcast_in_dim3A_592], %mul3A_637 : memref<240x144xf32, #tpu.memory_space<vmem>>[vector<16xi32>, vector<16xi32>], vector<16xf32>,
        tpu.vector_store_idx %arg7[%add3A_197, %broadcast_in_dim3A_594], %mul3A_638 : memref<240x144xf32, #tpu.memory_space<vmem>>[vector<16xi32>, vector<16xi32>], vector<16xf32>,
        tpu.vector_store_idx %arg7[%add3A_197, %broadcast_in_dim3A_596], %mul3A_639 : memref<240x144xf32, #tpu.memory_space<vmem>>[vector<16xi32>, vector<16xi32>], vector<16xf32>,
        tpu.vector_store_idx %arg7[%add3A_197, %broadcast_in_dim3A_598], %mul3A_640 : memref<240x144xf32, #tpu.memory_space<vmem>>[vector<16xi32>, vector<16xi32>], vector<16xf32>,
        tpu.vector_store_idx %arg7[%add3A_197, %broadcast_in_dim3A_600], %mul3A_641 : memref<240x144xf32, #tpu.memory_space<vmem>>[vector<16xi32>, vector<16xi32>], vector<16xf32>,
        tpu.vector_store_idx %arg7[%add3A_197, %broadcast_in_dim3A_602], %mul3A_642 : memref<240x144xf32, #tpu.memory_space<vmem>>[vector<16xi32>, vector<16xi32>], vector<16xf32>,
        tpu.vector_store_idx %arg7[%add3A_197, %broadcast_in_dim3A_604], %mul3A_643 : memref<240x144xf32, #tpu.memory_space<vmem>>[vector<16xi32>, vector<16xi32>], vector<16xf32>,
        tpu.vector_store_idx %arg7[%add3A_197, %broadcast_in_dim3A_606], %mul3A_644 : memref<240x144xf32, #tpu.memory_space<vmem>>[vector<16xi32>, vector<16xi32>], vector<16xf32>,
        tpu.vector_store_idx %arg7[%add3A_197, %broadcast_in_dim3A_608], %mul3A_645 : memref<240x144xf32, #tpu.memory_space<vmem>>[vector<16xi32>, vector<16xi32>], vector<16xf32>,
        tpu.vector_store_idx %arg7[%add3A_197, %broadcast_in_dim3A_610], %mul3A_646 : memref<240x144xf32, #tpu.memory_space<vmem>>[vector<16xi32>, vector<16xi32>], vector<16xf32>,
        tpu.vector_store_idx %arg7[%add3A_197, %broadcast_in_dim3A_612], %mul3A_647 : memref<240x144xf32, #tpu.memory_space<vmem>>[vector<16xi32>, vector<16xi32>], vector<16xf32>,
        tpu.vector_store_idx %arg7[%add3A_197, %broadcast_in_dim3A_614], %mul3A_648 : memref<240x144xf32, #tpu.memory_space<vmem>>[vector<16xi32>, vector<16xi32>], vector<16xf32>,
        tpu.vector_store_idx %arg7[%add3A_197, %broadcast_in_dim3A_616], %mul3A_649 : memref<240x144xf32, #tpu.memory_space<vmem>>[vector<16xi32>, vector<16xi32>], vector<16xf32>,
        tpu.vector_store_idx %arg7[%add3A_197, %broadcast_in_dim3A_618], %mul3A_650 : memref<240x144xf32, #tpu.memory_space<vmem>>[vector<16xi32>, vector<16xi32>], vector<16xf32>,
        %broadcast_in_dim3A_651 = arith.constant 80 : i32
        %broadcast_in_dim3A_652 = vector.broadcast %broadcast_in_dim3A_651 : i32 to vector<16xi32>
        %broadcast_in_dim3A_653 = arith.constant 81 : i32
        %broadcast_in_dim3A_654 = vector.broadcast %broadcast_in_dim3A_653 : i32 to vector<16xi32>
        %broadcast_in_dim3A_655 = arith.constant 82 : i32
        %broadcast_in_dim3A_656 = vector.broadcast %broadcast_in_dim3A_655 : i32 to vector<16xi32>
        %broadcast_in_dim3A_657 = arith.constant 83 : i32
        %broadcast_in_dim3A_658 = vector.broadcast %broadcast_in_dim3A_657 : i32 to vector<16xi32>
        %broadcast_in_dim3A_659 = arith.constant 84 : i32
        %broadcast_in_dim3A_660 = vector.broadcast %broadcast_in_dim3A_659 : i32 to vector<16xi32>
        %broadcast_in_dim3A_661 = arith.constant 85 : i32
        %broadcast_in_dim3A_662 = vector.broadcast %broadcast_in_dim3A_661 : i32 to vector<16xi32>
        %broadcast_in_dim3A_663 = arith.constant 86 : i32
        %broadcast_in_dim3A_664 = vector.broadcast %broadcast_in_dim3A_663 : i32 to vector<16xi32>
        %broadcast_in_dim3A_665 = arith.constant 87 : i32
        %broadcast_in_dim3A_666 = vector.broadcast %broadcast_in_dim3A_665 : i32 to vector<16xi32>
        %broadcast_in_dim3A_667 = arith.constant 88 : i32
        %broadcast_in_dim3A_668 = vector.broadcast %broadcast_in_dim3A_667 : i32 to vector<16xi32>
        %broadcast_in_dim3A_669 = arith.constant 89 : i32
        %broadcast_in_dim3A_670 = vector.broadcast %broadcast_in_dim3A_669 : i32 to vector<16xi32>
        %broadcast_in_dim3A_671 = arith.constant 90 : i32
        %broadcast_in_dim3A_672 = vector.broadcast %broadcast_in_dim3A_671 : i32 to vector<16xi32>
        %broadcast_in_dim3A_673 = arith.constant 91 : i32
        %broadcast_in_dim3A_674 = vector.broadcast %broadcast_in_dim3A_673 : i32 to vector<16xi32>
        %broadcast_in_dim3A_675 = arith.constant 92 : i32
        %broadcast_in_dim3A_676 = vector.broadcast %broadcast_in_dim3A_675 : i32 to vector<16xi32>
        %broadcast_in_dim3A_677 = arith.constant 93 : i32
        %broadcast_in_dim3A_678 = vector.broadcast %broadcast_in_dim3A_677 : i32 to vector<16xi32>
        %broadcast_in_dim3A_679 = arith.constant 94 : i32
        %broadcast_in_dim3A_680 = vector.broadcast %broadcast_in_dim3A_679 : i32 to vector<16xi32>
        %broadcast_in_dim3A_681 = arith.constant 95 : i32
        %broadcast_in_dim3A_682 = vector.broadcast %broadcast_in_dim3A_681 : i32 to vector<16xi32>
        %gather3A_683 = tpu.vector_load_idx %arg7[%add3A_197, %broadcast_in_dim3A_652] : memref<240x144xf32, #tpu.memory_space<vmem>>[vector<16xi32>, vector<16xi32>], vector<16xf32>,
        %gather3A_684 = tpu.vector_load_idx %arg7[%add3A_197, %broadcast_in_dim3A_654] : memref<240x144xf32, #tpu.memory_space<vmem>>[vector<16xi32>, vector<16xi32>], vector<16xf32>,
        %gather3A_685 = tpu.vector_load_idx %arg7[%add3A_197, %broadcast_in_dim3A_656] : memref<240x144xf32, #tpu.memory_space<vmem>>[vector<16xi32>, vector<16xi32>], vector<16xf32>,
        %gather3A_686 = tpu.vector_load_idx %arg7[%add3A_197, %broadcast_in_dim3A_658] : memref<240x144xf32, #tpu.memory_space<vmem>>[vector<16xi32>, vector<16xi32>], vector<16xf32>,
        %gather3A_687 = tpu.vector_load_idx %arg7[%add3A_197, %broadcast_in_dim3A_660] : memref<240x144xf32, #tpu.memory_space<vmem>>[vector<16xi32>, vector<16xi32>], vector<16xf32>,
        %gather3A_688 = tpu.vector_load_idx %arg7[%add3A_197, %broadcast_in_dim3A_662] : memref<240x144xf32, #tpu.memory_space<vmem>>[vector<16xi32>, vector<16xi32>], vector<16xf32>,
        %gather3A_689 = tpu.vector_load_idx %arg7[%add3A_197, %broadcast_in_dim3A_664] : memref<240x144xf32, #tpu.memory_space<vmem>>[vector<16xi32>, vector<16xi32>], vector<16xf32>,
        %gather3A_690 = tpu.vector_load_idx %arg7[%add3A_197, %broadcast_in_dim3A_666] : memref<240x144xf32, #tpu.memory_space<vmem>>[vector<16xi32>, vector<16xi32>], vector<16xf32>,
        %gather3A_691 = tpu.vector_load_idx %arg7[%add3A_197, %broadcast_in_dim3A_668] : memref<240x144xf32, #tpu.memory_space<vmem>>[vector<16xi32>, vector<16xi32>], vector<16xf32>,
        %gather3A_692 = tpu.vector_load_idx %arg7[%add3A_197, %broadcast_in_dim3A_670] : memref<240x144xf32, #tpu.memory_space<vmem>>[vector<16xi32>, vector<16xi32>], vector<16xf32>,
        %gather3A_693 = tpu.vector_load_idx %arg7[%add3A_197, %broadcast_in_dim3A_672] : memref<240x144xf32, #tpu.memory_space<vmem>>[vector<16xi32>, vector<16xi32>], vector<16xf32>,
        %gather3A_694 = tpu.vector_load_idx %arg7[%add3A_197, %broadcast_in_dim3A_674] : memref<240x144xf32, #tpu.memory_space<vmem>>[vector<16xi32>, vector<16xi32>], vector<16xf32>,
        %gather3A_695 = tpu.vector_load_idx %arg7[%add3A_197, %broadcast_in_dim3A_676] : memref<240x144xf32, #tpu.memory_space<vmem>>[vector<16xi32>, vector<16xi32>], vector<16xf32>,
        %gather3A_696 = tpu.vector_load_idx %arg7[%add3A_197, %broadcast_in_dim3A_678] : memref<240x144xf32, #tpu.memory_space<vmem>>[vector<16xi32>, vector<16xi32>], vector<16xf32>,
        %gather3A_697 = tpu.vector_load_idx %arg7[%add3A_197, %broadcast_in_dim3A_680] : memref<240x144xf32, #tpu.memory_space<vmem>>[vector<16xi32>, vector<16xi32>], vector<16xf32>,
        %gather3A_698 = tpu.vector_load_idx %arg7[%add3A_197, %broadcast_in_dim3A_682] : memref<240x144xf32, #tpu.memory_space<vmem>>[vector<16xi32>, vector<16xi32>], vector<16xf32>,
        %mul3A_699 = arith.mulf %gather3A_683, %exp3A_312 : vector<16xf32>
        %mul3A_700 = arith.mulf %gather3A_684, %exp3A_312 : vector<16xf32>
        %mul3A_701 = arith.mulf %gather3A_685, %exp3A_312 : vector<16xf32>
        %mul3A_702 = arith.mulf %gather3A_686, %exp3A_312 : vector<16xf32>
        %mul3A_703 = arith.mulf %gather3A_687, %exp3A_312 : vector<16xf32>
        %mul3A_704 = arith.mulf %gather3A_688, %exp3A_312 : vector<16xf32>
        %mul3A_705 = arith.mulf %gather3A_689, %exp3A_312 : vector<16xf32>
        %mul3A_706 = arith.mulf %gather3A_690, %exp3A_312 : vector<16xf32>
        %mul3A_707 = arith.mulf %gather3A_691, %exp3A_312 : vector<16xf32>
        %mul3A_708 = arith.mulf %gather3A_692, %exp3A_312 : vector<16xf32>
        %mul3A_709 = arith.mulf %gather3A_693, %exp3A_312 : vector<16xf32>
        %mul3A_710 = arith.mulf %gather3A_694, %exp3A_312 : vector<16xf32>
        %mul3A_711 = arith.mulf %gather3A_695, %exp3A_312 : vector<16xf32>
        %mul3A_712 = arith.mulf %gather3A_696, %exp3A_312 : vector<16xf32>
        %mul3A_713 = arith.mulf %gather3A_697, %exp3A_312 : vector<16xf32>
        %mul3A_714 = arith.mulf %gather3A_698, %exp3A_312 : vector<16xf32>
        tpu.vector_store_idx %arg7[%add3A_197, %broadcast_in_dim3A_652], %mul3A_699 : memref<240x144xf32, #tpu.memory_space<vmem>>[vector<16xi32>, vector<16xi32>], vector<16xf32>,
        tpu.vector_store_idx %arg7[%add3A_197, %broadcast_in_dim3A_654], %mul3A_700 : memref<240x144xf32, #tpu.memory_space<vmem>>[vector<16xi32>, vector<16xi32>], vector<16xf32>,
        tpu.vector_store_idx %arg7[%add3A_197, %broadcast_in_dim3A_656], %mul3A_701 : memref<240x144xf32, #tpu.memory_space<vmem>>[vector<16xi32>, vector<16xi32>], vector<16xf32>,
        tpu.vector_store_idx %arg7[%add3A_197, %broadcast_in_dim3A_658], %mul3A_702 : memref<240x144xf32, #tpu.memory_space<vmem>>[vector<16xi32>, vector<16xi32>], vector<16xf32>,
        tpu.vector_store_idx %arg7[%add3A_197, %broadcast_in_dim3A_660], %mul3A_703 : memref<240x144xf32, #tpu.memory_space<vmem>>[vector<16xi32>, vector<16xi32>], vector<16xf32>,
        tpu.vector_store_idx %arg7[%add3A_197, %broadcast_in_dim3A_662], %mul3A_704 : memref<240x144xf32, #tpu.memory_space<vmem>>[vector<16xi32>, vector<16xi32>], vector<16xf32>,
        tpu.vector_store_idx %arg7[%add3A_197, %broadcast_in_dim3A_664], %mul3A_705 : memref<240x144xf32, #tpu.memory_space<vmem>>[vector<16xi32>, vector<16xi32>], vector<16xf32>,
        tpu.vector_store_idx %arg7[%add3A_197, %broadcast_in_dim3A_666], %mul3A_706 : memref<240x144xf32, #tpu.memory_space<vmem>>[vector<16xi32>, vector<16xi32>], vector<16xf32>,
        tpu.vector_store_idx %arg7[%add3A_197, %broadcast_in_dim3A_668], %mul3A_707 : memref<240x144xf32, #tpu.memory_space<vmem>>[vector<16xi32>, vector<16xi32>], vector<16xf32>,
        tpu.vector_store_idx %arg7[%add3A_197, %broadcast_in_dim3A_670], %mul3A_708 : memref<240x144xf32, #tpu.memory_space<vmem>>[vector<16xi32>, vector<16xi32>], vector<16xf32>,
        tpu.vector_store_idx %arg7[%add3A_197, %broadcast_in_dim3A_672], %mul3A_709 : memref<240x144xf32, #tpu.memory_space<vmem>>[vector<16xi32>, vector<16xi32>], vector<16xf32>,
        tpu.vector_store_idx %arg7[%add3A_197, %broadcast_in_dim3A_674], %mul3A_710 : memref<240x144xf32, #tpu.memory_space<vmem>>[vector<16xi32>, vector<16xi32>], vector<16xf32>,
        tpu.vector_store_idx %arg7[%add3A_197, %broadcast_in_dim3A_676], %mul3A_711 : memref<240x144xf32, #tpu.memory_space<vmem>>[vector<16xi32>, vector<16xi32>], vector<16xf32>,
        tpu.vector_store_idx %arg7[%add3A_197, %broadcast_in_dim3A_678], %mul3A_712 : memref<240x144xf32, #tpu.memory_space<vmem>>[vector<16xi32>, vector<16xi32>], vector<16xf32>,
        tpu.vector_store_idx %arg7[%add3A_197, %broadcast_in_dim3A_680], %mul3A_713 : memref<240x144xf32, #tpu.memory_space<vmem>>[vector<16xi32>, vector<16xi32>], vector<16xf32>,
        tpu.vector_store_idx %arg7[%add3A_197, %broadcast_in_dim3A_682], %mul3A_714 : memref<240x144xf32, #tpu.memory_space<vmem>>[vector<16xi32>, vector<16xi32>], vector<16xf32>,
        %broadcast_in_dim3A_715 = arith.constant 96 : i32
        %broadcast_in_dim3A_716 = vector.broadcast %broadcast_in_dim3A_715 : i32 to vector<16xi32>
        %broadcast_in_dim3A_717 = arith.constant 97 : i32
        %broadcast_in_dim3A_718 = vector.broadcast %broadcast_in_dim3A_717 : i32 to vector<16xi32>
        %broadcast_in_dim3A_719 = arith.constant 98 : i32
        %broadcast_in_dim3A_720 = vector.broadcast %broadcast_in_dim3A_719 : i32 to vector<16xi32>
        %broadcast_in_dim3A_721 = arith.constant 99 : i32
        %broadcast_in_dim3A_722 = vector.broadcast %broadcast_in_dim3A_721 : i32 to vector<16xi32>
        %broadcast_in_dim3A_723 = arith.constant 100 : i32
        %broadcast_in_dim3A_724 = vector.broadcast %broadcast_in_dim3A_723 : i32 to vector<16xi32>
        %broadcast_in_dim3A_725 = arith.constant 101 : i32
        %broadcast_in_dim3A_726 = vector.broadcast %broadcast_in_dim3A_725 : i32 to vector<16xi32>
        %broadcast_in_dim3A_727 = arith.constant 102 : i32
        %broadcast_in_dim3A_728 = vector.broadcast %broadcast_in_dim3A_727 : i32 to vector<16xi32>
        %broadcast_in_dim3A_729 = arith.constant 103 : i32
        %broadcast_in_dim3A_730 = vector.broadcast %broadcast_in_dim3A_729 : i32 to vector<16xi32>
        %broadcast_in_dim3A_731 = arith.constant 104 : i32
        %broadcast_in_dim3A_732 = vector.broadcast %broadcast_in_dim3A_731 : i32 to vector<16xi32>
        %broadcast_in_dim3A_733 = arith.constant 105 : i32
        %broadcast_in_dim3A_734 = vector.broadcast %broadcast_in_dim3A_733 : i32 to vector<16xi32>
        %broadcast_in_dim3A_735 = arith.constant 106 : i32
        %broadcast_in_dim3A_736 = vector.broadcast %broadcast_in_dim3A_735 : i32 to vector<16xi32>
        %broadcast_in_dim3A_737 = arith.constant 107 : i32
        %broadcast_in_dim3A_738 = vector.broadcast %broadcast_in_dim3A_737 : i32 to vector<16xi32>
        %broadcast_in_dim3A_739 = arith.constant 108 : i32
        %broadcast_in_dim3A_740 = vector.broadcast %broadcast_in_dim3A_739 : i32 to vector<16xi32>
        %broadcast_in_dim3A_741 = arith.constant 109 : i32
        %broadcast_in_dim3A_742 = vector.broadcast %broadcast_in_dim3A_741 : i32 to vector<16xi32>
        %broadcast_in_dim3A_743 = arith.constant 110 : i32
        %broadcast_in_dim3A_744 = vector.broadcast %broadcast_in_dim3A_743 : i32 to vector<16xi32>
        %broadcast_in_dim3A_745 = arith.constant 111 : i32
        %broadcast_in_dim3A_746 = vector.broadcast %broadcast_in_dim3A_745 : i32 to vector<16xi32>
        %gather3A_747 = tpu.vector_load_idx %arg7[%add3A_197, %broadcast_in_dim3A_716] : memref<240x144xf32, #tpu.memory_space<vmem>>[vector<16xi32>, vector<16xi32>], vector<16xf32>,
        %gather3A_748 = tpu.vector_load_idx %arg7[%add3A_197, %broadcast_in_dim3A_718] : memref<240x144xf32, #tpu.memory_space<vmem>>[vector<16xi32>, vector<16xi32>], vector<16xf32>,
        %gather3A_749 = tpu.vector_load_idx %arg7[%add3A_197, %broadcast_in_dim3A_720] : memref<240x144xf32, #tpu.memory_space<vmem>>[vector<16xi32>, vector<16xi32>], vector<16xf32>,
        %gather3A_750 = tpu.vector_load_idx %arg7[%add3A_197, %broadcast_in_dim3A_722] : memref<240x144xf32, #tpu.memory_space<vmem>>[vector<16xi32>, vector<16xi32>], vector<16xf32>,
        %gather3A_751 = tpu.vector_load_idx %arg7[%add3A_197, %broadcast_in_dim3A_724] : memref<240x144xf32, #tpu.memory_space<vmem>>[vector<16xi32>, vector<16xi32>], vector<16xf32>,
        %gather3A_752 = tpu.vector_load_idx %arg7[%add3A_197, %broadcast_in_dim3A_726] : memref<240x144xf32, #tpu.memory_space<vmem>>[vector<16xi32>, vector<16xi32>], vector<16xf32>,
        %gather3A_753 = tpu.vector_load_idx %arg7[%add3A_197, %broadcast_in_dim3A_728] : memref<240x144xf32, #tpu.memory_space<vmem>>[vector<16xi32>, vector<16xi32>], vector<16xf32>,
        %gather3A_754 = tpu.vector_load_idx %arg7[%add3A_197, %broadcast_in_dim3A_730] : memref<240x144xf32, #tpu.memory_space<vmem>>[vector<16xi32>, vector<16xi32>], vector<16xf32>,
        %gather3A_755 = tpu.vector_load_idx %arg7[%add3A_197, %broadcast_in_dim3A_732] : memref<240x144xf32, #tpu.memory_space<vmem>>[vector<16xi32>, vector<16xi32>], vector<16xf32>,
        %gather3A_756 = tpu.vector_load_idx %arg7[%add3A_197, %broadcast_in_dim3A_734] : memref<240x144xf32, #tpu.memory_space<vmem>>[vector<16xi32>, vector<16xi32>], vector<16xf32>,
        %gather3A_757 = tpu.vector_load_idx %arg7[%add3A_197, %broadcast_in_dim3A_736] : memref<240x144xf32, #tpu.memory_space<vmem>>[vector<16xi32>, vector<16xi32>], vector<16xf32>,
        %gather3A_758 = tpu.vector_load_idx %arg7[%add3A_197, %broadcast_in_dim3A_738] : memref<240x144xf32, #tpu.memory_space<vmem>>[vector<16xi32>, vector<16xi32>], vector<16xf32>,
        %gather3A_759 = tpu.vector_load_idx %arg7[%add3A_197, %broadcast_in_dim3A_740] : memref<240x144xf32, #tpu.memory_space<vmem>>[vector<16xi32>, vector<16xi32>], vector<16xf32>,
        %gather3A_760 = tpu.vector_load_idx %arg7[%add3A_197, %broadcast_in_dim3A_742] : memref<240x144xf32, #tpu.memory_space<vmem>>[vector<16xi32>, vector<16xi32>], vector<16xf32>,
        %gather3A_761 = tpu.vector_load_idx %arg7[%add3A_197, %broadcast_in_dim3A_744] : memref<240x144xf32, #tpu.memory_space<vmem>>[vector<16xi32>, vector<16xi32>], vector<16xf32>,
        %gather3A_762 = tpu.vector_load_idx %arg7[%add3A_197, %broadcast_in_dim3A_746] : memref<240x144xf32, #tpu.memory_space<vmem>>[vector<16xi32>, vector<16xi32>], vector<16xf32>,
        %mul3A_763 = arith.mulf %gather3A_747, %exp3A_313 : vector<16xf32>
        %mul3A_764 = arith.mulf %gather3A_748, %exp3A_313 : vector<16xf32>
        %mul3A_765 = arith.mulf %gather3A_749, %exp3A_313 : vector<16xf32>
        %mul3A_766 = arith.mulf %gather3A_750, %exp3A_313 : vector<16xf32>
        %mul3A_767 = arith.mulf %gather3A_751, %exp3A_313 : vector<16xf32>
        %mul3A_768 = arith.mulf %gather3A_752, %exp3A_313 : vector<16xf32>
        %mul3A_769 = arith.mulf %gather3A_753, %exp3A_313 : vector<16xf32>
        %mul3A_770 = arith.mulf %gather3A_754, %exp3A_313 : vector<16xf32>
        %mul3A_771 = arith.mulf %gather3A_755, %exp3A_313 : vector<16xf32>
        %mul3A_772 = arith.mulf %gather3A_756, %exp3A_313 : vector<16xf32>
        %mul3A_773 = arith.mulf %gather3A_757, %exp3A_313 : vector<16xf32>
        %mul3A_774 = arith.mulf %gather3A_758, %exp3A_313 : vector<16xf32>
        %mul3A_775 = arith.mulf %gather3A_759, %exp3A_313 : vector<16xf32>
        %mul3A_776 = arith.mulf %gather3A_760, %exp3A_313 : vector<16xf32>
        %mul3A_777 = arith.mulf %gather3A_761, %exp3A_313 : vector<16xf32>
        %mul3A_778 = arith.mulf %gather3A_762, %exp3A_313 : vector<16xf32>
        tpu.vector_store_idx %arg7[%add3A_197, %broadcast_in_dim3A_716], %mul3A_763 : memref<240x144xf32, #tpu.memory_space<vmem>>[vector<16xi32>, vector<16xi32>], vector<16xf32>,
        tpu.vector_store_idx %arg7[%add3A_197, %broadcast_in_dim3A_718], %mul3A_764 : memref<240x144xf32, #tpu.memory_space<vmem>>[vector<16xi32>, vector<16xi32>], vector<16xf32>,
        tpu.vector_store_idx %arg7[%add3A_197, %broadcast_in_dim3A_720], %mul3A_765 : memref<240x144xf32, #tpu.memory_space<vmem>>[vector<16xi32>, vector<16xi32>], vector<16xf32>,
        tpu.vector_store_idx %arg7[%add3A_197, %broadcast_in_dim3A_722], %mul3A_766 : memref<240x144xf32, #tpu.memory_space<vmem>>[vector<16xi32>, vector<16xi32>], vector<16xf32>,
        tpu.vector_store_idx %arg7[%add3A_197, %broadcast_in_dim3A_724], %mul3A_767 : memref<240x144xf32, #tpu.memory_space<vmem>>[vector<16xi32>, vector<16xi32>], vector<16xf32>,
        tpu.vector_store_idx %arg7[%add3A_197, %broadcast_in_dim3A_726], %mul3A_768 : memref<240x144xf32, #tpu.memory_space<vmem>>[vector<16xi32>, vector<16xi32>], vector<16xf32>,
        tpu.vector_store_idx %arg7[%add3A_197, %broadcast_in_dim3A_728], %mul3A_769 : memref<240x144xf32, #tpu.memory_space<vmem>>[vector<16xi32>, vector<16xi32>], vector<16xf32>,
        tpu.vector_store_idx %arg7[%add3A_197, %broadcast_in_dim3A_730], %mul3A_770 : memref<240x144xf32, #tpu.memory_space<vmem>>[vector<16xi32>, vector<16xi32>], vector<16xf32>,
        tpu.vector_store_idx %arg7[%add3A_197, %broadcast_in_dim3A_732], %mul3A_771 : memref<240x144xf32, #tpu.memory_space<vmem>>[vector<16xi32>, vector<16xi32>], vector<16xf32>,
        tpu.vector_store_idx %arg7[%add3A_197, %broadcast_in_dim3A_734], %mul3A_772 : memref<240x144xf32, #tpu.memory_space<vmem>>[vector<16xi32>, vector<16xi32>], vector<16xf32>,
        tpu.vector_store_idx %arg7[%add3A_197, %broadcast_in_dim3A_736], %mul3A_773 : memref<240x144xf32, #tpu.memory_space<vmem>>[vector<16xi32>, vector<16xi32>], vector<16xf32>,
        tpu.vector_store_idx %arg7[%add3A_197, %broadcast_in_dim3A_738], %mul3A_774 : memref<240x144xf32, #tpu.memory_space<vmem>>[vector<16xi32>, vector<16xi32>], vector<16xf32>,
        tpu.vector_store_idx %arg7[%add3A_197, %broadcast_in_dim3A_740], %mul3A_775 : memref<240x144xf32, #tpu.memory_space<vmem>>[vector<16xi32>, vector<16xi32>], vector<16xf32>,
        tpu.vector_store_idx %arg7[%add3A_197, %broadcast_in_dim3A_742], %mul3A_776 : memref<240x144xf32, #tpu.memory_space<vmem>>[vector<16xi32>, vector<16xi32>], vector<16xf32>,
        tpu.vector_store_idx %arg7[%add3A_197, %broadcast_in_dim3A_744], %mul3A_777 : memref<240x144xf32, #tpu.memory_space<vmem>>[vector<16xi32>, vector<16xi32>], vector<16xf32>,
        tpu.vector_store_idx %arg7[%add3A_197, %broadcast_in_dim3A_746], %mul3A_778 : memref<240x144xf32, #tpu.memory_space<vmem>>[vector<16xi32>, vector<16xi32>], vector<16xf32>,
        %broadcast_in_dim3A_779 = arith.constant 112 : i32
        %broadcast_in_dim3A_780 = vector.broadcast %broadcast_in_dim3A_779 : i32 to vector<16xi32>
        %broadcast_in_dim3A_781 = arith.constant 113 : i32
        %broadcast_in_dim3A_782 = vector.broadcast %broadcast_in_dim3A_781 : i32 to vector<16xi32>
        %broadcast_in_dim3A_783 = arith.constant 114 : i32
        %broadcast_in_dim3A_784 = vector.broadcast %broadcast_in_dim3A_783 : i32 to vector<16xi32>
        %broadcast_in_dim3A_785 = arith.constant 115 : i32
        %broadcast_in_dim3A_786 = vector.broadcast %broadcast_in_dim3A_785 : i32 to vector<16xi32>
        %broadcast_in_dim3A_787 = arith.constant 116 : i32
        %broadcast_in_dim3A_788 = vector.broadcast %broadcast_in_dim3A_787 : i32 to vector<16xi32>
        %broadcast_in_dim3A_789 = arith.constant 117 : i32
        %broadcast_in_dim3A_790 = vector.broadcast %broadcast_in_dim3A_789 : i32 to vector<16xi32>
        %broadcast_in_dim3A_791 = arith.constant 118 : i32
        %broadcast_in_dim3A_792 = vector.broadcast %broadcast_in_dim3A_791 : i32 to vector<16xi32>
        %broadcast_in_dim3A_793 = arith.constant 119 : i32
        %broadcast_in_dim3A_794 = vector.broadcast %broadcast_in_dim3A_793 : i32 to vector<16xi32>
        %broadcast_in_dim3A_795 = arith.constant 120 : i32
        %broadcast_in_dim3A_796 = vector.broadcast %broadcast_in_dim3A_795 : i32 to vector<16xi32>
        %broadcast_in_dim3A_797 = arith.constant 121 : i32
        %broadcast_in_dim3A_798 = vector.broadcast %broadcast_in_dim3A_797 : i32 to vector<16xi32>
        %broadcast_in_dim3A_799 = arith.constant 122 : i32
        %broadcast_in_dim3A_800 = vector.broadcast %broadcast_in_dim3A_799 : i32 to vector<16xi32>
        %broadcast_in_dim3A_801 = arith.constant 123 : i32
        %broadcast_in_dim3A_802 = vector.broadcast %broadcast_in_dim3A_801 : i32 to vector<16xi32>
        %broadcast_in_dim3A_803 = arith.constant 124 : i32
        %broadcast_in_dim3A_804 = vector.broadcast %broadcast_in_dim3A_803 : i32 to vector<16xi32>
        %broadcast_in_dim3A_805 = arith.constant 125 : i32
        %broadcast_in_dim3A_806 = vector.broadcast %broadcast_in_dim3A_805 : i32 to vector<16xi32>
        %broadcast_in_dim3A_807 = arith.constant 126 : i32
        %broadcast_in_dim3A_808 = vector.broadcast %broadcast_in_dim3A_807 : i32 to vector<16xi32>
        %broadcast_in_dim3A_809 = arith.constant 127 : i32
        %broadcast_in_dim3A_810 = vector.broadcast %broadcast_in_dim3A_809 : i32 to vector<16xi32>
        %gather3A_811 = tpu.vector_load_idx %arg7[%add3A_197, %broadcast_in_dim3A_780] : memref<240x144xf32, #tpu.memory_space<vmem>>[vector<16xi32>, vector<16xi32>], vector<16xf32>,
        %gather3A_812 = tpu.vector_load_idx %arg7[%add3A_197, %broadcast_in_dim3A_782] : memref<240x144xf32, #tpu.memory_space<vmem>>[vector<16xi32>, vector<16xi32>], vector<16xf32>,
        %gather3A_813 = tpu.vector_load_idx %arg7[%add3A_197, %broadcast_in_dim3A_784] : memref<240x144xf32, #tpu.memory_space<vmem>>[vector<16xi32>, vector<16xi32>], vector<16xf32>,
        %gather3A_814 = tpu.vector_load_idx %arg7[%add3A_197, %broadcast_in_dim3A_786] : memref<240x144xf32, #tpu.memory_space<vmem>>[vector<16xi32>, vector<16xi32>], vector<16xf32>,
        %gather3A_815 = tpu.vector_load_idx %arg7[%add3A_197, %broadcast_in_dim3A_788] : memref<240x144xf32, #tpu.memory_space<vmem>>[vector<16xi32>, vector<16xi32>], vector<16xf32>,
        %gather3A_816 = tpu.vector_load_idx %arg7[%add3A_197, %broadcast_in_dim3A_790] : memref<240x144xf32, #tpu.memory_space<vmem>>[vector<16xi32>, vector<16xi32>], vector<16xf32>,
        %gather3A_817 = tpu.vector_load_idx %arg7[%add3A_197, %broadcast_in_dim3A_792] : memref<240x144xf32, #tpu.memory_space<vmem>>[vector<16xi32>, vector<16xi32>], vector<16xf32>,
        %gather3A_818 = tpu.vector_load_idx %arg7[%add3A_197, %broadcast_in_dim3A_794] : memref<240x144xf32, #tpu.memory_space<vmem>>[vector<16xi32>, vector<16xi32>], vector<16xf32>,
        %gather3A_819 = tpu.vector_load_idx %arg7[%add3A_197, %broadcast_in_dim3A_796] : memref<240x144xf32, #tpu.memory_space<vmem>>[vector<16xi32>, vector<16xi32>], vector<16xf32>,
        %gather3A_820 = tpu.vector_load_idx %arg7[%add3A_197, %broadcast_in_dim3A_798] : memref<240x144xf32, #tpu.memory_space<vmem>>[vector<16xi32>, vector<16xi32>], vector<16xf32>,
        %gather3A_821 = tpu.vector_load_idx %arg7[%add3A_197, %broadcast_in_dim3A_800] : memref<240x144xf32, #tpu.memory_space<vmem>>[vector<16xi32>, vector<16xi32>], vector<16xf32>,
        %gather3A_822 = tpu.vector_load_idx %arg7[%add3A_197, %broadcast_in_dim3A_802] : memref<240x144xf32, #tpu.memory_space<vmem>>[vector<16xi32>, vector<16xi32>], vector<16xf32>,
        %gather3A_823 = tpu.vector_load_idx %arg7[%add3A_197, %broadcast_in_dim3A_804] : memref<240x144xf32, #tpu.memory_space<vmem>>[vector<16xi32>, vector<16xi32>], vector<16xf32>,
        %gather3A_824 = tpu.vector_load_idx %arg7[%add3A_197, %broadcast_in_dim3A_806] : memref<240x144xf32, #tpu.memory_space<vmem>>[vector<16xi32>, vector<16xi32>], vector<16xf32>,
        %gather3A_825 = tpu.vector_load_idx %arg7[%add3A_197, %broadcast_in_dim3A_808] : memref<240x144xf32, #tpu.memory_space<vmem>>[vector<16xi32>, vector<16xi32>], vector<16xf32>,
        %gather3A_826 = tpu.vector_load_idx %arg7[%add3A_197, %broadcast_in_dim3A_810] : memref<240x144xf32, #tpu.memory_space<vmem>>[vector<16xi32>, vector<16xi32>], vector<16xf32>,
        %mul3A_827 = arith.mulf %gather3A_811, %exp3A_314 : vector<16xf32>
        %mul3A_828 = arith.mulf %gather3A_812, %exp3A_314 : vector<16xf32>
        %mul3A_829 = arith.mulf %gather3A_813, %exp3A_314 : vector<16xf32>
        %mul3A_830 = arith.mulf %gather3A_814, %exp3A_314 : vector<16xf32>
        %mul3A_831 = arith.mulf %gather3A_815, %exp3A_314 : vector<16xf32>
        %mul3A_832 = arith.mulf %gather3A_816, %exp3A_314 : vector<16xf32>
        %mul3A_833 = arith.mulf %gather3A_817, %exp3A_314 : vector<16xf32>
        %mul3A_834 = arith.mulf %gather3A_818, %exp3A_314 : vector<16xf32>
        %mul3A_835 = arith.mulf %gather3A_819, %exp3A_314 : vector<16xf32>
        %mul3A_836 = arith.mulf %gather3A_820, %exp3A_314 : vector<16xf32>
        %mul3A_837 = arith.mulf %gather3A_821, %exp3A_314 : vector<16xf32>
        %mul3A_838 = arith.mulf %gather3A_822, %exp3A_314 : vector<16xf32>
        %mul3A_839 = arith.mulf %gather3A_823, %exp3A_314 : vector<16xf32>
        %mul3A_840 = arith.mulf %gather3A_824, %exp3A_314 : vector<16xf32>
        %mul3A_841 = arith.mulf %gather3A_825, %exp3A_314 : vector<16xf32>
        %mul3A_842 = arith.mulf %gather3A_826, %exp3A_314 : vector<16xf32>
        tpu.vector_store_idx %arg7[%add3A_197, %broadcast_in_dim3A_780], %mul3A_827 : memref<240x144xf32, #tpu.memory_space<vmem>>[vector<16xi32>, vector<16xi32>], vector<16xf32>,
        tpu.vector_store_idx %arg7[%add3A_197, %broadcast_in_dim3A_782], %mul3A_828 : memref<240x144xf32, #tpu.memory_space<vmem>>[vector<16xi32>, vector<16xi32>], vector<16xf32>,
        tpu.vector_store_idx %arg7[%add3A_197, %broadcast_in_dim3A_784], %mul3A_829 : memref<240x144xf32, #tpu.memory_space<vmem>>[vector<16xi32>, vector<16xi32>], vector<16xf32>,
        tpu.vector_store_idx %arg7[%add3A_197, %broadcast_in_dim3A_786], %mul3A_830 : memref<240x144xf32, #tpu.memory_space<vmem>>[vector<16xi32>, vector<16xi32>], vector<16xf32>,
        tpu.vector_store_idx %arg7[%add3A_197, %broadcast_in_dim3A_788], %mul3A_831 : memref<240x144xf32, #tpu.memory_space<vmem>>[vector<16xi32>, vector<16xi32>], vector<16xf32>,
        tpu.vector_store_idx %arg7[%add3A_197, %broadcast_in_dim3A_790], %mul3A_832 : memref<240x144xf32, #tpu.memory_space<vmem>>[vector<16xi32>, vector<16xi32>], vector<16xf32>,
        tpu.vector_store_idx %arg7[%add3A_197, %broadcast_in_dim3A_792], %mul3A_833 : memref<240x144xf32, #tpu.memory_space<vmem>>[vector<16xi32>, vector<16xi32>], vector<16xf32>,
        tpu.vector_store_idx %arg7[%add3A_197, %broadcast_in_dim3A_794], %mul3A_834 : memref<240x144xf32, #tpu.memory_space<vmem>>[vector<16xi32>, vector<16xi32>], vector<16xf32>,
        tpu.vector_store_idx %arg7[%add3A_197, %broadcast_in_dim3A_796], %mul3A_835 : memref<240x144xf32, #tpu.memory_space<vmem>>[vector<16xi32>, vector<16xi32>], vector<16xf32>,
        tpu.vector_store_idx %arg7[%add3A_197, %broadcast_in_dim3A_798], %mul3A_836 : memref<240x144xf32, #tpu.memory_space<vmem>>[vector<16xi32>, vector<16xi32>], vector<16xf32>,
        tpu.vector_store_idx %arg7[%add3A_197, %broadcast_in_dim3A_800], %mul3A_837 : memref<240x144xf32, #tpu.memory_space<vmem>>[vector<16xi32>, vector<16xi32>], vector<16xf32>,
        tpu.vector_store_idx %arg7[%add3A_197, %broadcast_in_dim3A_802], %mul3A_838 : memref<240x144xf32, #tpu.memory_space<vmem>>[vector<16xi32>, vector<16xi32>], vector<16xf32>,
        tpu.vector_store_idx %arg7[%add3A_197, %broadcast_in_dim3A_804], %mul3A_839 : memref<240x144xf32, #tpu.memory_space<vmem>>[vector<16xi32>, vector<16xi32>], vector<16xf32>,
        tpu.vector_store_idx %arg7[%add3A_197, %broadcast_in_dim3A_806], %mul3A_840 : memref<240x144xf32, #tpu.memory_space<vmem>>[vector<16xi32>, vector<16xi32>], vector<16xf32>,
        tpu.vector_store_idx %arg7[%add3A_197, %broadcast_in_dim3A_808], %mul3A_841 : memref<240x144xf32, #tpu.memory_space<vmem>>[vector<16xi32>, vector<16xi32>], vector<16xf32>,
        tpu.vector_store_idx %arg7[%add3A_197, %broadcast_in_dim3A_810], %mul3A_842 : memref<240x144xf32, #tpu.memory_space<vmem>>[vector<16xi32>, vector<16xi32>], vector<16xf32>,
      }
      %scan3A_157 = arith.constant 5 : i32
      %rem3A_158 = arith.constant 2 : i32
      %rem3A_159 = arith.remsi %scan3A_103, %rem3A_158 : i32
      %add3A_160 = arith.constant 5 : i32
      %add3A_161 = arith.addi %add3A_160, %sub3A_123 : i32
      %dma_start3A_162 = arith.constant 0 : i32
      %dma_start3A_163 = tpu.memref_slice %arg7[%mul3A_151, %dma_start3A_162] : memref<240x144xf32, #tpu.memory_space<vmem>> -> memref<80x144xf32, #tpu.memory_space<vmem>>
      %dma_start3A_164 = arith.constant 0 : i32
      %dma_start3A_165 = tpu.memref_slice %arg9[%rem3A_125, %add3A_161, %dma_start3A_164] : memref<2x10x80xi32, #tpu.memory_space<vmem>> -> memref<1x1x80xi32, #tpu.memory_space<vmem>>
      %dma_start3A_166 = tpu.memref_squeeze %dma_start3A_165 : memref<1x1x80xi32, #tpu.memory_space<vmem>> -> memref<80xi32, #tpu.memory_space<vmem>>
      %dma_start3A_167 = arith.constant 0 : i32
      %dma_start3A_168 = arith.constant 0 : i32
      %dma_start3A_169 = tpu.memref_slice %arg10[%dma_start3A_167, %dma_start3A_168] : memref<10000x144xf32, #tpu.memory_space<vmem_shared>> -> memref<10000x144xf32, #tpu.memory_space<vmem_shared>>
      %dma_start3A_170 = tpu.memref_slice %arg12[%rem3A_159] : memref<2x!tpu.dma_semaphore, #tpu.memory_space<semaphore_mem>> -> memref<1x!tpu.dma_semaphore, #tpu.memory_space<semaphore_mem>>
      %dma_start3A_171 = tpu.memref_squeeze %dma_start3A_170 : memref<1x!tpu.dma_semaphore, #tpu.memory_space<semaphore_mem>> -> memref<!tpu.dma_semaphore, #tpu.memory_space<semaphore_mem>>
      tpu.enqueue_indirect_dma source(%dma_start3A_163 : memref<80x144xf32, #tpu.memory_space<vmem>>) target(%dma_start3A_169 : memref<10000x144xf32, #tpu.memory_space<vmem_shared>>) offsets(%dma_start3A_166 : memref<80xi32, #tpu.memory_space<vmem>>) semaphore(%dma_start3A_171 : memref<!tpu.dma_semaphore, #tpu.memory_space<semaphore_mem>>) {add = true}
      %gt3A = arith.constant 0 : i32
      %gt3A_172 = arith.cmpi sgt, %scan3A_103, %gt3A : i32
      %convert_element_type3A = arith.extui %gt3A_172 : i1 to i32
      %cond3A = arith.constant 0 : i32
      %cond3A_173 = arith.cmpi ne, %convert_element_type3A, %cond3A : i32
      scf.if %cond3A_173 {
        %sub3A_192 = arith.constant 1 : i32
        %sub3A_193 = arith.subi %scan3A_103, %sub3A_192 : i32
        %jit3A_194 = arith.constant 5 : i32
        %div3A_195 = arith.divsi %sub3A_193, %jit3A_194 : i32
        %sign3A_196 = arith.constant 0 : i32
        %sign3A_197 = arith.cmpi sgt, %sub3A_193, %sign3A_196 : i32
        %sign3A_198 = arith.extui %sign3A_197 : i1 to i32
        %sign3A_199 = arith.constant 0 : i32
        %sign3A_200 = arith.cmpi slt, %sub3A_193, %sign3A_199 : i32
        %sign3A_201 = arith.extui %sign3A_200 : i1 to i32
        %sign3A_202 = arith.subi %sign3A_198, %sign3A_201 : i32
        %sign3A_203 = arith.constant 0 : i32
        %sign3A_204 = arith.cmpi sgt, %jit3A_194, %sign3A_203 : i32
        %sign3A_205 = arith.extui %sign3A_204 : i1 to i32
        %sign3A_206 = arith.constant 0 : i32
        %sign3A_207 = arith.cmpi slt, %jit3A_194, %sign3A_206 : i32
        %sign3A_208 = arith.extui %sign3A_207 : i1 to i32
        %sign3A_209 = arith.subi %sign3A_205, %sign3A_208 : i32
        %ne3A_210 = arith.cmpi ne, %sign3A_202, %sign3A_209 : i32
        %rem3A_211 = arith.remsi %sub3A_193, %jit3A_194 : i32
        %ne3A_212 = arith.constant 0 : i32
        %ne3A_213 = arith.cmpi ne, %rem3A_211, %ne3A_212 : i32
        %and3A_214 = arith.andi %ne3A_210, %ne3A_213 : i1
        %sub3A_215 = arith.constant 1 : i32
        %sub3A_216 = arith.subi %div3A_195, %sub3A_215 : i32
        %select_n3A_217 = arith.select %and3A_214, %sub3A_216, %div3A_195 : i32
        %rem3A_218 = arith.constant 3 : i32
        %rem3A_219 = arith.remsi %sub3A_193, %rem3A_218 : i32
        %mul3A_220 = arith.constant 80 : i32
        %mul3A_221 = arith.muli %rem3A_219, %mul3A_220 : i32
        %rem3A_222 = arith.constant 2 : i32
        %rem3A_223 = arith.remsi %select_n3A_217, %rem3A_222 : i32
        %add3A_224 = arith.constant 5 : i32
        %add3A_225 = arith.addi %add3A_224, %sub3A_193 : i32
        %mul3A_226 = arith.constant 5 : i32
        %mul3A_227 = arith.muli %select_n3A_217, %mul3A_226 : i32
        %sub3A_228 = arith.subi %add3A_225, %mul3A_227 : i32
        %rem3A_229 = arith.constant 2 : i32
        %rem3A_230 = arith.remsi %sub3A_193, %rem3A_229 : i32
        %dma_wait3A_231 = arith.constant 0 : i32
        %dma_wait3A_232 = tpu.memref_slice %arg7[%mul3A_221, %dma_wait3A_231] : memref<240x144xf32, #tpu.memory_space<vmem>> -> memref<80x144xf32, #tpu.memory_space<vmem>>
        %dma_wait3A_233 = arith.constant 0 : i32
        %dma_wait3A_234 = tpu.memref_slice %arg9[%rem3A_223, %sub3A_228, %dma_wait3A_233] : memref<2x10x80xi32, #tpu.memory_space<vmem>> -> memref<1x1x80xi32, #tpu.memory_space<vmem>>
        %dma_wait3A_235 = tpu.memref_squeeze %dma_wait3A_234 : memref<1x1x80xi32, #tpu.memory_space<vmem>> -> memref<80xi32, #tpu.memory_space<vmem>>
        %dma_wait3A_236 = arith.constant 0 : i32
        %dma_wait3A_237 = arith.constant 0 : i32
        %dma_wait3A_238 = tpu.memref_slice %arg10[%dma_wait3A_236, %dma_wait3A_237] : memref<10000x144xf32, #tpu.memory_space<vmem_shared>> -> memref<10000x144xf32, #tpu.memory_space<vmem_shared>>
        %dma_wait3A_239 = tpu.memref_slice %arg12[%rem3A_230] : memref<2x!tpu.dma_semaphore, #tpu.memory_space<semaphore_mem>> -> memref<1x!tpu.dma_semaphore, #tpu.memory_space<semaphore_mem>>
        %dma_wait3A_240 = tpu.memref_squeeze %dma_wait3A_239 : memref<1x!tpu.dma_semaphore, #tpu.memory_space<semaphore_mem>> -> memref<!tpu.dma_semaphore, #tpu.memory_space<semaphore_mem>>
        tpu.wait_indirect_dma semaphore(%dma_wait3A_240 : memref<!tpu.dma_semaphore, #tpu.memory_space<semaphore_mem>>) src(%dma_wait3A_232 : memref<80x144xf32, #tpu.memory_space<vmem>>) dst(%dma_wait3A_238 : memref<10000x144xf32, #tpu.memory_space<vmem_shared>>)
      } else {
      }
      %eq3A = arith.constant 0 : i32
      %eq3A_174 = arith.cmpi eq, %sub3A_123, %eq3A : i32
      %gt3A_175 = arith.constant 0 : i32
      %gt3A_176 = arith.cmpi sgt, %scan3A_103, %gt3A_175 : i32
      %add3A_177 = arith.constant 1 : i32
      %add3A_178 = arith.addi %select_n3A, %add3A_177 : i32
      %lt3A = arith.constant 25 : i32
      %lt3A_179 = arith.cmpi slt, %add3A_178, %lt3A : i32
      %and3A_180 = arith.andi %gt3A_176, %lt3A_179 : i1
      %and3A_181 = arith.andi %eq3A_174, %and3A_180 : i1
      %convert_element_type3A_182 = arith.extui %and3A_181 : i1 to i32
      %cond3A_183 = arith.constant 0 : i32
      %cond3A_184 = arith.cmpi ne, %convert_element_type3A_182, %cond3A_183 : i32
      scf.if %cond3A_184 {
        %add3A_192 = arith.constant 1 : i32
        %add3A_193 = arith.addi %select_n3A, %add3A_192 : i32
        %add3A_194 = arith.constant 1 : i32
        %add3A_195 = arith.addi %select_n3A, %add3A_194 : i32
        %rem3A_196 = arith.constant 2 : i32
        %rem3A_197 = arith.remsi %add3A_195, %rem3A_196 : i32
        %dma_start3A_198 = arith.constant 0 : i32
        %dma_start3A_199 = arith.constant 0 : i32
        %dma_start3A_200 = tpu.memref_slice %arg9[%rem3A_197, %dma_start3A_198, %dma_start3A_199] : memref<2x10x80xi32, #tpu.memory_space<vmem>> -> memref<1x10x80xi32, #tpu.memory_space<vmem>>
        %dma_start3A_201 = tpu.memref_squeeze %dma_start3A_200 : memref<1x10x80xi32, #tpu.memory_space<vmem>> -> memref<10x80xi32, #tpu.memory_space<vmem>>
        %dma_start3A_202 = arith.constant 0 : i32
        %dma_start3A_203 = arith.constant 0 : i32
        %dma_start3A_204 = tpu.memref_slice %arg4[%add3A, %add3A_193, %dma_start3A_202, %dma_start3A_203] : memref<32x25x10x80xi32, #tpu.memory_space<hbm>> -> memref<1x1x10x80xi32, #tpu.memory_space<hbm>>
        %dma_start3A_205 = tpu.memref_squeeze %dma_start3A_204 : memref<1x1x10x80xi32, #tpu.memory_space<hbm>> -> memref<10x80xi32, #tpu.memory_space<hbm>>
        %dma_start3A_206 = arith.constant 0 : i32
        %dma_start3A_207 = arith.constant 0 : i32
        %dma_start3A_208 = tpu.memref_slice %arg9[%rem3A_197, %dma_start3A_206, %dma_start3A_207] : memref<2x10x80xi32, #tpu.memory_space<vmem>> -> memref<1x10x80xi32, #tpu.memory_space<vmem>>
        %dma_start3A_209 = tpu.memref_squeeze %dma_start3A_208 : memref<1x10x80xi32, #tpu.memory_space<vmem>> -> memref<10x80xi32, #tpu.memory_space<vmem>>
        %dma_start3A_210 = arith.constant 0 : i32
        %dma_start3A_211 = arith.constant 0 : i32
        %dma_start3A_212 = tpu.memref_slice %arg4[%add3A, %add3A_193, %dma_start3A_210, %dma_start3A_211] : memref<32x25x10x80xi32, #tpu.memory_space<hbm>> -> memref<1x1x10x80xi32, #tpu.memory_space<hbm>>
        %dma_start3A_213 = tpu.memref_squeeze %dma_start3A_212 : memref<1x1x10x80xi32, #tpu.memory_space<hbm>> -> memref<10x80xi32, #tpu.memory_space<hbm>>
        tpu.enqueue_dma source(%dma_start3A_213 : memref<10x80xi32, #tpu.memory_space<hbm>>) target(%dma_start3A_209 : memref<10x80xi32, #tpu.memory_space<vmem>>) target_semaphore(%arg14 : memref<!tpu.dma_semaphore, #tpu.memory_space<semaphore_mem>>)
      } else {
      }
      %add3A_185 = arith.constant 2 : i32
      %add3A_186 = arith.addi %scan3A_103, %add3A_185 : i32
      %lt3A_187 = arith.constant 125 : i32
      %lt3A_188 = arith.cmpi slt, %add3A_186, %lt3A_187 : i32
      %convert_element_type3A_189 = arith.extui %lt3A_188 : i1 to i32
      %cond3A_190 = arith.constant 0 : i32
      %cond3A_191 = arith.cmpi ne, %convert_element_type3A_189, %cond3A_190 : i32
      scf.if %cond3A_191 {
        %jit3A_192 = arith.constant 5 : i32
        %div3A_193 = arith.divsi %add3A_186, %jit3A_192 : i32
        %sign3A_194 = arith.constant 0 : i32
        %sign3A_195 = arith.cmpi sgt, %add3A_186, %sign3A_194 : i32
        %sign3A_196 = arith.extui %sign3A_195 : i1 to i32
        %sign3A_197 = arith.constant 0 : i32
        %sign3A_198 = arith.cmpi slt, %add3A_186, %sign3A_197 : i32
        %sign3A_199 = arith.extui %sign3A_198 : i1 to i32
        %sign3A_200 = arith.subi %sign3A_196, %sign3A_199 : i32
        %sign3A_201 = arith.constant 0 : i32
        %sign3A_202 = arith.cmpi sgt, %jit3A_192, %sign3A_201 : i32
        %sign3A_203 = arith.extui %sign3A_202 : i1 to i32
        %sign3A_204 = arith.constant 0 : i32
        %sign3A_205 = arith.cmpi slt, %jit3A_192, %sign3A_204 : i32
        %sign3A_206 = arith.extui %sign3A_205 : i1 to i32
        %sign3A_207 = arith.subi %sign3A_203, %sign3A_206 : i32
        %ne3A_208 = arith.cmpi ne, %sign3A_200, %sign3A_207 : i32
        %rem3A_209 = arith.remsi %add3A_186, %jit3A_192 : i32
        %ne3A_210 = arith.constant 0 : i32
        %ne3A_211 = arith.cmpi ne, %rem3A_209, %ne3A_210 : i32
        %and3A_212 = arith.andi %ne3A_208, %ne3A_211 : i1
        %sub3A_213 = arith.constant 1 : i32
        %sub3A_214 = arith.subi %div3A_193, %sub3A_213 : i32
        %select_n3A_215 = arith.select %and3A_212, %sub3A_214, %div3A_193 : i32
        %mul3A_216 = arith.constant 5 : i32
        %mul3A_217 = arith.muli %select_n3A_215, %mul3A_216 : i32
        %sub3A_218 = arith.subi %add3A_186, %mul3A_217 : i32
        %eq3A_219 = arith.constant 0 : i32
        %eq3A_220 = arith.cmpi eq, %sub3A_218, %eq3A_219 : i32
        %gt3A_221 = arith.constant 0 : i32
        %gt3A_222 = arith.cmpi sgt, %select_n3A_215, %gt3A_221 : i32
        %and3A_223 = arith.andi %eq3A_220, %gt3A_222 : i1
        %convert_element_type3A_224 = arith.extui %and3A_223 : i1 to i32
        %cond3A_225 = arith.constant 0 : i32
        %cond3A_226 = arith.cmpi ne, %convert_element_type3A_224, %cond3A_225 : i32
        scf.if %cond3A_226 {
          %rem3A_280 = arith.constant 2 : i32
          %rem3A_281 = arith.remsi %select_n3A_215, %rem3A_280 : i32
          %dma_wait3A_282 = arith.constant 0 : i32
          %dma_wait3A_283 = arith.constant 0 : i32
          %dma_wait3A_284 = tpu.memref_slice %arg9[%rem3A_281, %dma_wait3A_282, %dma_wait3A_283] : memref<2x10x80xi32, #tpu.memory_space<vmem>> -> memref<1x10x80xi32, #tpu.memory_space<vmem>>
          %dma_wait3A_285 = tpu.memref_squeeze %dma_wait3A_284 : memref<1x10x80xi32, #tpu.memory_space<vmem>> -> memref<10x80xi32, #tpu.memory_space<vmem>>
          %dma_wait3A_286 = arith.constant 0 : i32
          %dma_wait3A_287 = arith.constant 0 : i32
          %dma_wait3A_288 = tpu.memref_slice %arg4[%add3A, %select_n3A_215, %dma_wait3A_286, %dma_wait3A_287] : memref<32x25x10x80xi32, #tpu.memory_space<hbm>> -> memref<1x1x10x80xi32, #tpu.memory_space<hbm>>
          %dma_wait3A_289 = tpu.memref_squeeze %dma_wait3A_288 : memref<1x1x10x80xi32, #tpu.memory_space<hbm>> -> memref<10x80xi32, #tpu.memory_space<hbm>>
          %dma_wait3A_290 = arith.constant 0 : i32
          %dma_wait3A_291 = arith.constant 0 : i32
          %dma_wait3A_292 = tpu.memref_slice %arg9[%rem3A_281, %dma_wait3A_290, %dma_wait3A_291] : memref<2x10x80xi32, #tpu.memory_space<vmem>> -> memref<1x10x80xi32, #tpu.memory_space<vmem>>
          %dma_wait3A_293 = tpu.memref_squeeze %dma_wait3A_292 : memref<1x10x80xi32, #tpu.memory_space<vmem>> -> memref<10x80xi32, #tpu.memory_space<vmem>>
          %dma_wait3A_294 = arith.constant 0 : i32
          %dma_wait3A_295 = arith.constant 0 : i32
          %dma_wait3A_296 = tpu.memref_slice %arg4[%add3A, %select_n3A_215, %dma_wait3A_294, %dma_wait3A_295] : memref<32x25x10x80xi32, #tpu.memory_space<hbm>> -> memref<1x1x10x80xi32, #tpu.memory_space<hbm>>
          %dma_wait3A_297 = tpu.memref_squeeze %dma_wait3A_296 : memref<1x1x10x80xi32, #tpu.memory_space<hbm>> -> memref<10x80xi32, #tpu.memory_space<hbm>>
          tpu.wait_dma2 semaphore(%arg14 : memref<!tpu.dma_semaphore, #tpu.memory_space<semaphore_mem>>) src(%dma_wait3A_297 : memref<10x80xi32, #tpu.memory_space<hbm>>) dst(%dma_wait3A_293 : memref<10x80xi32, #tpu.memory_space<vmem>>)
        } else {
        }
        %jit3A_227 = arith.constant 5 : i32
        %div3A_228 = arith.divsi %add3A_186, %jit3A_227 : i32
        %sign3A_229 = arith.constant 0 : i32
        %sign3A_230 = arith.cmpi sgt, %add3A_186, %sign3A_229 : i32
        %sign3A_231 = arith.extui %sign3A_230 : i1 to i32
        %sign3A_232 = arith.constant 0 : i32
        %sign3A_233 = arith.cmpi slt, %add3A_186, %sign3A_232 : i32
        %sign3A_234 = arith.extui %sign3A_233 : i1 to i32
        %sign3A_235 = arith.subi %sign3A_231, %sign3A_234 : i32
        %sign3A_236 = arith.constant 0 : i32
        %sign3A_237 = arith.cmpi sgt, %jit3A_227, %sign3A_236 : i32
        %sign3A_238 = arith.extui %sign3A_237 : i1 to i32
        %sign3A_239 = arith.constant 0 : i32
        %sign3A_240 = arith.cmpi slt, %jit3A_227, %sign3A_239 : i32
        %sign3A_241 = arith.extui %sign3A_240 : i1 to i32
        %sign3A_242 = arith.subi %sign3A_238, %sign3A_241 : i32
        %ne3A_243 = arith.cmpi ne, %sign3A_235, %sign3A_242 : i32
        %rem3A_244 = arith.remsi %add3A_186, %jit3A_227 : i32
        %ne3A_245 = arith.constant 0 : i32
        %ne3A_246 = arith.cmpi ne, %rem3A_244, %ne3A_245 : i32
        %and3A_247 = arith.andi %ne3A_243, %ne3A_246 : i1
        %sub3A_248 = arith.constant 1 : i32
        %sub3A_249 = arith.subi %div3A_228, %sub3A_248 : i32
        %select_n3A_250 = arith.select %and3A_247, %sub3A_249, %div3A_228 : i32
        %mul3A_251 = arith.constant 5 : i32
        %mul3A_252 = arith.muli %select_n3A_250, %mul3A_251 : i32
        %sub3A_253 = arith.subi %add3A_186, %mul3A_252 : i32
        %rem3A_254 = arith.constant 2 : i32
        %rem3A_255 = arith.remsi %select_n3A_250, %rem3A_254 : i32
        %rem3A_256 = arith.constant 3 : i32
        %rem3A_257 = arith.remsi %add3A_186, %rem3A_256 : i32
        %mul3A_258 = arith.constant 80 : i32
        %mul3A_259 = arith.muli %rem3A_257, %mul3A_258 : i32
        %dma_start3A_260 = arith.constant 0 : i32
        %dma_start3A_261 = tpu.memref_slice %arg7[%mul3A_259, %dma_start3A_260] : memref<240x144xf32, #tpu.memory_space<vmem>> -> memref<80x144xf32, #tpu.memory_space<vmem>>
        %dma_start3A_262 = arith.constant 0 : i32
        %dma_start3A_263 = tpu.memref_slice %arg9[%rem3A_255, %sub3A_253, %dma_start3A_262] : memref<2x10x80xi32, #tpu.memory_space<vmem>> -> memref<1x1x80xi32, #tpu.memory_space<vmem>>
        %dma_start3A_264 = tpu.memref_squeeze %dma_start3A_263 : memref<1x1x80xi32, #tpu.memory_space<vmem>> -> memref<80xi32, #tpu.memory_space<vmem>>
        %dma_start3A_265 = arith.constant 0 : i32
        %dma_start3A_266 = arith.constant 0 : i32
        %dma_start3A_267 = tpu.memref_slice %arg2[%dma_start3A_265, %dma_start3A_266] : memref<10000x144xf32, #tpu.memory_space<hbm>> -> memref<10000x144xf32, #tpu.memory_space<hbm>>
        tpu.enqueue_indirect_dma source(%dma_start3A_267 : memref<10000x144xf32, #tpu.memory_space<hbm>>) target(%dma_start3A_261 : memref<80x144xf32, #tpu.memory_space<vmem>>) offsets(%dma_start3A_264 : memref<80xi32, #tpu.memory_space<vmem>>) semaphore(%arg11 : memref<!tpu.dma_semaphore, #tpu.memory_space<semaphore_mem>>)
        %add3A_268 = arith.constant 5 : i32
        %add3A_269 = arith.addi %add3A_268, %sub3A_253 : i32
        %mul3A_270 = arith.constant 80 : i32
        %mul3A_271 = arith.muli %rem3A_257, %mul3A_270 : i32
        %dma_start3A_272 = arith.constant 0 : i32
        %dma_start3A_273 = tpu.memref_slice %arg8[%mul3A_271, %dma_start3A_272] : memref<240x16xf32, #tpu.memory_space<vmem>> -> memref<80x16xf32, #tpu.memory_space<vmem>>
        %dma_start3A_274 = arith.constant 0 : i32
        %dma_start3A_275 = tpu.memref_slice %arg9[%rem3A_255, %add3A_269, %dma_start3A_274] : memref<2x10x80xi32, #tpu.memory_space<vmem>> -> memref<1x1x80xi32, #tpu.memory_space<vmem>>
        %dma_start3A_276 = tpu.memref_squeeze %dma_start3A_275 : memref<1x1x80xi32, #tpu.memory_space<vmem>> -> memref<80xi32, #tpu.memory_space<vmem>>
        %dma_start3A_277 = arith.constant 0 : i32
        %dma_start3A_278 = arith.constant 0 : i32
        %dma_start3A_279 = tpu.memref_slice %arg3[%dma_start3A_277, %dma_start3A_278] : memref<10000x16xf32, #tpu.memory_space<hbm>> -> memref<10000x16xf32, #tpu.memory_space<hbm>>
        tpu.enqueue_indirect_dma source(%dma_start3A_279 : memref<10000x16xf32, #tpu.memory_space<hbm>>) target(%dma_start3A_273 : memref<80x16xf32, #tpu.memory_space<vmem>>) offsets(%dma_start3A_276 : memref<80xi32, #tpu.memory_space<vmem>>) semaphore(%arg11 : memref<!tpu.dma_semaphore, #tpu.memory_space<semaphore_mem>>)
      } else {
      }
    }
    %scan3A_80 = arith.constant 125 : i32
    %rem3A_81 = arith.constant 124 : i32
    %rem3A_82 = arith.constant 3 : i32
    %rem3A_83 = arith.remsi %rem3A_81, %rem3A_82 : i32
    %mul3A_84 = arith.constant 80 : i32
    %mul3A_85 = arith.muli %rem3A_83, %mul3A_84 : i32
    %rem3A_86 = arith.constant 24 : i32
    %rem3A_87 = arith.constant 2 : i32
    %rem3A_88 = arith.remsi %rem3A_86, %rem3A_87 : i32
    %rem3A_89 = arith.constant 124 : i32
    %rem3A_90 = arith.constant 2 : i32
    %rem3A_91 = arith.remsi %rem3A_89, %rem3A_90 : i32
    %dma_wait3A = arith.constant 9 : i32
    %dma_wait3A_92 = arith.constant 0 : i32
    %dma_wait3A_93 = tpu.memref_slice %arg7[%mul3A_85, %dma_wait3A_92] : memref<240x144xf32, #tpu.memory_space<vmem>> -> memref<80x144xf32, #tpu.memory_space<vmem>>
    %dma_wait3A_94 = arith.constant 0 : i32
    %dma_wait3A_95 = tpu.memref_slice %arg9[%rem3A_88, %dma_wait3A, %dma_wait3A_94] : memref<2x10x80xi32, #tpu.memory_space<vmem>> -> memref<1x1x80xi32, #tpu.memory_space<vmem>>
    %dma_wait3A_96 = tpu.memref_squeeze %dma_wait3A_95 : memref<1x1x80xi32, #tpu.memory_space<vmem>> -> memref<80xi32, #tpu.memory_space<vmem>>
    %dma_wait3A_97 = arith.constant 0 : i32
    %dma_wait3A_98 = arith.constant 0 : i32
    %dma_wait3A_99 = tpu.memref_slice %arg10[%dma_wait3A_97, %dma_wait3A_98] : memref<10000x144xf32, #tpu.memory_space<vmem_shared>> -> memref<10000x144xf32, #tpu.memory_space<vmem_shared>>
    %dma_wait3A_100 = tpu.memref_slice %arg12[%rem3A_91] : memref<2x!tpu.dma_semaphore, #tpu.memory_space<semaphore_mem>> -> memref<1x!tpu.dma_semaphore, #tpu.memory_space<semaphore_mem>>
    %dma_wait3A_101 = tpu.memref_squeeze %dma_wait3A_100 : memref<1x!tpu.dma_semaphore, #tpu.memory_space<semaphore_mem>> -> memref<!tpu.dma_semaphore, #tpu.memory_space<semaphore_mem>>
    tpu.wait_indirect_dma semaphore(%dma_wait3A_101 : memref<!tpu.dma_semaphore, #tpu.memory_space<semaphore_mem>>) src(%dma_wait3A_93 : memref<80x144xf32, #tpu.memory_space<vmem>>) dst(%dma_wait3A_99 : memref<10000x144xf32, #tpu.memory_space<vmem_shared>>)
    %barrier3A_102 = arith.constant 0 : index
    tpu.barrier barrier_id(%barrier3A_102)
    "tpu.region"() ({
      %run_scoped3A_103 = tpu.sem_alloc : memref<!tpu.dma_semaphore, #tpu.memory_space<semaphore_mem>>
      %dma_start3A_104 = arith.constant 0 : i32
      %dma_start3A_105 = tpu.memref_slice %arg6[%arg0, %mul3A_0, %dma_start3A_104] : memref<2x10000x144xf32, #tpu.memory_space<hbm>> -> memref<1x625x144xf32, #tpu.memory_space<hbm>>
      %dma_start3A_106 = tpu.memref_squeeze %dma_start3A_105 : memref<1x625x144xf32, #tpu.memory_space<hbm>> -> memref<625x144xf32, #tpu.memory_space<hbm>>
      %dma_start3A_107 = arith.constant 0 : i32
      %dma_start3A_108 = tpu.memref_slice %arg10[%mul3A_0, %dma_start3A_107] : memref<10000x144xf32, #tpu.memory_space<vmem_shared>> -> memref<625x144xf32, #tpu.memory_space<vmem_shared>>
      tpu.enqueue_dma source(%dma_start3A_108 : memref<625x144xf32, #tpu.memory_space<vmem_shared>>) target(%dma_start3A_106 : memref<625x144xf32, #tpu.memory_space<hbm>>) target_semaphore(%run_scoped3A_103 : memref<!tpu.dma_semaphore, #tpu.memory_space<semaphore_mem>>)
      %dma_wait3A_109 = arith.constant 0 : i32
      %dma_wait3A_110 = tpu.memref_slice %arg6[%arg0, %mul3A_0, %dma_wait3A_109] : memref<2x10000x144xf32, #tpu.memory_space<hbm>> -> memref<1x625x144xf32, #tpu.memory_space<hbm>>
      %dma_wait3A_111 = tpu.memref_squeeze %dma_wait3A_110 : memref<1x625x144xf32, #tpu.memory_space<hbm>> -> memref<625x144xf32, #tpu.memory_space<hbm>>
      %dma_wait3A_112 = arith.constant 0 : i32
      %dma_wait3A_113 = tpu.memref_slice %arg10[%mul3A_0, %dma_wait3A_112] : memref<10000x144xf32, #tpu.memory_space<vmem_shared>> -> memref<625x144xf32, #tpu.memory_space<vmem_shared>>
      tpu.wait_dma2 semaphore(%run_scoped3A_103 : memref<!tpu.dma_semaphore, #tpu.memory_space<semaphore_mem>>) src(%dma_wait3A_113 : memref<625x144xf32, #tpu.memory_space<vmem_shared>>) dst(%dma_wait3A_111 : memref<625x144xf32, #tpu.memory_space<hbm>>)
      tpu.yield
    }) : () -> ()
    return
  }
}

module attributes {stable_mosaic.version = 14 : i64} {
  func.func @_pre_body(%arg0: i32, %arg1: memref<1000x128xf32, #tpu.memory_space<vmem>>, %arg2: memref<128x128xf32, #tpu.memory_space<vmem>>, %arg3: memref<128x16xf32, #tpu.memory_space<vmem>>, %arg4: memref<128x16xf32, #tpu.memory_space<vmem>>, %arg5: memref<1000x144xf32, #tpu.memory_space<vmem>>, %arg6: memref<1000x16xf32, #tpu.memory_space<vmem>>) attributes {dimension_semantics = [#tpu.dimension_semantics<arbitrary>], iteration_bounds = array<i64: 10>, scalar_prefetch = 0 : i64, scratch_operands = 0 : i64, tpu.core_type = #tpu.core_type<tc>, window_params = [{transform_indices = @transform_0, window_bounds = array<i64: 1000, 128>}, {pipeline_mode = #tpu.pipeline_mode<synchronous>, transform_indices = @transform_1, window_bounds = array<i64: 128, 128>}, {pipeline_mode = #tpu.pipeline_mode<synchronous>, transform_indices = @transform_2, window_bounds = array<i64: 128, 16>}, {pipeline_mode = #tpu.pipeline_mode<synchronous>, transform_indices = @transform_3, window_bounds = array<i64: 128, 16>}, {transform_indices = @transform_4, window_bounds = array<i64: 1000, 144>}, {transform_indices = @transform_5, window_bounds = array<i64: 1000, 16>}]} {
    %get3A = arith.constant 0 : index
    %get3A_0 = arith.constant 0 : index
    %get3A_1 = vector.load %arg1[%get3A, %get3A_0] : memref<1000x128xf32, #tpu.memory_space<vmem>>, vector<1000x128xf32>
    %get3A_2 = arith.constant 0 : index
    %get3A_3 = arith.constant 0 : index
    %get3A_4 = vector.load %arg2[%get3A_2, %get3A_3] : memref<128x128xf32, #tpu.memory_space<vmem>>, vector<128x128xf32>
    %dot_general3A = arith.constant dense<0.000000e+00> : vector<1000x128xf32>
    %dot_general3A_5 = tpu.matmul %get3A_1, %get3A_4, %dot_general3A {dimension_numbers = #tpu.dot_dimension_numbers<[1], [0], [0], [1], [0, 0, 1, 1], [], []>, transpose_lhs_hint = false} : vector<1000x128xf32>, vector<128x128xf32>, vector<1000x128xf32> -> vector<1000x128xf32>
    %get3A_6 = arith.constant 0 : index
    %get3A_7 = arith.constant 0 : index
    %get3A_8 = vector.load %arg3[%get3A_6, %get3A_7] : memref<128x16xf32, #tpu.memory_space<vmem>>, vector<128x16xf32>
    %dot_general3A_9 = arith.constant dense<0.000000e+00> : vector<1000x16xf32>
    %dot_general3A_10 = tpu.matmul %dot_general3A_5, %get3A_8, %dot_general3A_9 {dimension_numbers = #tpu.dot_dimension_numbers<[1], [0], [0], [1], [0, 0, 1, 1], [], []>, transpose_lhs_hint = false} : vector<1000x128xf32>, vector<128x16xf32>, vector<1000x16xf32> -> vector<1000x16xf32>
    %concatenate3A = tpu.concatenate %dot_general3A_5, %dot_general3A_10 in 1 : vector<1000x128xf32>, vector<1000x16xf32> -> vector<1000x144xf32>
    %swap3A = arith.constant 0 : index
    %swap3A_11 = arith.constant 0 : index
    %swap3A_12 = vector.load %arg5[%swap3A, %swap3A_11] : memref<1000x144xf32, #tpu.memory_space<vmem>>, vector<1000x144xf32>
    tpu.vector_store %arg5[%swap3A, %swap3A_11], %concatenate3A {strides = array<i32>} : memref<1000x144xf32, #tpu.memory_space<vmem>>, vector<1000x144xf32>,
    %get3A_13 = arith.constant 0 : index
    %get3A_14 = arith.constant 0 : index
    %get3A_15 = vector.load %arg4[%get3A_13, %get3A_14] : memref<128x16xf32, #tpu.memory_space<vmem>>, vector<128x16xf32>
    %dot_general3A_16 = arith.constant dense<0.000000e+00> : vector<1000x16xf32>
    %dot_general3A_17 = tpu.matmul %dot_general3A_5, %get3A_15, %dot_general3A_16 {dimension_numbers = #tpu.dot_dimension_numbers<[1], [0], [0], [1], [0, 0, 1, 1], [], []>, transpose_lhs_hint = false} : vector<1000x128xf32>, vector<128x16xf32>, vector<1000x16xf32> -> vector<1000x16xf32>
    %swap3A_18 = arith.constant 0 : index
    %swap3A_19 = arith.constant 0 : index
    %swap3A_20 = vector.load %arg6[%swap3A_18, %swap3A_19] : memref<1000x16xf32, #tpu.memory_space<vmem>>, vector<1000x16xf32>
    tpu.vector_store %arg6[%swap3A_18, %swap3A_19], %dot_general3A_17 {strides = array<i32>} : memref<1000x16xf32, #tpu.memory_space<vmem>>, vector<1000x16xf32>,
    return
  }
  func.func @transform_0(%arg0: i32) -> (i32, i32) {
    %c0_i32 = arith.constant 0 : i32
    %c0_i32_0 = arith.constant 0 : i32
    return %arg0, %c0_i32 : i32, i32
  }
  func.func @transform_1(%arg0: i32) -> (i32, i32) {
    %c0_i32 = arith.constant 0 : i32
    %c0_i32_0 = arith.constant 0 : i32
    %c0_i32_1 = arith.constant 0 : i32
    return %c0_i32, %c0_i32_0 : i32, i32
  }
  func.func @transform_2(%arg0: i32) -> (i32, i32) {
    %c0_i32 = arith.constant 0 : i32
    %c0_i32_0 = arith.constant 0 : i32
    %c0_i32_1 = arith.constant 0 : i32
    return %c0_i32, %c0_i32_0 : i32, i32
  }
  func.func @transform_3(%arg0: i32) -> (i32, i32) {
    %c0_i32 = arith.constant 0 : i32
    %c0_i32_0 = arith.constant 0 : i32
    %c0_i32_1 = arith.constant 0 : i32
    return %c0_i32, %c0_i32_0 : i32, i32
  }
  func.func @transform_4(%arg0: i32) -> (i32, i32) {
    %c0_i32 = arith.constant 0 : i32
    %c0_i32_0 = arith.constant 0 : i32
    return %arg0, %c0_i32 : i32, i32
  }
  func.func @transform_5(%arg0: i32) -> (i32, i32) {
    %c0_i32 = arith.constant 0 : i32
    %c0_i32_0 = arith.constant 0 : i32
    return %arg0, %c0_i32 : i32, i32
  }
}

module attributes {stable_mosaic.version = 14 : i64} {
  func.func @_mid_body(%arg0: i32, %arg1: memref<2x1000x144xf32, #tpu.memory_space<vmem>>, %arg2: memref<1000x128xf32, #tpu.memory_space<vmem>>, %arg3: memref<1x128xf32, #tpu.memory_space<vmem>>, %arg4: memref<128x128xf32, #tpu.memory_space<vmem>>, %arg5: memref<128x16xf32, #tpu.memory_space<vmem>>, %arg6: memref<128x16xf32, #tpu.memory_space<vmem>>, %arg7: memref<1000x128xf32, #tpu.memory_space<vmem>>, %arg8: memref<1000x144xf32, #tpu.memory_space<vmem>>, %arg9: memref<1000x16xf32, #tpu.memory_space<vmem>>) attributes {dimension_semantics = [#tpu.dimension_semantics<arbitrary>], iteration_bounds = array<i64: 10>, scalar_prefetch = 0 : i64, scratch_operands = 0 : i64, tpu.core_type = #tpu.core_type<tc>, window_params = [{transform_indices = @transform_0, window_bounds = array<i64: 2, 1000, 144>}, {transform_indices = @transform_1, window_bounds = array<i64: 1000, 128>}, {pipeline_mode = #tpu.pipeline_mode<synchronous>, transform_indices = @transform_2, window_bounds = array<i64: 1, 128>}, {pipeline_mode = #tpu.pipeline_mode<synchronous>, transform_indices = @transform_3, window_bounds = array<i64: 128, 128>}, {pipeline_mode = #tpu.pipeline_mode<synchronous>, transform_indices = @transform_4, window_bounds = array<i64: 128, 16>}, {pipeline_mode = #tpu.pipeline_mode<synchronous>, transform_indices = @transform_5, window_bounds = array<i64: 128, 16>}, {transform_indices = @transform_6, window_bounds = array<i64: 1000, 128>}, {transform_indices = @transform_7, window_bounds = array<i64: 1000, 144>}, {transform_indices = @transform_8, window_bounds = array<i64: 1000, 16>}]} {
    %get3A = arith.constant 0 : index
    %get3A_0 = arith.constant 0 : index
    %get3A_1 = arith.constant 0 : index
    %get3A_2 = vector.load %arg1[%get3A, %get3A_0, %get3A_1] : memref<2x1000x144xf32, #tpu.memory_space<vmem>>, vector<1x1000x128xf32>
    %get3A_3 = vector.shape_cast %get3A_2 : vector<1x1000x128xf32> to vector<1000x128xf32>
    %get3A_4 = arith.constant 1 : index
    %get3A_5 = arith.constant 0 : index
    %get3A_6 = arith.constant 0 : index
    %get3A_7 = vector.load %arg1[%get3A_4, %get3A_5, %get3A_6] : memref<2x1000x144xf32, #tpu.memory_space<vmem>>, vector<1x1000x128xf32>
    %get3A_8 = vector.shape_cast %get3A_7 : vector<1x1000x128xf32> to vector<1000x128xf32>
    %get3A_9 = arith.constant 0 : index
    %get3A_10 = arith.constant 0 : index
    %get3A_11 = arith.constant 136 : index
    %get3A_12 = vector.load %arg1[%get3A_9, %get3A_10, %get3A_11] : memref<2x1000x144xf32, #tpu.memory_space<vmem>>, vector<1x1000x8xf32>
    %get3A_13 = vector.shape_cast %get3A_12 : vector<1x1000x8xf32> to vector<1000x8xf32>
    %get3A_14 = arith.constant 1 : index
    %get3A_15 = arith.constant 0 : index
    %get3A_16 = arith.constant 136 : index
    %get3A_17 = vector.load %arg1[%get3A_14, %get3A_15, %get3A_16] : memref<2x1000x144xf32, #tpu.memory_space<vmem>>, vector<1x1000x8xf32>
    %get3A_18 = vector.shape_cast %get3A_17 : vector<1x1000x8xf32> to vector<1000x8xf32>
    %get3A_19 = arith.constant 0 : index
    %get3A_20 = arith.constant 0 : index
    %get3A_21 = vector.load %arg2[%get3A_19, %get3A_20] : memref<1000x128xf32, #tpu.memory_space<vmem>>, vector<1000x128xf32>
    %get3A_22 = arith.constant 0 : index
    %get3A_23 = arith.constant 0 : index
    %get3A_24 = vector.load %arg3[%get3A_22, %get3A_23] : memref<1x128xf32, #tpu.memory_space<vmem>>, vector<1x128xf32>
    %add3A = arith.addf %get3A_3, %get3A_8 : vector<1000x128xf32>
    %add3A_25 = arith.addf %get3A_13, %get3A_18 : vector<1000x8xf32>
    %iota3A = tpu.iota {dimensions = array<i32: 1>} : vector<8x128xi32>
    %jit3A = arith.constant 16 : i32
    %div3A = vector.broadcast %jit3A : i32 to vector<8x128xi32>
    %div3A_26 = arith.divsi %iota3A, %div3A : vector<8x128xi32>
    %sign3A = arith.constant 0 : i32
    %sign3A_27 = vector.broadcast %sign3A : i32 to vector<8x128xi32>
    %sign3A_28 = arith.cmpi sgt, %iota3A, %sign3A_27 : vector<8x128xi32>
    %sign3A_29 = arith.extui %sign3A_28 : vector<8x128xi1> to vector<8x128xi32>
    %sign3A_30 = arith.constant 0 : i32
    %sign3A_31 = vector.broadcast %sign3A_30 : i32 to vector<8x128xi32>
    %sign3A_32 = arith.cmpi slt, %iota3A, %sign3A_31 : vector<8x128xi32>
    %sign3A_33 = arith.extui %sign3A_32 : vector<8x128xi1> to vector<8x128xi32>
    %sign3A_34 = arith.subi %sign3A_29, %sign3A_33 : vector<8x128xi32>
    %sign3A_35 = arith.constant 0 : i32
    %sign3A_36 = arith.cmpi sgt, %jit3A, %sign3A_35 : i32
    %sign3A_37 = arith.extui %sign3A_36 : i1 to i32
    %sign3A_38 = arith.constant 0 : i32
    %sign3A_39 = arith.cmpi slt, %jit3A, %sign3A_38 : i32
    %sign3A_40 = arith.extui %sign3A_39 : i1 to i32
    %sign3A_41 = arith.subi %sign3A_37, %sign3A_40 : i32
    %ne3A = vector.broadcast %sign3A_41 : i32 to vector<8x128xi32>
    %ne3A_42 = arith.cmpi ne, %sign3A_34, %ne3A : vector<8x128xi32>
    %rem3A = vector.broadcast %jit3A : i32 to vector<8x128xi32>
    %rem3A_43 = arith.remsi %iota3A, %rem3A : vector<8x128xi32>
    %ne3A_44 = arith.constant 0 : i32
    %ne3A_45 = vector.broadcast %ne3A_44 : i32 to vector<8x128xi32>
    %ne3A_46 = arith.cmpi ne, %rem3A_43, %ne3A_45 : vector<8x128xi32>
    %and3A = arith.andi %ne3A_42, %ne3A_46 : vector<8x128xi1>
    %sub3A = arith.constant 1 : i32
    %sub3A_47 = vector.broadcast %sub3A : i32 to vector<8x128xi32>
    %sub3A_48 = arith.subi %div3A_26, %sub3A_47 : vector<8x128xi32>
    %select_n3A = arith.select %and3A, %sub3A_48, %div3A_26 : vector<8x128xi1>, vector<8x128xi32>
    %iota3A_49 = tpu.iota {dimensions = array<i32: 0>} : vector<8x128xi32>
    %eq3A = arith.cmpi eq, %select_n3A, %iota3A_49 : vector<8x128xi32>
    %convert_element_type3A = arith.extui %eq3A : vector<8x128xi1> to vector<8x128xi32>
    %convert_element_type3A_50 = arith.sitofp %convert_element_type3A : vector<8x128xi32> to vector<8x128xf32>
    %dot_general3A = arith.constant dense<0.000000e+00> : vector<1000x128xf32>
    %dot_general3A_51 = tpu.matmul %add3A_25, %convert_element_type3A_50, %dot_general3A {dimension_numbers = #tpu.dot_dimension_numbers<[1], [0], [0], [1], [0, 0, 1, 1], [], []>, transpose_lhs_hint = false} : vector<1000x8xf32>, vector<8x128xf32>, vector<1000x128xf32> -> vector<1000x128xf32>
    %max3A = arith.constant 9.99999971E-10 : f32
    %max3A_52 = vector.broadcast %max3A : f32 to vector<1000x128xf32>
    %max3A_53 = arith.maximumf %dot_general3A_51, %max3A_52 : vector<1000x128xf32>
    %div3A_54 = arith.divf %add3A, %max3A_53 : vector<1000x128xf32>
    %add3A_55 = arith.addf %div3A_54, %get3A_21 : vector<1000x128xf32>
    %add3A_56 = vector.broadcast %get3A_24 : vector<1x128xf32> to vector<1000x128xf32>
    %add3A_57 = arith.addf %add3A_55, %add3A_56 : vector<1000x128xf32>
    %gt3A = arith.constant 0.000000e+00 : f32
    %gt3A_58 = vector.broadcast %gt3A : f32 to vector<1000x128xf32>
    %gt3A_59 = arith.cmpf ogt, %add3A_57, %gt3A_58 : vector<1000x128xf32>
    %mul3A = arith.constant 0.00999999977 : f32
    %mul3A_60 = vector.broadcast %mul3A : f32 to vector<1000x128xf32>
    %mul3A_61 = arith.mulf %mul3A_60, %add3A_57 : vector<1000x128xf32>
    %select_n3A_62 = arith.select %gt3A_59, %add3A_57, %mul3A_61 : vector<1000x128xi1>, vector<1000x128xf32>
    %swap3A = arith.constant 0 : index
    %swap3A_63 = arith.constant 0 : index
    %swap3A_64 = vector.load %arg7[%swap3A, %swap3A_63] : memref<1000x128xf32, #tpu.memory_space<vmem>>, vector<1000x128xf32>
    tpu.vector_store %arg7[%swap3A, %swap3A_63], %select_n3A_62 {strides = array<i32>} : memref<1000x128xf32, #tpu.memory_space<vmem>>, vector<1000x128xf32>,
    %get3A_65 = arith.constant 0 : index
    %get3A_66 = arith.constant 0 : index
    %get3A_67 = vector.load %arg4[%get3A_65, %get3A_66] : memref<128x128xf32, #tpu.memory_space<vmem>>, vector<128x128xf32>
    %dot_general3A_68 = arith.constant dense<0.000000e+00> : vector<1000x128xf32>
    %dot_general3A_69 = tpu.matmul %select_n3A_62, %get3A_67, %dot_general3A_68 {dimension_numbers = #tpu.dot_dimension_numbers<[1], [0], [0], [1], [0, 0, 1, 1], [], []>, transpose_lhs_hint = false} : vector<1000x128xf32>, vector<128x128xf32>, vector<1000x128xf32> -> vector<1000x128xf32>
    %get3A_70 = arith.constant 0 : index
    %get3A_71 = arith.constant 0 : index
    %get3A_72 = vector.load %arg5[%get3A_70, %get3A_71] : memref<128x16xf32, #tpu.memory_space<vmem>>, vector<128x16xf32>
    %dot_general3A_73 = arith.constant dense<0.000000e+00> : vector<1000x16xf32>
    %dot_general3A_74 = tpu.matmul %dot_general3A_69, %get3A_72, %dot_general3A_73 {dimension_numbers = #tpu.dot_dimension_numbers<[1], [0], [0], [1], [0, 0, 1, 1], [], []>, transpose_lhs_hint = false} : vector<1000x128xf32>, vector<128x16xf32>, vector<1000x16xf32> -> vector<1000x16xf32>
    %concatenate3A = tpu.concatenate %dot_general3A_69, %dot_general3A_74 in 1 : vector<1000x128xf32>, vector<1000x16xf32> -> vector<1000x144xf32>
    %swap3A_75 = arith.constant 0 : index
    %swap3A_76 = arith.constant 0 : index
    %swap3A_77 = vector.load %arg8[%swap3A_75, %swap3A_76] : memref<1000x144xf32, #tpu.memory_space<vmem>>, vector<1000x144xf32>
    tpu.vector_store %arg8[%swap3A_75, %swap3A_76], %concatenate3A {strides = array<i32>} : memref<1000x144xf32, #tpu.memory_space<vmem>>, vector<1000x144xf32>,
    %get3A_78 = arith.constant 0 : index
    %get3A_79 = arith.constant 0 : index
    %get3A_80 = vector.load %arg6[%get3A_78, %get3A_79] : memref<128x16xf32, #tpu.memory_space<vmem>>, vector<128x16xf32>
    %dot_general3A_81 = arith.constant dense<0.000000e+00> : vector<1000x16xf32>
    %dot_general3A_82 = tpu.matmul %dot_general3A_69, %get3A_80, %dot_general3A_81 {dimension_numbers = #tpu.dot_dimension_numbers<[1], [0], [0], [1], [0, 0, 1, 1], [], []>, transpose_lhs_hint = false} : vector<1000x128xf32>, vector<128x16xf32>, vector<1000x16xf32> -> vector<1000x16xf32>
    %swap3A_83 = arith.constant 0 : index
    %swap3A_84 = arith.constant 0 : index
    %swap3A_85 = vector.load %arg9[%swap3A_83, %swap3A_84] : memref<1000x16xf32, #tpu.memory_space<vmem>>, vector<1000x16xf32>
    tpu.vector_store %arg9[%swap3A_83, %swap3A_84], %dot_general3A_82 {strides = array<i32>} : memref<1000x16xf32, #tpu.memory_space<vmem>>, vector<1000x16xf32>,
    return
  }
  func.func @transform_0(%arg0: i32) -> (i32, i32, i32) {
    %c0_i32 = arith.constant 0 : i32
    %c0_i32_0 = arith.constant 0 : i32
    %c0_i32_1 = arith.constant 0 : i32
    return %c0_i32, %arg0, %c0_i32_0 : i32, i32, i32
  }
  func.func @transform_1(%arg0: i32) -> (i32, i32) {
    %c0_i32 = arith.constant 0 : i32
    %c0_i32_0 = arith.constant 0 : i32
    return %arg0, %c0_i32 : i32, i32
  }
  func.func @transform_2(%arg0: i32) -> (i32, i32) {
    %c0_i32 = arith.constant 0 : i32
    %c0_i32_0 = arith.constant 0 : i32
    %c0_i32_1 = arith.constant 0 : i32
    return %c0_i32, %c0_i32_0 : i32, i32
  }
  func.func @transform_3(%arg0: i32) -> (i32, i32) {
    %c0_i32 = arith.constant 0 : i32
    %c0_i32_0 = arith.constant 0 : i32
    %c0_i32_1 = arith.constant 0 : i32
    return %c0_i32, %c0_i32_0 : i32, i32
  }
  func.func @transform_4(%arg0: i32) -> (i32, i32) {
    %c0_i32 = arith.constant 0 : i32
    %c0_i32_0 = arith.constant 0 : i32
    %c0_i32_1 = arith.constant 0 : i32
    return %c0_i32, %c0_i32_0 : i32, i32
  }
  func.func @transform_5(%arg0: i32) -> (i32, i32) {
    %c0_i32 = arith.constant 0 : i32
    %c0_i32_0 = arith.constant 0 : i32
    %c0_i32_1 = arith.constant 0 : i32
    return %c0_i32, %c0_i32_0 : i32, i32
  }
  func.func @transform_6(%arg0: i32) -> (i32, i32) {
    %c0_i32 = arith.constant 0 : i32
    %c0_i32_0 = arith.constant 0 : i32
    return %arg0, %c0_i32 : i32, i32
  }
  func.func @transform_7(%arg0: i32) -> (i32, i32) {
    %c0_i32 = arith.constant 0 : i32
    %c0_i32_0 = arith.constant 0 : i32
    return %arg0, %c0_i32 : i32, i32
  }
  func.func @transform_8(%arg0: i32) -> (i32, i32) {
    %c0_i32 = arith.constant 0 : i32
    %c0_i32_0 = arith.constant 0 : i32
    return %arg0, %c0_i32 : i32, i32
  }
}

module attributes {stable_mosaic.version = 14 : i64} {
  func.func @_fin_body(%arg0: i32, %arg1: memref<2x1000x144xf32, #tpu.memory_space<vmem>>, %arg2: memref<1000x128xf32, #tpu.memory_space<vmem>>, %arg3: memref<1x128xf32, #tpu.memory_space<vmem>>, %arg4: memref<1000x128xf32, #tpu.memory_space<vmem>>) attributes {dimension_semantics = [#tpu.dimension_semantics<arbitrary>], iteration_bounds = array<i64: 10>, scalar_prefetch = 0 : i64, scratch_operands = 0 : i64, tpu.core_type = #tpu.core_type<tc>, window_params = [{transform_indices = @transform_0, window_bounds = array<i64: 2, 1000, 144>}, {transform_indices = @transform_1, window_bounds = array<i64: 1000, 128>}, {pipeline_mode = #tpu.pipeline_mode<synchronous>, transform_indices = @transform_2, window_bounds = array<i64: 1, 128>}, {transform_indices = @transform_3, window_bounds = array<i64: 1000, 128>}]} {
    %get3A = arith.constant 0 : index
    %get3A_0 = arith.constant 0 : index
    %get3A_1 = arith.constant 0 : index
    %get3A_2 = vector.load %arg1[%get3A, %get3A_0, %get3A_1] : memref<2x1000x144xf32, #tpu.memory_space<vmem>>, vector<1x1000x128xf32>
    %get3A_3 = vector.shape_cast %get3A_2 : vector<1x1000x128xf32> to vector<1000x128xf32>
    %get3A_4 = arith.constant 1 : index
    %get3A_5 = arith.constant 0 : index
    %get3A_6 = arith.constant 0 : index
    %get3A_7 = vector.load %arg1[%get3A_4, %get3A_5, %get3A_6] : memref<2x1000x144xf32, #tpu.memory_space<vmem>>, vector<1x1000x128xf32>
    %get3A_8 = vector.shape_cast %get3A_7 : vector<1x1000x128xf32> to vector<1000x128xf32>
    %get3A_9 = arith.constant 0 : index
    %get3A_10 = arith.constant 0 : index
    %get3A_11 = arith.constant 136 : index
    %get3A_12 = vector.load %arg1[%get3A_9, %get3A_10, %get3A_11] : memref<2x1000x144xf32, #tpu.memory_space<vmem>>, vector<1x1000x8xf32>
    %get3A_13 = vector.shape_cast %get3A_12 : vector<1x1000x8xf32> to vector<1000x8xf32>
    %get3A_14 = arith.constant 1 : index
    %get3A_15 = arith.constant 0 : index
    %get3A_16 = arith.constant 136 : index
    %get3A_17 = vector.load %arg1[%get3A_14, %get3A_15, %get3A_16] : memref<2x1000x144xf32, #tpu.memory_space<vmem>>, vector<1x1000x8xf32>
    %get3A_18 = vector.shape_cast %get3A_17 : vector<1x1000x8xf32> to vector<1000x8xf32>
    %get3A_19 = arith.constant 0 : index
    %get3A_20 = arith.constant 0 : index
    %get3A_21 = vector.load %arg2[%get3A_19, %get3A_20] : memref<1000x128xf32, #tpu.memory_space<vmem>>, vector<1000x128xf32>
    %get3A_22 = arith.constant 0 : index
    %get3A_23 = arith.constant 0 : index
    %get3A_24 = vector.load %arg3[%get3A_22, %get3A_23] : memref<1x128xf32, #tpu.memory_space<vmem>>, vector<1x128xf32>
    %add3A = arith.addf %get3A_3, %get3A_8 : vector<1000x128xf32>
    %add3A_25 = arith.addf %get3A_13, %get3A_18 : vector<1000x8xf32>
    %iota3A = tpu.iota {dimensions = array<i32: 1>} : vector<8x128xi32>
    %jit3A = arith.constant 16 : i32
    %div3A = vector.broadcast %jit3A : i32 to vector<8x128xi32>
    %div3A_26 = arith.divsi %iota3A, %div3A : vector<8x128xi32>
    %sign3A = arith.constant 0 : i32
    %sign3A_27 = vector.broadcast %sign3A : i32 to vector<8x128xi32>
    %sign3A_28 = arith.cmpi sgt, %iota3A, %sign3A_27 : vector<8x128xi32>
    %sign3A_29 = arith.extui %sign3A_28 : vector<8x128xi1> to vector<8x128xi32>
    %sign3A_30 = arith.constant 0 : i32
    %sign3A_31 = vector.broadcast %sign3A_30 : i32 to vector<8x128xi32>
    %sign3A_32 = arith.cmpi slt, %iota3A, %sign3A_31 : vector<8x128xi32>
    %sign3A_33 = arith.extui %sign3A_32 : vector<8x128xi1> to vector<8x128xi32>
    %sign3A_34 = arith.subi %sign3A_29, %sign3A_33 : vector<8x128xi32>
    %sign3A_35 = arith.constant 0 : i32
    %sign3A_36 = arith.cmpi sgt, %jit3A, %sign3A_35 : i32
    %sign3A_37 = arith.extui %sign3A_36 : i1 to i32
    %sign3A_38 = arith.constant 0 : i32
    %sign3A_39 = arith.cmpi slt, %jit3A, %sign3A_38 : i32
    %sign3A_40 = arith.extui %sign3A_39 : i1 to i32
    %sign3A_41 = arith.subi %sign3A_37, %sign3A_40 : i32
    %ne3A = vector.broadcast %sign3A_41 : i32 to vector<8x128xi32>
    %ne3A_42 = arith.cmpi ne, %sign3A_34, %ne3A : vector<8x128xi32>
    %rem3A = vector.broadcast %jit3A : i32 to vector<8x128xi32>
    %rem3A_43 = arith.remsi %iota3A, %rem3A : vector<8x128xi32>
    %ne3A_44 = arith.constant 0 : i32
    %ne3A_45 = vector.broadcast %ne3A_44 : i32 to vector<8x128xi32>
    %ne3A_46 = arith.cmpi ne, %rem3A_43, %ne3A_45 : vector<8x128xi32>
    %and3A = arith.andi %ne3A_42, %ne3A_46 : vector<8x128xi1>
    %sub3A = arith.constant 1 : i32
    %sub3A_47 = vector.broadcast %sub3A : i32 to vector<8x128xi32>
    %sub3A_48 = arith.subi %div3A_26, %sub3A_47 : vector<8x128xi32>
    %select_n3A = arith.select %and3A, %sub3A_48, %div3A_26 : vector<8x128xi1>, vector<8x128xi32>
    %iota3A_49 = tpu.iota {dimensions = array<i32: 0>} : vector<8x128xi32>
    %eq3A = arith.cmpi eq, %select_n3A, %iota3A_49 : vector<8x128xi32>
    %convert_element_type3A = arith.extui %eq3A : vector<8x128xi1> to vector<8x128xi32>
    %convert_element_type3A_50 = arith.sitofp %convert_element_type3A : vector<8x128xi32> to vector<8x128xf32>
    %dot_general3A = arith.constant dense<0.000000e+00> : vector<1000x128xf32>
    %dot_general3A_51 = tpu.matmul %add3A_25, %convert_element_type3A_50, %dot_general3A {dimension_numbers = #tpu.dot_dimension_numbers<[1], [0], [0], [1], [0, 0, 1, 1], [], []>, transpose_lhs_hint = false} : vector<1000x8xf32>, vector<8x128xf32>, vector<1000x128xf32> -> vector<1000x128xf32>
    %max3A = arith.constant 9.99999971E-10 : f32
    %max3A_52 = vector.broadcast %max3A : f32 to vector<1000x128xf32>
    %max3A_53 = arith.maximumf %dot_general3A_51, %max3A_52 : vector<1000x128xf32>
    %div3A_54 = arith.divf %add3A, %max3A_53 : vector<1000x128xf32>
    %add3A_55 = arith.addf %div3A_54, %get3A_21 : vector<1000x128xf32>
    %add3A_56 = vector.broadcast %get3A_24 : vector<1x128xf32> to vector<1000x128xf32>
    %add3A_57 = arith.addf %add3A_55, %add3A_56 : vector<1000x128xf32>
    %swap3A = arith.constant 0 : index
    %swap3A_58 = arith.constant 0 : index
    %swap3A_59 = vector.load %arg4[%swap3A, %swap3A_58] : memref<1000x128xf32, #tpu.memory_space<vmem>>, vector<1000x128xf32>
    tpu.vector_store %arg4[%swap3A, %swap3A_58], %add3A_57 {strides = array<i32>} : memref<1000x128xf32, #tpu.memory_space<vmem>>, vector<1000x128xf32>,
    return
  }
  func.func @transform_0(%arg0: i32) -> (i32, i32, i32) {
    %c0_i32 = arith.constant 0 : i32
    %c0_i32_0 = arith.constant 0 : i32
    %c0_i32_1 = arith.constant 0 : i32
    return %c0_i32, %arg0, %c0_i32_0 : i32, i32, i32
  }
  func.func @transform_1(%arg0: i32) -> (i32, i32) {
    %c0_i32 = arith.constant 0 : i32
    %c0_i32_0 = arith.constant 0 : i32
    return %arg0, %c0_i32 : i32, i32
  }
  func.func @transform_2(%arg0: i32) -> (i32, i32) {
    %c0_i32 = arith.constant 0 : i32
    %c0_i32_0 = arith.constant 0 : i32
    %c0_i32_1 = arith.constant 0 : i32
    return %c0_i32, %c0_i32_0 : i32, i32
  }
  func.func @transform_3(%arg0: i32) -> (i32, i32) {
    %c0_i32 = arith.constant 0 : i32
    %c0_i32_0 = arith.constant 0 : i32
    return %arg0, %c0_i32 : i32, i32
  }
}

</mosaic_0001>

<sc_bundles>
// kernel: kernel.10.cloned.1.call-start
scs
__scs_entry_jumppad:
0x0: {  	(pc) =	sbr.rel $0x88, $3  }
0x1: {  	(tag) =	ssettag $0x0;
	lr =	simm.s32 $0x1  }
0x2: {  	[smem:$0x3F97] =	sst lr;
	_ =	strace $0xD0000000  }
0x3: {  	_ = 	snop  }
0x4: {  	_ = 	snop  }
0x5: {  	_ = 	snop  }
0x6: {  	_ = 	snop  }
0x7: {  	_ = 	snop  }
__scs_overlays_trampoline_lowered:
0x8: {  	[smem:$0x3FA6] =	sst s0  }
0x9: {  	[smem:$0x3FA7] =	sst s1  }
0xa: {  	[smem:$0x3FA8] =	sst s2  }
0xb: {  	[smem:$0x3FA9] =	sst s3  }
0xc: {  	[smem:$0x3FAA] =	sst s4  }
0xd: {  	[smem:$0x3FAB] =	sst s5  }
0xe: {  	[smem:$0x3FAC] =	sst s6  }
0xf: {  	[smem:$0x3FAD] =	sst s7  }
0x10: {  	[smem:$0x3FAE] =	sst s8  }
0x11: {  	[smem:$0x3FAF] =	sst s9;
	s0 =	simm.s32 @!p0 $0x0  }
0x12: {  	s1 =	sld [smem:$0x3F95];
	s0 =	simm.s32 @p0 $0x1  }
0x13: {  	[smem:$0x3FB0] =	sst s0;
	s0 =	simm.s32 @!p1 $0x0  }
0x14: {  	s2 =	sld [smem:$0x3F94];
	s0 =	simm.s32 @p1 $0x1  }
0x15: {  	[smem:$0x3FB1] =	sst s0;
	s0 =	simm.s32 @!p2 $0x0  }
0x16: {  	s3 =	sld [smem:$0x3FDB];
	s0 =	simm.s32 @p2 $0x1  }
0x17: {  	s4 =	simm.s32 $0x1BF5;
	[smem:$0x3FB3] =	sst s0  }
0x18: {  	s0 =	sld [smem:$0x3F96];
	_ =	swait.ge [sflag:s4], $0x0  }
0x19: {  	s7 =	sld [smem:$0x3F97]  }
0x1a: {  	s8 =	sadd.s32 $0xFFFFE003, lr  }
0x1b: {  	s9 =	sadd.s32 $0xFFFFFEF7, lr;
	s5 =	simm.s32 $0xFFFFFFFF;
	p2 =	slt.u32 s8, $0xFFFFF086  }
0x1c: {  	p1 =	slt.u32 s9, $0xF7A;
	s5 =	simm.s32 @!p2 $0x0  }
0x1d: {  	s5 =	simm.s32 @p1 $0x1;
	p0 =	seq.s32 s7, s2  }
0x1e: {  	s7 =	smul.u32 @!p0 $0xF7A, s2;
	p2 =	seq.s32 @!p0 s5, $0x0  }
0x1f: {  	s9 =	smul.u32 $0xF7A, s1;
	s8 =	simm.s32 @!p0 $0x1BF5;
	p2 =	por !p2, p0  }
0x20: {  	[sflag:s8] =	ssyncset.s32 @!p0 $0xFFFFF086;
	s6 =	sadd.s32 @!p0 s3, s7;
	s7 =	simm.s32 @!p0 $0x108  }
0x21: {  	s3 =	sadd.s32 s3, s9;
	s6 =	sadd.s32 @!p0 $0x88, s6;
	s7 =	simm.s32 @p2 $0x1082  }
0x22: {  	[simem:s7], [sflag:s8] =	dma.local @!p0 [hbm:s6], $0xF7A  }
0x23: {  	s9 =	sor.u32 $0xD0000000, s2;
	s6 =	simm.s32 $0x108;
	_ =	swait.ge @!p0 [sflag:s8], $0x0  }
0x24: {  	s3 =	sadd.s32 $0x88, s3;
	s6 =	simm.s32 @!p1 $0x1082;
	[sflag:s4] =	ssyncset.s32 $0xFFFFF086  }
0x25: {  	[simem:s6], [sflag:s4] =	dma.local [hbm:s3], $0xF7A  }
0x26: {  	[smem:$0x3F97] =	sst s1;
	(tag) =	ssettag s2;
	_ =	strace s9  }
0x27: {  	s1 =	sld [smem:$0x3FA7]  }
0x28: {  	s2 =	sld [smem:$0x3FA8]  }
0x29: {  	s4 =	sld [smem:$0x3FAA]  }
0x2a: {  	p0 =	seq.s32 s5, $0x0;
	s5 =	sld [smem:$0x3FAB]  }
0x2b: {  	s6 =	sld [smem:$0x3FAC]  }
0x2c: {  	s7 =	sld [smem:$0x3FAD]  }
0x2d: {  	s3 =	simm.s32 $0x108;
	s8 =	sld [smem:$0x3FAE]  }
0x2e: {  	s3 =	simm.s32 @!p0 $0x1082;
	s9 =	sld [smem:$0x3FAF]  }
0x2f: {  	lr =	sadd.s32 s0, s3;
	s0 =	sld [smem:$0x3FA6]  }
0x30: {  	s3 =	sld [smem:$0x3FA9]  }
0x31: {  	[smem:$0x3FB2] =	sst s10  }
0x32: {  	s10 =	sld [smem:$0x3FB0];
	_ =	sdelay $0x3  }
0x33: {  	p0 =	seq.s32 s10, $0x1;
	s10 =	sld [smem:$0x3FB2];
	_ =	sdelay $0x3  }
0x34: {  	[smem:$0x3FB2] =	sst s10  }
0x35: {  	s10 =	sld [smem:$0x3FB1];
	_ =	sdelay $0x3  }
0x36: {  	p1 =	seq.s32 s10, $0x1;
	s10 =	sld [smem:$0x3FB2];
	_ =	sdelay $0x3  }
0x37: {  	[smem:$0x3FB2] =	sst s10  }
0x38: {  	s10 =	sld [smem:$0x3FB3]  }
0x39: {  	_ = 	snop;
	(pc) =	sbr.ind lr, $3  }
0x3a: {  	_ = 	snop  }
0x3b: {  	_ = 	snop  }
0x3c: {  	p2 =	seq.s32 s10, $0x1;
	s10 =	sld [smem:$0x3FB2]  }
0x3d: {  	_ =	shalt  }
0x3e: {  	_ =	shalt  }
0x3f: {  	_ =	shalt  }
0x40: {  	_ =	shalt  }
0x41: {  	_ =	shalt  }
0x42: {  	_ =	shalt  }
0x43: {  	_ =	shalt  }
0x44: {  	_ =	shalt  }
0x45: {  	_ =	shalt  }
0x46: {  	_ =	shalt  }
0x47: {  	_ =	shalt  }
0x48: {  	_ =	shalt  }
0x49: {  	_ =	shalt  }
0x4a: {  	_ =	shalt  }
0x4b: {  	_ =	shalt  }
0x4c: {  	_ =	shalt  }
0x4d: {  	_ =	shalt  }
0x4e: {  	_ =	shalt  }
0x4f: {  	_ =	shalt  }
0x50: {  	_ =	shalt  }
0x51: {  	_ =	shalt  }
0x52: {  	_ =	shalt  }
0x53: {  	_ =	shalt  }
0x54: {  	_ =	shalt  }
0x55: {  	_ =	shalt  }
0x56: {  	_ =	shalt  }
0x57: {  	_ =	shalt  }
0x58: {  	_ =	shalt  }
0x59: {  	_ =	shalt  }
0x5a: {  	_ =	shalt  }
0x5b: {  	_ =	shalt  }
0x5c: {  	_ =	shalt  }
0x5d: {  	_ =	shalt  }
0x5e: {  	_ =	shalt  }
0x5f: {  	_ =	shalt  }
0x60: {  	_ =	shalt  }
0x61: {  	_ =	shalt  }
0x62: {  	_ =	shalt  }
0x63: {  	_ =	shalt  }
0x64: {  	_ =	shalt  }
0x65: {  	_ =	shalt  }
0x66: {  	_ =	shalt  }
0x67: {  	_ =	shalt  }
0x68: {  	_ =	shalt  }
0x69: {  	_ =	shalt  }
0x6a: {  	_ =	shalt  }
0x6b: {  	_ =	shalt  }
0x6c: {  	_ =	shalt  }
0x6d: {  	_ =	shalt  }
0x6e: {  	_ =	shalt  }
0x6f: {  	_ =	shalt  }
0x70: {  	_ =	shalt  }
0x71: {  	_ =	shalt  }
0x72: {  	_ =	shalt  }
0x73: {  	_ =	shalt  }
0x74: {  	_ =	shalt  }
0x75: {  	_ =	shalt  }
0x76: {  	_ =	shalt  }
0x77: {  	_ =	shalt  }
0x78: {  	_ =	shalt  }
0x79: {  	_ =	shalt  }
0x7a: {  	_ =	shalt  }
0x7b: {  	_ =	shalt  }
0x7c: {  	_ =	shalt  }
0x7d: {  	_ =	shalt  }
0x7e: {  	_ =	shalt  }
0x7f: {  	_ =	shalt  }
0x80: {  	_ =	shalt  }
0x81: {  	_ =	shalt  }
0x82: {  	_ =	shalt  }
0x83: {  	_ =	shalt  }
0x84: {  	_ =	shalt  }
0x85: {  	_ =	shalt  }
0x86: {  	_ =	shalt  }
0x87: {  	_ =	shalt  }
.Lfunc_end0:
.L_simem_size_0:
called_computation.1_lowered:
.L_overlay_start_0:
0x88: {  	s2 =	sld [smem:$0x3FD9]  }
0x89: {  	s3 =	sld [smem:$0x3FFE];
	_ =	sdelay $0x1  }
0x8a: {  	s1 =	srdreg.scid  }
0x8b: {  	s0 =	sand.u32 $0x1, s1  }
0x8c: {  	s17 =	sshll.u32 s0, $0xA;
	s2 =	sadd.s32 s3, s2  }
0x8d: {  	s2 =	sadd.s32 s2, s17  }
0x8e: {  	[smem:$0x3FBE] =	sst s2  }
0x8f: {  	_ = 	snop  }
0x90: {  	s2 =	sld [smem:$0x3FD0];
	(tm) =	ssettm $0x1  }
0x91: {  	s18 =	sld [smem:$0x3FFB];
	_ =	sdelay $0x3  }
0x92: {  	_ =	strace s18  }
0x93: {  	s3 =	sld [smem:$0x3FFC];
	_ =	sdelay $0x3  }
0x94: {  	_ =	strace s3  }
0x95: {  	s3 =	sld [smem:$0x3FFD];
	_ =	sdelay $0x3  }
0x96: {  	_ =	strace s3  }
0x97: {  	_ =	strace $0x8FFFFFFF  }
0x98: {  	s19 =	sld [smem:$0x3FDB];
	_ =	sdelay $0x1  }
0x99: {  	s4 =	simm.s32 $_scs_section_size  }
0x9a: {  	s5 =	simm.s32 $_size__tile_overlayer_lowered;
	s6 =	simm.s32 $_tile_overlayer_lowered  }
0x9b: {  	s22 =	simm.s32 $0x1BFF;
	s21 =	sshll.u32 s6, $0x1;
	s3 =	sadd.s32 s4, s19  }
0x9c: {  	s7 =	simm.s32 $0x0;
	s20 =	sshll.u32 s5, $0x1;
	s5 =	sadd.s32 s21, s3  }
0x9d: {  	[timem:s7], [sflag:s22] =	dma.local [hbm:s5], s20  }
0x9e: {  	_ =	swait.ge [sflag:s22], s20  }
0x9f: {  	s4 =	ssub.s32 $0x0, s20;
	[sflag:s22] =	ssyncset.done $0x0  }
0xa0: {  	[sflag:s22] =	ssyncadd.s32 s4;
	_ =	sdelay $0x1  }
0xa1: {  	s23 =	simm.s32 $0x1B8B  }
0xa2: {  	_ =	swait.ge [sflag:s23], $0x1  }
0xa3: {  	[sflag:s23] =	ssyncset.done $0x0  }
0xa4: {  	s25 =	simm.s32 $0x1B8E;
	s24 =	sld [smem:$0x3FFE];
	[sflag:s23] =	ssyncadd.s32 $0xFFFFFFFF  }
0xa5: {  	s26 =	simm.s32 $execute0_lowered;
	[smem:$0x3FD2] =	sst s25  }
0xa6: {  	s5 =	sshll.u32 s26, $0x1;
	_ =	strace $0x80000049;
	[dreg:$0x1] =	wrdreg $0xFFFFFFFF  }
0xa7: {  	s28 =	simm.s32 $_size_execute0_lowered;
	s3 =	sadd.s32 s3, s5;
	[dreg:$0x0] =	wrdreg $0x0  }
0xa8: {  	s5 =	sshll.u32 s28, $0x1;
	[dreg:$0x2] =	wrdreg s3  }
0xa9: {  	[dreg:$0x3] =	wrdreg s5  }
0xaa: {  	[dreg:$0x4] =	wrdreg $0xC0  }
0xab: {  	_ =	task [dreg:s7], $0x5FFFF  }
0xac: {  	[dreg:$0x1] =	wrdreg $0xFFFFFFFF  }
0xad: {  	[dreg:$0x0] =	wrdreg $0x60  }
0xae: {  	[dreg:$0x2] =	wrdreg s24  }
0xaf: {  	[dreg:$0x3] =	wrdreg s2  }
0xb0: {  	[dreg:$0x4] =	wrdreg $0x9C400  }
0xb1: {  	[dreg:$0x5] =	wrdreg $0x9  }
0xb2: {  	_ =	task.clear_ibuf [dreg:s7], $0x6FFFF;
	_ =	strace $0x90000049  }
0xb3: {  	s29 =	simm.s32 $0x9;
	_ =	strace $0x8000004B  }
0xb4: {  	_ =	swait.ge [sflag:s29], $0x1  }
0xb5: {  	[sflag:s29] =	ssyncadd.s32 $0xFFFFFFFF  }
0xb6: {  	_ =	strace $0x9000004B  }
0xb7: {  	_ =	sfence  }
0xb8: {  	s30 =	sld [smem:$0x0];
	_ =	sdelay $0x2  }
0xb9: {  	s31 =	sshll.u32 s1, $0xD;
	s1 =	sshrl.u32 s1, $0x2  }
0xba: {  	s3 =	sand.u32 $0x4000, s31;
	s1 =	sadd.s32 s1, s30  }
0xbb: {  	s0 =	sor.u32 s3, s0;
	s1 =	sshll.u32 s1, $0x11  }
0xbc: {  	s0 =	sor.u32 s1, s0  }
0xbd: {  	s0 =	sadd.s32 $0x8F2B, s0  }
0xbe: {  	[sflag:s0] =	ssyncadd.remote.s32 $0x1  }
0xbf: {  	_ =	sfence.sel $0xFFFF  }
0xc0: {  	[dreg:$0x0] =	wrdreg $0xFFFFFFFF;
	(pc) =	sbr.abs _section_cstart, $3  }
0xc1: {  	[dreg:$0x1] =	wrdreg $0xFFFFFFFF  }
0xc2: {  	_ =	task.clear_ibuf [dreg:s7], $0x2FFFF;
	_ =	strace $0x9FFFFFFF  }
0xc3: {  	(tm) =	ssettm $0x7FFFFFFF  }
tec
execute0_lowered:
.L_overlay_start_1:
0x0: {  	(tag) =	ssettag $0x1  }
0x1: {  	s0 =	rddreg [dreg:$0x0]  }
0x2: {  	s2 =	rddreg [dreg:$0x1]  }
0x3: {  	s3 =	rddreg [dreg:$0x2]  }
0x4: {  	s4 =	simm.s32 $0x0;
	s12 =	stileid.u32;
	s1 =	srdreg.scid  }
0x5: {  	s15 =	simm.s32 $0x5;
	s16 =	simm.s32 $0x9600;
	s17 =	simm.s32 $0x50  }
0x6: {  	s19 =	simm.s32 $0x8700;
	s22 =	simm.s32 $0x2D00;
	s23 =	simm.s32 $0x97E0  }
0x7: {  	s24 =	simm.s32 $0x8C00;
	s25 =	simm.s32 $0x1;
	s28 =	simm.s32 $0x0  }
0x8: {  	[smem:$0x7FF] =	sst s4;
	s8 =	smul.u32 $0x15F90, s12;
	s1 =	sand.u32 $0x1, s1  }
0x9: {  	s5 =	sadd.s32 $0x1600, s0;
	s6 =	sadd.s32 $0x2D600, s0;
	s7 =	smul.u32 $0x15F900, s1  }
0xa: {  	s31 =	sshll.u32 s12, $0x6;
	_ =	strace $0x8000004A;
	s9 =	sshll.u32 s1, $0x4  }
0xb: {  	s1 =	ssub.s32 $0x2, s1;
	s9 =	sor.u32 s12, s9;
	s7 =	sadd.s32 s8, s7  }
0xc: {  	s10 =	sshrl.u32 s8, $0x3;
	s11 =	sshrl.u32 s7, $0x3;
	s7 =	smul.u32 $0x4E20, s9  }
.Ltmp0:
0xd: {  	s29 =	sshrl.u32 s1, $0x1;
	s14 =	sadd.s32 s8, s3;
	(pc) =	sbr.rel .LBB2_1-.Ltmp0, $4  }
0xe: {  	s26 =	sadd.s32 s10, s0;
	s1 =	ssub.s32 s1, s29;
	s10 =	sor.u32 $0x1C05, s31  }
0xf: {  	s14 =	sshrl.u32 s14, $0x3;
	s8 =	sadd.s32 $0x32600, s26;
	s30 =	sshrl.u32 s7, $0x3  }
0x10: {  	s13 =	smax.u32 s1, $0x1;
	s0 =	sadd.s32 s11, s0;
	s9 =	sadd.s32 s2, s30  }
0x11: {  	v0 =	vlaneseq.u32;
	s26 =	simm.s32 $0x2;
	s12 =	sadd.s32 $0x5E600, s0;
	s11 =	sadd.s32 $0x64, s9  }
.LBB2_10:
0x12: {  	_ =	swait.ge [sflag:s26], $0x2D00  }
0x13: {  	s28 =	sadd.s32 $0x1, s28;
	[sflag:s26] =	ssyncset.done $0x0  }
0x14: {  	p0 =	sne.s32 s28, s13;
	[sflag:s26] =	ssyncadd.s32 $0xFFFFD300  }
.Ltmp1:
0x15: {  	[bflag:$0x0] =	sbarrier.arrive $0xFFFF;
	(pc) =	sbr.rel @!p0 .LBB2_11-.Ltmp1, $4  }
0x16: {  	[hbm:s12], [sflag:s10] =	dma.local [spmem:s14], $0x2BF2  }
0x17: {  	_ =	swait.ge [sflag:s15], $0x2BF2  }
0x18: {  	[sflag:s15] =	ssyncset.done $0x0  }
0x19: {  	[sflag:s15] =	ssyncadd.s32 $0xFFFFD40E  }
.LBB2_1:
0x1a: {  	[spmem:s14], [sflag:s10] =	dma.local [hbm:s8], $0x2BF2  }
0x1b: {  	_ =	swait.ge [sflag:s15], $0x2BF2  }
0x1c: {  	[sflag:s15] =	ssyncset.done $0x0  }
0x1d: {  	[sflag:s15] =	ssyncadd.s32 $0xFFFFD40E  }
0x1e: {  	[bflag:$0x0] =	sbarrier.arrive $0xFFFF  }
0x1f: {  	[tilespmem:s16], [sflag:$0x5] =	stream.linear.gather [hbm4b:s9+s4], $0x320, $0x38;
	[tilespmem:$0x1FBD0] =	vst v63  }
0x20: {  	_ =	swait.ge [sflag:s15], $0x320  }
0x21: {  	[sflag:s15] =	ssyncset.done $0x0  }
0x22: {  	[sflag:s15] =	ssyncadd.s32 $0xFFFFFCE0  }
0x23: {  	[tilespmem:s4], [sflag:$0x1] =	stream.indirect.gather [hbm4b:s5+s17], $0x90, s16, s17, $0xb8;
	[tilespmem:$0x1FBD0] =	vst v63  }
0x24: {  	s0 =	simm.s32 $0x9790  }
0x25: {  	[tilespmem:s19], [sflag:$0x1] =	stream.indirect.gather [hbm4b:s6+s17], $0x10, s0, s17, $0xb8;
	[tilespmem:$0x1FBD0] =	vst v63  }
0x26: {  	s21 =	simm.s32 $0x9920  }
0x27: {  	[tilespmem:s21], [sflag:$0x4] =	stream.linear.gather [hbm4b:s11+s4], $0x320, $0x38;
	[tilespmem:$0x1FBD0] =	vst v63  }
.Ltmp2:
0x28: {  	_ = 	snop;
	(pc) =	sbr.rel .LBB2_2-.Ltmp2, $4  }
0x29: {  	s31 =	simm.s32 $0x9650  }
0x2a: {  	[tilespmem:s22], [sflag:$0x1] =	stream.indirect.gather [hbm4b:s5+s17], $0x90, s31, s17, $0xb8;
	[tilespmem:$0x1FBD0] =	vst v63  }
0x2b: {  	s29 =	simm.s32 $0x0;
	s30 =	simm.s32 $0x0  }
0x2c: {  	[tilespmem:s24], [sflag:$0x1] =	stream.indirect.gather [hbm4b:s6+s17], $0x10, s23, s17, $0xb8;
	[tilespmem:$0x1FBD0] =	vst v63  }
.LBB2_6:
0x2d: {  	s0 =	sadd.s32 $0x1, s0  }
0x2e: {  	s1 =	smul.u32 $0x320, s0;
	_ =	sdelay $0x1  }
0x2f: {  	s0 =	sand.u32 $0x1, s0;
	s1 =	sadd.s32 s7, s1  }
0x30: {  	p0 =	seq.s32 s0, $0x1;
	s0 =	simm.s32 $0x9920;
	s1 =	sshrl.u32 s1, $0x3  }
0x31: {  	s0 =	simm.s32 @!p0 $0x9600;
	s1 =	sadd.s32 s2, s1  }
0x32: {  	[tilespmem:s0], [sflag:$0x4] =	stream.linear.gather [hbm4b:s1+s4], $0x320, $0x38;
	[tilespmem:$0x1FBD0] =	vst v63  }
.LBB2_8:
0x33: {  	s0 =	sadd.s32 $0x2, s30  }
0x34: {  	s1 =	smul.u32 $0xCD, s0  }
0x35: {  	s20 =	smul.u32 $0xAB, s0  }
0x36: {  	s1 =	sshrl.u32 s1, $0xA  }
0x37: {  	s20 =	sshrl.u32 s20, $0x9;
	s1 =	sand.u32 $0x3F, s1  }
0x38: {  	s20 =	sand.u32 $0x7F, s20;
	s18 =	smul.u32 $0xFFFFFFFB, s1  }
0x39: {  	s20 =	smul.u32 $0x3, s20  }
0x3a: {  	p0 =	slt.u32 s30, $0x3  }
0x3b: {  	s1 =	sand.u32 $0x1, s1;
	s18 =	sadd.s32 s0, s18;
	s0 =	ssub.s32 s0, s20  }
0x3c: {  	p1 =	sne.s32 @!p0 s18, $0x0;
	s18 =	smul.u32 $0x140, s18;
	s0 =	sand.u32 $0xFF, s0  }
0x3d: {  	p0 =	por p1, p0;
	p1 =	seq.s32 s1, $0x1;
	s31 =	smul.u32 $0xB400, s0  }
0x3e: {  	s1 =	simm.s32 $0x320;
	s0 =	smul.u32 $0x1400, s0;
	s21 =	simm.s32 @!p0 $0x4  }
0x3f: {  	s1 =	simm.s32 @!p1 $0x0;
	s18 =	sshra.s32 s18, $0x2;
	_ =	swait.ge @!p0 [sflag:s21], $0x320  }
0x40: {  	s1 =	sadd.s32 s18, s1;
	s0 =	sshrl.u32 s0, $0x2;
	[sflag:s21] =	ssyncset.done @!p0 $0x0  }
0x41: {  	[sflag:s21] =	ssyncadd.s32 @!p0 $0xFFFFFCE0;
	s21 =	sshrl.u32 s31, $0x2;
	s31 =	sadd.s32 $0x9600, s1  }
0x42: {  	[tilespmem:s21], [sflag:$0x1] =	stream.indirect.gather [hbm4b:s5+s17], $0x90, s31, s17, $0xb8;
	[tilespmem:$0x1FBD0] =	vst v63  }
0x43: {  	s0 =	sadd.s32 $0x8700, s0;
	s1 =	sadd.s32 $0x9790, s1  }
0x44: {  	[tilespmem:s0], [sflag:$0x1] =	stream.indirect.gather [hbm4b:s6+s17], $0x10, s1, s17, $0xb8;
	[tilespmem:$0x1FBD0] =	vst v63  }
.LBB2_9:
0x45: {  	s30 =	sadd.s32 $0x1, s30  }
0x46: {  	p0 =	sne.s32 s30, $0x7D  }
.Ltmp3:
0x47: {  	_ = 	snop;
	(pc) =	sbr.rel @!p0 .LBB2_10-.Ltmp3, $2  }
0x48: {  	_ =	sdelay $0x2  }
0x49: {  	s29 =	sadd.s32 $0x50, s29  }
.LBB2_2:
0x4a: {  	s0 =	smulhi.u32 $0xAAAAAAAB, s30  }
0x4b: {  	s1 =	smul.u32 $0xAB, s30;
	_ =	sdelay $0x1  }
0x4c: {  	_ =	swait.ge [sflag:s25], $0x2D00;
	s0 =	sshrl.u32 s0, $0x1;
	s1 =	sshrl.u32 s1, $0x9  }
0x4d: {  	[sflag:s25] =	ssyncset.done $0x0;
	s0 =	smul.u32 $0xF0, s0;
	s1 =	sand.u32 $0x7F, s1  }
0x4e: {  	[sflag:s25] =	ssyncadd.s32 $0xFFFFD300;
	s1 =	smul.u32 $0x3, s1  }
0x4f: {  	_ =	swait.ge [sflag:s25], $0x500  }
0x50: {  	[sflag:s25] =	ssyncset.done $0x0;
	s0 =	ssub.s32 s29, s0;
	s1 =	ssub.s32 s30, s1  }
0x51: {  	[sflag:s25] =	ssyncadd.s32 $0xFFFFFB00;
	s31 =	sand.u32 $0xFF, s1;
	s1 =	simm.s32 $0x0  }
.LBB2_3:
0x52: {  	s18 =	sadd.s32 s1, s0  }
0x53: {  	v2 =	vor.u32 s18, v0  }
0x54: {  	v1 =	vmul.u32 $0x90, v2;
	v2 =	vshll.u32 v2, $0x4  }
0x55: {  	v11 =	vor.u32 $0x1, v2  }
0x56: {  	v12 =	vor.u32 $0x2, v2  }
0x57: {  	v13 =	vor.u32 $0x3, v2  }
0x58: {  	v14 =	vor.u32 $0x4, v2  }
0x59: {  	v16 =	vor.u32 $0x5, v2;
	v15 =	vld.idx.msk [tilespmem:v2+s19+$0x0], $0xffff  }
0x5a: {  	v17 =	vor.u32 $0x6, v2;
	v11 =	vld.idx.msk [tilespmem:v11+s19+$0x0], $0xffff  }
0x5b: {  	v3 =	vadd.s32 $0x80, v1;
	v12 =	vld.idx.msk [tilespmem:v12+s19+$0x0], $0xffff  }
0x5c: {  	v4 =	vadd.s32 $0x81, v1;
	v13 =	vld.idx.msk [tilespmem:v13+s19+$0x0], $0xffff  }
0x5d: {  	v5 =	vadd.s32 $0x82, v1;
	v14 =	vld.idx.msk [tilespmem:v14+s19+$0x0], $0xffff  }
0x5e: {  	v6 =	vadd.s32 $0x83, v1;
	v16 =	vld.idx.msk [tilespmem:v16+s19+$0x0], $0xffff  }
0x5f: {  	v7 =	vadd.s32 $0x84, v1;
	v17 =	vld.idx.msk [tilespmem:v17+s19+$0x0], $0xffff  }
0x60: {  	v8 =	vadd.s32 $0x85, v1;
	v3 =	vld.idx.msk [tilespmem:v3+s4+$0x0], $0xffff  }
0x61: {  	v9 =	vadd.s32 $0x86, v1;
	v4 =	vld.idx.msk [tilespmem:v4+s4+$0x0], $0xffff  }
0x62: {  	v5 =	vld.idx.msk [tilespmem:v5+s4+$0x0], $0xffff  }
0x63: {  	v6 =	vld.idx.msk [tilespmem:v6+s4+$0x0], $0xffff  }
0x64: {  	v7 =	vld.idx.msk [tilespmem:v7+s4+$0x0], $0xffff  }
0x65: {  	v10 =	vadd.s32 $0x87, v1;
	v8 =	vld.idx.msk [tilespmem:v8+s4+$0x0], $0xffff  }
0x66: {  	v2 =	vor.u32 $0x7, v2;
	v9 =	vld.idx.msk [tilespmem:v9+s4+$0x0], $0xffff;
	_ =	sdelay $0x1  }
0x67: {  	v3 =	vadd.f32 v15, v3  }
0x68: {  	v4 =	vadd.f32 v11, v4;
	v5 =	vadd.f32 v12, v5  }
0x69: {  	v10 =	vld.idx.msk [tilespmem:v10+s4+$0x0], $0xffff;
	v6 =	vadd.f32 v13, v6;
	v7 =	vadd.f32 v14, v7  }
0x6a: {  	v2 =	vld.idx.msk [tilespmem:v2+s19+$0x0], $0xffff;
	v8 =	vadd.f32 v16, v8;
	v9 =	vadd.f32 v17, v9;
	v39 =	vmul.f32 $2.000000030e-01, v3  }
0x6b: {  	vm0 =	vgt.f32 v3, $0.0e+00;
	v40 =	vmul.f32 $2.000000030e-01, v4;
	vm9 =	vgt.f32 v4, $0.0e+00  }
0x6c: {  	v41 =	vmul.f32 $2.000000030e-01, v5;
	vm10 =	vgt.f32 v5, $0.0e+00;
	v42 =	vmul.f32 $2.000000030e-01, v6  }
0x6d: {  	vm11 =	vgt.f32 v6, $0.0e+00;
	v43 =	vmul.f32 $2.000000030e-01, v7;
	vm12 =	vgt.f32 v7, $0.0e+00  }
0x6e: {  	v44 =	vmul.f32 $2.000000030e-01, v8;
	v45 =	vmul.f32 $2.000000030e-01, v9;
	vm13 =	vgt.f32 v8, $0.0e+00  }
0x6f: {  	vm14 =	vgt.f32 v9, $0.0e+00;
	v2 =	vadd.f32 v2, v10;
	v3 =	vsel vm0, v3, v39  }
0x70: {  	v4 =	vsel vm9, v4, v40;
	v5 =	vsel vm10, v5, v41;
	v3 =	vmul.f32 $1.442695020e+00, v3  }
0x71: {  	v6 =	vsel vm11, v6, v42;
	v46 =	vmul.f32 $2.000000030e-01, v2;
	v4 =	vmul.f32 $1.442695020e+00, v4  }
0x72: {  	v7 =	vsel vm12, v7, v43;
	(erf) = vpow2.f32 v3;
	v3 =	vmul.f32 $1.442695020e+00, v5  }
0x73: {  	v8 =	vsel vm13, v8, v44;
	v47 =	vmul.f32 $1.442695020e+00, v6;
	(erf) = vpow2.f32 v4  }
0x74: {  	v48 =	vsel vm14, v9, v45;
	(erf) = vpow2.f32 v3;
	v3 =	vmul.f32 $1.442695020e+00, v7  }
0x75: {  	vm15 =	vgt.f32 v2, $0.0e+00;
	v49 =	vmul.f32 $1.442695020e+00, v8;
	(erf) = vpow2.f32 v47  }
0x76: {  	v2 =	vsel vm15, v2, v46;
	(erf) = vpow2.f32 v3;
	v3 =	vmul.f32 $1.442695020e+00, v48  }
0x77: {  	v50 =	vadd.s32 $0x88, v1;
	v2 =	vmul.f32 $1.442695020e+00, v2;
	(erf) = vpow2.f32 v49  }
0x78: {  	(erf) = vpow2.f32 v3;
	v3 =	vadd.s32 $0x89, v1  }
0x79: {  	(erf) = vpow2.f32 v2;
	v2 =	vadd.s32 $0x8A, v1  }
0x7a: {  	v51 =	vadd.s32 $0x8B, v1  }
0x7b: {  	v53 =	vadd.s32 $0x8C, v1;
	v52 =	vpop (erf)  }
0x7c: {  	v54 =	vadd.s32 $0x8D, v1;
	v8 =	vpop (erf);
	[tilespmem:v50+s4+$0x0] =	vst.idx.msk $0xffff, v52  }
0x7d: {  	v55 =	vadd.s32 $0x8E, v1;
	v7 =	vpop (erf);
	[tilespmem:v3+s4+$0x0] =	vst.idx.msk $0xffff, v8  }
0x7e: {  	v56 =	vadd.s32 $0x8F, v1;
	v6 =	vpop (erf);
	[tilespmem:v2+s4+$0x0] =	vst.idx.msk $0xffff, v7  }
0x7f: {  	v5 =	vpop (erf);
	[tilespmem:v51+s4+$0x0] =	vst.idx.msk $0xffff, v6  }
0x80: {  	v57 =	vor.u32 $0x1, v1;
	v4 =	vpop (erf);
	[tilespmem:v53+s4+$0x0] =	vst.idx.msk $0xffff, v5  }
0x81: {  	v58 =	vor.u32 $0x2, v1;
	v3 =	vpop (erf);
	[tilespmem:v54+s4+$0x0] =	vst.idx.msk $0xffff, v4  }
0x82: {  	v59 =	vor.u32 $0x3, v1;
	v2 =	vpop (erf);
	[tilespmem:v55+s4+$0x0] =	vst.idx.msk $0xffff, v3  }
0x83: {  	v60 =	vor.u32 $0x4, v1;
	[tilespmem:v56+s4+$0x0] =	vst.idx.msk $0xffff, v2  }
0x84: {  	v61 =	vor.u32 $0x5, v1;
	v14 =	vld.idx.msk [tilespmem:v1+s4+$0x0], $0xffff  }
0x85: {  	v63 =	vor.u32 $0x6, v1;
	v62 =	vld.idx.msk [tilespmem:v57+s4+$0x0], $0xffff  }
0x86: {  	v19 =	vor.u32 $0x7, v1;
	v18 =	vld.idx.msk [tilespmem:v58+s4+$0x0], $0xffff  }
0x87: {  	v21 =	vor.u32 $0x8, v1;
	v20 =	vld.idx.msk [tilespmem:v59+s4+$0x0], $0xffff  }
0x88: {  	v23 =	vor.u32 $0x9, v1;
	v22 =	vld.idx.msk [tilespmem:v60+s4+$0x0], $0xffff  }
0x89: {  	v25 =	vor.u32 $0xA, v1;
	v24 =	vld.idx.msk [tilespmem:v61+s4+$0x0], $0xffff  }
0x8a: {  	v27 =	vor.u32 $0xB, v1;
	v26 =	vld.idx.msk [tilespmem:v63+s4+$0x0], $0xffff  }
0x8b: {  	v29 =	vor.u32 $0xC, v1;
	v28 =	vld.idx.msk [tilespmem:v19+s4+$0x0], $0xffff  }
0x8c: {  	v31 =	vor.u32 $0xD, v1;
	v30 =	vld.idx.msk [tilespmem:v21+s4+$0x0], $0xffff  }
0x8d: {  	v33 =	vor.u32 $0xE, v1;
	v32 =	vld.idx.msk [tilespmem:v23+s4+$0x0], $0xffff  }
0x8e: {  	v35 =	vor.u32 $0xF, v1;
	v34 =	vld.idx.msk [tilespmem:v25+s4+$0x0], $0xffff  }
0x8f: {  	v36 =	vld.idx.msk [tilespmem:v27+s4+$0x0], $0xffff  }
0x90: {  	v37 =	vld.idx.msk [tilespmem:v29+s4+$0x0], $0xffff  }
0x91: {  	v38 =	vld.idx.msk [tilespmem:v31+s4+$0x0], $0xffff;
	v14 =	vmul.f32 v14, v52  }
0x92: {  	v39 =	vld.idx.msk [tilespmem:v33+s4+$0x0], $0xffff;
	v16 =	vmul.f32 v62, v52  }
0x93: {  	v40 =	vld.idx.msk [tilespmem:v35+s4+$0x0], $0xffff;
	v18 =	vmul.f32 v18, v52;
	[tilespmem:v1+s4+$0x0] =	vst.idx.msk $0xffff, v14  }
0x94: {  	v20 =	vmul.f32 v20, v52;
	[tilespmem:v57+s4+$0x0] =	vst.idx.msk $0xffff, v16  }
0x95: {  	v22 =	vmul.f32 v22, v52;
	[tilespmem:v58+s4+$0x0] =	vst.idx.msk $0xffff, v18  }
0x96: {  	v24 =	vmul.f32 v24, v52;
	[tilespmem:v59+s4+$0x0] =	vst.idx.msk $0xffff, v20  }
0x97: {  	v26 =	vmul.f32 v26, v52;
	[tilespmem:v60+s4+$0x0] =	vst.idx.msk $0xffff, v22  }
0x98: {  	v28 =	vmul.f32 v28, v52;
	[tilespmem:v61+s4+$0x0] =	vst.idx.msk $0xffff, v24  }
0x99: {  	v30 =	vmul.f32 v30, v52;
	[tilespmem:v63+s4+$0x0] =	vst.idx.msk $0xffff, v26  }
0x9a: {  	v32 =	vmul.f32 v32, v52;
	[tilespmem:v19+s4+$0x0] =	vst.idx.msk $0xffff, v28  }
0x9b: {  	v34 =	vmul.f32 v34, v52;
	[tilespmem:v21+s4+$0x0] =	vst.idx.msk $0xffff, v30  }
0x9c: {  	v36 =	vmul.f32 v36, v52;
	[tilespmem:v23+s4+$0x0] =	vst.idx.msk $0xffff, v32  }
0x9d: {  	v41 =	vmul.f32 v37, v52;
	[tilespmem:v25+s4+$0x0] =	vst.idx.msk $0xffff, v34  }
0x9e: {  	v11 =	vadd.s32 $0x10, v1;
	v42 =	vmul.f32 v38, v52;
	[tilespmem:v27+s4+$0x0] =	vst.idx.msk $0xffff, v36  }
0x9f: {  	v12 =	vadd.s32 $0x11, v1;
	v43 =	vmul.f32 v39, v52;
	[tilespmem:v29+s4+$0x0] =	vst.idx.msk $0xffff, v41  }
0xa0: {  	v9 =	vadd.s32 $0x12, v1;
	v10 =	vmul.f32 v40, v52;
	[tilespmem:v31+s4+$0x0] =	vst.idx.msk $0xffff, v42  }
0xa1: {  	v13 =	vadd.s32 $0x13, v1;
	[tilespmem:v33+s4+$0x0] =	vst.idx.msk $0xffff, v43  }
0xa2: {  	v15 =	vadd.s32 $0x15, v1;
	[tilespmem:v35+s4+$0x0] =	vst.idx.msk $0xffff, v10  }
0xa3: {  	v17 =	vadd.s32 $0x16, v1;
	v14 =	vld.idx.msk [tilespmem:v11+s4+$0x0], $0xffff  }
0xa4: {  	v19 =	vadd.s32 $0x17, v1;
	v16 =	vld.idx.msk [tilespmem:v12+s4+$0x0], $0xffff  }
0xa5: {  	v44 =	vadd.s32 $0x18, v1;
	v18 =	vld.idx.msk [tilespmem:v9+s4+$0x0], $0xffff  }
0xa6: {  	v46 =	vadd.s32 $0x19, v1;
	v20 =	vld.idx.msk [tilespmem:v13+s4+$0x0], $0xffff  }
0xa7: {  	v48 =	vadd.s32 $0x1A, v1;
	v47 =	vld.idx.msk [tilespmem:v15+s4+$0x0], $0xffff  }
0xa8: {  	v50 =	vadd.s32 $0x1B, v1;
	v49 =	vld.idx.msk [tilespmem:v17+s4+$0x0], $0xffff  }
0xa9: {  	v52 =	vadd.s32 $0x1C, v1;
	v51 =	vld.idx.msk [tilespmem:v19+s4+$0x0], $0xffff  }
0xaa: {  	v10 =	vadd.s32 $0x14, v1;
	v53 =	vld.idx.msk [tilespmem:v44+s4+$0x0], $0xffff  }
0xab: {  	v54 =	vadd.s32 $0x1D, v1;
	v55 =	vld.idx.msk [tilespmem:v46+s4+$0x0], $0xffff  }
0xac: {  	v56 =	vadd.s32 $0x1E, v1;
	v57 =	vld.idx.msk [tilespmem:v48+s4+$0x0], $0xffff  }
0xad: {  	v58 =	vadd.s32 $0x1F, v1;
	v59 =	vld.idx.msk [tilespmem:v50+s4+$0x0], $0xffff  }
0xae: {  	v60 =	vld.idx.msk [tilespmem:v52+s4+$0x0], $0xffff  }
0xaf: {  	v45 =	vld.idx.msk [tilespmem:v10+s4+$0x0], $0xffff  }
0xb0: {  	v61 =	vld.idx.msk [tilespmem:v54+s4+$0x0], $0xffff;
	v14 =	vmul.f32 v14, v8  }
0xb1: {  	v62 =	vld.idx.msk [tilespmem:v56+s4+$0x0], $0xffff;
	v16 =	vmul.f32 v16, v8  }
0xb2: {  	v63 =	vld.idx.msk [tilespmem:v58+s4+$0x0], $0xffff;
	v18 =	vmul.f32 v18, v8;
	[tilespmem:v11+s4+$0x0] =	vst.idx.msk $0xffff, v14  }
0xb3: {  	v20 =	vmul.f32 v20, v8;
	[tilespmem:v12+s4+$0x0] =	vst.idx.msk $0xffff, v16  }
0xb4: {  	v22 =	vmul.f32 v45, v8;
	[tilespmem:v9+s4+$0x0] =	vst.idx.msk $0xffff, v18  }
0xb5: {  	v24 =	vmul.f32 v47, v8;
	[tilespmem:v13+s4+$0x0] =	vst.idx.msk $0xffff, v20  }
0xb6: {  	v26 =	vmul.f32 v49, v8;
	[tilespmem:v10+s4+$0x0] =	vst.idx.msk $0xffff, v22  }
0xb7: {  	v28 =	vmul.f32 v51, v8;
	[tilespmem:v15+s4+$0x0] =	vst.idx.msk $0xffff, v24  }
0xb8: {  	v30 =	vmul.f32 v53, v8;
	[tilespmem:v17+s4+$0x0] =	vst.idx.msk $0xffff, v26  }
0xb9: {  	v32 =	vmul.f32 v55, v8;
	[tilespmem:v19+s4+$0x0] =	vst.idx.msk $0xffff, v28  }
0xba: {  	v34 =	vmul.f32 v57, v8;
	[tilespmem:v44+s4+$0x0] =	vst.idx.msk $0xffff, v30  }
0xbb: {  	v36 =	vmul.f32 v59, v8;
	[tilespmem:v46+s4+$0x0] =	vst.idx.msk $0xffff, v32  }
0xbc: {  	v41 =	vmul.f32 v60, v8;
	[tilespmem:v48+s4+$0x0] =	vst.idx.msk $0xffff, v34  }
0xbd: {  	v43 =	vadd.s32 $0x20, v1;
	v42 =	vmul.f32 v61, v8;
	[tilespmem:v50+s4+$0x0] =	vst.idx.msk $0xffff, v36  }
0xbe: {  	v45 =	vadd.s32 $0x21, v1;
	v44 =	vmul.f32 v62, v8;
	[tilespmem:v52+s4+$0x0] =	vst.idx.msk $0xffff, v41  }
0xbf: {  	v8 =	vmul.f32 v63, v8;
	v46 =	vadd.s32 $0x22, v1;
	[tilespmem:v54+s4+$0x0] =	vst.idx.msk $0xffff, v42  }
0xc0: {  	v47 =	vadd.s32 $0x23, v1;
	[tilespmem:v56+s4+$0x0] =	vst.idx.msk $0xffff, v44  }
0xc1: {  	v48 =	vadd.s32 $0x24, v1;
	[tilespmem:v58+s4+$0x0] =	vst.idx.msk $0xffff, v8  }
0xc2: {  	v49 =	vadd.s32 $0x25, v1;
	v13 =	vld.idx.msk [tilespmem:v43+s4+$0x0], $0xffff  }
0xc3: {  	v50 =	vadd.s32 $0x26, v1;
	v15 =	vld.idx.msk [tilespmem:v45+s4+$0x0], $0xffff  }
0xc4: {  	v51 =	vadd.s32 $0x27, v1;
	v17 =	vld.idx.msk [tilespmem:v46+s4+$0x0], $0xffff  }
0xc5: {  	v53 =	vadd.s32 $0x29, v1;
	v19 =	vld.idx.msk [tilespmem:v47+s4+$0x0], $0xffff  }
0xc6: {  	v55 =	vadd.s32 $0x2B, v1;
	v21 =	vld.idx.msk [tilespmem:v48+s4+$0x0], $0xffff  }
0xc7: {  	v57 =	vadd.s32 $0x2D, v1;
	v23 =	vld.idx.msk [tilespmem:v49+s4+$0x0], $0xffff  }
0xc8: {  	v59 =	vadd.s32 $0x2F, v1;
	v25 =	vld.idx.msk [tilespmem:v50+s4+$0x0], $0xffff  }
0xc9: {  	v52 =	vadd.s32 $0x28, v1;
	v27 =	vld.idx.msk [tilespmem:v51+s4+$0x0], $0xffff  }
0xca: {  	v54 =	vadd.s32 $0x2A, v1;
	v31 =	vld.idx.msk [tilespmem:v53+s4+$0x0], $0xffff  }
0xcb: {  	v56 =	vadd.s32 $0x2C, v1;
	v35 =	vld.idx.msk [tilespmem:v55+s4+$0x0], $0xffff  }
0xcc: {  	v58 =	vadd.s32 $0x2E, v1;
	v61 =	vld.idx.msk [tilespmem:v57+s4+$0x0], $0xffff  }
0xcd: {  	v63 =	vld.idx.msk [tilespmem:v59+s4+$0x0], $0xffff  }
0xce: {  	v29 =	vld.idx.msk [tilespmem:v52+s4+$0x0], $0xffff  }
0xcf: {  	v33 =	vld.idx.msk [tilespmem:v54+s4+$0x0], $0xffff;
	v13 =	vmul.f32 v13, v7  }
0xd0: {  	v60 =	vld.idx.msk [tilespmem:v56+s4+$0x0], $0xffff;
	v15 =	vmul.f32 v15, v7  }
0xd1: {  	v62 =	vld.idx.msk [tilespmem:v58+s4+$0x0], $0xffff;
	v17 =	vmul.f32 v17, v7;
	[tilespmem:v43+s4+$0x0] =	vst.idx.msk $0xffff, v13  }
0xd2: {  	v19 =	vmul.f32 v19, v7;
	[tilespmem:v45+s4+$0x0] =	vst.idx.msk $0xffff, v15  }
0xd3: {  	v21 =	vmul.f32 v21, v7;
	[tilespmem:v46+s4+$0x0] =	vst.idx.msk $0xffff, v17  }
0xd4: {  	v23 =	vmul.f32 v23, v7;
	[tilespmem:v47+s4+$0x0] =	vst.idx.msk $0xffff, v19  }
0xd5: {  	v25 =	vmul.f32 v25, v7;
	[tilespmem:v48+s4+$0x0] =	vst.idx.msk $0xffff, v21  }
0xd6: {  	v27 =	vmul.f32 v27, v7;
	[tilespmem:v49+s4+$0x0] =	vst.idx.msk $0xffff, v23  }
0xd7: {  	v29 =	vmul.f32 v29, v7;
	[tilespmem:v50+s4+$0x0] =	vst.idx.msk $0xffff, v25  }
0xd8: {  	v31 =	vmul.f32 v31, v7;
	[tilespmem:v51+s4+$0x0] =	vst.idx.msk $0xffff, v27  }
0xd9: {  	v33 =	vmul.f32 v33, v7;
	[tilespmem:v52+s4+$0x0] =	vst.idx.msk $0xffff, v29  }
0xda: {  	v40 =	vmul.f32 v35, v7;
	[tilespmem:v53+s4+$0x0] =	vst.idx.msk $0xffff, v31  }
0xdb: {  	v41 =	vmul.f32 v60, v7;
	[tilespmem:v54+s4+$0x0] =	vst.idx.msk $0xffff, v33  }
0xdc: {  	v42 =	vmul.f32 v61, v7;
	v43 =	vadd.s32 $0x30, v1;
	[tilespmem:v55+s4+$0x0] =	vst.idx.msk $0xffff, v40  }
0xdd: {  	v45 =	vadd.s32 $0x31, v1;
	v44 =	vmul.f32 v62, v7;
	[tilespmem:v56+s4+$0x0] =	vst.idx.msk $0xffff, v41  }
0xde: {  	v7 =	vmul.f32 v63, v7;
	v46 =	vadd.s32 $0x32, v1;
	[tilespmem:v57+s4+$0x0] =	vst.idx.msk $0xffff, v42  }
0xdf: {  	v47 =	vadd.s32 $0x33, v1;
	[tilespmem:v58+s4+$0x0] =	vst.idx.msk $0xffff, v44  }
0xe0: {  	v48 =	vadd.s32 $0x34, v1;
	[tilespmem:v59+s4+$0x0] =	vst.idx.msk $0xffff, v7  }
0xe1: {  	v49 =	vadd.s32 $0x35, v1;
	v12 =	vld.idx.msk [tilespmem:v43+s4+$0x0], $0xffff  }
0xe2: {  	v50 =	vadd.s32 $0x36, v1;
	v14 =	vld.idx.msk [tilespmem:v45+s4+$0x0], $0xffff  }
0xe3: {  	v51 =	vadd.s32 $0x37, v1;
	v16 =	vld.idx.msk [tilespmem:v46+s4+$0x0], $0xffff  }
0xe4: {  	v52 =	vadd.s32 $0x38, v1;
	v18 =	vld.idx.msk [tilespmem:v47+s4+$0x0], $0xffff  }
0xe5: {  	v53 =	vadd.s32 $0x39, v1;
	v20 =	vld.idx.msk [tilespmem:v48+s4+$0x0], $0xffff  }
0xe6: {  	v54 =	vadd.s32 $0x3A, v1;
	v22 =	vld.idx.msk [tilespmem:v49+s4+$0x0], $0xffff  }
0xe7: {  	v55 =	vadd.s32 $0x3B, v1;
	v24 =	vld.idx.msk [tilespmem:v50+s4+$0x0], $0xffff  }
0xe8: {  	v56 =	vadd.s32 $0x3C, v1;
	v26 =	vld.idx.msk [tilespmem:v51+s4+$0x0], $0xffff  }
0xe9: {  	v57 =	vadd.s32 $0x3D, v1;
	v28 =	vld.idx.msk [tilespmem:v52+s4+$0x0], $0xffff  }
0xea: {  	v58 =	vadd.s32 $0x3E, v1;
	v30 =	vld.idx.msk [tilespmem:v53+s4+$0x0], $0xffff  }
0xeb: {  	v59 =	vadd.s32 $0x3F, v1;
	v32 =	vld.idx.msk [tilespmem:v54+s4+$0x0], $0xffff  }
0xec: {  	v34 =	vld.idx.msk [tilespmem:v55+s4+$0x0], $0xffff  }
0xed: {  	v60 =	vld.idx.msk [tilespmem:v56+s4+$0x0], $0xffff  }
0xee: {  	v61 =	vld.idx.msk [tilespmem:v57+s4+$0x0], $0xffff;
	v12 =	vmul.f32 v12, v6  }
0xef: {  	v62 =	vld.idx.msk [tilespmem:v58+s4+$0x0], $0xffff;
	v14 =	vmul.f32 v14, v6  }
0xf0: {  	v63 =	vld.idx.msk [tilespmem:v59+s4+$0x0], $0xffff;
	v16 =	vmul.f32 v16, v6;
	[tilespmem:v43+s4+$0x0] =	vst.idx.msk $0xffff, v12  }
0xf1: {  	v18 =	vmul.f32 v18, v6;
	[tilespmem:v45+s4+$0x0] =	vst.idx.msk $0xffff, v14  }
0xf2: {  	v20 =	vmul.f32 v20, v6;
	[tilespmem:v46+s4+$0x0] =	vst.idx.msk $0xffff, v16  }
0xf3: {  	v22 =	vmul.f32 v22, v6;
	[tilespmem:v47+s4+$0x0] =	vst.idx.msk $0xffff, v18  }
0xf4: {  	v24 =	vmul.f32 v24, v6;
	[tilespmem:v48+s4+$0x0] =	vst.idx.msk $0xffff, v20  }
0xf5: {  	v26 =	vmul.f32 v26, v6;
	[tilespmem:v49+s4+$0x0] =	vst.idx.msk $0xffff, v22  }
0xf6: {  	v28 =	vmul.f32 v28, v6;
	[tilespmem:v50+s4+$0x0] =	vst.idx.msk $0xffff, v24  }
0xf7: {  	v30 =	vmul.f32 v30, v6;
	[tilespmem:v51+s4+$0x0] =	vst.idx.msk $0xffff, v26  }
0xf8: {  	v39 =	vmul.f32 v32, v6;
	[tilespmem:v52+s4+$0x0] =	vst.idx.msk $0xffff, v28  }
0xf9: {  	v40 =	vmul.f32 v34, v6;
	[tilespmem:v53+s4+$0x0] =	vst.idx.msk $0xffff, v30  }
0xfa: {  	v41 =	vmul.f32 v60, v6;
	[tilespmem:v54+s4+$0x0] =	vst.idx.msk $0xffff, v39  }
0xfb: {  	v42 =	vmul.f32 v61, v6;
	v43 =	vadd.s32 $0x40, v1;
	[tilespmem:v55+s4+$0x0] =	vst.idx.msk $0xffff, v40  }
0xfc: {  	v44 =	vmul.f32 v62, v6;
	v45 =	vadd.s32 $0x41, v1;
	[tilespmem:v56+s4+$0x0] =	vst.idx.msk $0xffff, v41  }
0xfd: {  	v6 =	vmul.f32 v63, v6;
	v46 =	vadd.s32 $0x42, v1;
	[tilespmem:v57+s4+$0x0] =	vst.idx.msk $0xffff, v42  }
0xfe: {  	v47 =	vadd.s32 $0x43, v1;
	[tilespmem:v58+s4+$0x0] =	vst.idx.msk $0xffff, v44  }
0xff: {  	v48 =	vadd.s32 $0x44, v1;
	[tilespmem:v59+s4+$0x0] =	vst.idx.msk $0xffff, v6  }
0x100: {  	v49 =	vadd.s32 $0x45, v1;
	v11 =	vld.idx.msk [tilespmem:v43+s4+$0x0], $0xffff  }
0x101: {  	v50 =	vadd.s32 $0x46, v1;
	v13 =	vld.idx.msk [tilespmem:v45+s4+$0x0], $0xffff  }
0x102: {  	v51 =	vadd.s32 $0x47, v1;
	v15 =	vld.idx.msk [tilespmem:v46+s4+$0x0], $0xffff  }
0x103: {  	v52 =	vadd.s32 $0x48, v1;
	v17 =	vld.idx.msk [tilespmem:v47+s4+$0x0], $0xffff  }
0x104: {  	v53 =	vadd.s32 $0x49, v1;
	v19 =	vld.idx.msk [tilespmem:v48+s4+$0x0], $0xffff  }
0x105: {  	v54 =	vadd.s32 $0x4A, v1;
	v21 =	vld.idx.msk [tilespmem:v49+s4+$0x0], $0xffff  }
0x106: {  	v55 =	vadd.s32 $0x4B, v1;
	v23 =	vld.idx.msk [tilespmem:v50+s4+$0x0], $0xffff  }
0x107: {  	v56 =	vadd.s32 $0x4C, v1;
	v25 =	vld.idx.msk [tilespmem:v51+s4+$0x0], $0xffff  }
0x108: {  	v57 =	vadd.s32 $0x4D, v1;
	v27 =	vld.idx.msk [tilespmem:v52+s4+$0x0], $0xffff  }
0x109: {  	v58 =	vadd.s32 $0x4E, v1;
	v29 =	vld.idx.msk [tilespmem:v53+s4+$0x0], $0xffff  }
0x10a: {  	v59 =	vadd.s32 $0x4F, v1;
	v31 =	vld.idx.msk [tilespmem:v54+s4+$0x0], $0xffff  }
0x10b: {  	v33 =	vld.idx.msk [tilespmem:v55+s4+$0x0], $0xffff  }
0x10c: {  	v60 =	vld.idx.msk [tilespmem:v56+s4+$0x0], $0xffff  }
0x10d: {  	v61 =	vld.idx.msk [tilespmem:v57+s4+$0x0], $0xffff;
	v11 =	vmul.f32 v11, v5  }
0x10e: {  	v62 =	vld.idx.msk [tilespmem:v58+s4+$0x0], $0xffff;
	v13 =	vmul.f32 v13, v5  }
0x10f: {  	v63 =	vld.idx.msk [tilespmem:v59+s4+$0x0], $0xffff;
	v15 =	vmul.f32 v15, v5;
	[tilespmem:v43+s4+$0x0] =	vst.idx.msk $0xffff, v11  }
0x110: {  	v17 =	vmul.f32 v17, v5;
	[tilespmem:v45+s4+$0x0] =	vst.idx.msk $0xffff, v13  }
0x111: {  	v19 =	vmul.f32 v19, v5;
	[tilespmem:v46+s4+$0x0] =	vst.idx.msk $0xffff, v15  }
0x112: {  	v21 =	vmul.f32 v21, v5;
	[tilespmem:v47+s4+$0x0] =	vst.idx.msk $0xffff, v17  }
0x113: {  	v23 =	vmul.f32 v23, v5;
	[tilespmem:v48+s4+$0x0] =	vst.idx.msk $0xffff, v19  }
0x114: {  	v25 =	vmul.f32 v25, v5;
	[tilespmem:v49+s4+$0x0] =	vst.idx.msk $0xffff, v21  }
0x115: {  	v27 =	vmul.f32 v27, v5;
	[tilespmem:v50+s4+$0x0] =	vst.idx.msk $0xffff, v23  }
0x116: {  	v38 =	vmul.f32 v29, v5;
	[tilespmem:v51+s4+$0x0] =	vst.idx.msk $0xffff, v25  }
0x117: {  	v39 =	vmul.f32 v31, v5;
	[tilespmem:v52+s4+$0x0] =	vst.idx.msk $0xffff, v27  }
0x118: {  	v40 =	vmul.f32 v33, v5;
	[tilespmem:v53+s4+$0x0] =	vst.idx.msk $0xffff, v38  }
0x119: {  	v41 =	vmul.f32 v60, v5;
	[tilespmem:v54+s4+$0x0] =	vst.idx.msk $0xffff, v39  }
0x11a: {  	v42 =	vmul.f32 v61, v5;
	v43 =	vadd.s32 $0x50, v1;
	[tilespmem:v55+s4+$0x0] =	vst.idx.msk $0xffff, v40  }
0x11b: {  	v44 =	vmul.f32 v62, v5;
	v45 =	vadd.s32 $0x51, v1;
	[tilespmem:v56+s4+$0x0] =	vst.idx.msk $0xffff, v41  }
0x11c: {  	v5 =	vmul.f32 v63, v5;
	v46 =	vadd.s32 $0x52, v1;
	[tilespmem:v57+s4+$0x0] =	vst.idx.msk $0xffff, v42  }
0x11d: {  	v47 =	vadd.s32 $0x53, v1;
	[tilespmem:v58+s4+$0x0] =	vst.idx.msk $0xffff, v44  }
0x11e: {  	v48 =	vadd.s32 $0x54, v1;
	[tilespmem:v59+s4+$0x0] =	vst.idx.msk $0xffff, v5  }
0x11f: {  	v49 =	vadd.s32 $0x55, v1;
	v10 =	vld.idx.msk [tilespmem:v43+s4+$0x0], $0xffff  }
0x120: {  	v50 =	vadd.s32 $0x56, v1;
	v12 =	vld.idx.msk [tilespmem:v45+s4+$0x0], $0xffff  }
0x121: {  	v51 =	vadd.s32 $0x57, v1;
	v14 =	vld.idx.msk [tilespmem:v46+s4+$0x0], $0xffff  }
0x122: {  	v52 =	vadd.s32 $0x58, v1;
	v16 =	vld.idx.msk [tilespmem:v47+s4+$0x0], $0xffff  }
0x123: {  	v53 =	vadd.s32 $0x59, v1;
	v18 =	vld.idx.msk [tilespmem:v48+s4+$0x0], $0xffff  }
0x124: {  	v54 =	vadd.s32 $0x5A, v1;
	v20 =	vld.idx.msk [tilespmem:v49+s4+$0x0], $0xffff  }
0x125: {  	v55 =	vadd.s32 $0x5B, v1;
	v22 =	vld.idx.msk [tilespmem:v50+s4+$0x0], $0xffff  }
0x126: {  	v56 =	vadd.s32 $0x5C, v1;
	v24 =	vld.idx.msk [tilespmem:v51+s4+$0x0], $0xffff  }
0x127: {  	v57 =	vadd.s32 $0x5D, v1;
	v26 =	vld.idx.msk [tilespmem:v52+s4+$0x0], $0xffff  }
0x128: {  	v58 =	vadd.s32 $0x5E, v1;
	v28 =	vld.idx.msk [tilespmem:v53+s4+$0x0], $0xffff  }
0x129: {  	v59 =	vadd.s32 $0x5F, v1;
	v30 =	vld.idx.msk [tilespmem:v54+s4+$0x0], $0xffff  }
0x12a: {  	v32 =	vld.idx.msk [tilespmem:v55+s4+$0x0], $0xffff  }
0x12b: {  	v60 =	vld.idx.msk [tilespmem:v56+s4+$0x0], $0xffff  }
0x12c: {  	v61 =	vld.idx.msk [tilespmem:v57+s4+$0x0], $0xffff;
	v10 =	vmul.f32 v10, v4  }
0x12d: {  	v62 =	vld.idx.msk [tilespmem:v58+s4+$0x0], $0xffff;
	v12 =	vmul.f32 v12, v4  }
0x12e: {  	v63 =	vld.idx.msk [tilespmem:v59+s4+$0x0], $0xffff;
	v14 =	vmul.f32 v14, v4;
	[tilespmem:v43+s4+$0x0] =	vst.idx.msk $0xffff, v10  }
0x12f: {  	v16 =	vmul.f32 v16, v4;
	[tilespmem:v45+s4+$0x0] =	vst.idx.msk $0xffff, v12  }
0x130: {  	v18 =	vmul.f32 v18, v4;
	[tilespmem:v46+s4+$0x0] =	vst.idx.msk $0xffff, v14  }
0x131: {  	v20 =	vmul.f32 v20, v4;
	[tilespmem:v47+s4+$0x0] =	vst.idx.msk $0xffff, v16  }
0x132: {  	v22 =	vmul.f32 v22, v4;
	[tilespmem:v48+s4+$0x0] =	vst.idx.msk $0xffff, v18  }
0x133: {  	v24 =	vmul.f32 v24, v4;
	[tilespmem:v49+s4+$0x0] =	vst.idx.msk $0xffff, v20  }
0x134: {  	v37 =	vmul.f32 v26, v4;
	[tilespmem:v50+s4+$0x0] =	vst.idx.msk $0xffff, v22  }
0x135: {  	v38 =	vmul.f32 v28, v4;
	[tilespmem:v51+s4+$0x0] =	vst.idx.msk $0xffff, v24  }
0x136: {  	v39 =	vmul.f32 v30, v4;
	[tilespmem:v52+s4+$0x0] =	vst.idx.msk $0xffff, v37  }
0x137: {  	v40 =	vmul.f32 v32, v4;
	[tilespmem:v53+s4+$0x0] =	vst.idx.msk $0xffff, v38  }
0x138: {  	v41 =	vmul.f32 v60, v4;
	[tilespmem:v54+s4+$0x0] =	vst.idx.msk $0xffff, v39  }
0x139: {  	v42 =	vmul.f32 v61, v4;
	v43 =	vadd.s32 $0x60, v1;
	[tilespmem:v55+s4+$0x0] =	vst.idx.msk $0xffff, v40  }
0x13a: {  	v44 =	vmul.f32 v62, v4;
	v45 =	vadd.s32 $0x61, v1;
	[tilespmem:v56+s4+$0x0] =	vst.idx.msk $0xffff, v41  }
0x13b: {  	v4 =	vmul.f32 v63, v4;
	v46 =	vadd.s32 $0x62, v1;
	[tilespmem:v57+s4+$0x0] =	vst.idx.msk $0xffff, v42  }
0x13c: {  	v47 =	vadd.s32 $0x63, v1;
	[tilespmem:v58+s4+$0x0] =	vst.idx.msk $0xffff, v44  }
0x13d: {  	v48 =	vadd.s32 $0x64, v1;
	[tilespmem:v59+s4+$0x0] =	vst.idx.msk $0xffff, v4  }
0x13e: {  	v49 =	vadd.s32 $0x65, v1;
	v9 =	vld.idx.msk [tilespmem:v43+s4+$0x0], $0xffff  }
0x13f: {  	v50 =	vadd.s32 $0x66, v1;
	v11 =	vld.idx.msk [tilespmem:v45+s4+$0x0], $0xffff  }
0x140: {  	v51 =	vadd.s32 $0x67, v1;
	v13 =	vld.idx.msk [tilespmem:v46+s4+$0x0], $0xffff  }
0x141: {  	v52 =	vadd.s32 $0x68, v1;
	v15 =	vld.idx.msk [tilespmem:v47+s4+$0x0], $0xffff  }
0x142: {  	v53 =	vadd.s32 $0x69, v1;
	v17 =	vld.idx.msk [tilespmem:v48+s4+$0x0], $0xffff  }
0x143: {  	v54 =	vadd.s32 $0x6A, v1;
	v19 =	vld.idx.msk [tilespmem:v49+s4+$0x0], $0xffff  }
0x144: {  	v55 =	vadd.s32 $0x6B, v1;
	v21 =	vld.idx.msk [tilespmem:v50+s4+$0x0], $0xffff  }
0x145: {  	v56 =	vadd.s32 $0x6C, v1;
	v23 =	vld.idx.msk [tilespmem:v51+s4+$0x0], $0xffff  }
0x146: {  	v57 =	vadd.s32 $0x6D, v1;
	v25 =	vld.idx.msk [tilespmem:v52+s4+$0x0], $0xffff  }
0x147: {  	v58 =	vadd.s32 $0x6E, v1;
	v27 =	vld.idx.msk [tilespmem:v53+s4+$0x0], $0xffff  }
0x148: {  	v59 =	vadd.s32 $0x6F, v1;
	v29 =	vld.idx.msk [tilespmem:v54+s4+$0x0], $0xffff  }
0x149: {  	v31 =	vld.idx.msk [tilespmem:v55+s4+$0x0], $0xffff  }
0x14a: {  	v60 =	vld.idx.msk [tilespmem:v56+s4+$0x0], $0xffff  }
0x14b: {  	v61 =	vld.idx.msk [tilespmem:v57+s4+$0x0], $0xffff;
	v9 =	vmul.f32 v9, v3  }
0x14c: {  	v62 =	vld.idx.msk [tilespmem:v58+s4+$0x0], $0xffff;
	v11 =	vmul.f32 v11, v3  }
0x14d: {  	v63 =	vld.idx.msk [tilespmem:v59+s4+$0x0], $0xffff;
	v13 =	vmul.f32 v13, v3;
	[tilespmem:v43+s4+$0x0] =	vst.idx.msk $0xffff, v9  }
0x14e: {  	v15 =	vmul.f32 v15, v3;
	[tilespmem:v45+s4+$0x0] =	vst.idx.msk $0xffff, v11  }
0x14f: {  	v17 =	vmul.f32 v17, v3;
	[tilespmem:v46+s4+$0x0] =	vst.idx.msk $0xffff, v13  }
0x150: {  	v19 =	vmul.f32 v19, v3;
	[tilespmem:v47+s4+$0x0] =	vst.idx.msk $0xffff, v15  }
0x151: {  	v21 =	vmul.f32 v21, v3;
	[tilespmem:v48+s4+$0x0] =	vst.idx.msk $0xffff, v17  }
0x152: {  	v23 =	vmul.f32 v23, v3;
	[tilespmem:v49+s4+$0x0] =	vst.idx.msk $0xffff, v19  }
0x153: {  	v25 =	vmul.f32 v25, v3;
	[tilespmem:v50+s4+$0x0] =	vst.idx.msk $0xffff, v21  }
0x154: {  	v27 =	vmul.f32 v27, v3;
	[tilespmem:v51+s4+$0x0] =	vst.idx.msk $0xffff, v23  }
0x155: {  	v29 =	vmul.f32 v29, v3;
	[tilespmem:v52+s4+$0x0] =	vst.idx.msk $0xffff, v25  }
0x156: {  	v31 =	vmul.f32 v31, v3;
	[tilespmem:v53+s4+$0x0] =	vst.idx.msk $0xffff, v27  }
0x157: {  	v32 =	vmul.f32 v60, v3;
	[tilespmem:v54+s4+$0x0] =	vst.idx.msk $0xffff, v29  }
0x158: {  	v36 =	vadd.s32 $0x70, v1;
	v33 =	vmul.f32 v61, v3;
	[tilespmem:v55+s4+$0x0] =	vst.idx.msk $0xffff, v31  }
0x159: {  	v38 =	vadd.s32 $0x71, v1;
	v37 =	vmul.f32 v62, v3;
	[tilespmem:v56+s4+$0x0] =	vst.idx.msk $0xffff, v32  }
0x15a: {  	v39 =	vadd.s32 $0x72, v1;
	v3 =	vmul.f32 v63, v3;
	[tilespmem:v57+s4+$0x0] =	vst.idx.msk $0xffff, v33  }
0x15b: {  	v40 =	vadd.s32 $0x73, v1;
	[tilespmem:v58+s4+$0x0] =	vst.idx.msk $0xffff, v37  }
0x15c: {  	v41 =	vadd.s32 $0x75, v1;
	[tilespmem:v59+s4+$0x0] =	vst.idx.msk $0xffff, v3  }
0x15d: {  	v42 =	vadd.s32 $0x76, v1;
	v8 =	vld.idx.msk [tilespmem:v36+s4+$0x0], $0xffff  }
0x15e: {  	v43 =	vadd.s32 $0x77, v1;
	v10 =	vld.idx.msk [tilespmem:v38+s4+$0x0], $0xffff  }
0x15f: {  	v44 =	vadd.s32 $0x78, v1;
	v12 =	vld.idx.msk [tilespmem:v39+s4+$0x0], $0xffff  }
0x160: {  	v45 =	vadd.s32 $0x79, v1;
	v14 =	vld.idx.msk [tilespmem:v40+s4+$0x0], $0xffff  }
0x161: {  	v46 =	vadd.s32 $0x7A, v1;
	v18 =	vld.idx.msk [tilespmem:v41+s4+$0x0], $0xffff  }
0x162: {  	v47 =	vadd.s32 $0x7B, v1;
	v20 =	vld.idx.msk [tilespmem:v42+s4+$0x0], $0xffff  }
0x163: {  	v48 =	vadd.s32 $0x7C, v1;
	v22 =	vld.idx.msk [tilespmem:v43+s4+$0x0], $0xffff  }
0x164: {  	v3 =	vadd.s32 $0x74, v1;
	v24 =	vld.idx.msk [tilespmem:v44+s4+$0x0], $0xffff  }
0x165: {  	v49 =	vadd.s32 $0x7D, v1;
	v26 =	vld.idx.msk [tilespmem:v45+s4+$0x0], $0xffff  }
0x166: {  	v50 =	vadd.s32 $0x7E, v1;
	v28 =	vld.idx.msk [tilespmem:v46+s4+$0x0], $0xffff  }
0x167: {  	v1 =	vadd.s32 $0x7F, v1;
	v51 =	vld.idx.msk [tilespmem:v47+s4+$0x0], $0xffff  }
0x168: {  	v30 =	vld.idx.msk [tilespmem:v48+s4+$0x0], $0xffff  }
0x169: {  	v16 =	vld.idx.msk [tilespmem:v3+s4+$0x0], $0xffff  }
0x16a: {  	v52 =	vld.idx.msk [tilespmem:v49+s4+$0x0], $0xffff;
	v8 =	vmul.f32 v8, v2  }
0x16b: {  	v53 =	vld.idx.msk [tilespmem:v50+s4+$0x0], $0xffff;
	v10 =	vmul.f32 v10, v2  }
0x16c: {  	v54 =	vld.idx.msk [tilespmem:v1+s4+$0x0], $0xffff;
	v12 =	vmul.f32 v12, v2;
	[tilespmem:v36+s4+$0x0] =	vst.idx.msk $0xffff, v8  }
0x16d: {  	v55 =	vmul.f32 v14, v2;
	[tilespmem:v38+s4+$0x0] =	vst.idx.msk $0xffff, v10  }
0x16e: {  	v56 =	vmul.f32 v16, v2;
	[tilespmem:v39+s4+$0x0] =	vst.idx.msk $0xffff, v12  }
0x16f: {  	v57 =	vmul.f32 v18, v2;
	[tilespmem:v40+s4+$0x0] =	vst.idx.msk $0xffff, v55  }
0x170: {  	v58 =	vmul.f32 v20, v2;
	[tilespmem:v3+s4+$0x0] =	vst.idx.msk $0xffff, v56  }
0x171: {  	v3 =	vmul.f32 v22, v2;
	[tilespmem:v41+s4+$0x0] =	vst.idx.msk $0xffff, v57  }
0x172: {  	v59 =	vmul.f32 v24, v2;
	[tilespmem:v42+s4+$0x0] =	vst.idx.msk $0xffff, v58  }
0x173: {  	v60 =	vmul.f32 v26, v2;
	[tilespmem:v43+s4+$0x0] =	vst.idx.msk $0xffff, v3  }
0x174: {  	v3 =	vmul.f32 v28, v2;
	[tilespmem:v44+s4+$0x0] =	vst.idx.msk $0xffff, v59  }
0x175: {  	v61 =	vmul.f32 v51, v2;
	[tilespmem:v45+s4+$0x0] =	vst.idx.msk $0xffff, v60  }
0x176: {  	p0 =	sne.s32 s1, $0x40;
	v62 =	vmul.f32 v30, v2;
	[tilespmem:v46+s4+$0x0] =	vst.idx.msk $0xffff, v3  }
.Ltmp4:
0x177: {  	v3 =	vmul.f32 v52, v2;
	[tilespmem:v47+s4+$0x0] =	vst.idx.msk $0xffff, v61;
	(pc) =	sbr.rel @p0 .LBB2_3-.Ltmp4, $4  }
0x178: {  	v63 =	vmul.f32 v53, v2;
	[tilespmem:v48+s4+$0x0] =	vst.idx.msk $0xffff, v62  }
0x179: {  	v2 =	vmul.f32 v54, v2;
	[tilespmem:v49+s4+$0x0] =	vst.idx.msk $0xffff, v3  }
0x17a: {  	[tilespmem:v50+s4+$0x0] =	vst.idx.msk $0xffff, v63  }
0x17b: {  	s1 =	sadd.s32 $0x10, s1;
	[tilespmem:v1+s4+$0x0] =	vst.idx.msk $0xffff, v2  }
0x17c: {  	s0 =	smul.u32 $0xCD, s30;
	_ =	sdelay $0x1  }
0x17d: {  	s18 =	sshrl.u32 s0, $0xA  }
0x17e: {  	s0 =	sand.u32 $0x3F, s18  }
0x17f: {  	s1 =	smul.u32 $0xFFFFFFFB, s0  }
0x180: {  	s18 =	sand.u32 $0x1, s18  }
0x181: {  	p0 =	seq.s32 s18, $0x1;
	s18 =	simm.s32 $0x320;
	s1 =	sadd.s32 s30, s1  }
0x182: {  	s18 =	simm.s32 @!p0 $0x0;
	p0 =	seq.s32 s30, $0x0;
	s20 =	smul.u32 $0x140, s1  }
.Ltmp5:
0x183: {  	_ = 	snop;
	(pc) =	sbr.rel @p0 .LBB2_8-.Ltmp5, $4  }
0x184: {  	s21 =	smul.u32 $0xB400, s31;
	s20 =	sshra.s32 s20, $0x2  }
0x185: {  	s31 =	sand.u32 $0x1, s30;
	s18 =	sadd.s32 s20, s18  }
0x186: {  	s20 =	sshrl.u32 s21, $0x2;
	s21 =	sor.u32 $0x2, s31;
	s18 =	sadd.s32 $0x9790, s18  }
0x187: {  	[spmem:s3] =	stream.indirect.scatter.add.f32 [tilespmem:s20], [sflag:s21], $0x90, s18, s17, $0xb8;
	[tilespmem:$0x1FBD0] =	vst v63  }
0x188: {  	p0 =	sgt.u32 s30, $0x77  }
0x189: {  	p1 =	sne.s32 @!p0 s1, $0x0  }
0x18a: {  	p0 =	por p0, p1  }
.Ltmp6:
0x18b: {  	s18 =	sxor.u32 $0x1, s31;
	(pc) =	sbr.rel @!p0 .LBB2_6-.Ltmp6, $4  }
0x18c: {  	s18 =	sor.u32 $0x2, s18  }
0x18d: {  	_ =	swait.ge [sflag:s18], $0x2D00  }
0x18e: {  	[sflag:s18] =	ssyncset.done $0x0  }
0x18f: {  	[sflag:s18] =	ssyncadd.s32 $0xFFFFD300  }
0x190: {  	p0 =	sgt.u32 s30, $0x7A  }
.Ltmp7:
0x191: {  	_ = 	snop;
	(pc) =	sbr.rel @p0 .LBB2_9-.Ltmp7, $4  }
.Ltmp8:
0x192: {  	_ = 	snop;
	(pc) =	sbr.rel @!p0 .LBB2_8-.Ltmp8, $4  }
0x193: {  	_ = 	snop  }
0x194: {  	_ = 	snop  }
0x195: {  	_ = 	snop  }
0x196: {  	_ = 	snop  }
.LBB2_11:
0x197: {  	_ =	sfence.sel $0x180000  }
0x198: {  	[bflag:$0x0] =	sbarrier.arrive $0xFFFF  }
0x199: {  	_ =	strace $0x9000004A  }
0x19a: {  	s0 =	stileid.u32;
	[bflag:$0x2] =	sbarrier.arrive $0xFFFF  }
0x19b: {  	p0 =	sne.s32 s0, $0x0;
	s0 =	rddreg [dreg:$0x3]  }
0x19c: {  	s0 =	sadd.s32 @!p0 $0x100000, s0  }
0x19d: {  	[sflag:s0] =	ssyncadd.tile.s32 @!p0 $0x1;
	_ =	shalt  }
.Lfunc_end2:
_tile_overlayer_lowered:
.L_overlay_start_2:
0x19e: {  	(tag) =	ssettag $0x2  }
0x19f: {  	s0 =	rddreg [dreg:$0x0];
	s2 =	stileid.u32  }
0x1a0: {  	s1 =	rddreg [dreg:$0x1];
	p0 =	sne.s32 s2, $0x0  }
0x1a1: {  	s3 =	rddreg [dreg:$0x2];
	[bflag:$0x3] =	sbarrier.arrive $0xFFFF;
	s2 =	simm.s32 @!p0 $0x1C05  }
0x1a2: {  	[timem:s3], [sflag:s2] =	dma.local @!p0 [hbm:s0], s1  }
0x1a3: {  	s0 =	simm.s32 @!p0 $0x5  }
0x1a4: {  	_ =	swait.ge @!p0 [sflag:s0], s1  }
0x1a5: {  	s1 =	ssub.s32 @!p0 $0x0, s1;
	[sflag:s0] =	ssyncset.done @!p0 $0x0  }
0x1a6: {  	[sflag:s0] =	ssyncadd.s32 @!p0 s1  }
0x1a7: {  	[bflag:$0x3] =	sbarrier.arrive $0xFFFF  }
0x1a8: {  	_ =	shalt  }

// kernel: kernel.7.cloned.1.call-start
scs
__scs_entry_jumppad:
0x0: {  	(pc) =	sbr.rel $0x88, $3  }
0x1: {  	(tag) =	ssettag $0x0;
	lr =	simm.s32 $0x1  }
0x2: {  	[smem:$0x3F97] =	sst lr;
	_ =	strace $0xD0000000  }
0x3: {  	_ = 	snop  }
0x4: {  	_ = 	snop  }
0x5: {  	_ = 	snop  }
0x6: {  	_ = 	snop  }
0x7: {  	_ = 	snop  }
__scs_overlays_trampoline_lowered:
0x8: {  	[smem:$0x3FA6] =	sst s0  }
0x9: {  	[smem:$0x3FA7] =	sst s1  }
0xa: {  	[smem:$0x3FA8] =	sst s2  }
0xb: {  	[smem:$0x3FA9] =	sst s3  }
0xc: {  	[smem:$0x3FAA] =	sst s4  }
0xd: {  	[smem:$0x3FAB] =	sst s5  }
0xe: {  	[smem:$0x3FAC] =	sst s6  }
0xf: {  	[smem:$0x3FAD] =	sst s7  }
0x10: {  	[smem:$0x3FAE] =	sst s8  }
0x11: {  	[smem:$0x3FAF] =	sst s9;
	s0 =	simm.s32 @!p0 $0x0  }
0x12: {  	s1 =	sld [smem:$0x3F95];
	s0 =	simm.s32 @p0 $0x1  }
0x13: {  	[smem:$0x3FB0] =	sst s0;
	s0 =	simm.s32 @!p1 $0x0  }
0x14: {  	s2 =	sld [smem:$0x3F94];
	s0 =	simm.s32 @p1 $0x1  }
0x15: {  	[smem:$0x3FB1] =	sst s0;
	s0 =	simm.s32 @!p2 $0x0  }
0x16: {  	s3 =	sld [smem:$0x3FDB];
	s0 =	simm.s32 @p2 $0x1  }
0x17: {  	s4 =	simm.s32 $0x1BF5;
	[smem:$0x3FB3] =	sst s0  }
0x18: {  	s0 =	sld [smem:$0x3F96];
	_ =	swait.ge [sflag:s4], $0x0  }
0x19: {  	s7 =	sld [smem:$0x3F97]  }
0x1a: {  	s8 =	sadd.s32 $0xFFFFE003, lr  }
0x1b: {  	s9 =	sadd.s32 $0xFFFFFEF7, lr;
	s5 =	simm.s32 $0xFFFFFFFF;
	p2 =	slt.u32 s8, $0xFFFFF086  }
0x1c: {  	p1 =	slt.u32 s9, $0xF7A;
	s5 =	simm.s32 @!p2 $0x0  }
0x1d: {  	s5 =	simm.s32 @p1 $0x1;
	p0 =	seq.s32 s7, s2  }
0x1e: {  	s7 =	smul.u32 @!p0 $0xF7A, s2;
	p2 =	seq.s32 @!p0 s5, $0x0  }
0x1f: {  	s9 =	smul.u32 $0xF7A, s1;
	s8 =	simm.s32 @!p0 $0x1BF5;
	p2 =	por !p2, p0  }
0x20: {  	[sflag:s8] =	ssyncset.s32 @!p0 $0xFFFFF086;
	s6 =	sadd.s32 @!p0 s3, s7;
	s7 =	simm.s32 @!p0 $0x108  }
0x21: {  	s3 =	sadd.s32 s3, s9;
	s6 =	sadd.s32 @!p0 $0x88, s6;
	s7 =	simm.s32 @p2 $0x1082  }
0x22: {  	[simem:s7], [sflag:s8] =	dma.local @!p0 [hbm:s6], $0xF7A  }
0x23: {  	s9 =	sor.u32 $0xD0000000, s2;
	s6 =	simm.s32 $0x108;
	_ =	swait.ge @!p0 [sflag:s8], $0x0  }
0x24: {  	s3 =	sadd.s32 $0x88, s3;
	s6 =	simm.s32 @!p1 $0x1082;
	[sflag:s4] =	ssyncset.s32 $0xFFFFF086  }
0x25: {  	[simem:s6], [sflag:s4] =	dma.local [hbm:s3], $0xF7A  }
0x26: {  	[smem:$0x3F97] =	sst s1;
	(tag) =	ssettag s2;
	_ =	strace s9  }
0x27: {  	s1 =	sld [smem:$0x3FA7]  }
0x28: {  	s2 =	sld [smem:$0x3FA8]  }
0x29: {  	s4 =	sld [smem:$0x3FAA]  }
0x2a: {  	p0 =	seq.s32 s5, $0x0;
	s5 =	sld [smem:$0x3FAB]  }
0x2b: {  	s6 =	sld [smem:$0x3FAC]  }
0x2c: {  	s7 =	sld [smem:$0x3FAD]  }
0x2d: {  	s3 =	simm.s32 $0x108;
	s8 =	sld [smem:$0x3FAE]  }
0x2e: {  	s3 =	simm.s32 @!p0 $0x1082;
	s9 =	sld [smem:$0x3FAF]  }
0x2f: {  	lr =	sadd.s32 s0, s3;
	s0 =	sld [smem:$0x3FA6]  }
0x30: {  	s3 =	sld [smem:$0x3FA9]  }
0x31: {  	[smem:$0x3FB2] =	sst s10  }
0x32: {  	s10 =	sld [smem:$0x3FB0];
	_ =	sdelay $0x3  }
0x33: {  	p0 =	seq.s32 s10, $0x1;
	s10 =	sld [smem:$0x3FB2];
	_ =	sdelay $0x3  }
0x34: {  	[smem:$0x3FB2] =	sst s10  }
0x35: {  	s10 =	sld [smem:$0x3FB1];
	_ =	sdelay $0x3  }
0x36: {  	p1 =	seq.s32 s10, $0x1;
	s10 =	sld [smem:$0x3FB2];
	_ =	sdelay $0x3  }
0x37: {  	[smem:$0x3FB2] =	sst s10  }
0x38: {  	s10 =	sld [smem:$0x3FB3]  }
0x39: {  	_ = 	snop;
	(pc) =	sbr.ind lr, $3  }
0x3a: {  	_ = 	snop  }
0x3b: {  	_ = 	snop  }
0x3c: {  	p2 =	seq.s32 s10, $0x1;
	s10 =	sld [smem:$0x3FB2]  }
0x3d: {  	_ =	shalt  }
0x3e: {  	_ =	shalt  }
0x3f: {  	_ =	shalt  }
0x40: {  	_ =	shalt  }
0x41: {  	_ =	shalt  }
0x42: {  	_ =	shalt  }
0x43: {  	_ =	shalt  }
0x44: {  	_ =	shalt  }
0x45: {  	_ =	shalt  }
0x46: {  	_ =	shalt  }
0x47: {  	_ =	shalt  }
0x48: {  	_ =	shalt  }
0x49: {  	_ =	shalt  }
0x4a: {  	_ =	shalt  }
0x4b: {  	_ =	shalt  }
0x4c: {  	_ =	shalt  }
0x4d: {  	_ =	shalt  }
0x4e: {  	_ =	shalt  }
0x4f: {  	_ =	shalt  }
0x50: {  	_ =	shalt  }
0x51: {  	_ =	shalt  }
0x52: {  	_ =	shalt  }
0x53: {  	_ =	shalt  }
0x54: {  	_ =	shalt  }
0x55: {  	_ =	shalt  }
0x56: {  	_ =	shalt  }
0x57: {  	_ =	shalt  }
0x58: {  	_ =	shalt  }
0x59: {  	_ =	shalt  }
0x5a: {  	_ =	shalt  }
0x5b: {  	_ =	shalt  }
0x5c: {  	_ =	shalt  }
0x5d: {  	_ =	shalt  }
0x5e: {  	_ =	shalt  }
0x5f: {  	_ =	shalt  }
0x60: {  	_ =	shalt  }
0x61: {  	_ =	shalt  }
0x62: {  	_ =	shalt  }
0x63: {  	_ =	shalt  }
0x64: {  	_ =	shalt  }
0x65: {  	_ =	shalt  }
0x66: {  	_ =	shalt  }
0x67: {  	_ =	shalt  }
0x68: {  	_ =	shalt  }
0x69: {  	_ =	shalt  }
0x6a: {  	_ =	shalt  }
0x6b: {  	_ =	shalt  }
0x6c: {  	_ =	shalt  }
0x6d: {  	_ =	shalt  }
0x6e: {  	_ =	shalt  }
0x6f: {  	_ =	shalt  }
0x70: {  	_ =	shalt  }
0x71: {  	_ =	shalt  }
0x72: {  	_ =	shalt  }
0x73: {  	_ =	shalt  }
0x74: {  	_ =	shalt  }
0x75: {  	_ =	shalt  }
0x76: {  	_ =	shalt  }
0x77: {  	_ =	shalt  }
0x78: {  	_ =	shalt  }
0x79: {  	_ =	shalt  }
0x7a: {  	_ =	shalt  }
0x7b: {  	_ =	shalt  }
0x7c: {  	_ =	shalt  }
0x7d: {  	_ =	shalt  }
0x7e: {  	_ =	shalt  }
0x7f: {  	_ =	shalt  }
0x80: {  	_ =	shalt  }
0x81: {  	_ =	shalt  }
0x82: {  	_ =	shalt  }
0x83: {  	_ =	shalt  }
0x84: {  	_ =	shalt  }
0x85: {  	_ =	shalt  }
0x86: {  	_ =	shalt  }
0x87: {  	_ =	shalt  }
.Lfunc_end0:
.L_simem_size_0:
called_computation_lowered:
.L_overlay_start_0:
0x88: {  	s2 =	sld [smem:$0x3FD9]  }
0x89: {  	s3 =	sld [smem:$0x3FFE];
	_ =	sdelay $0x1  }
0x8a: {  	s1 =	srdreg.scid  }
0x8b: {  	s0 =	sand.u32 $0x1, s1  }
0x8c: {  	s17 =	sshll.u32 s0, $0xA;
	s2 =	sadd.s32 s3, s2  }
0x8d: {  	s2 =	sadd.s32 s2, s17  }
0x8e: {  	[smem:$0x3FBE] =	sst s2  }
0x8f: {  	_ = 	snop  }
0x90: {  	s2 =	sld [smem:$0x3FD0];
	(tm) =	ssettm $0x1  }
0x91: {  	s18 =	sld [smem:$0x3FFB];
	_ =	sdelay $0x3  }
0x92: {  	_ =	strace s18  }
0x93: {  	s3 =	sld [smem:$0x3FFC];
	_ =	sdelay $0x3  }
0x94: {  	_ =	strace s3  }
0x95: {  	s3 =	sld [smem:$0x3FFD];
	_ =	sdelay $0x3  }
0x96: {  	_ =	strace s3  }
0x97: {  	_ =	strace $0x8FFFFFFF  }
0x98: {  	s19 =	sld [smem:$0x3FDB];
	_ =	sdelay $0x1  }
0x99: {  	s4 =	simm.s32 $_scs_section_size  }
0x9a: {  	s5 =	simm.s32 $_size__tile_overlayer_lowered;
	s6 =	simm.s32 $_tile_overlayer_lowered  }
0x9b: {  	s22 =	simm.s32 $0x1BFF;
	s21 =	sshll.u32 s6, $0x1;
	s3 =	sadd.s32 s4, s19  }
0x9c: {  	s7 =	simm.s32 $0x0;
	s20 =	sshll.u32 s5, $0x1;
	s5 =	sadd.s32 s21, s3  }
0x9d: {  	[timem:s7], [sflag:s22] =	dma.local [hbm:s5], s20  }
0x9e: {  	_ =	swait.ge [sflag:s22], s20  }
0x9f: {  	s4 =	ssub.s32 $0x0, s20;
	[sflag:s22] =	ssyncset.done $0x0  }
0xa0: {  	[sflag:s22] =	ssyncadd.s32 s4;
	_ =	sdelay $0x1  }
0xa1: {  	s23 =	simm.s32 $0x1B8B  }
0xa2: {  	_ =	swait.ge [sflag:s23], $0x1  }
0xa3: {  	[sflag:s23] =	ssyncset.done $0x0  }
0xa4: {  	s25 =	simm.s32 $0x1B8E;
	s24 =	sld [smem:$0x3FFE];
	[sflag:s23] =	ssyncadd.s32 $0xFFFFFFFF  }
0xa5: {  	s26 =	simm.s32 $execute0_lowered;
	[smem:$0x3FD2] =	sst s25  }
0xa6: {  	s5 =	sshll.u32 s26, $0x1;
	_ =	strace $0x80000046;
	[dreg:$0x1] =	wrdreg $0xFFFFFFFF  }
0xa7: {  	s28 =	simm.s32 $_size_execute0_lowered;
	s3 =	sadd.s32 s3, s5;
	[dreg:$0x0] =	wrdreg $0x0  }
0xa8: {  	s5 =	sshll.u32 s28, $0x1;
	[dreg:$0x2] =	wrdreg s3  }
0xa9: {  	[dreg:$0x3] =	wrdreg s5  }
0xaa: {  	[dreg:$0x4] =	wrdreg $0xC0  }
0xab: {  	_ =	task [dreg:s7], $0x5FFFF  }
0xac: {  	[dreg:$0x1] =	wrdreg $0xFFFFFFFF  }
0xad: {  	[dreg:$0x0] =	wrdreg $0x60  }
0xae: {  	[dreg:$0x2] =	wrdreg s24  }
0xaf: {  	[dreg:$0x3] =	wrdreg s2  }
0xb0: {  	[dreg:$0x4] =	wrdreg $0x9C400  }
0xb1: {  	[dreg:$0x5] =	wrdreg $0x9  }
0xb2: {  	_ =	task.clear_ibuf [dreg:s7], $0x6FFFF;
	_ =	strace $0x90000046  }
0xb3: {  	s29 =	simm.s32 $0x9;
	_ =	strace $0x80000048  }
0xb4: {  	_ =	swait.ge [sflag:s29], $0x1  }
0xb5: {  	[sflag:s29] =	ssyncadd.s32 $0xFFFFFFFF  }
0xb6: {  	_ =	strace $0x90000048  }
0xb7: {  	_ =	sfence  }
0xb8: {  	s30 =	sld [smem:$0x0];
	_ =	sdelay $0x2  }
0xb9: {  	s31 =	sshll.u32 s1, $0xD;
	s1 =	sshrl.u32 s1, $0x2  }
0xba: {  	s3 =	sand.u32 $0x4000, s31;
	s1 =	sadd.s32 s1, s30  }
0xbb: {  	s0 =	sor.u32 s3, s0;
	s1 =	sshll.u32 s1, $0x11  }
0xbc: {  	s0 =	sor.u32 s1, s0  }
0xbd: {  	s0 =	sadd.s32 $0x8F2B, s0  }
0xbe: {  	[sflag:s0] =	ssyncadd.remote.s32 $0x1  }
0xbf: {  	_ =	sfence.sel $0xFFFF  }
0xc0: {  	[dreg:$0x0] =	wrdreg $0xFFFFFFFF;
	(pc) =	sbr.abs _section_cstart, $3  }
0xc1: {  	[dreg:$0x1] =	wrdreg $0xFFFFFFFF  }
0xc2: {  	_ =	task.clear_ibuf [dreg:s7], $0x2FFFF;
	_ =	strace $0x9FFFFFFF  }
0xc3: {  	(tm) =	ssettm $0x7FFFFFFF  }
tec
execute0_lowered:
.L_overlay_start_1:
0x0: {  	(tag) =	ssettag $0x1  }
0x1: {  	s0 =	rddreg [dreg:$0x0]  }
0x2: {  	s2 =	rddreg [dreg:$0x1]  }
0x3: {  	s3 =	rddreg [dreg:$0x2]  }
0x4: {  	s4 =	simm.s32 $0x0;
	s12 =	stileid.u32;
	s1 =	srdreg.scid  }
0x5: {  	s15 =	simm.s32 $0x5;
	s16 =	simm.s32 $0x9600;
	s17 =	simm.s32 $0x50  }
0x6: {  	s19 =	simm.s32 $0x8700;
	s22 =	simm.s32 $0x2D00;
	s23 =	simm.s32 $0x97E0  }
0x7: {  	s24 =	simm.s32 $0x8C00;
	s25 =	simm.s32 $0x1;
	s28 =	simm.s32 $0x0  }
0x8: {  	[smem:$0x7FF] =	sst s4;
	s8 =	smul.u32 $0x15F90, s12;
	s1 =	sand.u32 $0x1, s1  }
0x9: {  	s5 =	sadd.s32 $0x1600, s0;
	s6 =	sadd.s32 $0x2D600, s0;
	s7 =	smul.u32 $0x15F900, s1  }
0xa: {  	s31 =	sshll.u32 s12, $0x6;
	_ =	strace $0x80000047;
	s9 =	sshll.u32 s1, $0x4  }
0xb: {  	s1 =	ssub.s32 $0x2, s1;
	s9 =	sor.u32 s12, s9;
	s7 =	sadd.s32 s8, s7  }
0xc: {  	s10 =	sshrl.u32 s8, $0x3;
	s11 =	sshrl.u32 s7, $0x3;
	s7 =	smul.u32 $0x4E20, s9  }
.Ltmp0:
0xd: {  	s29 =	sshrl.u32 s1, $0x1;
	s14 =	sadd.s32 s8, s3;
	(pc) =	sbr.rel .LBB2_1-.Ltmp0, $4  }
0xe: {  	s26 =	sadd.s32 s10, s0;
	s1 =	ssub.s32 s1, s29;
	s10 =	sor.u32 $0x1C05, s31  }
0xf: {  	s14 =	sshrl.u32 s14, $0x3;
	s8 =	sadd.s32 $0x32600, s26;
	s30 =	sshrl.u32 s7, $0x3  }
0x10: {  	s13 =	smax.u32 s1, $0x1;
	s0 =	sadd.s32 s11, s0;
	s9 =	sadd.s32 s2, s30  }
0x11: {  	v0 =	vlaneseq.u32;
	s26 =	simm.s32 $0x2;
	s12 =	sadd.s32 $0x5E600, s0;
	s11 =	sadd.s32 $0x64, s9  }
.LBB2_10:
0x12: {  	_ =	swait.ge [sflag:s26], $0x2D00  }
0x13: {  	s28 =	sadd.s32 $0x1, s28;
	[sflag:s26] =	ssyncset.done $0x0  }
0x14: {  	p0 =	sne.s32 s28, s13;
	[sflag:s26] =	ssyncadd.s32 $0xFFFFD300  }
.Ltmp1:
0x15: {  	[bflag:$0x0] =	sbarrier.arrive $0xFFFF;
	(pc) =	sbr.rel @!p0 .LBB2_11-.Ltmp1, $4  }
0x16: {  	[hbm:s12], [sflag:s10] =	dma.local [spmem:s14], $0x2BF2  }
0x17: {  	_ =	swait.ge [sflag:s15], $0x2BF2  }
0x18: {  	[sflag:s15] =	ssyncset.done $0x0  }
0x19: {  	[sflag:s15] =	ssyncadd.s32 $0xFFFFD40E  }
.LBB2_1:
0x1a: {  	[spmem:s14], [sflag:s10] =	dma.local [hbm:s8], $0x2BF2  }
0x1b: {  	_ =	swait.ge [sflag:s15], $0x2BF2  }
0x1c: {  	[sflag:s15] =	ssyncset.done $0x0  }
0x1d: {  	[sflag:s15] =	ssyncadd.s32 $0xFFFFD40E  }
0x1e: {  	[bflag:$0x0] =	sbarrier.arrive $0xFFFF  }
0x1f: {  	[tilespmem:s16], [sflag:$0x5] =	stream.linear.gather [hbm4b:s9+s4], $0x320, $0x38;
	[tilespmem:$0x1FBD0] =	vst v63  }
0x20: {  	_ =	swait.ge [sflag:s15], $0x320  }
0x21: {  	[sflag:s15] =	ssyncset.done $0x0  }
0x22: {  	[sflag:s15] =	ssyncadd.s32 $0xFFFFFCE0  }
0x23: {  	[tilespmem:s4], [sflag:$0x1] =	stream.indirect.gather [hbm4b:s5+s17], $0x90, s16, s17, $0xb8;
	[tilespmem:$0x1FBD0] =	vst v63  }
0x24: {  	s0 =	simm.s32 $0x9790  }
0x25: {  	[tilespmem:s19], [sflag:$0x1] =	stream.indirect.gather [hbm4b:s6+s17], $0x10, s0, s17, $0xb8;
	[tilespmem:$0x1FBD0] =	vst v63  }
0x26: {  	s21 =	simm.s32 $0x9920  }
0x27: {  	[tilespmem:s21], [sflag:$0x4] =	stream.linear.gather [hbm4b:s11+s4], $0x320, $0x38;
	[tilespmem:$0x1FBD0] =	vst v63  }
.Ltmp2:
0x28: {  	_ = 	snop;
	(pc) =	sbr.rel .LBB2_2-.Ltmp2, $4  }
0x29: {  	s31 =	simm.s32 $0x9650  }
0x2a: {  	[tilespmem:s22], [sflag:$0x1] =	stream.indirect.gather [hbm4b:s5+s17], $0x90, s31, s17, $0xb8;
	[tilespmem:$0x1FBD0] =	vst v63  }
0x2b: {  	s29 =	simm.s32 $0x0;
	s30 =	simm.s32 $0x0  }
0x2c: {  	[tilespmem:s24], [sflag:$0x1] =	stream.indirect.gather [hbm4b:s6+s17], $0x10, s23, s17, $0xb8;
	[tilespmem:$0x1FBD0] =	vst v63  }
.LBB2_6:
0x2d: {  	s0 =	sadd.s32 $0x1, s0  }
0x2e: {  	s1 =	smul.u32 $0x320, s0;
	_ =	sdelay $0x1  }
0x2f: {  	s0 =	sand.u32 $0x1, s0;
	s1 =	sadd.s32 s7, s1  }
0x30: {  	p0 =	seq.s32 s0, $0x1;
	s0 =	simm.s32 $0x9920;
	s1 =	sshrl.u32 s1, $0x3  }
0x31: {  	s0 =	simm.s32 @!p0 $0x9600;
	s1 =	sadd.s32 s2, s1  }
0x32: {  	[tilespmem:s0], [sflag:$0x4] =	stream.linear.gather [hbm4b:s1+s4], $0x320, $0x38;
	[tilespmem:$0x1FBD0] =	vst v63  }
.LBB2_8:
0x33: {  	s0 =	sadd.s32 $0x2, s30  }
0x34: {  	s1 =	smul.u32 $0xCD, s0  }
0x35: {  	s20 =	smul.u32 $0xAB, s0  }
0x36: {  	s1 =	sshrl.u32 s1, $0xA  }
0x37: {  	s20 =	sshrl.u32 s20, $0x9;
	s1 =	sand.u32 $0x3F, s1  }
0x38: {  	s20 =	sand.u32 $0x7F, s20;
	s18 =	smul.u32 $0xFFFFFFFB, s1  }
0x39: {  	s20 =	smul.u32 $0x3, s20  }
0x3a: {  	p0 =	slt.u32 s30, $0x3  }
0x3b: {  	s1 =	sand.u32 $0x1, s1;
	s18 =	sadd.s32 s0, s18;
	s0 =	ssub.s32 s0, s20  }
0x3c: {  	p1 =	sne.s32 @!p0 s18, $0x0;
	s18 =	smul.u32 $0x140, s18;
	s0 =	sand.u32 $0xFF, s0  }
0x3d: {  	p0 =	por p1, p0;
	p1 =	seq.s32 s1, $0x1;
	s31 =	smul.u32 $0xB400, s0  }
0x3e: {  	s1 =	simm.s32 $0x320;
	s0 =	smul.u32 $0x1400, s0;
	s21 =	simm.s32 @!p0 $0x4  }
0x3f: {  	s1 =	simm.s32 @!p1 $0x0;
	s18 =	sshra.s32 s18, $0x2;
	_ =	swait.ge @!p0 [sflag:s21], $0x320  }
0x40: {  	s1 =	sadd.s32 s18, s1;
	s0 =	sshrl.u32 s0, $0x2;
	[sflag:s21] =	ssyncset.done @!p0 $0x0  }
0x41: {  	[sflag:s21] =	ssyncadd.s32 @!p0 $0xFFFFFCE0;
	s21 =	sshrl.u32 s31, $0x2;
	s31 =	sadd.s32 $0x9600, s1  }
0x42: {  	[tilespmem:s21], [sflag:$0x1] =	stream.indirect.gather [hbm4b:s5+s17], $0x90, s31, s17, $0xb8;
	[tilespmem:$0x1FBD0] =	vst v63  }
0x43: {  	s0 =	sadd.s32 $0x8700, s0;
	s1 =	sadd.s32 $0x9790, s1  }
0x44: {  	[tilespmem:s0], [sflag:$0x1] =	stream.indirect.gather [hbm4b:s6+s17], $0x10, s1, s17, $0xb8;
	[tilespmem:$0x1FBD0] =	vst v63  }
.LBB2_9:
0x45: {  	s30 =	sadd.s32 $0x1, s30  }
0x46: {  	p0 =	sne.s32 s30, $0x7D  }
.Ltmp3:
0x47: {  	_ = 	snop;
	(pc) =	sbr.rel @!p0 .LBB2_10-.Ltmp3, $2  }
0x48: {  	_ =	sdelay $0x2  }
0x49: {  	s29 =	sadd.s32 $0x50, s29  }
.LBB2_2:
0x4a: {  	s0 =	smulhi.u32 $0xAAAAAAAB, s30  }
0x4b: {  	s1 =	smul.u32 $0xAB, s30;
	_ =	sdelay $0x1  }
0x4c: {  	_ =	swait.ge [sflag:s25], $0x2D00;
	s0 =	sshrl.u32 s0, $0x1;
	s1 =	sshrl.u32 s1, $0x9  }
0x4d: {  	[sflag:s25] =	ssyncset.done $0x0;
	s0 =	smul.u32 $0xF0, s0;
	s1 =	sand.u32 $0x7F, s1  }
0x4e: {  	[sflag:s25] =	ssyncadd.s32 $0xFFFFD300;
	s1 =	smul.u32 $0x3, s1  }
0x4f: {  	_ =	swait.ge [sflag:s25], $0x500  }
0x50: {  	[sflag:s25] =	ssyncset.done $0x0;
	s0 =	ssub.s32 s29, s0;
	s1 =	ssub.s32 s30, s1  }
0x51: {  	[sflag:s25] =	ssyncadd.s32 $0xFFFFFB00;
	s31 =	sand.u32 $0xFF, s1;
	s1 =	simm.s32 $0x0  }
.LBB2_3:
0x52: {  	s18 =	sadd.s32 s1, s0  }
0x53: {  	v2 =	vor.u32 s18, v0  }
0x54: {  	v1 =	vmul.u32 $0x90, v2;
	v2 =	vshll.u32 v2, $0x4  }
0x55: {  	v11 =	vor.u32 $0x1, v2  }
0x56: {  	v12 =	vor.u32 $0x2, v2  }
0x57: {  	v13 =	vor.u32 $0x3, v2  }
0x58: {  	v14 =	vor.u32 $0x4, v2  }
0x59: {  	v16 =	vor.u32 $0x5, v2;
	v15 =	vld.idx.msk [tilespmem:v2+s19+$0x0], $0xffff  }
0x5a: {  	v17 =	vor.u32 $0x6, v2;
	v11 =	vld.idx.msk [tilespmem:v11+s19+$0x0], $0xffff  }
0x5b: {  	v3 =	vadd.s32 $0x80, v1;
	v12 =	vld.idx.msk [tilespmem:v12+s19+$0x0], $0xffff  }
0x5c: {  	v4 =	vadd.s32 $0x81, v1;
	v13 =	vld.idx.msk [tilespmem:v13+s19+$0x0], $0xffff  }
0x5d: {  	v5 =	vadd.s32 $0x82, v1;
	v14 =	vld.idx.msk [tilespmem:v14+s19+$0x0], $0xffff  }
0x5e: {  	v6 =	vadd.s32 $0x83, v1;
	v16 =	vld.idx.msk [tilespmem:v16+s19+$0x0], $0xffff  }
0x5f: {  	v7 =	vadd.s32 $0x84, v1;
	v17 =	vld.idx.msk [tilespmem:v17+s19+$0x0], $0xffff  }
0x60: {  	v8 =	vadd.s32 $0x85, v1;
	v3 =	vld.idx.msk [tilespmem:v3+s4+$0x0], $0xffff  }
0x61: {  	v9 =	vadd.s32 $0x86, v1;
	v4 =	vld.idx.msk [tilespmem:v4+s4+$0x0], $0xffff  }
0x62: {  	v5 =	vld.idx.msk [tilespmem:v5+s4+$0x0], $0xffff  }
0x63: {  	v6 =	vld.idx.msk [tilespmem:v6+s4+$0x0], $0xffff  }
0x64: {  	v7 =	vld.idx.msk [tilespmem:v7+s4+$0x0], $0xffff  }
0x65: {  	v10 =	vadd.s32 $0x87, v1;
	v8 =	vld.idx.msk [tilespmem:v8+s4+$0x0], $0xffff  }
0x66: {  	v2 =	vor.u32 $0x7, v2;
	v9 =	vld.idx.msk [tilespmem:v9+s4+$0x0], $0xffff;
	_ =	sdelay $0x1  }
0x67: {  	v3 =	vadd.f32 v15, v3  }
0x68: {  	v4 =	vadd.f32 v11, v4;
	v5 =	vadd.f32 v12, v5  }
0x69: {  	v10 =	vld.idx.msk [tilespmem:v10+s4+$0x0], $0xffff;
	v6 =	vadd.f32 v13, v6;
	v7 =	vadd.f32 v14, v7  }
0x6a: {  	v2 =	vld.idx.msk [tilespmem:v2+s19+$0x0], $0xffff;
	v8 =	vadd.f32 v16, v8;
	v9 =	vadd.f32 v17, v9;
	v39 =	vmul.f32 $2.000000030e-01, v3  }
0x6b: {  	vm0 =	vgt.f32 v3, $0.0e+00;
	v40 =	vmul.f32 $2.000000030e-01, v4;
	vm9 =	vgt.f32 v4, $0.0e+00  }
0x6c: {  	v41 =	vmul.f32 $2.000000030e-01, v5;
	vm10 =	vgt.f32 v5, $0.0e+00;
	v42 =	vmul.f32 $2.000000030e-01, v6  }
0x6d: {  	vm11 =	vgt.f32 v6, $0.0e+00;
	v43 =	vmul.f32 $2.000000030e-01, v7;
	vm12 =	vgt.f32 v7, $0.0e+00  }
0x6e: {  	v44 =	vmul.f32 $2.000000030e-01, v8;
	v45 =	vmul.f32 $2.000000030e-01, v9;
	vm13 =	vgt.f32 v8, $0.0e+00  }
0x6f: {  	vm14 =	vgt.f32 v9, $0.0e+00;
	v2 =	vadd.f32 v2, v10;
	v3 =	vsel vm0, v3, v39  }
0x70: {  	v4 =	vsel vm9, v4, v40;
	v5 =	vsel vm10, v5, v41;
	v3 =	vmul.f32 $1.442695020e+00, v3  }
0x71: {  	v6 =	vsel vm11, v6, v42;
	v46 =	vmul.f32 $2.000000030e-01, v2;
	v4 =	vmul.f32 $1.442695020e+00, v4  }
0x72: {  	v7 =	vsel vm12, v7, v43;
	(erf) = vpow2.f32 v3;
	v3 =	vmul.f32 $1.442695020e+00, v5  }
0x73: {  	v8 =	vsel vm13, v8, v44;
	v47 =	vmul.f32 $1.442695020e+00, v6;
	(erf) = vpow2.f32 v4  }
0x74: {  	v48 =	vsel vm14, v9, v45;
	(erf) = vpow2.f32 v3;
	v3 =	vmul.f32 $1.442695020e+00, v7  }
0x75: {  	vm15 =	vgt.f32 v2, $0.0e+00;
	v49 =	vmul.f32 $1.442695020e+00, v8;
	(erf) = vpow2.f32 v47  }
0x76: {  	v2 =	vsel vm15, v2, v46;
	(erf) = vpow2.f32 v3;
	v3 =	vmul.f32 $1.442695020e+00, v48  }
0x77: {  	v50 =	vadd.s32 $0x88, v1;
	v2 =	vmul.f32 $1.442695020e+00, v2;
	(erf) = vpow2.f32 v49  }
0x78: {  	(erf) = vpow2.f32 v3;
	v3 =	vadd.s32 $0x89, v1  }
0x79: {  	(erf) = vpow2.f32 v2;
	v2 =	vadd.s32 $0x8A, v1  }
0x7a: {  	v51 =	vadd.s32 $0x8B, v1  }
0x7b: {  	v53 =	vadd.s32 $0x8C, v1;
	v52 =	vpop (erf)  }
0x7c: {  	v54 =	vadd.s32 $0x8D, v1;
	v8 =	vpop (erf);
	[tilespmem:v50+s4+$0x0] =	vst.idx.msk $0xffff, v52  }
0x7d: {  	v55 =	vadd.s32 $0x8E, v1;
	v7 =	vpop (erf);
	[tilespmem:v3+s4+$0x0] =	vst.idx.msk $0xffff, v8  }
0x7e: {  	v56 =	vadd.s32 $0x8F, v1;
	v6 =	vpop (erf);
	[tilespmem:v2+s4+$0x0] =	vst.idx.msk $0xffff, v7  }
0x7f: {  	v5 =	vpop (erf);
	[tilespmem:v51+s4+$0x0] =	vst.idx.msk $0xffff, v6  }
0x80: {  	v57 =	vor.u32 $0x1, v1;
	v4 =	vpop (erf);
	[tilespmem:v53+s4+$0x0] =	vst.idx.msk $0xffff, v5  }
0x81: {  	v58 =	vor.u32 $0x2, v1;
	v3 =	vpop (erf);
	[tilespmem:v54+s4+$0x0] =	vst.idx.msk $0xffff, v4  }
0x82: {  	v59 =	vor.u32 $0x3, v1;
	v2 =	vpop (erf);
	[tilespmem:v55+s4+$0x0] =	vst.idx.msk $0xffff, v3  }
0x83: {  	v60 =	vor.u32 $0x4, v1;
	[tilespmem:v56+s4+$0x0] =	vst.idx.msk $0xffff, v2  }
0x84: {  	v61 =	vor.u32 $0x5, v1;
	v14 =	vld.idx.msk [tilespmem:v1+s4+$0x0], $0xffff  }
0x85: {  	v63 =	vor.u32 $0x6, v1;
	v62 =	vld.idx.msk [tilespmem:v57+s4+$0x0], $0xffff  }
0x86: {  	v19 =	vor.u32 $0x7, v1;
	v18 =	vld.idx.msk [tilespmem:v58+s4+$0x0], $0xffff  }
0x87: {  	v21 =	vor.u32 $0x8, v1;
	v20 =	vld.idx.msk [tilespmem:v59+s4+$0x0], $0xffff  }
0x88: {  	v23 =	vor.u32 $0x9, v1;
	v22 =	vld.idx.msk [tilespmem:v60+s4+$0x0], $0xffff  }
0x89: {  	v25 =	vor.u32 $0xA, v1;
	v24 =	vld.idx.msk [tilespmem:v61+s4+$0x0], $0xffff  }
0x8a: {  	v27 =	vor.u32 $0xB, v1;
	v26 =	vld.idx.msk [tilespmem:v63+s4+$0x0], $0xffff  }
0x8b: {  	v29 =	vor.u32 $0xC, v1;
	v28 =	vld.idx.msk [tilespmem:v19+s4+$0x0], $0xffff  }
0x8c: {  	v31 =	vor.u32 $0xD, v1;
	v30 =	vld.idx.msk [tilespmem:v21+s4+$0x0], $0xffff  }
0x8d: {  	v33 =	vor.u32 $0xE, v1;
	v32 =	vld.idx.msk [tilespmem:v23+s4+$0x0], $0xffff  }
0x8e: {  	v35 =	vor.u32 $0xF, v1;
	v34 =	vld.idx.msk [tilespmem:v25+s4+$0x0], $0xffff  }
0x8f: {  	v36 =	vld.idx.msk [tilespmem:v27+s4+$0x0], $0xffff  }
0x90: {  	v37 =	vld.idx.msk [tilespmem:v29+s4+$0x0], $0xffff  }
0x91: {  	v38 =	vld.idx.msk [tilespmem:v31+s4+$0x0], $0xffff;
	v14 =	vmul.f32 v14, v52  }
0x92: {  	v39 =	vld.idx.msk [tilespmem:v33+s4+$0x0], $0xffff;
	v16 =	vmul.f32 v62, v52  }
0x93: {  	v40 =	vld.idx.msk [tilespmem:v35+s4+$0x0], $0xffff;
	v18 =	vmul.f32 v18, v52;
	[tilespmem:v1+s4+$0x0] =	vst.idx.msk $0xffff, v14  }
0x94: {  	v20 =	vmul.f32 v20, v52;
	[tilespmem:v57+s4+$0x0] =	vst.idx.msk $0xffff, v16  }
0x95: {  	v22 =	vmul.f32 v22, v52;
	[tilespmem:v58+s4+$0x0] =	vst.idx.msk $0xffff, v18  }
0x96: {  	v24 =	vmul.f32 v24, v52;
	[tilespmem:v59+s4+$0x0] =	vst.idx.msk $0xffff, v20  }
0x97: {  	v26 =	vmul.f32 v26, v52;
	[tilespmem:v60+s4+$0x0] =	vst.idx.msk $0xffff, v22  }
0x98: {  	v28 =	vmul.f32 v28, v52;
	[tilespmem:v61+s4+$0x0] =	vst.idx.msk $0xffff, v24  }
0x99: {  	v30 =	vmul.f32 v30, v52;
	[tilespmem:v63+s4+$0x0] =	vst.idx.msk $0xffff, v26  }
0x9a: {  	v32 =	vmul.f32 v32, v52;
	[tilespmem:v19+s4+$0x0] =	vst.idx.msk $0xffff, v28  }
0x9b: {  	v34 =	vmul.f32 v34, v52;
	[tilespmem:v21+s4+$0x0] =	vst.idx.msk $0xffff, v30  }
0x9c: {  	v36 =	vmul.f32 v36, v52;
	[tilespmem:v23+s4+$0x0] =	vst.idx.msk $0xffff, v32  }
0x9d: {  	v41 =	vmul.f32 v37, v52;
	[tilespmem:v25+s4+$0x0] =	vst.idx.msk $0xffff, v34  }
0x9e: {  	v11 =	vadd.s32 $0x10, v1;
	v42 =	vmul.f32 v38, v52;
	[tilespmem:v27+s4+$0x0] =	vst.idx.msk $0xffff, v36  }
0x9f: {  	v12 =	vadd.s32 $0x11, v1;
	v43 =	vmul.f32 v39, v52;
	[tilespmem:v29+s4+$0x0] =	vst.idx.msk $0xffff, v41  }
0xa0: {  	v9 =	vadd.s32 $0x12, v1;
	v10 =	vmul.f32 v40, v52;
	[tilespmem:v31+s4+$0x0] =	vst.idx.msk $0xffff, v42  }
0xa1: {  	v13 =	vadd.s32 $0x13, v1;
	[tilespmem:v33+s4+$0x0] =	vst.idx.msk $0xffff, v43  }
0xa2: {  	v15 =	vadd.s32 $0x15, v1;
	[tilespmem:v35+s4+$0x0] =	vst.idx.msk $0xffff, v10  }
0xa3: {  	v17 =	vadd.s32 $0x16, v1;
	v14 =	vld.idx.msk [tilespmem:v11+s4+$0x0], $0xffff  }
0xa4: {  	v19 =	vadd.s32 $0x17, v1;
	v16 =	vld.idx.msk [tilespmem:v12+s4+$0x0], $0xffff  }
0xa5: {  	v44 =	vadd.s32 $0x18, v1;
	v18 =	vld.idx.msk [tilespmem:v9+s4+$0x0], $0xffff  }
0xa6: {  	v46 =	vadd.s32 $0x19, v1;
	v20 =	vld.idx.msk [tilespmem:v13+s4+$0x0], $0xffff  }
0xa7: {  	v48 =	vadd.s32 $0x1A, v1;
	v47 =	vld.idx.msk [tilespmem:v15+s4+$0x0], $0xffff  }
0xa8: {  	v50 =	vadd.s32 $0x1B, v1;
	v49 =	vld.idx.msk [tilespmem:v17+s4+$0x0], $0xffff  }
0xa9: {  	v52 =	vadd.s32 $0x1C, v1;
	v51 =	vld.idx.msk [tilespmem:v19+s4+$0x0], $0xffff  }
0xaa: {  	v10 =	vadd.s32 $0x14, v1;
	v53 =	vld.idx.msk [tilespmem:v44+s4+$0x0], $0xffff  }
0xab: {  	v54 =	vadd.s32 $0x1D, v1;
	v55 =	vld.idx.msk [tilespmem:v46+s4+$0x0], $0xffff  }
0xac: {  	v56 =	vadd.s32 $0x1E, v1;
	v57 =	vld.idx.msk [tilespmem:v48+s4+$0x0], $0xffff  }
0xad: {  	v58 =	vadd.s32 $0x1F, v1;
	v59 =	vld.idx.msk [tilespmem:v50+s4+$0x0], $0xffff  }
0xae: {  	v60 =	vld.idx.msk [tilespmem:v52+s4+$0x0], $0xffff  }
0xaf: {  	v45 =	vld.idx.msk [tilespmem:v10+s4+$0x0], $0xffff  }
0xb0: {  	v61 =	vld.idx.msk [tilespmem:v54+s4+$0x0], $0xffff;
	v14 =	vmul.f32 v14, v8  }
0xb1: {  	v62 =	vld.idx.msk [tilespmem:v56+s4+$0x0], $0xffff;
	v16 =	vmul.f32 v16, v8  }
0xb2: {  	v63 =	vld.idx.msk [tilespmem:v58+s4+$0x0], $0xffff;
	v18 =	vmul.f32 v18, v8;
	[tilespmem:v11+s4+$0x0] =	vst.idx.msk $0xffff, v14  }
0xb3: {  	v20 =	vmul.f32 v20, v8;
	[tilespmem:v12+s4+$0x0] =	vst.idx.msk $0xffff, v16  }
0xb4: {  	v22 =	vmul.f32 v45, v8;
	[tilespmem:v9+s4+$0x0] =	vst.idx.msk $0xffff, v18  }
0xb5: {  	v24 =	vmul.f32 v47, v8;
	[tilespmem:v13+s4+$0x0] =	vst.idx.msk $0xffff, v20  }
0xb6: {  	v26 =	vmul.f32 v49, v8;
	[tilespmem:v10+s4+$0x0] =	vst.idx.msk $0xffff, v22  }
0xb7: {  	v28 =	vmul.f32 v51, v8;
	[tilespmem:v15+s4+$0x0] =	vst.idx.msk $0xffff, v24  }
0xb8: {  	v30 =	vmul.f32 v53, v8;
	[tilespmem:v17+s4+$0x0] =	vst.idx.msk $0xffff, v26  }
0xb9: {  	v32 =	vmul.f32 v55, v8;
	[tilespmem:v19+s4+$0x0] =	vst.idx.msk $0xffff, v28  }
0xba: {  	v34 =	vmul.f32 v57, v8;
	[tilespmem:v44+s4+$0x0] =	vst.idx.msk $0xffff, v30  }
0xbb: {  	v36 =	vmul.f32 v59, v8;
	[tilespmem:v46+s4+$0x0] =	vst.idx.msk $0xffff, v32  }
0xbc: {  	v41 =	vmul.f32 v60, v8;
	[tilespmem:v48+s4+$0x0] =	vst.idx.msk $0xffff, v34  }
0xbd: {  	v43 =	vadd.s32 $0x20, v1;
	v42 =	vmul.f32 v61, v8;
	[tilespmem:v50+s4+$0x0] =	vst.idx.msk $0xffff, v36  }
0xbe: {  	v45 =	vadd.s32 $0x21, v1;
	v44 =	vmul.f32 v62, v8;
	[tilespmem:v52+s4+$0x0] =	vst.idx.msk $0xffff, v41  }
0xbf: {  	v8 =	vmul.f32 v63, v8;
	v46 =	vadd.s32 $0x22, v1;
	[tilespmem:v54+s4+$0x0] =	vst.idx.msk $0xffff, v42  }
0xc0: {  	v47 =	vadd.s32 $0x23, v1;
	[tilespmem:v56+s4+$0x0] =	vst.idx.msk $0xffff, v44  }
0xc1: {  	v48 =	vadd.s32 $0x24, v1;
	[tilespmem:v58+s4+$0x0] =	vst.idx.msk $0xffff, v8  }
0xc2: {  	v49 =	vadd.s32 $0x25, v1;
	v13 =	vld.idx.msk [tilespmem:v43+s4+$0x0], $0xffff  }
0xc3: {  	v50 =	vadd.s32 $0x26, v1;
	v15 =	vld.idx.msk [tilespmem:v45+s4+$0x0], $0xffff  }
0xc4: {  	v51 =	vadd.s32 $0x27, v1;
	v17 =	vld.idx.msk [tilespmem:v46+s4+$0x0], $0xffff  }
0xc5: {  	v53 =	vadd.s32 $0x29, v1;
	v19 =	vld.idx.msk [tilespmem:v47+s4+$0x0], $0xffff  }
0xc6: {  	v55 =	vadd.s32 $0x2B, v1;
	v21 =	vld.idx.msk [tilespmem:v48+s4+$0x0], $0xffff  }
0xc7: {  	v57 =	vadd.s32 $0x2D, v1;
	v23 =	vld.idx.msk [tilespmem:v49+s4+$0x0], $0xffff  }
0xc8: {  	v59 =	vadd.s32 $0x2F, v1;
	v25 =	vld.idx.msk [tilespmem:v50+s4+$0x0], $0xffff  }
0xc9: {  	v52 =	vadd.s32 $0x28, v1;
	v27 =	vld.idx.msk [tilespmem:v51+s4+$0x0], $0xffff  }
0xca: {  	v54 =	vadd.s32 $0x2A, v1;
	v31 =	vld.idx.msk [tilespmem:v53+s4+$0x0], $0xffff  }
0xcb: {  	v56 =	vadd.s32 $0x2C, v1;
	v35 =	vld.idx.msk [tilespmem:v55+s4+$0x0], $0xffff  }
0xcc: {  	v58 =	vadd.s32 $0x2E, v1;
	v61 =	vld.idx.msk [tilespmem:v57+s4+$0x0], $0xffff  }
0xcd: {  	v63 =	vld.idx.msk [tilespmem:v59+s4+$0x0], $0xffff  }
0xce: {  	v29 =	vld.idx.msk [tilespmem:v52+s4+$0x0], $0xffff  }
0xcf: {  	v33 =	vld.idx.msk [tilespmem:v54+s4+$0x0], $0xffff;
	v13 =	vmul.f32 v13, v7  }
0xd0: {  	v60 =	vld.idx.msk [tilespmem:v56+s4+$0x0], $0xffff;
	v15 =	vmul.f32 v15, v7  }
0xd1: {  	v62 =	vld.idx.msk [tilespmem:v58+s4+$0x0], $0xffff;
	v17 =	vmul.f32 v17, v7;
	[tilespmem:v43+s4+$0x0] =	vst.idx.msk $0xffff, v13  }
0xd2: {  	v19 =	vmul.f32 v19, v7;
	[tilespmem:v45+s4+$0x0] =	vst.idx.msk $0xffff, v15  }
0xd3: {  	v21 =	vmul.f32 v21, v7;
	[tilespmem:v46+s4+$0x0] =	vst.idx.msk $0xffff, v17  }
0xd4: {  	v23 =	vmul.f32 v23, v7;
	[tilespmem:v47+s4+$0x0] =	vst.idx.msk $0xffff, v19  }
0xd5: {  	v25 =	vmul.f32 v25, v7;
	[tilespmem:v48+s4+$0x0] =	vst.idx.msk $0xffff, v21  }
0xd6: {  	v27 =	vmul.f32 v27, v7;
	[tilespmem:v49+s4+$0x0] =	vst.idx.msk $0xffff, v23  }
0xd7: {  	v29 =	vmul.f32 v29, v7;
	[tilespmem:v50+s4+$0x0] =	vst.idx.msk $0xffff, v25  }
0xd8: {  	v31 =	vmul.f32 v31, v7;
	[tilespmem:v51+s4+$0x0] =	vst.idx.msk $0xffff, v27  }
0xd9: {  	v33 =	vmul.f32 v33, v7;
	[tilespmem:v52+s4+$0x0] =	vst.idx.msk $0xffff, v29  }
0xda: {  	v40 =	vmul.f32 v35, v7;
	[tilespmem:v53+s4+$0x0] =	vst.idx.msk $0xffff, v31  }
0xdb: {  	v41 =	vmul.f32 v60, v7;
	[tilespmem:v54+s4+$0x0] =	vst.idx.msk $0xffff, v33  }
0xdc: {  	v42 =	vmul.f32 v61, v7;
	v43 =	vadd.s32 $0x30, v1;
	[tilespmem:v55+s4+$0x0] =	vst.idx.msk $0xffff, v40  }
0xdd: {  	v45 =	vadd.s32 $0x31, v1;
	v44 =	vmul.f32 v62, v7;
	[tilespmem:v56+s4+$0x0] =	vst.idx.msk $0xffff, v41  }
0xde: {  	v7 =	vmul.f32 v63, v7;
	v46 =	vadd.s32 $0x32, v1;
	[tilespmem:v57+s4+$0x0] =	vst.idx.msk $0xffff, v42  }
0xdf: {  	v47 =	vadd.s32 $0x33, v1;
	[tilespmem:v58+s4+$0x0] =	vst.idx.msk $0xffff, v44  }
0xe0: {  	v48 =	vadd.s32 $0x34, v1;
	[tilespmem:v59+s4+$0x0] =	vst.idx.msk $0xffff, v7  }
0xe1: {  	v49 =	vadd.s32 $0x35, v1;
	v12 =	vld.idx.msk [tilespmem:v43+s4+$0x0], $0xffff  }
0xe2: {  	v50 =	vadd.s32 $0x36, v1;
	v14 =	vld.idx.msk [tilespmem:v45+s4+$0x0], $0xffff  }
0xe3: {  	v51 =	vadd.s32 $0x37, v1;
	v16 =	vld.idx.msk [tilespmem:v46+s4+$0x0], $0xffff  }
0xe4: {  	v52 =	vadd.s32 $0x38, v1;
	v18 =	vld.idx.msk [tilespmem:v47+s4+$0x0], $0xffff  }
0xe5: {  	v53 =	vadd.s32 $0x39, v1;
	v20 =	vld.idx.msk [tilespmem:v48+s4+$0x0], $0xffff  }
0xe6: {  	v54 =	vadd.s32 $0x3A, v1;
	v22 =	vld.idx.msk [tilespmem:v49+s4+$0x0], $0xffff  }
0xe7: {  	v55 =	vadd.s32 $0x3B, v1;
	v24 =	vld.idx.msk [tilespmem:v50+s4+$0x0], $0xffff  }
0xe8: {  	v56 =	vadd.s32 $0x3C, v1;
	v26 =	vld.idx.msk [tilespmem:v51+s4+$0x0], $0xffff  }
0xe9: {  	v57 =	vadd.s32 $0x3D, v1;
	v28 =	vld.idx.msk [tilespmem:v52+s4+$0x0], $0xffff  }
0xea: {  	v58 =	vadd.s32 $0x3E, v1;
	v30 =	vld.idx.msk [tilespmem:v53+s4+$0x0], $0xffff  }
0xeb: {  	v59 =	vadd.s32 $0x3F, v1;
	v32 =	vld.idx.msk [tilespmem:v54+s4+$0x0], $0xffff  }
0xec: {  	v34 =	vld.idx.msk [tilespmem:v55+s4+$0x0], $0xffff  }
0xed: {  	v60 =	vld.idx.msk [tilespmem:v56+s4+$0x0], $0xffff  }
0xee: {  	v61 =	vld.idx.msk [tilespmem:v57+s4+$0x0], $0xffff;
	v12 =	vmul.f32 v12, v6  }
0xef: {  	v62 =	vld.idx.msk [tilespmem:v58+s4+$0x0], $0xffff;
	v14 =	vmul.f32 v14, v6  }
0xf0: {  	v63 =	vld.idx.msk [tilespmem:v59+s4+$0x0], $0xffff;
	v16 =	vmul.f32 v16, v6;
	[tilespmem:v43+s4+$0x0] =	vst.idx.msk $0xffff, v12  }
0xf1: {  	v18 =	vmul.f32 v18, v6;
	[tilespmem:v45+s4+$0x0] =	vst.idx.msk $0xffff, v14  }
0xf2: {  	v20 =	vmul.f32 v20, v6;
	[tilespmem:v46+s4+$0x0] =	vst.idx.msk $0xffff, v16  }
0xf3: {  	v22 =	vmul.f32 v22, v6;
	[tilespmem:v47+s4+$0x0] =	vst.idx.msk $0xffff, v18  }
0xf4: {  	v24 =	vmul.f32 v24, v6;
	[tilespmem:v48+s4+$0x0] =	vst.idx.msk $0xffff, v20  }
0xf5: {  	v26 =	vmul.f32 v26, v6;
	[tilespmem:v49+s4+$0x0] =	vst.idx.msk $0xffff, v22  }
0xf6: {  	v28 =	vmul.f32 v28, v6;
	[tilespmem:v50+s4+$0x0] =	vst.idx.msk $0xffff, v24  }
0xf7: {  	v30 =	vmul.f32 v30, v6;
	[tilespmem:v51+s4+$0x0] =	vst.idx.msk $0xffff, v26  }
0xf8: {  	v39 =	vmul.f32 v32, v6;
	[tilespmem:v52+s4+$0x0] =	vst.idx.msk $0xffff, v28  }
0xf9: {  	v40 =	vmul.f32 v34, v6;
	[tilespmem:v53+s4+$0x0] =	vst.idx.msk $0xffff, v30  }
0xfa: {  	v41 =	vmul.f32 v60, v6;
	[tilespmem:v54+s4+$0x0] =	vst.idx.msk $0xffff, v39  }
0xfb: {  	v42 =	vmul.f32 v61, v6;
	v43 =	vadd.s32 $0x40, v1;
	[tilespmem:v55+s4+$0x0] =	vst.idx.msk $0xffff, v40  }
0xfc: {  	v44 =	vmul.f32 v62, v6;
	v45 =	vadd.s32 $0x41, v1;
	[tilespmem:v56+s4+$0x0] =	vst.idx.msk $0xffff, v41  }
0xfd: {  	v6 =	vmul.f32 v63, v6;
	v46 =	vadd.s32 $0x42, v1;
	[tilespmem:v57+s4+$0x0] =	vst.idx.msk $0xffff, v42  }
0xfe: {  	v47 =	vadd.s32 $0x43, v1;
	[tilespmem:v58+s4+$0x0] =	vst.idx.msk $0xffff, v44  }
0xff: {  	v48 =	vadd.s32 $0x44, v1;
	[tilespmem:v59+s4+$0x0] =	vst.idx.msk $0xffff, v6  }
0x100: {  	v49 =	vadd.s32 $0x45, v1;
	v11 =	vld.idx.msk [tilespmem:v43+s4+$0x0], $0xffff  }
0x101: {  	v50 =	vadd.s32 $0x46, v1;
	v13 =	vld.idx.msk [tilespmem:v45+s4+$0x0], $0xffff  }
0x102: {  	v51 =	vadd.s32 $0x47, v1;
	v15 =	vld.idx.msk [tilespmem:v46+s4+$0x0], $0xffff  }
0x103: {  	v52 =	vadd.s32 $0x48, v1;
	v17 =	vld.idx.msk [tilespmem:v47+s4+$0x0], $0xffff  }
0x104: {  	v53 =	vadd.s32 $0x49, v1;
	v19 =	vld.idx.msk [tilespmem:v48+s4+$0x0], $0xffff  }
0x105: {  	v54 =	vadd.s32 $0x4A, v1;
	v21 =	vld.idx.msk [tilespmem:v49+s4+$0x0], $0xffff  }
0x106: {  	v55 =	vadd.s32 $0x4B, v1;
	v23 =	vld.idx.msk [tilespmem:v50+s4+$0x0], $0xffff  }
0x107: {  	v56 =	vadd.s32 $0x4C, v1;
	v25 =	vld.idx.msk [tilespmem:v51+s4+$0x0], $0xffff  }
0x108: {  	v57 =	vadd.s32 $0x4D, v1;
	v27 =	vld.idx.msk [tilespmem:v52+s4+$0x0], $0xffff  }
0x109: {  	v58 =	vadd.s32 $0x4E, v1;
	v29 =	vld.idx.msk [tilespmem:v53+s4+$0x0], $0xffff  }
0x10a: {  	v59 =	vadd.s32 $0x4F, v1;
	v31 =	vld.idx.msk [tilespmem:v54+s4+$0x0], $0xffff  }
0x10b: {  	v33 =	vld.idx.msk [tilespmem:v55+s4+$0x0], $0xffff  }
0x10c: {  	v60 =	vld.idx.msk [tilespmem:v56+s4+$0x0], $0xffff  }
0x10d: {  	v61 =	vld.idx.msk [tilespmem:v57+s4+$0x0], $0xffff;
	v11 =	vmul.f32 v11, v5  }
0x10e: {  	v62 =	vld.idx.msk [tilespmem:v58+s4+$0x0], $0xffff;
	v13 =	vmul.f32 v13, v5  }
0x10f: {  	v63 =	vld.idx.msk [tilespmem:v59+s4+$0x0], $0xffff;
	v15 =	vmul.f32 v15, v5;
	[tilespmem:v43+s4+$0x0] =	vst.idx.msk $0xffff, v11  }
0x110: {  	v17 =	vmul.f32 v17, v5;
	[tilespmem:v45+s4+$0x0] =	vst.idx.msk $0xffff, v13  }
0x111: {  	v19 =	vmul.f32 v19, v5;
	[tilespmem:v46+s4+$0x0] =	vst.idx.msk $0xffff, v15  }
0x112: {  	v21 =	vmul.f32 v21, v5;
	[tilespmem:v47+s4+$0x0] =	vst.idx.msk $0xffff, v17  }
0x113: {  	v23 =	vmul.f32 v23, v5;
	[tilespmem:v48+s4+$0x0] =	vst.idx.msk $0xffff, v19  }
0x114: {  	v25 =	vmul.f32 v25, v5;
	[tilespmem:v49+s4+$0x0] =	vst.idx.msk $0xffff, v21  }
0x115: {  	v27 =	vmul.f32 v27, v5;
	[tilespmem:v50+s4+$0x0] =	vst.idx.msk $0xffff, v23  }
0x116: {  	v38 =	vmul.f32 v29, v5;
	[tilespmem:v51+s4+$0x0] =	vst.idx.msk $0xffff, v25  }
0x117: {  	v39 =	vmul.f32 v31, v5;
	[tilespmem:v52+s4+$0x0] =	vst.idx.msk $0xffff, v27  }
0x118: {  	v40 =	vmul.f32 v33, v5;
	[tilespmem:v53+s4+$0x0] =	vst.idx.msk $0xffff, v38  }
0x119: {  	v41 =	vmul.f32 v60, v5;
	[tilespmem:v54+s4+$0x0] =	vst.idx.msk $0xffff, v39  }
0x11a: {  	v42 =	vmul.f32 v61, v5;
	v43 =	vadd.s32 $0x50, v1;
	[tilespmem:v55+s4+$0x0] =	vst.idx.msk $0xffff, v40  }
0x11b: {  	v44 =	vmul.f32 v62, v5;
	v45 =	vadd.s32 $0x51, v1;
	[tilespmem:v56+s4+$0x0] =	vst.idx.msk $0xffff, v41  }
0x11c: {  	v5 =	vmul.f32 v63, v5;
	v46 =	vadd.s32 $0x52, v1;
	[tilespmem:v57+s4+$0x0] =	vst.idx.msk $0xffff, v42  }
0x11d: {  	v47 =	vadd.s32 $0x53, v1;
	[tilespmem:v58+s4+$0x0] =	vst.idx.msk $0xffff, v44  }
0x11e: {  	v48 =	vadd.s32 $0x54, v1;
	[tilespmem:v59+s4+$0x0] =	vst.idx.msk $0xffff, v5  }
0x11f: {  	v49 =	vadd.s32 $0x55, v1;
	v10 =	vld.idx.msk [tilespmem:v43+s4+$0x0], $0xffff  }
0x120: {  	v50 =	vadd.s32 $0x56, v1;
	v12 =	vld.idx.msk [tilespmem:v45+s4+$0x0], $0xffff  }
0x121: {  	v51 =	vadd.s32 $0x57, v1;
	v14 =	vld.idx.msk [tilespmem:v46+s4+$0x0], $0xffff  }
0x122: {  	v52 =	vadd.s32 $0x58, v1;
	v16 =	vld.idx.msk [tilespmem:v47+s4+$0x0], $0xffff  }
0x123: {  	v53 =	vadd.s32 $0x59, v1;
	v18 =	vld.idx.msk [tilespmem:v48+s4+$0x0], $0xffff  }
0x124: {  	v54 =	vadd.s32 $0x5A, v1;
	v20 =	vld.idx.msk [tilespmem:v49+s4+$0x0], $0xffff  }
0x125: {  	v55 =	vadd.s32 $0x5B, v1;
	v22 =	vld.idx.msk [tilespmem:v50+s4+$0x0], $0xffff  }
0x126: {  	v56 =	vadd.s32 $0x5C, v1;
	v24 =	vld.idx.msk [tilespmem:v51+s4+$0x0], $0xffff  }
0x127: {  	v57 =	vadd.s32 $0x5D, v1;
	v26 =	vld.idx.msk [tilespmem:v52+s4+$0x0], $0xffff  }
0x128: {  	v58 =	vadd.s32 $0x5E, v1;
	v28 =	vld.idx.msk [tilespmem:v53+s4+$0x0], $0xffff  }
0x129: {  	v59 =	vadd.s32 $0x5F, v1;
	v30 =	vld.idx.msk [tilespmem:v54+s4+$0x0], $0xffff  }
0x12a: {  	v32 =	vld.idx.msk [tilespmem:v55+s4+$0x0], $0xffff  }
0x12b: {  	v60 =	vld.idx.msk [tilespmem:v56+s4+$0x0], $0xffff  }
0x12c: {  	v61 =	vld.idx.msk [tilespmem:v57+s4+$0x0], $0xffff;
	v10 =	vmul.f32 v10, v4  }
0x12d: {  	v62 =	vld.idx.msk [tilespmem:v58+s4+$0x0], $0xffff;
	v12 =	vmul.f32 v12, v4  }
0x12e: {  	v63 =	vld.idx.msk [tilespmem:v59+s4+$0x0], $0xffff;
	v14 =	vmul.f32 v14, v4;
	[tilespmem:v43+s4+$0x0] =	vst.idx.msk $0xffff, v10  }
0x12f: {  	v16 =	vmul.f32 v16, v4;
	[tilespmem:v45+s4+$0x0] =	vst.idx.msk $0xffff, v12  }
0x130: {  	v18 =	vmul.f32 v18, v4;
	[tilespmem:v46+s4+$0x0] =	vst.idx.msk $0xffff, v14  }
0x131: {  	v20 =	vmul.f32 v20, v4;
	[tilespmem:v47+s4+$0x0] =	vst.idx.msk $0xffff, v16  }
0x132: {  	v22 =	vmul.f32 v22, v4;
	[tilespmem:v48+s4+$0x0] =	vst.idx.msk $0xffff, v18  }
0x133: {  	v24 =	vmul.f32 v24, v4;
	[tilespmem:v49+s4+$0x0] =	vst.idx.msk $0xffff, v20  }
0x134: {  	v37 =	vmul.f32 v26, v4;
	[tilespmem:v50+s4+$0x0] =	vst.idx.msk $0xffff, v22  }
0x135: {  	v38 =	vmul.f32 v28, v4;
	[tilespmem:v51+s4+$0x0] =	vst.idx.msk $0xffff, v24  }
0x136: {  	v39 =	vmul.f32 v30, v4;
	[tilespmem:v52+s4+$0x0] =	vst.idx.msk $0xffff, v37  }
0x137: {  	v40 =	vmul.f32 v32, v4;
	[tilespmem:v53+s4+$0x0] =	vst.idx.msk $0xffff, v38  }
0x138: {  	v41 =	vmul.f32 v60, v4;
	[tilespmem:v54+s4+$0x0] =	vst.idx.msk $0xffff, v39  }
0x139: {  	v42 =	vmul.f32 v61, v4;
	v43 =	vadd.s32 $0x60, v1;
	[tilespmem:v55+s4+$0x0] =	vst.idx.msk $0xffff, v40  }
0x13a: {  	v44 =	vmul.f32 v62, v4;
	v45 =	vadd.s32 $0x61, v1;
	[tilespmem:v56+s4+$0x0] =	vst.idx.msk $0xffff, v41  }
0x13b: {  	v4 =	vmul.f32 v63, v4;
	v46 =	vadd.s32 $0x62, v1;
	[tilespmem:v57+s4+$0x0] =	vst.idx.msk $0xffff, v42  }
0x13c: {  	v47 =	vadd.s32 $0x63, v1;
	[tilespmem:v58+s4+$0x0] =	vst.idx.msk $0xffff, v44  }
0x13d: {  	v48 =	vadd.s32 $0x64, v1;
	[tilespmem:v59+s4+$0x0] =	vst.idx.msk $0xffff, v4  }
0x13e: {  	v49 =	vadd.s32 $0x65, v1;
	v9 =	vld.idx.msk [tilespmem:v43+s4+$0x0], $0xffff  }
0x13f: {  	v50 =	vadd.s32 $0x66, v1;
	v11 =	vld.idx.msk [tilespmem:v45+s4+$0x0], $0xffff  }
0x140: {  	v51 =	vadd.s32 $0x67, v1;
	v13 =	vld.idx.msk [tilespmem:v46+s4+$0x0], $0xffff  }
0x141: {  	v52 =	vadd.s32 $0x68, v1;
	v15 =	vld.idx.msk [tilespmem:v47+s4+$0x0], $0xffff  }
0x142: {  	v53 =	vadd.s32 $0x69, v1;
	v17 =	vld.idx.msk [tilespmem:v48+s4+$0x0], $0xffff  }
0x143: {  	v54 =	vadd.s32 $0x6A, v1;
	v19 =	vld.idx.msk [tilespmem:v49+s4+$0x0], $0xffff  }
0x144: {  	v55 =	vadd.s32 $0x6B, v1;
	v21 =	vld.idx.msk [tilespmem:v50+s4+$0x0], $0xffff  }
0x145: {  	v56 =	vadd.s32 $0x6C, v1;
	v23 =	vld.idx.msk [tilespmem:v51+s4+$0x0], $0xffff  }
0x146: {  	v57 =	vadd.s32 $0x6D, v1;
	v25 =	vld.idx.msk [tilespmem:v52+s4+$0x0], $0xffff  }
0x147: {  	v58 =	vadd.s32 $0x6E, v1;
	v27 =	vld.idx.msk [tilespmem:v53+s4+$0x0], $0xffff  }
0x148: {  	v59 =	vadd.s32 $0x6F, v1;
	v29 =	vld.idx.msk [tilespmem:v54+s4+$0x0], $0xffff  }
0x149: {  	v31 =	vld.idx.msk [tilespmem:v55+s4+$0x0], $0xffff  }
0x14a: {  	v60 =	vld.idx.msk [tilespmem:v56+s4+$0x0], $0xffff  }
0x14b: {  	v61 =	vld.idx.msk [tilespmem:v57+s4+$0x0], $0xffff;
	v9 =	vmul.f32 v9, v3  }
0x14c: {  	v62 =	vld.idx.msk [tilespmem:v58+s4+$0x0], $0xffff;
	v11 =	vmul.f32 v11, v3  }
0x14d: {  	v63 =	vld.idx.msk [tilespmem:v59+s4+$0x0], $0xffff;
	v13 =	vmul.f32 v13, v3;
	[tilespmem:v43+s4+$0x0] =	vst.idx.msk $0xffff, v9  }
0x14e: {  	v15 =	vmul.f32 v15, v3;
	[tilespmem:v45+s4+$0x0] =	vst.idx.msk $0xffff, v11  }
0x14f: {  	v17 =	vmul.f32 v17, v3;
	[tilespmem:v46+s4+$0x0] =	vst.idx.msk $0xffff, v13  }
0x150: {  	v19 =	vmul.f32 v19, v3;
	[tilespmem:v47+s4+$0x0] =	vst.idx.msk $0xffff, v15  }
0x151: {  	v21 =	vmul.f32 v21, v3;
	[tilespmem:v48+s4+$0x0] =	vst.idx.msk $0xffff, v17  }
0x152: {  	v23 =	vmul.f32 v23, v3;
	[tilespmem:v49+s4+$0x0] =	vst.idx.msk $0xffff, v19  }
0x153: {  	v25 =	vmul.f32 v25, v3;
	[tilespmem:v50+s4+$0x0] =	vst.idx.msk $0xffff, v21  }
0x154: {  	v27 =	vmul.f32 v27, v3;
	[tilespmem:v51+s4+$0x0] =	vst.idx.msk $0xffff, v23  }
0x155: {  	v29 =	vmul.f32 v29, v3;
	[tilespmem:v52+s4+$0x0] =	vst.idx.msk $0xffff, v25  }
0x156: {  	v31 =	vmul.f32 v31, v3;
	[tilespmem:v53+s4+$0x0] =	vst.idx.msk $0xffff, v27  }
0x157: {  	v32 =	vmul.f32 v60, v3;
	[tilespmem:v54+s4+$0x0] =	vst.idx.msk $0xffff, v29  }
0x158: {  	v36 =	vadd.s32 $0x70, v1;
	v33 =	vmul.f32 v61, v3;
	[tilespmem:v55+s4+$0x0] =	vst.idx.msk $0xffff, v31  }
0x159: {  	v38 =	vadd.s32 $0x71, v1;
	v37 =	vmul.f32 v62, v3;
	[tilespmem:v56+s4+$0x0] =	vst.idx.msk $0xffff, v32  }
0x15a: {  	v39 =	vadd.s32 $0x72, v1;
	v3 =	vmul.f32 v63, v3;
	[tilespmem:v57+s4+$0x0] =	vst.idx.msk $0xffff, v33  }
0x15b: {  	v40 =	vadd.s32 $0x73, v1;
	[tilespmem:v58+s4+$0x0] =	vst.idx.msk $0xffff, v37  }
0x15c: {  	v41 =	vadd.s32 $0x75, v1;
	[tilespmem:v59+s4+$0x0] =	vst.idx.msk $0xffff, v3  }
0x15d: {  	v42 =	vadd.s32 $0x76, v1;
	v8 =	vld.idx.msk [tilespmem:v36+s4+$0x0], $0xffff  }
0x15e: {  	v43 =	vadd.s32 $0x77, v1;
	v10 =	vld.idx.msk [tilespmem:v38+s4+$0x0], $0xffff  }
0x15f: {  	v44 =	vadd.s32 $0x78, v1;
	v12 =	vld.idx.msk [tilespmem:v39+s4+$0x0], $0xffff  }
0x160: {  	v45 =	vadd.s32 $0x79, v1;
	v14 =	vld.idx.msk [tilespmem:v40+s4+$0x0], $0xffff  }
0x161: {  	v46 =	vadd.s32 $0x7A, v1;
	v18 =	vld.idx.msk [tilespmem:v41+s4+$0x0], $0xffff  }
0x162: {  	v47 =	vadd.s32 $0x7B, v1;
	v20 =	vld.idx.msk [tilespmem:v42+s4+$0x0], $0xffff  }
0x163: {  	v48 =	vadd.s32 $0x7C, v1;
	v22 =	vld.idx.msk [tilespmem:v43+s4+$0x0], $0xffff  }
0x164: {  	v3 =	vadd.s32 $0x74, v1;
	v24 =	vld.idx.msk [tilespmem:v44+s4+$0x0], $0xffff  }
0x165: {  	v49 =	vadd.s32 $0x7D, v1;
	v26 =	vld.idx.msk [tilespmem:v45+s4+$0x0], $0xffff  }
0x166: {  	v50 =	vadd.s32 $0x7E, v1;
	v28 =	vld.idx.msk [tilespmem:v46+s4+$0x0], $0xffff  }
0x167: {  	v1 =	vadd.s32 $0x7F, v1;
	v51 =	vld.idx.msk [tilespmem:v47+s4+$0x0], $0xffff  }
0x168: {  	v30 =	vld.idx.msk [tilespmem:v48+s4+$0x0], $0xffff  }
0x169: {  	v16 =	vld.idx.msk [tilespmem:v3+s4+$0x0], $0xffff  }
0x16a: {  	v52 =	vld.idx.msk [tilespmem:v49+s4+$0x0], $0xffff;
	v8 =	vmul.f32 v8, v2  }
0x16b: {  	v53 =	vld.idx.msk [tilespmem:v50+s4+$0x0], $0xffff;
	v10 =	vmul.f32 v10, v2  }
0x16c: {  	v54 =	vld.idx.msk [tilespmem:v1+s4+$0x0], $0xffff;
	v12 =	vmul.f32 v12, v2;
	[tilespmem:v36+s4+$0x0] =	vst.idx.msk $0xffff, v8  }
0x16d: {  	v55 =	vmul.f32 v14, v2;
	[tilespmem:v38+s4+$0x0] =	vst.idx.msk $0xffff, v10  }
0x16e: {  	v56 =	vmul.f32 v16, v2;
	[tilespmem:v39+s4+$0x0] =	vst.idx.msk $0xffff, v12  }
0x16f: {  	v57 =	vmul.f32 v18, v2;
	[tilespmem:v40+s4+$0x0] =	vst.idx.msk $0xffff, v55  }
0x170: {  	v58 =	vmul.f32 v20, v2;
	[tilespmem:v3+s4+$0x0] =	vst.idx.msk $0xffff, v56  }
0x171: {  	v3 =	vmul.f32 v22, v2;
	[tilespmem:v41+s4+$0x0] =	vst.idx.msk $0xffff, v57  }
0x172: {  	v59 =	vmul.f32 v24, v2;
	[tilespmem:v42+s4+$0x0] =	vst.idx.msk $0xffff, v58  }
0x173: {  	v60 =	vmul.f32 v26, v2;
	[tilespmem:v43+s4+$0x0] =	vst.idx.msk $0xffff, v3  }
0x174: {  	v3 =	vmul.f32 v28, v2;
	[tilespmem:v44+s4+$0x0] =	vst.idx.msk $0xffff, v59  }
0x175: {  	v61 =	vmul.f32 v51, v2;
	[tilespmem:v45+s4+$0x0] =	vst.idx.msk $0xffff, v60  }
0x176: {  	p0 =	sne.s32 s1, $0x40;
	v62 =	vmul.f32 v30, v2;
	[tilespmem:v46+s4+$0x0] =	vst.idx.msk $0xffff, v3  }
.Ltmp4:
0x177: {  	v3 =	vmul.f32 v52, v2;
	[tilespmem:v47+s4+$0x0] =	vst.idx.msk $0xffff, v61;
	(pc) =	sbr.rel @p0 .LBB2_3-.Ltmp4, $4  }
0x178: {  	v63 =	vmul.f32 v53, v2;
	[tilespmem:v48+s4+$0x0] =	vst.idx.msk $0xffff, v62  }
0x179: {  	v2 =	vmul.f32 v54, v2;
	[tilespmem:v49+s4+$0x0] =	vst.idx.msk $0xffff, v3  }
0x17a: {  	[tilespmem:v50+s4+$0x0] =	vst.idx.msk $0xffff, v63  }
0x17b: {  	s1 =	sadd.s32 $0x10, s1;
	[tilespmem:v1+s4+$0x0] =	vst.idx.msk $0xffff, v2  }
0x17c: {  	s0 =	smul.u32 $0xCD, s30;
	_ =	sdelay $0x1  }
0x17d: {  	s18 =	sshrl.u32 s0, $0xA  }
0x17e: {  	s0 =	sand.u32 $0x3F, s18  }
0x17f: {  	s1 =	smul.u32 $0xFFFFFFFB, s0  }
0x180: {  	s18 =	sand.u32 $0x1, s18  }
0x181: {  	p0 =	seq.s32 s18, $0x1;
	s18 =	simm.s32 $0x320;
	s1 =	sadd.s32 s30, s1  }
0x182: {  	s18 =	simm.s32 @!p0 $0x0;
	p0 =	seq.s32 s30, $0x0;
	s20 =	smul.u32 $0x140, s1  }
.Ltmp5:
0x183: {  	_ = 	snop;
	(pc) =	sbr.rel @p0 .LBB2_8-.Ltmp5, $4  }
0x184: {  	s21 =	smul.u32 $0xB400, s31;
	s20 =	sshra.s32 s20, $0x2  }
0x185: {  	s31 =	sand.u32 $0x1, s30;
	s18 =	sadd.s32 s20, s18  }
0x186: {  	s20 =	sshrl.u32 s21, $0x2;
	s21 =	sor.u32 $0x2, s31;
	s18 =	sadd.s32 $0x9790, s18  }
0x187: {  	[spmem:s3] =	stream.indirect.scatter.add.f32 [tilespmem:s20], [sflag:s21], $0x90, s18, s17, $0xb8;
	[tilespmem:$0x1FBD0] =	vst v63  }
0x188: {  	p0 =	sgt.u32 s30, $0x77  }
0x189: {  	p1 =	sne.s32 @!p0 s1, $0x0  }
0x18a: {  	p0 =	por p0, p1  }
.Ltmp6:
0x18b: {  	s18 =	sxor.u32 $0x1, s31;
	(pc) =	sbr.rel @!p0 .LBB2_6-.Ltmp6, $4  }
0x18c: {  	s18 =	sor.u32 $0x2, s18  }
0x18d: {  	_ =	swait.ge [sflag:s18], $0x2D00  }
0x18e: {  	[sflag:s18] =	ssyncset.done $0x0  }
0x18f: {  	[sflag:s18] =	ssyncadd.s32 $0xFFFFD300  }
0x190: {  	p0 =	sgt.u32 s30, $0x7A  }
.Ltmp7:
0x191: {  	_ = 	snop;
	(pc) =	sbr.rel @p0 .LBB2_9-.Ltmp7, $4  }
.Ltmp8:
0x192: {  	_ = 	snop;
	(pc) =	sbr.rel @!p0 .LBB2_8-.Ltmp8, $4  }
0x193: {  	_ = 	snop  }
0x194: {  	_ = 	snop  }
0x195: {  	_ = 	snop  }
0x196: {  	_ = 	snop  }
.LBB2_11:
0x197: {  	_ =	sfence.sel $0x180000  }
0x198: {  	[bflag:$0x0] =	sbarrier.arrive $0xFFFF  }
0x199: {  	_ =	strace $0x90000047  }
0x19a: {  	s0 =	stileid.u32;
	[bflag:$0x2] =	sbarrier.arrive $0xFFFF  }
0x19b: {  	p0 =	sne.s32 s0, $0x0;
	s0 =	rddreg [dreg:$0x3]  }
0x19c: {  	s0 =	sadd.s32 @!p0 $0x100000, s0  }
0x19d: {  	[sflag:s0] =	ssyncadd.tile.s32 @!p0 $0x1;
	_ =	shalt  }
.Lfunc_end2:
_tile_overlayer_lowered:
.L_overlay_start_2:
0x19e: {  	(tag) =	ssettag $0x2  }
0x19f: {  	s0 =	rddreg [dreg:$0x0];
	s2 =	stileid.u32  }
0x1a0: {  	s1 =	rddreg [dreg:$0x1];
	p0 =	sne.s32 s2, $0x0  }
0x1a1: {  	s3 =	rddreg [dreg:$0x2];
	[bflag:$0x3] =	sbarrier.arrive $0xFFFF;
	s2 =	simm.s32 @!p0 $0x1C05  }
0x1a2: {  	[timem:s3], [sflag:s2] =	dma.local @!p0 [hbm:s0], s1  }
0x1a3: {  	s0 =	simm.s32 @!p0 $0x5  }
0x1a4: {  	_ =	swait.ge @!p0 [sflag:s0], s1  }
0x1a5: {  	s1 =	ssub.s32 @!p0 $0x0, s1;
	[sflag:s0] =	ssyncset.done @!p0 $0x0  }
0x1a6: {  	[sflag:s0] =	ssyncadd.s32 @!p0 s1  }
0x1a7: {  	[bflag:$0x3] =	sbarrier.arrive $0xFFFF  }
0x1a8: {  	_ =	shalt  }

</sc_bundles>
